<compile_context>
chip_gen: v7x
topology: tpu7x:2x2x1
jax: 0.10.2.dev20260603
libtpu: 0.0.44.dev20260713+nightly
codegen_flags: <defaults>
</compile_context>

<pallas_src>
import jax
import jax.numpy as jnp
from jax import lax
from jax.experimental import pallas as pl
from jax.experimental.pallas import tpu as pltpu
from jax.experimental.pallas import tpu_sc as plsc

_B, _S, _K = 32, 256, 8192
_R = _B * _S
_RB = 64
_CW = 2048

_SC_ROWS = 2368
_R0 = _R - _SC_ROWS
_NW = 32


def _rotl(x, d):
    return lax.shift_left(x, jnp.int32(d)) | lax.shift_right_logical(
        x, jnp.int32(32 - d)
    )


_KS0 = 0
_KS1 = 42
_KS2 = _KS0 ^ _KS1 ^ 0x1BD11BDA
_KS = (_KS0, _KS1, _KS2)
_ROTS = ((13, 15, 26, 6), (17, 29, 16, 24))


def _threefry_bits(x1):
    x0 = x1
    x1 = x0 ^ _rotl(x1, 13)
    for r in (15, 26, 6):
        x0 = x0 + x1
        x1 = _rotl(x1, r)
        x1 = x0 ^ x1
    x0 = x0 + jnp.int32(_KS[1])
    x1 = x1 + jnp.int32(_KS[2] + 1)
    for j in range(2, 6):
        for r in _ROTS[(j - 1) % 2]:
            x0 = x0 + x1
            x1 = _rotl(x1, r)
            x1 = x0 ^ x1
        x0 = x0 + jnp.int32(_KS[j % 3])
        x1 = x1 + jnp.int32((_KS[(j + 1) % 3] + j) % (1 << 32))
    return x0 ^ x1


def _gumbel_from_bits(bits):
    fb = lax.shift_right_logical(bits, jnp.int32(9)) | jnp.int32(0x3F800000)
    u = lax.bitcast_convert_type(fb, jnp.float32) - jnp.float32(1.0)
    return -jnp.log(-jnp.log(u))


def _main_body(x_ref, o_ref):
    i = pl.program_id(0)
    base = i * _RB * _K
    rr = lax.broadcasted_iota(jnp.int32, (_RB, _CW), 0)
    kk = lax.broadcasted_iota(jnp.int32, (_RB, _CW), 1)
    p0 = base + rr * _K + kk
    m = jnp.full((_RB, 1), -jnp.inf, jnp.float32)
    idx = jnp.zeros((_RB, 1), jnp.int32)
    for c in range(_K // _CW):
        bits = _threefry_bits(p0 + jnp.int32(c * _CW + 42))
        g = _gumbel_from_bits(bits)
        z = x_ref[:, c * _CW:(c + 1) * _CW] + g
        mc = jnp.max(z, axis=-1, keepdims=True)
        cand = jnp.where(z == mc, kk, jnp.int32(_CW))
        ic = jnp.min(cand, axis=-1, keepdims=True) + jnp.int32(c * _CW)
        better = mc > m
        m = jnp.where(better, mc, m)
        idx = jnp.where(better, ic, idx)
    for c in range(_K // _CW):
        o_ref[:, c * _CW:(c + 1) * _CW] = jnp.where(
            kk == idx - jnp.int32(c * _CW), jnp.float32(1.0), jnp.float32(0.0)
        )


def _tail_body(x_ref, b_ref, prev_ref, o_ref):
    del prev_ref
    kk = lax.broadcasted_iota(jnp.int32, (_RB, _CW), 1)
    m = jnp.full((_RB, 1), -jnp.inf, jnp.float32)
    idx = jnp.zeros((_RB, 1), jnp.int32)
    for c in range(_K // _CW):
        g = _gumbel_from_bits(b_ref[:, c * _CW:(c + 1) * _CW])
        z = x_ref[:, c * _CW:(c + 1) * _CW] + g
        mc = jnp.max(z, axis=-1, keepdims=True)
        cand = jnp.where(z == mc, kk, jnp.int32(_CW))
        ic = jnp.min(cand, axis=-1, keepdims=True) + jnp.int32(c * _CW)
        better = mc > m
        m = jnp.where(better, mc, m)
        idx = jnp.where(better, ic, idx)
    for c in range(_K // _CW):
        o_ref[:, c * _CW:(c + 1) * _CW] = jnp.where(
            kk == idx - jnp.int32(c * _CW), jnp.float32(1.0), jnp.float32(0.0)
        )


_RPW = _SC_ROWS // _NW


def _sc_body(bits_hbm, buf):
    wid = lax.axis_index("s") * 2 + lax.axis_index("c")
    iota = lax.iota(jnp.int32, 16)

    def outer(g, carry):
        row = wid * _RPW + g
        gbase = (_R0 + row) * _K

        def inner(i, c2):
            for u in range(8):
                off = i * 128 + u * 16
                bits = _threefry_bits(iota + (gbase + off + 42))
                buf[pl.ds(off, 16)] = bits
            return c2

        lax.fori_loop(0, _K // 128, inner, 0)
        pltpu.sync_copy(buf, bits_hbm.at[row])
        return carry

    lax.fori_loop(0, _RPW, outer, 0)


_sc_bits = pl.kernel(
    _sc_body,
    out_type=jax.ShapeDtypeStruct((_SC_ROWS, _K), jnp.int32),
    mesh=plsc.VectorSubcoreMesh(core_axis_name="c", subcore_axis_name="s"),
    scratch_types=[pltpu.VMEM((_K,), jnp.int32)],
)


@jax.jit
def kernel(logits):
    x = logits.reshape(_R, _K)
    bits = _sc_bits()
    out_main = pl.pallas_call(
        _main_body,
        grid=(_R0 // _RB,),
        in_specs=[pl.BlockSpec((_RB, _K), lambda i: (i, 0))],
        out_specs=pl.BlockSpec((_RB, _K), lambda i: (i, 0)),
        out_shape=jax.ShapeDtypeStruct((_R, _K), jnp.float32),
        compiler_params=pltpu.CompilerParams(
            dimension_semantics=("parallel",)
        ),
    )(x)
    off = _R0 // _RB
    out = pl.pallas_call(
        _tail_body,
        grid=(_SC_ROWS // _RB,),
        in_specs=[
            pl.BlockSpec((_RB, _K), lambda i: (i + off, 0)),
            pl.BlockSpec((_RB, _K), lambda i: (i, 0)),
            pl.BlockSpec(memory_space=pl.ANY),
        ],
        out_specs=pl.BlockSpec((_RB, _K), lambda i: (i + off, 0)),
        out_shape=jax.ShapeDtypeStruct((_R, _K), jnp.float32),
        input_output_aliases={2: 0},
        compiler_params=pltpu.CompilerParams(
            dimension_semantics=("parallel",)
        ),
    )(x, bits, out_main)
    return out.reshape(_B, _S, _K)

# --- scband reference (transcript-rebuilt; emitter-appended) ---
"""Pipeline reference for scband-gumbel-softmax-69406671503930 (READ-ONLY COPY).

The authoritative reference and input builder live on the scoring server;
editing this copy changes nothing except your own understanding.
"""

import jax, jax.numpy as jnp
import numpy as np

TEMPERATURE = 1.0
USE_STRAIGHT_THROUGH = True


def setup_inputs(seed: int = 0) -> dict:
    key = jax.random.key(seed)
    logits = jax.random.normal(key, (32, 256, 8192), dtype=jnp.float32)
    return {"logits": logits}


def reference(logits):
    # sample_gumbel with a fixed key (deterministic stand-in for torch.rand)
    key = jax.random.key(42)
    u = jax.random.uniform(key, logits.shape, dtype=logits.dtype)
    gumbel_noise = -jnp.log(-jnp.log(u + 1e-20) + 1e-20)
    y = (logits + gumbel_noise) / TEMPERATURE
    y_soft = jax.nn.softmax(y, axis=-1)
    if USE_STRAIGHT_THROUGH:
        index = jnp.argmax(y_soft, axis=-1)
        # torch.zeros_like(y_soft).scatter_(2, index, 1.0) == one-hot along last dim
        y_hard = jax.nn.one_hot(index, y_soft.shape[-1], dtype=y_soft.dtype)
        y = y_hard - jax.lax.stop_gradient(y_soft) + y_soft
    else:
        y = y_soft
    return y

if __name__ == "__main__":
    import jax
    _d = setup_inputs()
    print(jax.jit(kernel)(*tuple(_d.values())))

</pallas_src>

<mosaic_0001>
#map = affine_map<(d0, d1) -> (0, 0)>
module attributes {stable_mosaic.version = 14 : i64} {
  func.func @_sc_body(%arg0: i32, %arg1: i32, %arg2: memref<2368x8192xi32, #tpu.memory_space<hbm>>, %arg3: memref<8192xi32, #tpu.memory_space<vmem>>) attributes {dimension_semantics = [#tpu.dimension_semantics<core_parallel>, #tpu.dimension_semantics<subcore_parallel>], iteration_bounds = array<i64: 2, 16>, scalar_prefetch = 0 : i64, scratch_operands = 1 : i64, tpu.core_type = #tpu.core_type<sc_vector_subcore>, window_params = [{transform_indices = #map}]} {
    %mul3A = arith.constant 2 : i32
    %mul3A_0 = arith.muli %arg1, %mul3A : i32
    %add3A = arith.addi %mul3A_0, %arg0 : i32
    %iota3A = tpu.iota {dimensions = array<i32: 0>} : vector<16xi32>
    %scan3A = arith.constant 0 : i32
    %scan3A_1 = arith.constant 0 : i32
    %scan3A_2 = arith.constant 74 : i32
    %scan3A_3 = arith.addi %scan3A_1, %scan3A_2 : i32
    %scan3A_4 = arith.constant 1 : i32
    scf.for %scan3A_6 = %scan3A_1 to %scan3A_3 step %scan3A_4  : i32 {
      %mul3A_7 = arith.constant 74 : i32
      %mul3A_8 = arith.muli %add3A, %mul3A_7 : i32
      %add3A_9 = arith.addi %mul3A_8, %scan3A_6 : i32
      %add3A_10 = arith.constant 5824 : i32
      %add3A_11 = arith.addi %add3A_10, %add3A_9 : i32
      %mul3A_12 = arith.constant 8192 : i32
      %mul3A_13 = arith.muli %add3A_11, %mul3A_12 : i32
      %scan3A_14 = arith.constant 0 : i32
      %scan3A_15 = arith.constant 0 : i32
      %scan3A_16 = arith.constant 64 : i32
      %scan3A_17 = arith.addi %scan3A_15, %scan3A_16 : i32
      %scan3A_18 = arith.constant 1 : i32
      scf.for %scan3A_20 = %scan3A_15 to %scan3A_17 step %scan3A_18  : i32 {
        %mul3A_21 = arith.constant 128 : i32
        %mul3A_22 = arith.muli %scan3A_20, %mul3A_21 : i32
        %add3A_23 = arith.constant 0 : i32
        %add3A_24 = arith.addi %mul3A_22, %add3A_23 : i32
        %add3A_25 = arith.addi %mul3A_13, %add3A_24 : i32
        %add3A_26 = arith.constant 42 : i32
        %add3A_27 = arith.addi %add3A_25, %add3A_26 : i32
        %add3A_28 = vector.broadcast %add3A_27 : i32 to vector<16xi32>
        %add3A_29 = arith.addi %iota3A, %add3A_28 : vector<16xi32>
        %shift_left3A = arith.constant 13 : i32
        %shift_left3A_30 = vector.broadcast %shift_left3A : i32 to vector<16xi32>
        %shift_left3A_31 = arith.shli %add3A_29, %shift_left3A_30 : vector<16xi32>
        %shift_right_logical3A = arith.constant 19 : i32
        %shift_right_logical3A_32 = vector.broadcast %shift_right_logical3A : i32 to vector<16xi32>
        %shift_right_logical3A_33 = arith.shrui %add3A_29, %shift_right_logical3A_32 : vector<16xi32>
        %or3A = arith.ori %shift_left3A_31, %shift_right_logical3A_33 : vector<16xi32>
        %xor3A = arith.xori %add3A_29, %or3A : vector<16xi32>
        %add3A_34 = arith.addi %add3A_29, %xor3A : vector<16xi32>
        %shift_left3A_35 = arith.constant 15 : i32
        %shift_left3A_36 = vector.broadcast %shift_left3A_35 : i32 to vector<16xi32>
        %shift_left3A_37 = arith.shli %xor3A, %shift_left3A_36 : vector<16xi32>
        %shift_right_logical3A_38 = arith.constant 17 : i32
        %shift_right_logical3A_39 = vector.broadcast %shift_right_logical3A_38 : i32 to vector<16xi32>
        %shift_right_logical3A_40 = arith.shrui %xor3A, %shift_right_logical3A_39 : vector<16xi32>
        %or3A_41 = arith.ori %shift_left3A_37, %shift_right_logical3A_40 : vector<16xi32>
        %xor3A_42 = arith.xori %add3A_34, %or3A_41 : vector<16xi32>
        %add3A_43 = arith.addi %add3A_34, %xor3A_42 : vector<16xi32>
        %shift_left3A_44 = arith.constant 26 : i32
        %shift_left3A_45 = vector.broadcast %shift_left3A_44 : i32 to vector<16xi32>
        %shift_left3A_46 = arith.shli %xor3A_42, %shift_left3A_45 : vector<16xi32>
        %shift_right_logical3A_47 = arith.constant 6 : i32
        %shift_right_logical3A_48 = vector.broadcast %shift_right_logical3A_47 : i32 to vector<16xi32>
        %shift_right_logical3A_49 = arith.shrui %xor3A_42, %shift_right_logical3A_48 : vector<16xi32>
        %or3A_50 = arith.ori %shift_left3A_46, %shift_right_logical3A_49 : vector<16xi32>
        %xor3A_51 = arith.xori %add3A_43, %or3A_50 : vector<16xi32>
        %add3A_52 = arith.addi %add3A_43, %xor3A_51 : vector<16xi32>
        %shift_left3A_53 = arith.constant 6 : i32
        %shift_left3A_54 = vector.broadcast %shift_left3A_53 : i32 to vector<16xi32>
        %shift_left3A_55 = arith.shli %xor3A_51, %shift_left3A_54 : vector<16xi32>
        %shift_right_logical3A_56 = arith.constant 26 : i32
        %shift_right_logical3A_57 = vector.broadcast %shift_right_logical3A_56 : i32 to vector<16xi32>
        %shift_right_logical3A_58 = arith.shrui %xor3A_51, %shift_right_logical3A_57 : vector<16xi32>
        %or3A_59 = arith.ori %shift_left3A_55, %shift_right_logical3A_58 : vector<16xi32>
        %xor3A_60 = arith.xori %add3A_52, %or3A_59 : vector<16xi32>
        %add3A_61 = arith.constant 42 : i32
        %add3A_62 = vector.broadcast %add3A_61 : i32 to vector<16xi32>
        %add3A_63 = arith.addi %add3A_52, %add3A_62 : vector<16xi32>
        %add3A_64 = arith.constant 466689009 : i32
        %add3A_65 = vector.broadcast %add3A_64 : i32 to vector<16xi32>
        %add3A_66 = arith.addi %xor3A_60, %add3A_65 : vector<16xi32>
        %add3A_67 = arith.addi %add3A_63, %add3A_66 : vector<16xi32>
        %shift_left3A_68 = arith.constant 17 : i32
        %shift_left3A_69 = vector.broadcast %shift_left3A_68 : i32 to vector<16xi32>
        %shift_left3A_70 = arith.shli %add3A_66, %shift_left3A_69 : vector<16xi32>
        %shift_right_logical3A_71 = arith.constant 15 : i32
        %shift_right_logical3A_72 = vector.broadcast %shift_right_logical3A_71 : i32 to vector<16xi32>
        %shift_right_logical3A_73 = arith.shrui %add3A_66, %shift_right_logical3A_72 : vector<16xi32>
        %or3A_74 = arith.ori %shift_left3A_70, %shift_right_logical3A_73 : vector<16xi32>
        %xor3A_75 = arith.xori %add3A_67, %or3A_74 : vector<16xi32>
        %add3A_76 = arith.addi %add3A_67, %xor3A_75 : vector<16xi32>
        %shift_left3A_77 = arith.constant 29 : i32
        %shift_left3A_78 = vector.broadcast %shift_left3A_77 : i32 to vector<16xi32>
        %shift_left3A_79 = arith.shli %xor3A_75, %shift_left3A_78 : vector<16xi32>
        %shift_right_logical3A_80 = arith.constant 3 : i32
        %shift_right_logical3A_81 = vector.broadcast %shift_right_logical3A_80 : i32 to vector<16xi32>
        %shift_right_logical3A_82 = arith.shrui %xor3A_75, %shift_right_logical3A_81 : vector<16xi32>
        %or3A_83 = arith.ori %shift_left3A_79, %shift_right_logical3A_82 : vector<16xi32>
        %xor3A_84 = arith.xori %add3A_76, %or3A_83 : vector<16xi32>
        %add3A_85 = arith.addi %add3A_76, %xor3A_84 : vector<16xi32>
        %shift_left3A_86 = arith.constant 16 : i32
        %shift_left3A_87 = vector.broadcast %shift_left3A_86 : i32 to vector<16xi32>
        %shift_left3A_88 = arith.shli %xor3A_84, %shift_left3A_87 : vector<16xi32>
        %shift_right_logical3A_89 = arith.constant 16 : i32
        %shift_right_logical3A_90 = vector.broadcast %shift_right_logical3A_89 : i32 to vector<16xi32>
        %shift_right_logical3A_91 = arith.shrui %xor3A_84, %shift_right_logical3A_90 : vector<16xi32>
        %or3A_92 = arith.ori %shift_left3A_88, %shift_right_logical3A_91 : vector<16xi32>
        %xor3A_93 = arith.xori %add3A_85, %or3A_92 : vector<16xi32>
        %add3A_94 = arith.addi %add3A_85, %xor3A_93 : vector<16xi32>
        %shift_left3A_95 = arith.constant 24 : i32
        %shift_left3A_96 = vector.broadcast %shift_left3A_95 : i32 to vector<16xi32>
        %shift_left3A_97 = arith.shli %xor3A_93, %shift_left3A_96 : vector<16xi32>
        %shift_right_logical3A_98 = arith.constant 8 : i32
        %shift_right_logical3A_99 = vector.broadcast %shift_right_logical3A_98 : i32 to vector<16xi32>
        %shift_right_logical3A_100 = arith.shrui %xor3A_93, %shift_right_logical3A_99 : vector<16xi32>
        %or3A_101 = arith.ori %shift_left3A_97, %shift_right_logical3A_100 : vector<16xi32>
        %xor3A_102 = arith.xori %add3A_94, %or3A_101 : vector<16xi32>
        %add3A_103 = arith.constant 466689008 : i32
        %add3A_104 = vector.broadcast %add3A_103 : i32 to vector<16xi32>
        %add3A_105 = arith.addi %add3A_94, %add3A_104 : vector<16xi32>
        %add3A_106 = arith.constant 2 : i32
        %add3A_107 = vector.broadcast %add3A_106 : i32 to vector<16xi32>
        %add3A_108 = arith.addi %xor3A_102, %add3A_107 : vector<16xi32>
        %add3A_109 = arith.addi %add3A_105, %add3A_108 : vector<16xi32>
        %shift_left3A_110 = arith.constant 13 : i32
        %shift_left3A_111 = vector.broadcast %shift_left3A_110 : i32 to vector<16xi32>
        %shift_left3A_112 = arith.shli %add3A_108, %shift_left3A_111 : vector<16xi32>
        %shift_right_logical3A_113 = arith.constant 19 : i32
        %shift_right_logical3A_114 = vector.broadcast %shift_right_logical3A_113 : i32 to vector<16xi32>
        %shift_right_logical3A_115 = arith.shrui %add3A_108, %shift_right_logical3A_114 : vector<16xi32>
        %or3A_116 = arith.ori %shift_left3A_112, %shift_right_logical3A_115 : vector<16xi32>
        %xor3A_117 = arith.xori %add3A_109, %or3A_116 : vector<16xi32>
        %add3A_118 = arith.addi %add3A_109, %xor3A_117 : vector<16xi32>
        %shift_left3A_119 = arith.constant 15 : i32
        %shift_left3A_120 = vector.broadcast %shift_left3A_119 : i32 to vector<16xi32>
        %shift_left3A_121 = arith.shli %xor3A_117, %shift_left3A_120 : vector<16xi32>
        %shift_right_logical3A_122 = arith.constant 17 : i32
        %shift_right_logical3A_123 = vector.broadcast %shift_right_logical3A_122 : i32 to vector<16xi32>
        %shift_right_logical3A_124 = arith.shrui %xor3A_117, %shift_right_logical3A_123 : vector<16xi32>
        %or3A_125 = arith.ori %shift_left3A_121, %shift_right_logical3A_124 : vector<16xi32>
        %xor3A_126 = arith.xori %add3A_118, %or3A_125 : vector<16xi32>
        %add3A_127 = arith.addi %add3A_118, %xor3A_126 : vector<16xi32>
        %shift_left3A_128 = arith.constant 26 : i32
        %shift_left3A_129 = vector.broadcast %shift_left3A_128 : i32 to vector<16xi32>
        %shift_left3A_130 = arith.shli %xor3A_126, %shift_left3A_129 : vector<16xi32>
        %shift_right_logical3A_131 = arith.constant 6 : i32
        %shift_right_logical3A_132 = vector.broadcast %shift_right_logical3A_131 : i32 to vector<16xi32>
        %shift_right_logical3A_133 = arith.shrui %xor3A_126, %shift_right_logical3A_132 : vector<16xi32>
        %or3A_134 = arith.ori %shift_left3A_130, %shift_right_logical3A_133 : vector<16xi32>
        %xor3A_135 = arith.xori %add3A_127, %or3A_134 : vector<16xi32>
        %add3A_136 = arith.addi %add3A_127, %xor3A_135 : vector<16xi32>
        %shift_left3A_137 = arith.constant 6 : i32
        %shift_left3A_138 = vector.broadcast %shift_left3A_137 : i32 to vector<16xi32>
        %shift_left3A_139 = arith.shli %xor3A_135, %shift_left3A_138 : vector<16xi32>
        %shift_right_logical3A_140 = arith.constant 26 : i32
        %shift_right_logical3A_141 = vector.broadcast %shift_right_logical3A_140 : i32 to vector<16xi32>
        %shift_right_logical3A_142 = arith.shrui %xor3A_135, %shift_right_logical3A_141 : vector<16xi32>
        %or3A_143 = arith.ori %shift_left3A_139, %shift_right_logical3A_142 : vector<16xi32>
        %xor3A_144 = arith.xori %add3A_136, %or3A_143 : vector<16xi32>
        %add3A_145 = arith.constant 0 : i32
        %add3A_146 = vector.broadcast %add3A_145 : i32 to vector<16xi32>
        %add3A_147 = arith.addi %add3A_136, %add3A_146 : vector<16xi32>
        %add3A_148 = arith.constant 45 : i32
        %add3A_149 = vector.broadcast %add3A_148 : i32 to vector<16xi32>
        %add3A_150 = arith.addi %xor3A_144, %add3A_149 : vector<16xi32>
        %add3A_151 = arith.addi %add3A_147, %add3A_150 : vector<16xi32>
        %shift_left3A_152 = arith.constant 17 : i32
        %shift_left3A_153 = vector.broadcast %shift_left3A_152 : i32 to vector<16xi32>
        %shift_left3A_154 = arith.shli %add3A_150, %shift_left3A_153 : vector<16xi32>
        %shift_right_logical3A_155 = arith.constant 15 : i32
        %shift_right_logical3A_156 = vector.broadcast %shift_right_logical3A_155 : i32 to vector<16xi32>
        %shift_right_logical3A_157 = arith.shrui %add3A_150, %shift_right_logical3A_156 : vector<16xi32>
        %or3A_158 = arith.ori %shift_left3A_154, %shift_right_logical3A_157 : vector<16xi32>
        %xor3A_159 = arith.xori %add3A_151, %or3A_158 : vector<16xi32>
        %add3A_160 = arith.addi %add3A_151, %xor3A_159 : vector<16xi32>
        %shift_left3A_161 = arith.constant 29 : i32
        %shift_left3A_162 = vector.broadcast %shift_left3A_161 : i32 to vector<16xi32>
        %shift_left3A_163 = arith.shli %xor3A_159, %shift_left3A_162 : vector<16xi32>
        %shift_right_logical3A_164 = arith.constant 3 : i32
        %shift_right_logical3A_165 = vector.broadcast %shift_right_logical3A_164 : i32 to vector<16xi32>
        %shift_right_logical3A_166 = arith.shrui %xor3A_159, %shift_right_logical3A_165 : vector<16xi32>
        %or3A_167 = arith.ori %shift_left3A_163, %shift_right_logical3A_166 : vector<16xi32>
        %xor3A_168 = arith.xori %add3A_160, %or3A_167 : vector<16xi32>
        %add3A_169 = arith.addi %add3A_160, %xor3A_168 : vector<16xi32>
        %shift_left3A_170 = arith.constant 16 : i32
        %shift_left3A_171 = vector.broadcast %shift_left3A_170 : i32 to vector<16xi32>
        %shift_left3A_172 = arith.shli %xor3A_168, %shift_left3A_171 : vector<16xi32>
        %shift_right_logical3A_173 = arith.constant 16 : i32
        %shift_right_logical3A_174 = vector.broadcast %shift_right_logical3A_173 : i32 to vector<16xi32>
        %shift_right_logical3A_175 = arith.shrui %xor3A_168, %shift_right_logical3A_174 : vector<16xi32>
        %or3A_176 = arith.ori %shift_left3A_172, %shift_right_logical3A_175 : vector<16xi32>
        %xor3A_177 = arith.xori %add3A_169, %or3A_176 : vector<16xi32>
        %add3A_178 = arith.addi %add3A_169, %xor3A_177 : vector<16xi32>
        %shift_left3A_179 = arith.constant 24 : i32
        %shift_left3A_180 = vector.broadcast %shift_left3A_179 : i32 to vector<16xi32>
        %shift_left3A_181 = arith.shli %xor3A_177, %shift_left3A_180 : vector<16xi32>
        %shift_right_logical3A_182 = arith.constant 8 : i32
        %shift_right_logical3A_183 = vector.broadcast %shift_right_logical3A_182 : i32 to vector<16xi32>
        %shift_right_logical3A_184 = arith.shrui %xor3A_177, %shift_right_logical3A_183 : vector<16xi32>
        %or3A_185 = arith.ori %shift_left3A_181, %shift_right_logical3A_184 : vector<16xi32>
        %xor3A_186 = arith.xori %add3A_178, %or3A_185 : vector<16xi32>
        %add3A_187 = arith.constant 42 : i32
        %add3A_188 = vector.broadcast %add3A_187 : i32 to vector<16xi32>
        %add3A_189 = arith.addi %add3A_178, %add3A_188 : vector<16xi32>
        %add3A_190 = arith.constant 466689012 : i32
        %add3A_191 = vector.broadcast %add3A_190 : i32 to vector<16xi32>
        %add3A_192 = arith.addi %xor3A_186, %add3A_191 : vector<16xi32>
        %add3A_193 = arith.addi %add3A_189, %add3A_192 : vector<16xi32>
        %shift_left3A_194 = arith.constant 13 : i32
        %shift_left3A_195 = vector.broadcast %shift_left3A_194 : i32 to vector<16xi32>
        %shift_left3A_196 = arith.shli %add3A_192, %shift_left3A_195 : vector<16xi32>
        %shift_right_logical3A_197 = arith.constant 19 : i32
        %shift_right_logical3A_198 = vector.broadcast %shift_right_logical3A_197 : i32 to vector<16xi32>
        %shift_right_logical3A_199 = arith.shrui %add3A_192, %shift_right_logical3A_198 : vector<16xi32>
        %or3A_200 = arith.ori %shift_left3A_196, %shift_right_logical3A_199 : vector<16xi32>
        %xor3A_201 = arith.xori %add3A_193, %or3A_200 : vector<16xi32>
        %add3A_202 = arith.addi %add3A_193, %xor3A_201 : vector<16xi32>
        %shift_left3A_203 = arith.constant 15 : i32
        %shift_left3A_204 = vector.broadcast %shift_left3A_203 : i32 to vector<16xi32>
        %shift_left3A_205 = arith.shli %xor3A_201, %shift_left3A_204 : vector<16xi32>
        %shift_right_logical3A_206 = arith.constant 17 : i32
        %shift_right_logical3A_207 = vector.broadcast %shift_right_logical3A_206 : i32 to vector<16xi32>
        %shift_right_logical3A_208 = arith.shrui %xor3A_201, %shift_right_logical3A_207 : vector<16xi32>
        %or3A_209 = arith.ori %shift_left3A_205, %shift_right_logical3A_208 : vector<16xi32>
        %xor3A_210 = arith.xori %add3A_202, %or3A_209 : vector<16xi32>
        %add3A_211 = arith.addi %add3A_202, %xor3A_210 : vector<16xi32>
        %shift_left3A_212 = arith.constant 26 : i32
        %shift_left3A_213 = vector.broadcast %shift_left3A_212 : i32 to vector<16xi32>
        %shift_left3A_214 = arith.shli %xor3A_210, %shift_left3A_213 : vector<16xi32>
        %shift_right_logical3A_215 = arith.constant 6 : i32
        %shift_right_logical3A_216 = vector.broadcast %shift_right_logical3A_215 : i32 to vector<16xi32>
        %shift_right_logical3A_217 = arith.shrui %xor3A_210, %shift_right_logical3A_216 : vector<16xi32>
        %or3A_218 = arith.ori %shift_left3A_214, %shift_right_logical3A_217 : vector<16xi32>
        %xor3A_219 = arith.xori %add3A_211, %or3A_218 : vector<16xi32>
        %add3A_220 = arith.addi %add3A_211, %xor3A_219 : vector<16xi32>
        %shift_left3A_221 = arith.constant 6 : i32
        %shift_left3A_222 = vector.broadcast %shift_left3A_221 : i32 to vector<16xi32>
        %shift_left3A_223 = arith.shli %xor3A_219, %shift_left3A_222 : vector<16xi32>
        %shift_right_logical3A_224 = arith.constant 26 : i32
        %shift_right_logical3A_225 = vector.broadcast %shift_right_logical3A_224 : i32 to vector<16xi32>
        %shift_right_logical3A_226 = arith.shrui %xor3A_219, %shift_right_logical3A_225 : vector<16xi32>
        %or3A_227 = arith.ori %shift_left3A_223, %shift_right_logical3A_226 : vector<16xi32>
        %xor3A_228 = arith.xori %add3A_220, %or3A_227 : vector<16xi32>
        %add3A_229 = arith.constant 466689008 : i32
        %add3A_230 = vector.broadcast %add3A_229 : i32 to vector<16xi32>
        %add3A_231 = arith.addi %add3A_220, %add3A_230 : vector<16xi32>
        %add3A_232 = arith.constant 5 : i32
        %add3A_233 = vector.broadcast %add3A_232 : i32 to vector<16xi32>
        %add3A_234 = arith.addi %xor3A_228, %add3A_233 : vector<16xi32>
        %xor3A_235 = arith.xori %add3A_231, %add3A_234 : vector<16xi32>
        %swap3A = arith.index_cast %add3A_24 : i32 to index
        %swap3A_236 = tpu.vector_load %arg3[%swap3A] {strides = array<i32>} : memref<8192xi32, #tpu.memory_space<vmem>>, vector<16xi32>,
        %swap3A_237 = vector.shape_cast %swap3A_236 : vector<16xi32> to vector<16xi32>
        %swap3A_238 = vector.shape_cast %xor3A_235 : vector<16xi32> to vector<16xi32>
        tpu.vector_store %arg3[%swap3A], %swap3A_238 {strides = array<i32>} : memref<8192xi32, #tpu.memory_space<vmem>>, vector<16xi32>,
        %mul3A_239 = arith.constant 128 : i32
        %mul3A_240 = arith.muli %scan3A_20, %mul3A_239 : i32
        %add3A_241 = arith.constant 16 : i32
        %add3A_242 = arith.addi %mul3A_240, %add3A_241 : i32
        %add3A_243 = arith.addi %mul3A_13, %add3A_242 : i32
        %add3A_244 = arith.constant 42 : i32
        %add3A_245 = arith.addi %add3A_243, %add3A_244 : i32
        %add3A_246 = vector.broadcast %add3A_245 : i32 to vector<16xi32>
        %add3A_247 = arith.addi %iota3A, %add3A_246 : vector<16xi32>
        %shift_left3A_248 = arith.constant 13 : i32
        %shift_left3A_249 = vector.broadcast %shift_left3A_248 : i32 to vector<16xi32>
        %shift_left3A_250 = arith.shli %add3A_247, %shift_left3A_249 : vector<16xi32>
        %shift_right_logical3A_251 = arith.constant 19 : i32
        %shift_right_logical3A_252 = vector.broadcast %shift_right_logical3A_251 : i32 to vector<16xi32>
        %shift_right_logical3A_253 = arith.shrui %add3A_247, %shift_right_logical3A_252 : vector<16xi32>
        %or3A_254 = arith.ori %shift_left3A_250, %shift_right_logical3A_253 : vector<16xi32>
        %xor3A_255 = arith.xori %add3A_247, %or3A_254 : vector<16xi32>
        %add3A_256 = arith.addi %add3A_247, %xor3A_255 : vector<16xi32>
        %shift_left3A_257 = arith.constant 15 : i32
        %shift_left3A_258 = vector.broadcast %shift_left3A_257 : i32 to vector<16xi32>
        %shift_left3A_259 = arith.shli %xor3A_255, %shift_left3A_258 : vector<16xi32>
        %shift_right_logical3A_260 = arith.constant 17 : i32
        %shift_right_logical3A_261 = vector.broadcast %shift_right_logical3A_260 : i32 to vector<16xi32>
        %shift_right_logical3A_262 = arith.shrui %xor3A_255, %shift_right_logical3A_261 : vector<16xi32>
        %or3A_263 = arith.ori %shift_left3A_259, %shift_right_logical3A_262 : vector<16xi32>
        %xor3A_264 = arith.xori %add3A_256, %or3A_263 : vector<16xi32>
        %add3A_265 = arith.addi %add3A_256, %xor3A_264 : vector<16xi32>
        %shift_left3A_266 = arith.constant 26 : i32
        %shift_left3A_267 = vector.broadcast %shift_left3A_266 : i32 to vector<16xi32>
        %shift_left3A_268 = arith.shli %xor3A_264, %shift_left3A_267 : vector<16xi32>
        %shift_right_logical3A_269 = arith.constant 6 : i32
        %shift_right_logical3A_270 = vector.broadcast %shift_right_logical3A_269 : i32 to vector<16xi32>
        %shift_right_logical3A_271 = arith.shrui %xor3A_264, %shift_right_logical3A_270 : vector<16xi32>
        %or3A_272 = arith.ori %shift_left3A_268, %shift_right_logical3A_271 : vector<16xi32>
        %xor3A_273 = arith.xori %add3A_265, %or3A_272 : vector<16xi32>
        %add3A_274 = arith.addi %add3A_265, %xor3A_273 : vector<16xi32>
        %shift_left3A_275 = arith.constant 6 : i32
        %shift_left3A_276 = vector.broadcast %shift_left3A_275 : i32 to vector<16xi32>
        %shift_left3A_277 = arith.shli %xor3A_273, %shift_left3A_276 : vector<16xi32>
        %shift_right_logical3A_278 = arith.constant 26 : i32
        %shift_right_logical3A_279 = vector.broadcast %shift_right_logical3A_278 : i32 to vector<16xi32>
        %shift_right_logical3A_280 = arith.shrui %xor3A_273, %shift_right_logical3A_279 : vector<16xi32>
        %or3A_281 = arith.ori %shift_left3A_277, %shift_right_logical3A_280 : vector<16xi32>
        %xor3A_282 = arith.xori %add3A_274, %or3A_281 : vector<16xi32>
        %add3A_283 = arith.constant 42 : i32
        %add3A_284 = vector.broadcast %add3A_283 : i32 to vector<16xi32>
        %add3A_285 = arith.addi %add3A_274, %add3A_284 : vector<16xi32>
        %add3A_286 = arith.constant 466689009 : i32
        %add3A_287 = vector.broadcast %add3A_286 : i32 to vector<16xi32>
        %add3A_288 = arith.addi %xor3A_282, %add3A_287 : vector<16xi32>
        %add3A_289 = arith.addi %add3A_285, %add3A_288 : vector<16xi32>
        %shift_left3A_290 = arith.constant 17 : i32
        %shift_left3A_291 = vector.broadcast %shift_left3A_290 : i32 to vector<16xi32>
        %shift_left3A_292 = arith.shli %add3A_288, %shift_left3A_291 : vector<16xi32>
        %shift_right_logical3A_293 = arith.constant 15 : i32
        %shift_right_logical3A_294 = vector.broadcast %shift_right_logical3A_293 : i32 to vector<16xi32>
        %shift_right_logical3A_295 = arith.shrui %add3A_288, %shift_right_logical3A_294 : vector<16xi32>
        %or3A_296 = arith.ori %shift_left3A_292, %shift_right_logical3A_295 : vector<16xi32>
        %xor3A_297 = arith.xori %add3A_289, %or3A_296 : vector<16xi32>
        %add3A_298 = arith.addi %add3A_289, %xor3A_297 : vector<16xi32>
        %shift_left3A_299 = arith.constant 29 : i32
        %shift_left3A_300 = vector.broadcast %shift_left3A_299 : i32 to vector<16xi32>
        %shift_left3A_301 = arith.shli %xor3A_297, %shift_left3A_300 : vector<16xi32>
        %shift_right_logical3A_302 = arith.constant 3 : i32
        %shift_right_logical3A_303 = vector.broadcast %shift_right_logical3A_302 : i32 to vector<16xi32>
        %shift_right_logical3A_304 = arith.shrui %xor3A_297, %shift_right_logical3A_303 : vector<16xi32>
        %or3A_305 = arith.ori %shift_left3A_301, %shift_right_logical3A_304 : vector<16xi32>
        %xor3A_306 = arith.xori %add3A_298, %or3A_305 : vector<16xi32>
        %add3A_307 = arith.addi %add3A_298, %xor3A_306 : vector<16xi32>
        %shift_left3A_308 = arith.constant 16 : i32
        %shift_left3A_309 = vector.broadcast %shift_left3A_308 : i32 to vector<16xi32>
        %shift_left3A_310 = arith.shli %xor3A_306, %shift_left3A_309 : vector<16xi32>
        %shift_right_logical3A_311 = arith.constant 16 : i32
        %shift_right_logical3A_312 = vector.broadcast %shift_right_logical3A_311 : i32 to vector<16xi32>
        %shift_right_logical3A_313 = arith.shrui %xor3A_306, %shift_right_logical3A_312 : vector<16xi32>
        %or3A_314 = arith.ori %shift_left3A_310, %shift_right_logical3A_313 : vector<16xi32>
        %xor3A_315 = arith.xori %add3A_307, %or3A_314 : vector<16xi32>
        %add3A_316 = arith.addi %add3A_307, %xor3A_315 : vector<16xi32>
        %shift_left3A_317 = arith.constant 24 : i32
        %shift_left3A_318 = vector.broadcast %shift_left3A_317 : i32 to vector<16xi32>
        %shift_left3A_319 = arith.shli %xor3A_315, %shift_left3A_318 : vector<16xi32>
        %shift_right_logical3A_320 = arith.constant 8 : i32
        %shift_right_logical3A_321 = vector.broadcast %shift_right_logical3A_320 : i32 to vector<16xi32>
        %shift_right_logical3A_322 = arith.shrui %xor3A_315, %shift_right_logical3A_321 : vector<16xi32>
        %or3A_323 = arith.ori %shift_left3A_319, %shift_right_logical3A_322 : vector<16xi32>
        %xor3A_324 = arith.xori %add3A_316, %or3A_323 : vector<16xi32>
        %add3A_325 = arith.constant 466689008 : i32
        %add3A_326 = vector.broadcast %add3A_325 : i32 to vector<16xi32>
        %add3A_327 = arith.addi %add3A_316, %add3A_326 : vector<16xi32>
        %add3A_328 = arith.constant 2 : i32
        %add3A_329 = vector.broadcast %add3A_328 : i32 to vector<16xi32>
        %add3A_330 = arith.addi %xor3A_324, %add3A_329 : vector<16xi32>
        %add3A_331 = arith.addi %add3A_327, %add3A_330 : vector<16xi32>
        %shift_left3A_332 = arith.constant 13 : i32
        %shift_left3A_333 = vector.broadcast %shift_left3A_332 : i32 to vector<16xi32>
        %shift_left3A_334 = arith.shli %add3A_330, %shift_left3A_333 : vector<16xi32>
        %shift_right_logical3A_335 = arith.constant 19 : i32
        %shift_right_logical3A_336 = vector.broadcast %shift_right_logical3A_335 : i32 to vector<16xi32>
        %shift_right_logical3A_337 = arith.shrui %add3A_330, %shift_right_logical3A_336 : vector<16xi32>
        %or3A_338 = arith.ori %shift_left3A_334, %shift_right_logical3A_337 : vector<16xi32>
        %xor3A_339 = arith.xori %add3A_331, %or3A_338 : vector<16xi32>
        %add3A_340 = arith.addi %add3A_331, %xor3A_339 : vector<16xi32>
        %shift_left3A_341 = arith.constant 15 : i32
        %shift_left3A_342 = vector.broadcast %shift_left3A_341 : i32 to vector<16xi32>
        %shift_left3A_343 = arith.shli %xor3A_339, %shift_left3A_342 : vector<16xi32>
        %shift_right_logical3A_344 = arith.constant 17 : i32
        %shift_right_logical3A_345 = vector.broadcast %shift_right_logical3A_344 : i32 to vector<16xi32>
        %shift_right_logical3A_346 = arith.shrui %xor3A_339, %shift_right_logical3A_345 : vector<16xi32>
        %or3A_347 = arith.ori %shift_left3A_343, %shift_right_logical3A_346 : vector<16xi32>
        %xor3A_348 = arith.xori %add3A_340, %or3A_347 : vector<16xi32>
        %add3A_349 = arith.addi %add3A_340, %xor3A_348 : vector<16xi32>
        %shift_left3A_350 = arith.constant 26 : i32
        %shift_left3A_351 = vector.broadcast %shift_left3A_350 : i32 to vector<16xi32>
        %shift_left3A_352 = arith.shli %xor3A_348, %shift_left3A_351 : vector<16xi32>
        %shift_right_logical3A_353 = arith.constant 6 : i32
        %shift_right_logical3A_354 = vector.broadcast %shift_right_logical3A_353 : i32 to vector<16xi32>
        %shift_right_logical3A_355 = arith.shrui %xor3A_348, %shift_right_logical3A_354 : vector<16xi32>
        %or3A_356 = arith.ori %shift_left3A_352, %shift_right_logical3A_355 : vector<16xi32>
        %xor3A_357 = arith.xori %add3A_349, %or3A_356 : vector<16xi32>
        %add3A_358 = arith.addi %add3A_349, %xor3A_357 : vector<16xi32>
        %shift_left3A_359 = arith.constant 6 : i32
        %shift_left3A_360 = vector.broadcast %shift_left3A_359 : i32 to vector<16xi32>
        %shift_left3A_361 = arith.shli %xor3A_357, %shift_left3A_360 : vector<16xi32>
        %shift_right_logical3A_362 = arith.constant 26 : i32
        %shift_right_logical3A_363 = vector.broadcast %shift_right_logical3A_362 : i32 to vector<16xi32>
        %shift_right_logical3A_364 = arith.shrui %xor3A_357, %shift_right_logical3A_363 : vector<16xi32>
        %or3A_365 = arith.ori %shift_left3A_361, %shift_right_logical3A_364 : vector<16xi32>
        %xor3A_366 = arith.xori %add3A_358, %or3A_365 : vector<16xi32>
        %add3A_367 = arith.constant 0 : i32
        %add3A_368 = vector.broadcast %add3A_367 : i32 to vector<16xi32>
        %add3A_369 = arith.addi %add3A_358, %add3A_368 : vector<16xi32>
        %add3A_370 = arith.constant 45 : i32
        %add3A_371 = vector.broadcast %add3A_370 : i32 to vector<16xi32>
        %add3A_372 = arith.addi %xor3A_366, %add3A_371 : vector<16xi32>
        %add3A_373 = arith.addi %add3A_369, %add3A_372 : vector<16xi32>
        %shift_left3A_374 = arith.constant 17 : i32
        %shift_left3A_375 = vector.broadcast %shift_left3A_374 : i32 to vector<16xi32>
        %shift_left3A_376 = arith.shli %add3A_372, %shift_left3A_375 : vector<16xi32>
        %shift_right_logical3A_377 = arith.constant 15 : i32
        %shift_right_logical3A_378 = vector.broadcast %shift_right_logical3A_377 : i32 to vector<16xi32>
        %shift_right_logical3A_379 = arith.shrui %add3A_372, %shift_right_logical3A_378 : vector<16xi32>
        %or3A_380 = arith.ori %shift_left3A_376, %shift_right_logical3A_379 : vector<16xi32>
        %xor3A_381 = arith.xori %add3A_373, %or3A_380 : vector<16xi32>
        %add3A_382 = arith.addi %add3A_373, %xor3A_381 : vector<16xi32>
        %shift_left3A_383 = arith.constant 29 : i32
        %shift_left3A_384 = vector.broadcast %shift_left3A_383 : i32 to vector<16xi32>
        %shift_left3A_385 = arith.shli %xor3A_381, %shift_left3A_384 : vector<16xi32>
        %shift_right_logical3A_386 = arith.constant 3 : i32
        %shift_right_logical3A_387 = vector.broadcast %shift_right_logical3A_386 : i32 to vector<16xi32>
        %shift_right_logical3A_388 = arith.shrui %xor3A_381, %shift_right_logical3A_387 : vector<16xi32>
        %or3A_389 = arith.ori %shift_left3A_385, %shift_right_logical3A_388 : vector<16xi32>
        %xor3A_390 = arith.xori %add3A_382, %or3A_389 : vector<16xi32>
        %add3A_391 = arith.addi %add3A_382, %xor3A_390 : vector<16xi32>
        %shift_left3A_392 = arith.constant 16 : i32
        %shift_left3A_393 = vector.broadcast %shift_left3A_392 : i32 to vector<16xi32>
        %shift_left3A_394 = arith.shli %xor3A_390, %shift_left3A_393 : vector<16xi32>
        %shift_right_logical3A_395 = arith.constant 16 : i32
        %shift_right_logical3A_396 = vector.broadcast %shift_right_logical3A_395 : i32 to vector<16xi32>
        %shift_right_logical3A_397 = arith.shrui %xor3A_390, %shift_right_logical3A_396 : vector<16xi32>
        %or3A_398 = arith.ori %shift_left3A_394, %shift_right_logical3A_397 : vector<16xi32>
        %xor3A_399 = arith.xori %add3A_391, %or3A_398 : vector<16xi32>
        %add3A_400 = arith.addi %add3A_391, %xor3A_399 : vector<16xi32>
        %shift_left3A_401 = arith.constant 24 : i32
        %shift_left3A_402 = vector.broadcast %shift_left3A_401 : i32 to vector<16xi32>
        %shift_left3A_403 = arith.shli %xor3A_399, %shift_left3A_402 : vector<16xi32>
        %shift_right_logical3A_404 = arith.constant 8 : i32
        %shift_right_logical3A_405 = vector.broadcast %shift_right_logical3A_404 : i32 to vector<16xi32>
        %shift_right_logical3A_406 = arith.shrui %xor3A_399, %shift_right_logical3A_405 : vector<16xi32>
        %or3A_407 = arith.ori %shift_left3A_403, %shift_right_logical3A_406 : vector<16xi32>
        %xor3A_408 = arith.xori %add3A_400, %or3A_407 : vector<16xi32>
        %add3A_409 = arith.constant 42 : i32
        %add3A_410 = vector.broadcast %add3A_409 : i32 to vector<16xi32>
        %add3A_411 = arith.addi %add3A_400, %add3A_410 : vector<16xi32>
        %add3A_412 = arith.constant 466689012 : i32
        %add3A_413 = vector.broadcast %add3A_412 : i32 to vector<16xi32>
        %add3A_414 = arith.addi %xor3A_408, %add3A_413 : vector<16xi32>
        %add3A_415 = arith.addi %add3A_411, %add3A_414 : vector<16xi32>
        %shift_left3A_416 = arith.constant 13 : i32
        %shift_left3A_417 = vector.broadcast %shift_left3A_416 : i32 to vector<16xi32>
        %shift_left3A_418 = arith.shli %add3A_414, %shift_left3A_417 : vector<16xi32>
        %shift_right_logical3A_419 = arith.constant 19 : i32
        %shift_right_logical3A_420 = vector.broadcast %shift_right_logical3A_419 : i32 to vector<16xi32>
        %shift_right_logical3A_421 = arith.shrui %add3A_414, %shift_right_logical3A_420 : vector<16xi32>
        %or3A_422 = arith.ori %shift_left3A_418, %shift_right_logical3A_421 : vector<16xi32>
        %xor3A_423 = arith.xori %add3A_415, %or3A_422 : vector<16xi32>
        %add3A_424 = arith.addi %add3A_415, %xor3A_423 : vector<16xi32>
        %shift_left3A_425 = arith.constant 15 : i32
        %shift_left3A_426 = vector.broadcast %shift_left3A_425 : i32 to vector<16xi32>
        %shift_left3A_427 = arith.shli %xor3A_423, %shift_left3A_426 : vector<16xi32>
        %shift_right_logical3A_428 = arith.constant 17 : i32
        %shift_right_logical3A_429 = vector.broadcast %shift_right_logical3A_428 : i32 to vector<16xi32>
        %shift_right_logical3A_430 = arith.shrui %xor3A_423, %shift_right_logical3A_429 : vector<16xi32>
        %or3A_431 = arith.ori %shift_left3A_427, %shift_right_logical3A_430 : vector<16xi32>
        %xor3A_432 = arith.xori %add3A_424, %or3A_431 : vector<16xi32>
        %add3A_433 = arith.addi %add3A_424, %xor3A_432 : vector<16xi32>
        %shift_left3A_434 = arith.constant 26 : i32
        %shift_left3A_435 = vector.broadcast %shift_left3A_434 : i32 to vector<16xi32>
        %shift_left3A_436 = arith.shli %xor3A_432, %shift_left3A_435 : vector<16xi32>
        %shift_right_logical3A_437 = arith.constant 6 : i32
        %shift_right_logical3A_438 = vector.broadcast %shift_right_logical3A_437 : i32 to vector<16xi32>
        %shift_right_logical3A_439 = arith.shrui %xor3A_432, %shift_right_logical3A_438 : vector<16xi32>
        %or3A_440 = arith.ori %shift_left3A_436, %shift_right_logical3A_439 : vector<16xi32>
        %xor3A_441 = arith.xori %add3A_433, %or3A_440 : vector<16xi32>
        %add3A_442 = arith.addi %add3A_433, %xor3A_441 : vector<16xi32>
        %shift_left3A_443 = arith.constant 6 : i32
        %shift_left3A_444 = vector.broadcast %shift_left3A_443 : i32 to vector<16xi32>
        %shift_left3A_445 = arith.shli %xor3A_441, %shift_left3A_444 : vector<16xi32>
        %shift_right_logical3A_446 = arith.constant 26 : i32
        %shift_right_logical3A_447 = vector.broadcast %shift_right_logical3A_446 : i32 to vector<16xi32>
        %shift_right_logical3A_448 = arith.shrui %xor3A_441, %shift_right_logical3A_447 : vector<16xi32>
        %or3A_449 = arith.ori %shift_left3A_445, %shift_right_logical3A_448 : vector<16xi32>
        %xor3A_450 = arith.xori %add3A_442, %or3A_449 : vector<16xi32>
        %add3A_451 = arith.constant 466689008 : i32
        %add3A_452 = vector.broadcast %add3A_451 : i32 to vector<16xi32>
        %add3A_453 = arith.addi %add3A_442, %add3A_452 : vector<16xi32>
        %add3A_454 = arith.constant 5 : i32
        %add3A_455 = vector.broadcast %add3A_454 : i32 to vector<16xi32>
        %add3A_456 = arith.addi %xor3A_450, %add3A_455 : vector<16xi32>
        %xor3A_457 = arith.xori %add3A_453, %add3A_456 : vector<16xi32>
        %swap3A_458 = arith.index_cast %add3A_242 : i32 to index
        %swap3A_459 = tpu.vector_load %arg3[%swap3A_458] {strides = array<i32>} : memref<8192xi32, #tpu.memory_space<vmem>>, vector<16xi32>,
        %swap3A_460 = vector.shape_cast %swap3A_459 : vector<16xi32> to vector<16xi32>
        %swap3A_461 = vector.shape_cast %xor3A_457 : vector<16xi32> to vector<16xi32>
        tpu.vector_store %arg3[%swap3A_458], %swap3A_461 {strides = array<i32>} : memref<8192xi32, #tpu.memory_space<vmem>>, vector<16xi32>,
        %mul3A_462 = arith.constant 128 : i32
        %mul3A_463 = arith.muli %scan3A_20, %mul3A_462 : i32
        %add3A_464 = arith.constant 32 : i32
        %add3A_465 = arith.addi %mul3A_463, %add3A_464 : i32
        %add3A_466 = arith.addi %mul3A_13, %add3A_465 : i32
        %add3A_467 = arith.constant 42 : i32
        %add3A_468 = arith.addi %add3A_466, %add3A_467 : i32
        %add3A_469 = vector.broadcast %add3A_468 : i32 to vector<16xi32>
        %add3A_470 = arith.addi %iota3A, %add3A_469 : vector<16xi32>
        %shift_left3A_471 = arith.constant 13 : i32
        %shift_left3A_472 = vector.broadcast %shift_left3A_471 : i32 to vector<16xi32>
        %shift_left3A_473 = arith.shli %add3A_470, %shift_left3A_472 : vector<16xi32>
        %shift_right_logical3A_474 = arith.constant 19 : i32
        %shift_right_logical3A_475 = vector.broadcast %shift_right_logical3A_474 : i32 to vector<16xi32>
        %shift_right_logical3A_476 = arith.shrui %add3A_470, %shift_right_logical3A_475 : vector<16xi32>
        %or3A_477 = arith.ori %shift_left3A_473, %shift_right_logical3A_476 : vector<16xi32>
        %xor3A_478 = arith.xori %add3A_470, %or3A_477 : vector<16xi32>
        %add3A_479 = arith.addi %add3A_470, %xor3A_478 : vector<16xi32>
        %shift_left3A_480 = arith.constant 15 : i32
        %shift_left3A_481 = vector.broadcast %shift_left3A_480 : i32 to vector<16xi32>
        %shift_left3A_482 = arith.shli %xor3A_478, %shift_left3A_481 : vector<16xi32>
        %shift_right_logical3A_483 = arith.constant 17 : i32
        %shift_right_logical3A_484 = vector.broadcast %shift_right_logical3A_483 : i32 to vector<16xi32>
        %shift_right_logical3A_485 = arith.shrui %xor3A_478, %shift_right_logical3A_484 : vector<16xi32>
        %or3A_486 = arith.ori %shift_left3A_482, %shift_right_logical3A_485 : vector<16xi32>
        %xor3A_487 = arith.xori %add3A_479, %or3A_486 : vector<16xi32>
        %add3A_488 = arith.addi %add3A_479, %xor3A_487 : vector<16xi32>
        %shift_left3A_489 = arith.constant 26 : i32
        %shift_left3A_490 = vector.broadcast %shift_left3A_489 : i32 to vector<16xi32>
        %shift_left3A_491 = arith.shli %xor3A_487, %shift_left3A_490 : vector<16xi32>
        %shift_right_logical3A_492 = arith.constant 6 : i32
        %shift_right_logical3A_493 = vector.broadcast %shift_right_logical3A_492 : i32 to vector<16xi32>
        %shift_right_logical3A_494 = arith.shrui %xor3A_487, %shift_right_logical3A_493 : vector<16xi32>
        %or3A_495 = arith.ori %shift_left3A_491, %shift_right_logical3A_494 : vector<16xi32>
        %xor3A_496 = arith.xori %add3A_488, %or3A_495 : vector<16xi32>
        %add3A_497 = arith.addi %add3A_488, %xor3A_496 : vector<16xi32>
        %shift_left3A_498 = arith.constant 6 : i32
        %shift_left3A_499 = vector.broadcast %shift_left3A_498 : i32 to vector<16xi32>
        %shift_left3A_500 = arith.shli %xor3A_496, %shift_left3A_499 : vector<16xi32>
        %shift_right_logical3A_501 = arith.constant 26 : i32
        %shift_right_logical3A_502 = vector.broadcast %shift_right_logical3A_501 : i32 to vector<16xi32>
        %shift_right_logical3A_503 = arith.shrui %xor3A_496, %shift_right_logical3A_502 : vector<16xi32>
        %or3A_504 = arith.ori %shift_left3A_500, %shift_right_logical3A_503 : vector<16xi32>
        %xor3A_505 = arith.xori %add3A_497, %or3A_504 : vector<16xi32>
        %add3A_506 = arith.constant 42 : i32
        %add3A_507 = vector.broadcast %add3A_506 : i32 to vector<16xi32>
        %add3A_508 = arith.addi %add3A_497, %add3A_507 : vector<16xi32>
        %add3A_509 = arith.constant 466689009 : i32
        %add3A_510 = vector.broadcast %add3A_509 : i32 to vector<16xi32>
        %add3A_511 = arith.addi %xor3A_505, %add3A_510 : vector<16xi32>
        %add3A_512 = arith.addi %add3A_508, %add3A_511 : vector<16xi32>
        %shift_left3A_513 = arith.constant 17 : i32
        %shift_left3A_514 = vector.broadcast %shift_left3A_513 : i32 to vector<16xi32>
        %shift_left3A_515 = arith.shli %add3A_511, %shift_left3A_514 : vector<16xi32>
        %shift_right_logical3A_516 = arith.constant 15 : i32
        %shift_right_logical3A_517 = vector.broadcast %shift_right_logical3A_516 : i32 to vector<16xi32>
        %shift_right_logical3A_518 = arith.shrui %add3A_511, %shift_right_logical3A_517 : vector<16xi32>
        %or3A_519 = arith.ori %shift_left3A_515, %shift_right_logical3A_518 : vector<16xi32>
        %xor3A_520 = arith.xori %add3A_512, %or3A_519 : vector<16xi32>
        %add3A_521 = arith.addi %add3A_512, %xor3A_520 : vector<16xi32>
        %shift_left3A_522 = arith.constant 29 : i32
        %shift_left3A_523 = vector.broadcast %shift_left3A_522 : i32 to vector<16xi32>
        %shift_left3A_524 = arith.shli %xor3A_520, %shift_left3A_523 : vector<16xi32>
        %shift_right_logical3A_525 = arith.constant 3 : i32
        %shift_right_logical3A_526 = vector.broadcast %shift_right_logical3A_525 : i32 to vector<16xi32>
        %shift_right_logical3A_527 = arith.shrui %xor3A_520, %shift_right_logical3A_526 : vector<16xi32>
        %or3A_528 = arith.ori %shift_left3A_524, %shift_right_logical3A_527 : vector<16xi32>
        %xor3A_529 = arith.xori %add3A_521, %or3A_528 : vector<16xi32>
        %add3A_530 = arith.addi %add3A_521, %xor3A_529 : vector<16xi32>
        %shift_left3A_531 = arith.constant 16 : i32
        %shift_left3A_532 = vector.broadcast %shift_left3A_531 : i32 to vector<16xi32>
        %shift_left3A_533 = arith.shli %xor3A_529, %shift_left3A_532 : vector<16xi32>
        %shift_right_logical3A_534 = arith.constant 16 : i32
        %shift_right_logical3A_535 = vector.broadcast %shift_right_logical3A_534 : i32 to vector<16xi32>
        %shift_right_logical3A_536 = arith.shrui %xor3A_529, %shift_right_logical3A_535 : vector<16xi32>
        %or3A_537 = arith.ori %shift_left3A_533, %shift_right_logical3A_536 : vector<16xi32>
        %xor3A_538 = arith.xori %add3A_530, %or3A_537 : vector<16xi32>
        %add3A_539 = arith.addi %add3A_530, %xor3A_538 : vector<16xi32>
        %shift_left3A_540 = arith.constant 24 : i32
        %shift_left3A_541 = vector.broadcast %shift_left3A_540 : i32 to vector<16xi32>
        %shift_left3A_542 = arith.shli %xor3A_538, %shift_left3A_541 : vector<16xi32>
        %shift_right_logical3A_543 = arith.constant 8 : i32
        %shift_right_logical3A_544 = vector.broadcast %shift_right_logical3A_543 : i32 to vector<16xi32>
        %shift_right_logical3A_545 = arith.shrui %xor3A_538, %shift_right_logical3A_544 : vector<16xi32>
        %or3A_546 = arith.ori %shift_left3A_542, %shift_right_logical3A_545 : vector<16xi32>
        %xor3A_547 = arith.xori %add3A_539, %or3A_546 : vector<16xi32>
        %add3A_548 = arith.constant 466689008 : i32
        %add3A_549 = vector.broadcast %add3A_548 : i32 to vector<16xi32>
        %add3A_550 = arith.addi %add3A_539, %add3A_549 : vector<16xi32>
        %add3A_551 = arith.constant 2 : i32
        %add3A_552 = vector.broadcast %add3A_551 : i32 to vector<16xi32>
        %add3A_553 = arith.addi %xor3A_547, %add3A_552 : vector<16xi32>
        %add3A_554 = arith.addi %add3A_550, %add3A_553 : vector<16xi32>
        %shift_left3A_555 = arith.constant 13 : i32
        %shift_left3A_556 = vector.broadcast %shift_left3A_555 : i32 to vector<16xi32>
        %shift_left3A_557 = arith.shli %add3A_553, %shift_left3A_556 : vector<16xi32>
        %shift_right_logical3A_558 = arith.constant 19 : i32
        %shift_right_logical3A_559 = vector.broadcast %shift_right_logical3A_558 : i32 to vector<16xi32>
        %shift_right_logical3A_560 = arith.shrui %add3A_553, %shift_right_logical3A_559 : vector<16xi32>
        %or3A_561 = arith.ori %shift_left3A_557, %shift_right_logical3A_560 : vector<16xi32>
        %xor3A_562 = arith.xori %add3A_554, %or3A_561 : vector<16xi32>
        %add3A_563 = arith.addi %add3A_554, %xor3A_562 : vector<16xi32>
        %shift_left3A_564 = arith.constant 15 : i32
        %shift_left3A_565 = vector.broadcast %shift_left3A_564 : i32 to vector<16xi32>
        %shift_left3A_566 = arith.shli %xor3A_562, %shift_left3A_565 : vector<16xi32>
        %shift_right_logical3A_567 = arith.constant 17 : i32
        %shift_right_logical3A_568 = vector.broadcast %shift_right_logical3A_567 : i32 to vector<16xi32>
        %shift_right_logical3A_569 = arith.shrui %xor3A_562, %shift_right_logical3A_568 : vector<16xi32>
        %or3A_570 = arith.ori %shift_left3A_566, %shift_right_logical3A_569 : vector<16xi32>
        %xor3A_571 = arith.xori %add3A_563, %or3A_570 : vector<16xi32>
        %add3A_572 = arith.addi %add3A_563, %xor3A_571 : vector<16xi32>
        %shift_left3A_573 = arith.constant 26 : i32
        %shift_left3A_574 = vector.broadcast %shift_left3A_573 : i32 to vector<16xi32>
        %shift_left3A_575 = arith.shli %xor3A_571, %shift_left3A_574 : vector<16xi32>
        %shift_right_logical3A_576 = arith.constant 6 : i32
        %shift_right_logical3A_577 = vector.broadcast %shift_right_logical3A_576 : i32 to vector<16xi32>
        %shift_right_logical3A_578 = arith.shrui %xor3A_571, %shift_right_logical3A_577 : vector<16xi32>
        %or3A_579 = arith.ori %shift_left3A_575, %shift_right_logical3A_578 : vector<16xi32>
        %xor3A_580 = arith.xori %add3A_572, %or3A_579 : vector<16xi32>
        %add3A_581 = arith.addi %add3A_572, %xor3A_580 : vector<16xi32>
        %shift_left3A_582 = arith.constant 6 : i32
        %shift_left3A_583 = vector.broadcast %shift_left3A_582 : i32 to vector<16xi32>
        %shift_left3A_584 = arith.shli %xor3A_580, %shift_left3A_583 : vector<16xi32>
        %shift_right_logical3A_585 = arith.constant 26 : i32
        %shift_right_logical3A_586 = vector.broadcast %shift_right_logical3A_585 : i32 to vector<16xi32>
        %shift_right_logical3A_587 = arith.shrui %xor3A_580, %shift_right_logical3A_586 : vector<16xi32>
        %or3A_588 = arith.ori %shift_left3A_584, %shift_right_logical3A_587 : vector<16xi32>
        %xor3A_589 = arith.xori %add3A_581, %or3A_588 : vector<16xi32>
        %add3A_590 = arith.constant 0 : i32
        %add3A_591 = vector.broadcast %add3A_590 : i32 to vector<16xi32>
        %add3A_592 = arith.addi %add3A_581, %add3A_591 : vector<16xi32>
        %add3A_593 = arith.constant 45 : i32
        %add3A_594 = vector.broadcast %add3A_593 : i32 to vector<16xi32>
        %add3A_595 = arith.addi %xor3A_589, %add3A_594 : vector<16xi32>
        %add3A_596 = arith.addi %add3A_592, %add3A_595 : vector<16xi32>
        %shift_left3A_597 = arith.constant 17 : i32
        %shift_left3A_598 = vector.broadcast %shift_left3A_597 : i32 to vector<16xi32>
        %shift_left3A_599 = arith.shli %add3A_595, %shift_left3A_598 : vector<16xi32>
        %shift_right_logical3A_600 = arith.constant 15 : i32
        %shift_right_logical3A_601 = vector.broadcast %shift_right_logical3A_600 : i32 to vector<16xi32>
        %shift_right_logical3A_602 = arith.shrui %add3A_595, %shift_right_logical3A_601 : vector<16xi32>
        %or3A_603 = arith.ori %shift_left3A_599, %shift_right_logical3A_602 : vector<16xi32>
        %xor3A_604 = arith.xori %add3A_596, %or3A_603 : vector<16xi32>
        %add3A_605 = arith.addi %add3A_596, %xor3A_604 : vector<16xi32>
        %shift_left3A_606 = arith.constant 29 : i32
        %shift_left3A_607 = vector.broadcast %shift_left3A_606 : i32 to vector<16xi32>
        %shift_left3A_608 = arith.shli %xor3A_604, %shift_left3A_607 : vector<16xi32>
        %shift_right_logical3A_609 = arith.constant 3 : i32
        %shift_right_logical3A_610 = vector.broadcast %shift_right_logical3A_609 : i32 to vector<16xi32>
        %shift_right_logical3A_611 = arith.shrui %xor3A_604, %shift_right_logical3A_610 : vector<16xi32>
        %or3A_612 = arith.ori %shift_left3A_608, %shift_right_logical3A_611 : vector<16xi32>
        %xor3A_613 = arith.xori %add3A_605, %or3A_612 : vector<16xi32>
        %add3A_614 = arith.addi %add3A_605, %xor3A_613 : vector<16xi32>
        %shift_left3A_615 = arith.constant 16 : i32
        %shift_left3A_616 = vector.broadcast %shift_left3A_615 : i32 to vector<16xi32>
        %shift_left3A_617 = arith.shli %xor3A_613, %shift_left3A_616 : vector<16xi32>
        %shift_right_logical3A_618 = arith.constant 16 : i32
        %shift_right_logical3A_619 = vector.broadcast %shift_right_logical3A_618 : i32 to vector<16xi32>
        %shift_right_logical3A_620 = arith.shrui %xor3A_613, %shift_right_logical3A_619 : vector<16xi32>
        %or3A_621 = arith.ori %shift_left3A_617, %shift_right_logical3A_620 : vector<16xi32>
        %xor3A_622 = arith.xori %add3A_614, %or3A_621 : vector<16xi32>
        %add3A_623 = arith.addi %add3A_614, %xor3A_622 : vector<16xi32>
        %shift_left3A_624 = arith.constant 24 : i32
        %shift_left3A_625 = vector.broadcast %shift_left3A_624 : i32 to vector<16xi32>
        %shift_left3A_626 = arith.shli %xor3A_622, %shift_left3A_625 : vector<16xi32>
        %shift_right_logical3A_627 = arith.constant 8 : i32
        %shift_right_logical3A_628 = vector.broadcast %shift_right_logical3A_627 : i32 to vector<16xi32>
        %shift_right_logical3A_629 = arith.shrui %xor3A_622, %shift_right_logical3A_628 : vector<16xi32>
        %or3A_630 = arith.ori %shift_left3A_626, %shift_right_logical3A_629 : vector<16xi32>
        %xor3A_631 = arith.xori %add3A_623, %or3A_630 : vector<16xi32>
        %add3A_632 = arith.constant 42 : i32
        %add3A_633 = vector.broadcast %add3A_632 : i32 to vector<16xi32>
        %add3A_634 = arith.addi %add3A_623, %add3A_633 : vector<16xi32>
        %add3A_635 = arith.constant 466689012 : i32
        %add3A_636 = vector.broadcast %add3A_635 : i32 to vector<16xi32>
        %add3A_637 = arith.addi %xor3A_631, %add3A_636 : vector<16xi32>
        %add3A_638 = arith.addi %add3A_634, %add3A_637 : vector<16xi32>
        %shift_left3A_639 = arith.constant 13 : i32
        %shift_left3A_640 = vector.broadcast %shift_left3A_639 : i32 to vector<16xi32>
        %shift_left3A_641 = arith.shli %add3A_637, %shift_left3A_640 : vector<16xi32>
        %shift_right_logical3A_642 = arith.constant 19 : i32
        %shift_right_logical3A_643 = vector.broadcast %shift_right_logical3A_642 : i32 to vector<16xi32>
        %shift_right_logical3A_644 = arith.shrui %add3A_637, %shift_right_logical3A_643 : vector<16xi32>
        %or3A_645 = arith.ori %shift_left3A_641, %shift_right_logical3A_644 : vector<16xi32>
        %xor3A_646 = arith.xori %add3A_638, %or3A_645 : vector<16xi32>
        %add3A_647 = arith.addi %add3A_638, %xor3A_646 : vector<16xi32>
        %shift_left3A_648 = arith.constant 15 : i32
        %shift_left3A_649 = vector.broadcast %shift_left3A_648 : i32 to vector<16xi32>
        %shift_left3A_650 = arith.shli %xor3A_646, %shift_left3A_649 : vector<16xi32>
        %shift_right_logical3A_651 = arith.constant 17 : i32
        %shift_right_logical3A_652 = vector.broadcast %shift_right_logical3A_651 : i32 to vector<16xi32>
        %shift_right_logical3A_653 = arith.shrui %xor3A_646, %shift_right_logical3A_652 : vector<16xi32>
        %or3A_654 = arith.ori %shift_left3A_650, %shift_right_logical3A_653 : vector<16xi32>
        %xor3A_655 = arith.xori %add3A_647, %or3A_654 : vector<16xi32>
        %add3A_656 = arith.addi %add3A_647, %xor3A_655 : vector<16xi32>
        %shift_left3A_657 = arith.constant 26 : i32
        %shift_left3A_658 = vector.broadcast %shift_left3A_657 : i32 to vector<16xi32>
        %shift_left3A_659 = arith.shli %xor3A_655, %shift_left3A_658 : vector<16xi32>
        %shift_right_logical3A_660 = arith.constant 6 : i32
        %shift_right_logical3A_661 = vector.broadcast %shift_right_logical3A_660 : i32 to vector<16xi32>
        %shift_right_logical3A_662 = arith.shrui %xor3A_655, %shift_right_logical3A_661 : vector<16xi32>
        %or3A_663 = arith.ori %shift_left3A_659, %shift_right_logical3A_662 : vector<16xi32>
        %xor3A_664 = arith.xori %add3A_656, %or3A_663 : vector<16xi32>
        %add3A_665 = arith.addi %add3A_656, %xor3A_664 : vector<16xi32>
        %shift_left3A_666 = arith.constant 6 : i32
        %shift_left3A_667 = vector.broadcast %shift_left3A_666 : i32 to vector<16xi32>
        %shift_left3A_668 = arith.shli %xor3A_664, %shift_left3A_667 : vector<16xi32>
        %shift_right_logical3A_669 = arith.constant 26 : i32
        %shift_right_logical3A_670 = vector.broadcast %shift_right_logical3A_669 : i32 to vector<16xi32>
        %shift_right_logical3A_671 = arith.shrui %xor3A_664, %shift_right_logical3A_670 : vector<16xi32>
        %or3A_672 = arith.ori %shift_left3A_668, %shift_right_logical3A_671 : vector<16xi32>
        %xor3A_673 = arith.xori %add3A_665, %or3A_672 : vector<16xi32>
        %add3A_674 = arith.constant 466689008 : i32
        %add3A_675 = vector.broadcast %add3A_674 : i32 to vector<16xi32>
        %add3A_676 = arith.addi %add3A_665, %add3A_675 : vector<16xi32>
        %add3A_677 = arith.constant 5 : i32
        %add3A_678 = vector.broadcast %add3A_677 : i32 to vector<16xi32>
        %add3A_679 = arith.addi %xor3A_673, %add3A_678 : vector<16xi32>
        %xor3A_680 = arith.xori %add3A_676, %add3A_679 : vector<16xi32>
        %swap3A_681 = arith.index_cast %add3A_465 : i32 to index
        %swap3A_682 = tpu.vector_load %arg3[%swap3A_681] {strides = array<i32>} : memref<8192xi32, #tpu.memory_space<vmem>>, vector<16xi32>,
        %swap3A_683 = vector.shape_cast %swap3A_682 : vector<16xi32> to vector<16xi32>
        %swap3A_684 = vector.shape_cast %xor3A_680 : vector<16xi32> to vector<16xi32>
        tpu.vector_store %arg3[%swap3A_681], %swap3A_684 {strides = array<i32>} : memref<8192xi32, #tpu.memory_space<vmem>>, vector<16xi32>,
        %mul3A_685 = arith.constant 128 : i32
        %mul3A_686 = arith.muli %scan3A_20, %mul3A_685 : i32
        %add3A_687 = arith.constant 48 : i32
        %add3A_688 = arith.addi %mul3A_686, %add3A_687 : i32
        %add3A_689 = arith.addi %mul3A_13, %add3A_688 : i32
        %add3A_690 = arith.constant 42 : i32
        %add3A_691 = arith.addi %add3A_689, %add3A_690 : i32
        %add3A_692 = vector.broadcast %add3A_691 : i32 to vector<16xi32>
        %add3A_693 = arith.addi %iota3A, %add3A_692 : vector<16xi32>
        %shift_left3A_694 = arith.constant 13 : i32
        %shift_left3A_695 = vector.broadcast %shift_left3A_694 : i32 to vector<16xi32>
        %shift_left3A_696 = arith.shli %add3A_693, %shift_left3A_695 : vector<16xi32>
        %shift_right_logical3A_697 = arith.constant 19 : i32
        %shift_right_logical3A_698 = vector.broadcast %shift_right_logical3A_697 : i32 to vector<16xi32>
        %shift_right_logical3A_699 = arith.shrui %add3A_693, %shift_right_logical3A_698 : vector<16xi32>
        %or3A_700 = arith.ori %shift_left3A_696, %shift_right_logical3A_699 : vector<16xi32>
        %xor3A_701 = arith.xori %add3A_693, %or3A_700 : vector<16xi32>
        %add3A_702 = arith.addi %add3A_693, %xor3A_701 : vector<16xi32>
        %shift_left3A_703 = arith.constant 15 : i32
        %shift_left3A_704 = vector.broadcast %shift_left3A_703 : i32 to vector<16xi32>
        %shift_left3A_705 = arith.shli %xor3A_701, %shift_left3A_704 : vector<16xi32>
        %shift_right_logical3A_706 = arith.constant 17 : i32
        %shift_right_logical3A_707 = vector.broadcast %shift_right_logical3A_706 : i32 to vector<16xi32>
        %shift_right_logical3A_708 = arith.shrui %xor3A_701, %shift_right_logical3A_707 : vector<16xi32>
        %or3A_709 = arith.ori %shift_left3A_705, %shift_right_logical3A_708 : vector<16xi32>
        %xor3A_710 = arith.xori %add3A_702, %or3A_709 : vector<16xi32>
        %add3A_711 = arith.addi %add3A_702, %xor3A_710 : vector<16xi32>
        %shift_left3A_712 = arith.constant 26 : i32
        %shift_left3A_713 = vector.broadcast %shift_left3A_712 : i32 to vector<16xi32>
        %shift_left3A_714 = arith.shli %xor3A_710, %shift_left3A_713 : vector<16xi32>
        %shift_right_logical3A_715 = arith.constant 6 : i32
        %shift_right_logical3A_716 = vector.broadcast %shift_right_logical3A_715 : i32 to vector<16xi32>
        %shift_right_logical3A_717 = arith.shrui %xor3A_710, %shift_right_logical3A_716 : vector<16xi32>
        %or3A_718 = arith.ori %shift_left3A_714, %shift_right_logical3A_717 : vector<16xi32>
        %xor3A_719 = arith.xori %add3A_711, %or3A_718 : vector<16xi32>
        %add3A_720 = arith.addi %add3A_711, %xor3A_719 : vector<16xi32>
        %shift_left3A_721 = arith.constant 6 : i32
        %shift_left3A_722 = vector.broadcast %shift_left3A_721 : i32 to vector<16xi32>
        %shift_left3A_723 = arith.shli %xor3A_719, %shift_left3A_722 : vector<16xi32>
        %shift_right_logical3A_724 = arith.constant 26 : i32
        %shift_right_logical3A_725 = vector.broadcast %shift_right_logical3A_724 : i32 to vector<16xi32>
        %shift_right_logical3A_726 = arith.shrui %xor3A_719, %shift_right_logical3A_725 : vector<16xi32>
        %or3A_727 = arith.ori %shift_left3A_723, %shift_right_logical3A_726 : vector<16xi32>
        %xor3A_728 = arith.xori %add3A_720, %or3A_727 : vector<16xi32>
        %add3A_729 = arith.constant 42 : i32
        %add3A_730 = vector.broadcast %add3A_729 : i32 to vector<16xi32>
        %add3A_731 = arith.addi %add3A_720, %add3A_730 : vector<16xi32>
        %add3A_732 = arith.constant 466689009 : i32
        %add3A_733 = vector.broadcast %add3A_732 : i32 to vector<16xi32>
        %add3A_734 = arith.addi %xor3A_728, %add3A_733 : vector<16xi32>
        %add3A_735 = arith.addi %add3A_731, %add3A_734 : vector<16xi32>
        %shift_left3A_736 = arith.constant 17 : i32
        %shift_left3A_737 = vector.broadcast %shift_left3A_736 : i32 to vector<16xi32>
        %shift_left3A_738 = arith.shli %add3A_734, %shift_left3A_737 : vector<16xi32>
        %shift_right_logical3A_739 = arith.constant 15 : i32
        %shift_right_logical3A_740 = vector.broadcast %shift_right_logical3A_739 : i32 to vector<16xi32>
        %shift_right_logical3A_741 = arith.shrui %add3A_734, %shift_right_logical3A_740 : vector<16xi32>
        %or3A_742 = arith.ori %shift_left3A_738, %shift_right_logical3A_741 : vector<16xi32>
        %xor3A_743 = arith.xori %add3A_735, %or3A_742 : vector<16xi32>
        %add3A_744 = arith.addi %add3A_735, %xor3A_743 : vector<16xi32>
        %shift_left3A_745 = arith.constant 29 : i32
        %shift_left3A_746 = vector.broadcast %shift_left3A_745 : i32 to vector<16xi32>
        %shift_left3A_747 = arith.shli %xor3A_743, %shift_left3A_746 : vector<16xi32>
        %shift_right_logical3A_748 = arith.constant 3 : i32
        %shift_right_logical3A_749 = vector.broadcast %shift_right_logical3A_748 : i32 to vector<16xi32>
        %shift_right_logical3A_750 = arith.shrui %xor3A_743, %shift_right_logical3A_749 : vector<16xi32>
        %or3A_751 = arith.ori %shift_left3A_747, %shift_right_logical3A_750 : vector<16xi32>
        %xor3A_752 = arith.xori %add3A_744, %or3A_751 : vector<16xi32>
        %add3A_753 = arith.addi %add3A_744, %xor3A_752 : vector<16xi32>
        %shift_left3A_754 = arith.constant 16 : i32
        %shift_left3A_755 = vector.broadcast %shift_left3A_754 : i32 to vector<16xi32>
        %shift_left3A_756 = arith.shli %xor3A_752, %shift_left3A_755 : vector<16xi32>
        %shift_right_logical3A_757 = arith.constant 16 : i32
        %shift_right_logical3A_758 = vector.broadcast %shift_right_logical3A_757 : i32 to vector<16xi32>
        %shift_right_logical3A_759 = arith.shrui %xor3A_752, %shift_right_logical3A_758 : vector<16xi32>
        %or3A_760 = arith.ori %shift_left3A_756, %shift_right_logical3A_759 : vector<16xi32>
        %xor3A_761 = arith.xori %add3A_753, %or3A_760 : vector<16xi32>
        %add3A_762 = arith.addi %add3A_753, %xor3A_761 : vector<16xi32>
        %shift_left3A_763 = arith.constant 24 : i32
        %shift_left3A_764 = vector.broadcast %shift_left3A_763 : i32 to vector<16xi32>
        %shift_left3A_765 = arith.shli %xor3A_761, %shift_left3A_764 : vector<16xi32>
        %shift_right_logical3A_766 = arith.constant 8 : i32
        %shift_right_logical3A_767 = vector.broadcast %shift_right_logical3A_766 : i32 to vector<16xi32>
        %shift_right_logical3A_768 = arith.shrui %xor3A_761, %shift_right_logical3A_767 : vector<16xi32>
        %or3A_769 = arith.ori %shift_left3A_765, %shift_right_logical3A_768 : vector<16xi32>
        %xor3A_770 = arith.xori %add3A_762, %or3A_769 : vector<16xi32>
        %add3A_771 = arith.constant 466689008 : i32
        %add3A_772 = vector.broadcast %add3A_771 : i32 to vector<16xi32>
        %add3A_773 = arith.addi %add3A_762, %add3A_772 : vector<16xi32>
        %add3A_774 = arith.constant 2 : i32
        %add3A_775 = vector.broadcast %add3A_774 : i32 to vector<16xi32>
        %add3A_776 = arith.addi %xor3A_770, %add3A_775 : vector<16xi32>
        %add3A_777 = arith.addi %add3A_773, %add3A_776 : vector<16xi32>
        %shift_left3A_778 = arith.constant 13 : i32
        %shift_left3A_779 = vector.broadcast %shift_left3A_778 : i32 to vector<16xi32>
        %shift_left3A_780 = arith.shli %add3A_776, %shift_left3A_779 : vector<16xi32>
        %shift_right_logical3A_781 = arith.constant 19 : i32
        %shift_right_logical3A_782 = vector.broadcast %shift_right_logical3A_781 : i32 to vector<16xi32>
        %shift_right_logical3A_783 = arith.shrui %add3A_776, %shift_right_logical3A_782 : vector<16xi32>
        %or3A_784 = arith.ori %shift_left3A_780, %shift_right_logical3A_783 : vector<16xi32>
        %xor3A_785 = arith.xori %add3A_777, %or3A_784 : vector<16xi32>
        %add3A_786 = arith.addi %add3A_777, %xor3A_785 : vector<16xi32>
        %shift_left3A_787 = arith.constant 15 : i32
        %shift_left3A_788 = vector.broadcast %shift_left3A_787 : i32 to vector<16xi32>
        %shift_left3A_789 = arith.shli %xor3A_785, %shift_left3A_788 : vector<16xi32>
        %shift_right_logical3A_790 = arith.constant 17 : i32
        %shift_right_logical3A_791 = vector.broadcast %shift_right_logical3A_790 : i32 to vector<16xi32>
        %shift_right_logical3A_792 = arith.shrui %xor3A_785, %shift_right_logical3A_791 : vector<16xi32>
        %or3A_793 = arith.ori %shift_left3A_789, %shift_right_logical3A_792 : vector<16xi32>
        %xor3A_794 = arith.xori %add3A_786, %or3A_793 : vector<16xi32>
        %add3A_795 = arith.addi %add3A_786, %xor3A_794 : vector<16xi32>
        %shift_left3A_796 = arith.constant 26 : i32
        %shift_left3A_797 = vector.broadcast %shift_left3A_796 : i32 to vector<16xi32>
        %shift_left3A_798 = arith.shli %xor3A_794, %shift_left3A_797 : vector<16xi32>
        %shift_right_logical3A_799 = arith.constant 6 : i32
        %shift_right_logical3A_800 = vector.broadcast %shift_right_logical3A_799 : i32 to vector<16xi32>
        %shift_right_logical3A_801 = arith.shrui %xor3A_794, %shift_right_logical3A_800 : vector<16xi32>
        %or3A_802 = arith.ori %shift_left3A_798, %shift_right_logical3A_801 : vector<16xi32>
        %xor3A_803 = arith.xori %add3A_795, %or3A_802 : vector<16xi32>
        %add3A_804 = arith.addi %add3A_795, %xor3A_803 : vector<16xi32>
        %shift_left3A_805 = arith.constant 6 : i32
        %shift_left3A_806 = vector.broadcast %shift_left3A_805 : i32 to vector<16xi32>
        %shift_left3A_807 = arith.shli %xor3A_803, %shift_left3A_806 : vector<16xi32>
        %shift_right_logical3A_808 = arith.constant 26 : i32
        %shift_right_logical3A_809 = vector.broadcast %shift_right_logical3A_808 : i32 to vector<16xi32>
        %shift_right_logical3A_810 = arith.shrui %xor3A_803, %shift_right_logical3A_809 : vector<16xi32>
        %or3A_811 = arith.ori %shift_left3A_807, %shift_right_logical3A_810 : vector<16xi32>
        %xor3A_812 = arith.xori %add3A_804, %or3A_811 : vector<16xi32>
        %add3A_813 = arith.constant 0 : i32
        %add3A_814 = vector.broadcast %add3A_813 : i32 to vector<16xi32>
        %add3A_815 = arith.addi %add3A_804, %add3A_814 : vector<16xi32>
        %add3A_816 = arith.constant 45 : i32
        %add3A_817 = vector.broadcast %add3A_816 : i32 to vector<16xi32>
        %add3A_818 = arith.addi %xor3A_812, %add3A_817 : vector<16xi32>
        %add3A_819 = arith.addi %add3A_815, %add3A_818 : vector<16xi32>
        %shift_left3A_820 = arith.constant 17 : i32
        %shift_left3A_821 = vector.broadcast %shift_left3A_820 : i32 to vector<16xi32>
        %shift_left3A_822 = arith.shli %add3A_818, %shift_left3A_821 : vector<16xi32>
        %shift_right_logical3A_823 = arith.constant 15 : i32
        %shift_right_logical3A_824 = vector.broadcast %shift_right_logical3A_823 : i32 to vector<16xi32>
        %shift_right_logical3A_825 = arith.shrui %add3A_818, %shift_right_logical3A_824 : vector<16xi32>
        %or3A_826 = arith.ori %shift_left3A_822, %shift_right_logical3A_825 : vector<16xi32>
        %xor3A_827 = arith.xori %add3A_819, %or3A_826 : vector<16xi32>
        %add3A_828 = arith.addi %add3A_819, %xor3A_827 : vector<16xi32>
        %shift_left3A_829 = arith.constant 29 : i32
        %shift_left3A_830 = vector.broadcast %shift_left3A_829 : i32 to vector<16xi32>
        %shift_left3A_831 = arith.shli %xor3A_827, %shift_left3A_830 : vector<16xi32>
        %shift_right_logical3A_832 = arith.constant 3 : i32
        %shift_right_logical3A_833 = vector.broadcast %shift_right_logical3A_832 : i32 to vector<16xi32>
        %shift_right_logical3A_834 = arith.shrui %xor3A_827, %shift_right_logical3A_833 : vector<16xi32>
        %or3A_835 = arith.ori %shift_left3A_831, %shift_right_logical3A_834 : vector<16xi32>
        %xor3A_836 = arith.xori %add3A_828, %or3A_835 : vector<16xi32>
        %add3A_837 = arith.addi %add3A_828, %xor3A_836 : vector<16xi32>
        %shift_left3A_838 = arith.constant 16 : i32
        %shift_left3A_839 = vector.broadcast %shift_left3A_838 : i32 to vector<16xi32>
        %shift_left3A_840 = arith.shli %xor3A_836, %shift_left3A_839 : vector<16xi32>
        %shift_right_logical3A_841 = arith.constant 16 : i32
        %shift_right_logical3A_842 = vector.broadcast %shift_right_logical3A_841 : i32 to vector<16xi32>
        %shift_right_logical3A_843 = arith.shrui %xor3A_836, %shift_right_logical3A_842 : vector<16xi32>
        %or3A_844 = arith.ori %shift_left3A_840, %shift_right_logical3A_843 : vector<16xi32>
        %xor3A_845 = arith.xori %add3A_837, %or3A_844 : vector<16xi32>
        %add3A_846 = arith.addi %add3A_837, %xor3A_845 : vector<16xi32>
        %shift_left3A_847 = arith.constant 24 : i32
        %shift_left3A_848 = vector.broadcast %shift_left3A_847 : i32 to vector<16xi32>
        %shift_left3A_849 = arith.shli %xor3A_845, %shift_left3A_848 : vector<16xi32>
        %shift_right_logical3A_850 = arith.constant 8 : i32
        %shift_right_logical3A_851 = vector.broadcast %shift_right_logical3A_850 : i32 to vector<16xi32>
        %shift_right_logical3A_852 = arith.shrui %xor3A_845, %shift_right_logical3A_851 : vector<16xi32>
        %or3A_853 = arith.ori %shift_left3A_849, %shift_right_logical3A_852 : vector<16xi32>
        %xor3A_854 = arith.xori %add3A_846, %or3A_853 : vector<16xi32>
        %add3A_855 = arith.constant 42 : i32
        %add3A_856 = vector.broadcast %add3A_855 : i32 to vector<16xi32>
        %add3A_857 = arith.addi %add3A_846, %add3A_856 : vector<16xi32>
        %add3A_858 = arith.constant 466689012 : i32
        %add3A_859 = vector.broadcast %add3A_858 : i32 to vector<16xi32>
        %add3A_860 = arith.addi %xor3A_854, %add3A_859 : vector<16xi32>
        %add3A_861 = arith.addi %add3A_857, %add3A_860 : vector<16xi32>
        %shift_left3A_862 = arith.constant 13 : i32
        %shift_left3A_863 = vector.broadcast %shift_left3A_862 : i32 to vector<16xi32>
        %shift_left3A_864 = arith.shli %add3A_860, %shift_left3A_863 : vector<16xi32>
        %shift_right_logical3A_865 = arith.constant 19 : i32
        %shift_right_logical3A_866 = vector.broadcast %shift_right_logical3A_865 : i32 to vector<16xi32>
        %shift_right_logical3A_867 = arith.shrui %add3A_860, %shift_right_logical3A_866 : vector<16xi32>
        %or3A_868 = arith.ori %shift_left3A_864, %shift_right_logical3A_867 : vector<16xi32>
        %xor3A_869 = arith.xori %add3A_861, %or3A_868 : vector<16xi32>
        %add3A_870 = arith.addi %add3A_861, %xor3A_869 : vector<16xi32>
        %shift_left3A_871 = arith.constant 15 : i32
        %shift_left3A_872 = vector.broadcast %shift_left3A_871 : i32 to vector<16xi32>
        %shift_left3A_873 = arith.shli %xor3A_869, %shift_left3A_872 : vector<16xi32>
        %shift_right_logical3A_874 = arith.constant 17 : i32
        %shift_right_logical3A_875 = vector.broadcast %shift_right_logical3A_874 : i32 to vector<16xi32>
        %shift_right_logical3A_876 = arith.shrui %xor3A_869, %shift_right_logical3A_875 : vector<16xi32>
        %or3A_877 = arith.ori %shift_left3A_873, %shift_right_logical3A_876 : vector<16xi32>
        %xor3A_878 = arith.xori %add3A_870, %or3A_877 : vector<16xi32>
        %add3A_879 = arith.addi %add3A_870, %xor3A_878 : vector<16xi32>
        %shift_left3A_880 = arith.constant 26 : i32
        %shift_left3A_881 = vector.broadcast %shift_left3A_880 : i32 to vector<16xi32>
        %shift_left3A_882 = arith.shli %xor3A_878, %shift_left3A_881 : vector<16xi32>
        %shift_right_logical3A_883 = arith.constant 6 : i32
        %shift_right_logical3A_884 = vector.broadcast %shift_right_logical3A_883 : i32 to vector<16xi32>
        %shift_right_logical3A_885 = arith.shrui %xor3A_878, %shift_right_logical3A_884 : vector<16xi32>
        %or3A_886 = arith.ori %shift_left3A_882, %shift_right_logical3A_885 : vector<16xi32>
        %xor3A_887 = arith.xori %add3A_879, %or3A_886 : vector<16xi32>
        %add3A_888 = arith.addi %add3A_879, %xor3A_887 : vector<16xi32>
        %shift_left3A_889 = arith.constant 6 : i32
        %shift_left3A_890 = vector.broadcast %shift_left3A_889 : i32 to vector<16xi32>
        %shift_left3A_891 = arith.shli %xor3A_887, %shift_left3A_890 : vector<16xi32>
        %shift_right_logical3A_892 = arith.constant 26 : i32
        %shift_right_logical3A_893 = vector.broadcast %shift_right_logical3A_892 : i32 to vector<16xi32>
        %shift_right_logical3A_894 = arith.shrui %xor3A_887, %shift_right_logical3A_893 : vector<16xi32>
        %or3A_895 = arith.ori %shift_left3A_891, %shift_right_logical3A_894 : vector<16xi32>
        %xor3A_896 = arith.xori %add3A_888, %or3A_895 : vector<16xi32>
        %add3A_897 = arith.constant 466689008 : i32
        %add3A_898 = vector.broadcast %add3A_897 : i32 to vector<16xi32>
        %add3A_899 = arith.addi %add3A_888, %add3A_898 : vector<16xi32>
        %add3A_900 = arith.constant 5 : i32
        %add3A_901 = vector.broadcast %add3A_900 : i32 to vector<16xi32>
        %add3A_902 = arith.addi %xor3A_896, %add3A_901 : vector<16xi32>
        %xor3A_903 = arith.xori %add3A_899, %add3A_902 : vector<16xi32>
        %swap3A_904 = arith.index_cast %add3A_688 : i32 to index
        %swap3A_905 = tpu.vector_load %arg3[%swap3A_904] {strides = array<i32>} : memref<8192xi32, #tpu.memory_space<vmem>>, vector<16xi32>,
        %swap3A_906 = vector.shape_cast %swap3A_905 : vector<16xi32> to vector<16xi32>
        %swap3A_907 = vector.shape_cast %xor3A_903 : vector<16xi32> to vector<16xi32>
        tpu.vector_store %arg3[%swap3A_904], %swap3A_907 {strides = array<i32>} : memref<8192xi32, #tpu.memory_space<vmem>>, vector<16xi32>,
        %mul3A_908 = arith.constant 128 : i32
        %mul3A_909 = arith.muli %scan3A_20, %mul3A_908 : i32
        %add3A_910 = arith.constant 64 : i32
        %add3A_911 = arith.addi %mul3A_909, %add3A_910 : i32
        %add3A_912 = arith.addi %mul3A_13, %add3A_911 : i32
        %add3A_913 = arith.constant 42 : i32
        %add3A_914 = arith.addi %add3A_912, %add3A_913 : i32
        %add3A_915 = vector.broadcast %add3A_914 : i32 to vector<16xi32>
        %add3A_916 = arith.addi %iota3A, %add3A_915 : vector<16xi32>
        %shift_left3A_917 = arith.constant 13 : i32
        %shift_left3A_918 = vector.broadcast %shift_left3A_917 : i32 to vector<16xi32>
        %shift_left3A_919 = arith.shli %add3A_916, %shift_left3A_918 : vector<16xi32>
        %shift_right_logical3A_920 = arith.constant 19 : i32
        %shift_right_logical3A_921 = vector.broadcast %shift_right_logical3A_920 : i32 to vector<16xi32>
        %shift_right_logical3A_922 = arith.shrui %add3A_916, %shift_right_logical3A_921 : vector<16xi32>
        %or3A_923 = arith.ori %shift_left3A_919, %shift_right_logical3A_922 : vector<16xi32>
        %xor3A_924 = arith.xori %add3A_916, %or3A_923 : vector<16xi32>
        %add3A_925 = arith.addi %add3A_916, %xor3A_924 : vector<16xi32>
        %shift_left3A_926 = arith.constant 15 : i32
        %shift_left3A_927 = vector.broadcast %shift_left3A_926 : i32 to vector<16xi32>
        %shift_left3A_928 = arith.shli %xor3A_924, %shift_left3A_927 : vector<16xi32>
        %shift_right_logical3A_929 = arith.constant 17 : i32
        %shift_right_logical3A_930 = vector.broadcast %shift_right_logical3A_929 : i32 to vector<16xi32>
        %shift_right_logical3A_931 = arith.shrui %xor3A_924, %shift_right_logical3A_930 : vector<16xi32>
        %or3A_932 = arith.ori %shift_left3A_928, %shift_right_logical3A_931 : vector<16xi32>
        %xor3A_933 = arith.xori %add3A_925, %or3A_932 : vector<16xi32>
        %add3A_934 = arith.addi %add3A_925, %xor3A_933 : vector<16xi32>
        %shift_left3A_935 = arith.constant 26 : i32
        %shift_left3A_936 = vector.broadcast %shift_left3A_935 : i32 to vector<16xi32>
        %shift_left3A_937 = arith.shli %xor3A_933, %shift_left3A_936 : vector<16xi32>
        %shift_right_logical3A_938 = arith.constant 6 : i32
        %shift_right_logical3A_939 = vector.broadcast %shift_right_logical3A_938 : i32 to vector<16xi32>
        %shift_right_logical3A_940 = arith.shrui %xor3A_933, %shift_right_logical3A_939 : vector<16xi32>
        %or3A_941 = arith.ori %shift_left3A_937, %shift_right_logical3A_940 : vector<16xi32>
        %xor3A_942 = arith.xori %add3A_934, %or3A_941 : vector<16xi32>
        %add3A_943 = arith.addi %add3A_934, %xor3A_942 : vector<16xi32>
        %shift_left3A_944 = arith.constant 6 : i32
        %shift_left3A_945 = vector.broadcast %shift_left3A_944 : i32 to vector<16xi32>
        %shift_left3A_946 = arith.shli %xor3A_942, %shift_left3A_945 : vector<16xi32>
        %shift_right_logical3A_947 = arith.constant 26 : i32
        %shift_right_logical3A_948 = vector.broadcast %shift_right_logical3A_947 : i32 to vector<16xi32>
        %shift_right_logical3A_949 = arith.shrui %xor3A_942, %shift_right_logical3A_948 : vector<16xi32>
        %or3A_950 = arith.ori %shift_left3A_946, %shift_right_logical3A_949 : vector<16xi32>
        %xor3A_951 = arith.xori %add3A_943, %or3A_950 : vector<16xi32>
        %add3A_952 = arith.constant 42 : i32
        %add3A_953 = vector.broadcast %add3A_952 : i32 to vector<16xi32>
        %add3A_954 = arith.addi %add3A_943, %add3A_953 : vector<16xi32>
        %add3A_955 = arith.constant 466689009 : i32
        %add3A_956 = vector.broadcast %add3A_955 : i32 to vector<16xi32>
        %add3A_957 = arith.addi %xor3A_951, %add3A_956 : vector<16xi32>
        %add3A_958 = arith.addi %add3A_954, %add3A_957 : vector<16xi32>
        %shift_left3A_959 = arith.constant 17 : i32
        %shift_left3A_960 = vector.broadcast %shift_left3A_959 : i32 to vector<16xi32>
        %shift_left3A_961 = arith.shli %add3A_957, %shift_left3A_960 : vector<16xi32>
        %shift_right_logical3A_962 = arith.constant 15 : i32
        %shift_right_logical3A_963 = vector.broadcast %shift_right_logical3A_962 : i32 to vector<16xi32>
        %shift_right_logical3A_964 = arith.shrui %add3A_957, %shift_right_logical3A_963 : vector<16xi32>
        %or3A_965 = arith.ori %shift_left3A_961, %shift_right_logical3A_964 : vector<16xi32>
        %xor3A_966 = arith.xori %add3A_958, %or3A_965 : vector<16xi32>
        %add3A_967 = arith.addi %add3A_958, %xor3A_966 : vector<16xi32>
        %shift_left3A_968 = arith.constant 29 : i32
        %shift_left3A_969 = vector.broadcast %shift_left3A_968 : i32 to vector<16xi32>
        %shift_left3A_970 = arith.shli %xor3A_966, %shift_left3A_969 : vector<16xi32>
        %shift_right_logical3A_971 = arith.constant 3 : i32
        %shift_right_logical3A_972 = vector.broadcast %shift_right_logical3A_971 : i32 to vector<16xi32>
        %shift_right_logical3A_973 = arith.shrui %xor3A_966, %shift_right_logical3A_972 : vector<16xi32>
        %or3A_974 = arith.ori %shift_left3A_970, %shift_right_logical3A_973 : vector<16xi32>
        %xor3A_975 = arith.xori %add3A_967, %or3A_974 : vector<16xi32>
        %add3A_976 = arith.addi %add3A_967, %xor3A_975 : vector<16xi32>
        %shift_left3A_977 = arith.constant 16 : i32
        %shift_left3A_978 = vector.broadcast %shift_left3A_977 : i32 to vector<16xi32>
        %shift_left3A_979 = arith.shli %xor3A_975, %shift_left3A_978 : vector<16xi32>
        %shift_right_logical3A_980 = arith.constant 16 : i32
        %shift_right_logical3A_981 = vector.broadcast %shift_right_logical3A_980 : i32 to vector<16xi32>
        %shift_right_logical3A_982 = arith.shrui %xor3A_975, %shift_right_logical3A_981 : vector<16xi32>
        %or3A_983 = arith.ori %shift_left3A_979, %shift_right_logical3A_982 : vector<16xi32>
        %xor3A_984 = arith.xori %add3A_976, %or3A_983 : vector<16xi32>
        %add3A_985 = arith.addi %add3A_976, %xor3A_984 : vector<16xi32>
        %shift_left3A_986 = arith.constant 24 : i32
        %shift_left3A_987 = vector.broadcast %shift_left3A_986 : i32 to vector<16xi32>
        %shift_left3A_988 = arith.shli %xor3A_984, %shift_left3A_987 : vector<16xi32>
        %shift_right_logical3A_989 = arith.constant 8 : i32
        %shift_right_logical3A_990 = vector.broadcast %shift_right_logical3A_989 : i32 to vector<16xi32>
        %shift_right_logical3A_991 = arith.shrui %xor3A_984, %shift_right_logical3A_990 : vector<16xi32>
        %or3A_992 = arith.ori %shift_left3A_988, %shift_right_logical3A_991 : vector<16xi32>
        %xor3A_993 = arith.xori %add3A_985, %or3A_992 : vector<16xi32>
        %add3A_994 = arith.constant 466689008 : i32
        %add3A_995 = vector.broadcast %add3A_994 : i32 to vector<16xi32>
        %add3A_996 = arith.addi %add3A_985, %add3A_995 : vector<16xi32>
        %add3A_997 = arith.constant 2 : i32
        %add3A_998 = vector.broadcast %add3A_997 : i32 to vector<16xi32>
        %add3A_999 = arith.addi %xor3A_993, %add3A_998 : vector<16xi32>
        %add3A_1000 = arith.addi %add3A_996, %add3A_999 : vector<16xi32>
        %shift_left3A_1001 = arith.constant 13 : i32
        %shift_left3A_1002 = vector.broadcast %shift_left3A_1001 : i32 to vector<16xi32>
        %shift_left3A_1003 = arith.shli %add3A_999, %shift_left3A_1002 : vector<16xi32>
        %shift_right_logical3A_1004 = arith.constant 19 : i32
        %shift_right_logical3A_1005 = vector.broadcast %shift_right_logical3A_1004 : i32 to vector<16xi32>
        %shift_right_logical3A_1006 = arith.shrui %add3A_999, %shift_right_logical3A_1005 : vector<16xi32>
        %or3A_1007 = arith.ori %shift_left3A_1003, %shift_right_logical3A_1006 : vector<16xi32>
        %xor3A_1008 = arith.xori %add3A_1000, %or3A_1007 : vector<16xi32>
        %add3A_1009 = arith.addi %add3A_1000, %xor3A_1008 : vector<16xi32>
        %shift_left3A_1010 = arith.constant 15 : i32
        %shift_left3A_1011 = vector.broadcast %shift_left3A_1010 : i32 to vector<16xi32>
        %shift_left3A_1012 = arith.shli %xor3A_1008, %shift_left3A_1011 : vector<16xi32>
        %shift_right_logical3A_1013 = arith.constant 17 : i32
        %shift_right_logical3A_1014 = vector.broadcast %shift_right_logical3A_1013 : i32 to vector<16xi32>
        %shift_right_logical3A_1015 = arith.shrui %xor3A_1008, %shift_right_logical3A_1014 : vector<16xi32>
        %or3A_1016 = arith.ori %shift_left3A_1012, %shift_right_logical3A_1015 : vector<16xi32>
        %xor3A_1017 = arith.xori %add3A_1009, %or3A_1016 : vector<16xi32>
        %add3A_1018 = arith.addi %add3A_1009, %xor3A_1017 : vector<16xi32>
        %shift_left3A_1019 = arith.constant 26 : i32
        %shift_left3A_1020 = vector.broadcast %shift_left3A_1019 : i32 to vector<16xi32>
        %shift_left3A_1021 = arith.shli %xor3A_1017, %shift_left3A_1020 : vector<16xi32>
        %shift_right_logical3A_1022 = arith.constant 6 : i32
        %shift_right_logical3A_1023 = vector.broadcast %shift_right_logical3A_1022 : i32 to vector<16xi32>
        %shift_right_logical3A_1024 = arith.shrui %xor3A_1017, %shift_right_logical3A_1023 : vector<16xi32>
        %or3A_1025 = arith.ori %shift_left3A_1021, %shift_right_logical3A_1024 : vector<16xi32>
        %xor3A_1026 = arith.xori %add3A_1018, %or3A_1025 : vector<16xi32>
        %add3A_1027 = arith.addi %add3A_1018, %xor3A_1026 : vector<16xi32>
        %shift_left3A_1028 = arith.constant 6 : i32
        %shift_left3A_1029 = vector.broadcast %shift_left3A_1028 : i32 to vector<16xi32>
        %shift_left3A_1030 = arith.shli %xor3A_1026, %shift_left3A_1029 : vector<16xi32>
        %shift_right_logical3A_1031 = arith.constant 26 : i32
        %shift_right_logical3A_1032 = vector.broadcast %shift_right_logical3A_1031 : i32 to vector<16xi32>
        %shift_right_logical3A_1033 = arith.shrui %xor3A_1026, %shift_right_logical3A_1032 : vector<16xi32>
        %or3A_1034 = arith.ori %shift_left3A_1030, %shift_right_logical3A_1033 : vector<16xi32>
        %xor3A_1035 = arith.xori %add3A_1027, %or3A_1034 : vector<16xi32>
        %add3A_1036 = arith.constant 0 : i32
        %add3A_1037 = vector.broadcast %add3A_1036 : i32 to vector<16xi32>
        %add3A_1038 = arith.addi %add3A_1027, %add3A_1037 : vector<16xi32>
        %add3A_1039 = arith.constant 45 : i32
        %add3A_1040 = vector.broadcast %add3A_1039 : i32 to vector<16xi32>
        %add3A_1041 = arith.addi %xor3A_1035, %add3A_1040 : vector<16xi32>
        %add3A_1042 = arith.addi %add3A_1038, %add3A_1041 : vector<16xi32>
        %shift_left3A_1043 = arith.constant 17 : i32
        %shift_left3A_1044 = vector.broadcast %shift_left3A_1043 : i32 to vector<16xi32>
        %shift_left3A_1045 = arith.shli %add3A_1041, %shift_left3A_1044 : vector<16xi32>
        %shift_right_logical3A_1046 = arith.constant 15 : i32
        %shift_right_logical3A_1047 = vector.broadcast %shift_right_logical3A_1046 : i32 to vector<16xi32>
        %shift_right_logical3A_1048 = arith.shrui %add3A_1041, %shift_right_logical3A_1047 : vector<16xi32>
        %or3A_1049 = arith.ori %shift_left3A_1045, %shift_right_logical3A_1048 : vector<16xi32>
        %xor3A_1050 = arith.xori %add3A_1042, %or3A_1049 : vector<16xi32>
        %add3A_1051 = arith.addi %add3A_1042, %xor3A_1050 : vector<16xi32>
        %shift_left3A_1052 = arith.constant 29 : i32
        %shift_left3A_1053 = vector.broadcast %shift_left3A_1052 : i32 to vector<16xi32>
        %shift_left3A_1054 = arith.shli %xor3A_1050, %shift_left3A_1053 : vector<16xi32>
        %shift_right_logical3A_1055 = arith.constant 3 : i32
        %shift_right_logical3A_1056 = vector.broadcast %shift_right_logical3A_1055 : i32 to vector<16xi32>
        %shift_right_logical3A_1057 = arith.shrui %xor3A_1050, %shift_right_logical3A_1056 : vector<16xi32>
        %or3A_1058 = arith.ori %shift_left3A_1054, %shift_right_logical3A_1057 : vector<16xi32>
        %xor3A_1059 = arith.xori %add3A_1051, %or3A_1058 : vector<16xi32>
        %add3A_1060 = arith.addi %add3A_1051, %xor3A_1059 : vector<16xi32>
        %shift_left3A_1061 = arith.constant 16 : i32
        %shift_left3A_1062 = vector.broadcast %shift_left3A_1061 : i32 to vector<16xi32>
        %shift_left3A_1063 = arith.shli %xor3A_1059, %shift_left3A_1062 : vector<16xi32>
        %shift_right_logical3A_1064 = arith.constant 16 : i32
        %shift_right_logical3A_1065 = vector.broadcast %shift_right_logical3A_1064 : i32 to vector<16xi32>
        %shift_right_logical3A_1066 = arith.shrui %xor3A_1059, %shift_right_logical3A_1065 : vector<16xi32>
        %or3A_1067 = arith.ori %shift_left3A_1063, %shift_right_logical3A_1066 : vector<16xi32>
        %xor3A_1068 = arith.xori %add3A_1060, %or3A_1067 : vector<16xi32>
        %add3A_1069 = arith.addi %add3A_1060, %xor3A_1068 : vector<16xi32>
        %shift_left3A_1070 = arith.constant 24 : i32
        %shift_left3A_1071 = vector.broadcast %shift_left3A_1070 : i32 to vector<16xi32>
        %shift_left3A_1072 = arith.shli %xor3A_1068, %shift_left3A_1071 : vector<16xi32>
        %shift_right_logical3A_1073 = arith.constant 8 : i32
        %shift_right_logical3A_1074 = vector.broadcast %shift_right_logical3A_1073 : i32 to vector<16xi32>
        %shift_right_logical3A_1075 = arith.shrui %xor3A_1068, %shift_right_logical3A_1074 : vector<16xi32>
        %or3A_1076 = arith.ori %shift_left3A_1072, %shift_right_logical3A_1075 : vector<16xi32>
        %xor3A_1077 = arith.xori %add3A_1069, %or3A_1076 : vector<16xi32>
        %add3A_1078 = arith.constant 42 : i32
        %add3A_1079 = vector.broadcast %add3A_1078 : i32 to vector<16xi32>
        %add3A_1080 = arith.addi %add3A_1069, %add3A_1079 : vector<16xi32>
        %add3A_1081 = arith.constant 466689012 : i32
        %add3A_1082 = vector.broadcast %add3A_1081 : i32 to vector<16xi32>
        %add3A_1083 = arith.addi %xor3A_1077, %add3A_1082 : vector<16xi32>
        %add3A_1084 = arith.addi %add3A_1080, %add3A_1083 : vector<16xi32>
        %shift_left3A_1085 = arith.constant 13 : i32
        %shift_left3A_1086 = vector.broadcast %shift_left3A_1085 : i32 to vector<16xi32>
        %shift_left3A_1087 = arith.shli %add3A_1083, %shift_left3A_1086 : vector<16xi32>
        %shift_right_logical3A_1088 = arith.constant 19 : i32
        %shift_right_logical3A_1089 = vector.broadcast %shift_right_logical3A_1088 : i32 to vector<16xi32>
        %shift_right_logical3A_1090 = arith.shrui %add3A_1083, %shift_right_logical3A_1089 : vector<16xi32>
        %or3A_1091 = arith.ori %shift_left3A_1087, %shift_right_logical3A_1090 : vector<16xi32>
        %xor3A_1092 = arith.xori %add3A_1084, %or3A_1091 : vector<16xi32>
        %add3A_1093 = arith.addi %add3A_1084, %xor3A_1092 : vector<16xi32>
        %shift_left3A_1094 = arith.constant 15 : i32
        %shift_left3A_1095 = vector.broadcast %shift_left3A_1094 : i32 to vector<16xi32>
        %shift_left3A_1096 = arith.shli %xor3A_1092, %shift_left3A_1095 : vector<16xi32>
        %shift_right_logical3A_1097 = arith.constant 17 : i32
        %shift_right_logical3A_1098 = vector.broadcast %shift_right_logical3A_1097 : i32 to vector<16xi32>
        %shift_right_logical3A_1099 = arith.shrui %xor3A_1092, %shift_right_logical3A_1098 : vector<16xi32>
        %or3A_1100 = arith.ori %shift_left3A_1096, %shift_right_logical3A_1099 : vector<16xi32>
        %xor3A_1101 = arith.xori %add3A_1093, %or3A_1100 : vector<16xi32>
        %add3A_1102 = arith.addi %add3A_1093, %xor3A_1101 : vector<16xi32>
        %shift_left3A_1103 = arith.constant 26 : i32
        %shift_left3A_1104 = vector.broadcast %shift_left3A_1103 : i32 to vector<16xi32>
        %shift_left3A_1105 = arith.shli %xor3A_1101, %shift_left3A_1104 : vector<16xi32>
        %shift_right_logical3A_1106 = arith.constant 6 : i32
        %shift_right_logical3A_1107 = vector.broadcast %shift_right_logical3A_1106 : i32 to vector<16xi32>
        %shift_right_logical3A_1108 = arith.shrui %xor3A_1101, %shift_right_logical3A_1107 : vector<16xi32>
        %or3A_1109 = arith.ori %shift_left3A_1105, %shift_right_logical3A_1108 : vector<16xi32>
        %xor3A_1110 = arith.xori %add3A_1102, %or3A_1109 : vector<16xi32>
        %add3A_1111 = arith.addi %add3A_1102, %xor3A_1110 : vector<16xi32>
        %shift_left3A_1112 = arith.constant 6 : i32
        %shift_left3A_1113 = vector.broadcast %shift_left3A_1112 : i32 to vector<16xi32>
        %shift_left3A_1114 = arith.shli %xor3A_1110, %shift_left3A_1113 : vector<16xi32>
        %shift_right_logical3A_1115 = arith.constant 26 : i32
        %shift_right_logical3A_1116 = vector.broadcast %shift_right_logical3A_1115 : i32 to vector<16xi32>
        %shift_right_logical3A_1117 = arith.shrui %xor3A_1110, %shift_right_logical3A_1116 : vector<16xi32>
        %or3A_1118 = arith.ori %shift_left3A_1114, %shift_right_logical3A_1117 : vector<16xi32>
        %xor3A_1119 = arith.xori %add3A_1111, %or3A_1118 : vector<16xi32>
        %add3A_1120 = arith.constant 466689008 : i32
        %add3A_1121 = vector.broadcast %add3A_1120 : i32 to vector<16xi32>
        %add3A_1122 = arith.addi %add3A_1111, %add3A_1121 : vector<16xi32>
        %add3A_1123 = arith.constant 5 : i32
        %add3A_1124 = vector.broadcast %add3A_1123 : i32 to vector<16xi32>
        %add3A_1125 = arith.addi %xor3A_1119, %add3A_1124 : vector<16xi32>
        %xor3A_1126 = arith.xori %add3A_1122, %add3A_1125 : vector<16xi32>
        %swap3A_1127 = arith.index_cast %add3A_911 : i32 to index
        %swap3A_1128 = tpu.vector_load %arg3[%swap3A_1127] {strides = array<i32>} : memref<8192xi32, #tpu.memory_space<vmem>>, vector<16xi32>,
        %swap3A_1129 = vector.shape_cast %swap3A_1128 : vector<16xi32> to vector<16xi32>
        %swap3A_1130 = vector.shape_cast %xor3A_1126 : vector<16xi32> to vector<16xi32>
        tpu.vector_store %arg3[%swap3A_1127], %swap3A_1130 {strides = array<i32>} : memref<8192xi32, #tpu.memory_space<vmem>>, vector<16xi32>,
        %mul3A_1131 = arith.constant 128 : i32
        %mul3A_1132 = arith.muli %scan3A_20, %mul3A_1131 : i32
        %add3A_1133 = arith.constant 80 : i32
        %add3A_1134 = arith.addi %mul3A_1132, %add3A_1133 : i32
        %add3A_1135 = arith.addi %mul3A_13, %add3A_1134 : i32
        %add3A_1136 = arith.constant 42 : i32
        %add3A_1137 = arith.addi %add3A_1135, %add3A_1136 : i32
        %add3A_1138 = vector.broadcast %add3A_1137 : i32 to vector<16xi32>
        %add3A_1139 = arith.addi %iota3A, %add3A_1138 : vector<16xi32>
        %shift_left3A_1140 = arith.constant 13 : i32
        %shift_left3A_1141 = vector.broadcast %shift_left3A_1140 : i32 to vector<16xi32>
        %shift_left3A_1142 = arith.shli %add3A_1139, %shift_left3A_1141 : vector<16xi32>
        %shift_right_logical3A_1143 = arith.constant 19 : i32
        %shift_right_logical3A_1144 = vector.broadcast %shift_right_logical3A_1143 : i32 to vector<16xi32>
        %shift_right_logical3A_1145 = arith.shrui %add3A_1139, %shift_right_logical3A_1144 : vector<16xi32>
        %or3A_1146 = arith.ori %shift_left3A_1142, %shift_right_logical3A_1145 : vector<16xi32>
        %xor3A_1147 = arith.xori %add3A_1139, %or3A_1146 : vector<16xi32>
        %add3A_1148 = arith.addi %add3A_1139, %xor3A_1147 : vector<16xi32>
        %shift_left3A_1149 = arith.constant 15 : i32
        %shift_left3A_1150 = vector.broadcast %shift_left3A_1149 : i32 to vector<16xi32>
        %shift_left3A_1151 = arith.shli %xor3A_1147, %shift_left3A_1150 : vector<16xi32>
        %shift_right_logical3A_1152 = arith.constant 17 : i32
        %shift_right_logical3A_1153 = vector.broadcast %shift_right_logical3A_1152 : i32 to vector<16xi32>
        %shift_right_logical3A_1154 = arith.shrui %xor3A_1147, %shift_right_logical3A_1153 : vector<16xi32>
        %or3A_1155 = arith.ori %shift_left3A_1151, %shift_right_logical3A_1154 : vector<16xi32>
        %xor3A_1156 = arith.xori %add3A_1148, %or3A_1155 : vector<16xi32>
        %add3A_1157 = arith.addi %add3A_1148, %xor3A_1156 : vector<16xi32>
        %shift_left3A_1158 = arith.constant 26 : i32
        %shift_left3A_1159 = vector.broadcast %shift_left3A_1158 : i32 to vector<16xi32>
        %shift_left3A_1160 = arith.shli %xor3A_1156, %shift_left3A_1159 : vector<16xi32>
        %shift_right_logical3A_1161 = arith.constant 6 : i32
        %shift_right_logical3A_1162 = vector.broadcast %shift_right_logical3A_1161 : i32 to vector<16xi32>
        %shift_right_logical3A_1163 = arith.shrui %xor3A_1156, %shift_right_logical3A_1162 : vector<16xi32>
        %or3A_1164 = arith.ori %shift_left3A_1160, %shift_right_logical3A_1163 : vector<16xi32>
        %xor3A_1165 = arith.xori %add3A_1157, %or3A_1164 : vector<16xi32>
        %add3A_1166 = arith.addi %add3A_1157, %xor3A_1165 : vector<16xi32>
        %shift_left3A_1167 = arith.constant 6 : i32
        %shift_left3A_1168 = vector.broadcast %shift_left3A_1167 : i32 to vector<16xi32>
        %shift_left3A_1169 = arith.shli %xor3A_1165, %shift_left3A_1168 : vector<16xi32>
        %shift_right_logical3A_1170 = arith.constant 26 : i32
        %shift_right_logical3A_1171 = vector.broadcast %shift_right_logical3A_1170 : i32 to vector<16xi32>
        %shift_right_logical3A_1172 = arith.shrui %xor3A_1165, %shift_right_logical3A_1171 : vector<16xi32>
        %or3A_1173 = arith.ori %shift_left3A_1169, %shift_right_logical3A_1172 : vector<16xi32>
        %xor3A_1174 = arith.xori %add3A_1166, %or3A_1173 : vector<16xi32>
        %add3A_1175 = arith.constant 42 : i32
        %add3A_1176 = vector.broadcast %add3A_1175 : i32 to vector<16xi32>
        %add3A_1177 = arith.addi %add3A_1166, %add3A_1176 : vector<16xi32>
        %add3A_1178 = arith.constant 466689009 : i32
        %add3A_1179 = vector.broadcast %add3A_1178 : i32 to vector<16xi32>
        %add3A_1180 = arith.addi %xor3A_1174, %add3A_1179 : vector<16xi32>
        %add3A_1181 = arith.addi %add3A_1177, %add3A_1180 : vector<16xi32>
        %shift_left3A_1182 = arith.constant 17 : i32
        %shift_left3A_1183 = vector.broadcast %shift_left3A_1182 : i32 to vector<16xi32>
        %shift_left3A_1184 = arith.shli %add3A_1180, %shift_left3A_1183 : vector<16xi32>
        %shift_right_logical3A_1185 = arith.constant 15 : i32
        %shift_right_logical3A_1186 = vector.broadcast %shift_right_logical3A_1185 : i32 to vector<16xi32>
        %shift_right_logical3A_1187 = arith.shrui %add3A_1180, %shift_right_logical3A_1186 : vector<16xi32>
        %or3A_1188 = arith.ori %shift_left3A_1184, %shift_right_logical3A_1187 : vector<16xi32>
        %xor3A_1189 = arith.xori %add3A_1181, %or3A_1188 : vector<16xi32>
        %add3A_1190 = arith.addi %add3A_1181, %xor3A_1189 : vector<16xi32>
        %shift_left3A_1191 = arith.constant 29 : i32
        %shift_left3A_1192 = vector.broadcast %shift_left3A_1191 : i32 to vector<16xi32>
        %shift_left3A_1193 = arith.shli %xor3A_1189, %shift_left3A_1192 : vector<16xi32>
        %shift_right_logical3A_1194 = arith.constant 3 : i32
        %shift_right_logical3A_1195 = vector.broadcast %shift_right_logical3A_1194 : i32 to vector<16xi32>
        %shift_right_logical3A_1196 = arith.shrui %xor3A_1189, %shift_right_logical3A_1195 : vector<16xi32>
        %or3A_1197 = arith.ori %shift_left3A_1193, %shift_right_logical3A_1196 : vector<16xi32>
        %xor3A_1198 = arith.xori %add3A_1190, %or3A_1197 : vector<16xi32>
        %add3A_1199 = arith.addi %add3A_1190, %xor3A_1198 : vector<16xi32>
        %shift_left3A_1200 = arith.constant 16 : i32
        %shift_left3A_1201 = vector.broadcast %shift_left3A_1200 : i32 to vector<16xi32>
        %shift_left3A_1202 = arith.shli %xor3A_1198, %shift_left3A_1201 : vector<16xi32>
        %shift_right_logical3A_1203 = arith.constant 16 : i32
        %shift_right_logical3A_1204 = vector.broadcast %shift_right_logical3A_1203 : i32 to vector<16xi32>
        %shift_right_logical3A_1205 = arith.shrui %xor3A_1198, %shift_right_logical3A_1204 : vector<16xi32>
        %or3A_1206 = arith.ori %shift_left3A_1202, %shift_right_logical3A_1205 : vector<16xi32>
        %xor3A_1207 = arith.xori %add3A_1199, %or3A_1206 : vector<16xi32>
        %add3A_1208 = arith.addi %add3A_1199, %xor3A_1207 : vector<16xi32>
        %shift_left3A_1209 = arith.constant 24 : i32
        %shift_left3A_1210 = vector.broadcast %shift_left3A_1209 : i32 to vector<16xi32>
        %shift_left3A_1211 = arith.shli %xor3A_1207, %shift_left3A_1210 : vector<16xi32>
        %shift_right_logical3A_1212 = arith.constant 8 : i32
        %shift_right_logical3A_1213 = vector.broadcast %shift_right_logical3A_1212 : i32 to vector<16xi32>
        %shift_right_logical3A_1214 = arith.shrui %xor3A_1207, %shift_right_logical3A_1213 : vector<16xi32>
        %or3A_1215 = arith.ori %shift_left3A_1211, %shift_right_logical3A_1214 : vector<16xi32>
        %xor3A_1216 = arith.xori %add3A_1208, %or3A_1215 : vector<16xi32>
        %add3A_1217 = arith.constant 466689008 : i32
        %add3A_1218 = vector.broadcast %add3A_1217 : i32 to vector<16xi32>
        %add3A_1219 = arith.addi %add3A_1208, %add3A_1218 : vector<16xi32>
        %add3A_1220 = arith.constant 2 : i32
        %add3A_1221 = vector.broadcast %add3A_1220 : i32 to vector<16xi32>
        %add3A_1222 = arith.addi %xor3A_1216, %add3A_1221 : vector<16xi32>
        %add3A_1223 = arith.addi %add3A_1219, %add3A_1222 : vector<16xi32>
        %shift_left3A_1224 = arith.constant 13 : i32
        %shift_left3A_1225 = vector.broadcast %shift_left3A_1224 : i32 to vector<16xi32>
        %shift_left3A_1226 = arith.shli %add3A_1222, %shift_left3A_1225 : vector<16xi32>
        %shift_right_logical3A_1227 = arith.constant 19 : i32
        %shift_right_logical3A_1228 = vector.broadcast %shift_right_logical3A_1227 : i32 to vector<16xi32>
        %shift_right_logical3A_1229 = arith.shrui %add3A_1222, %shift_right_logical3A_1228 : vector<16xi32>
        %or3A_1230 = arith.ori %shift_left3A_1226, %shift_right_logical3A_1229 : vector<16xi32>
        %xor3A_1231 = arith.xori %add3A_1223, %or3A_1230 : vector<16xi32>
        %add3A_1232 = arith.addi %add3A_1223, %xor3A_1231 : vector<16xi32>
        %shift_left3A_1233 = arith.constant 15 : i32
        %shift_left3A_1234 = vector.broadcast %shift_left3A_1233 : i32 to vector<16xi32>
        %shift_left3A_1235 = arith.shli %xor3A_1231, %shift_left3A_1234 : vector<16xi32>
        %shift_right_logical3A_1236 = arith.constant 17 : i32
        %shift_right_logical3A_1237 = vector.broadcast %shift_right_logical3A_1236 : i32 to vector<16xi32>
        %shift_right_logical3A_1238 = arith.shrui %xor3A_1231, %shift_right_logical3A_1237 : vector<16xi32>
        %or3A_1239 = arith.ori %shift_left3A_1235, %shift_right_logical3A_1238 : vector<16xi32>
        %xor3A_1240 = arith.xori %add3A_1232, %or3A_1239 : vector<16xi32>
        %add3A_1241 = arith.addi %add3A_1232, %xor3A_1240 : vector<16xi32>
        %shift_left3A_1242 = arith.constant 26 : i32
        %shift_left3A_1243 = vector.broadcast %shift_left3A_1242 : i32 to vector<16xi32>
        %shift_left3A_1244 = arith.shli %xor3A_1240, %shift_left3A_1243 : vector<16xi32>
        %shift_right_logical3A_1245 = arith.constant 6 : i32
        %shift_right_logical3A_1246 = vector.broadcast %shift_right_logical3A_1245 : i32 to vector<16xi32>
        %shift_right_logical3A_1247 = arith.shrui %xor3A_1240, %shift_right_logical3A_1246 : vector<16xi32>
        %or3A_1248 = arith.ori %shift_left3A_1244, %shift_right_logical3A_1247 : vector<16xi32>
        %xor3A_1249 = arith.xori %add3A_1241, %or3A_1248 : vector<16xi32>
        %add3A_1250 = arith.addi %add3A_1241, %xor3A_1249 : vector<16xi32>
        %shift_left3A_1251 = arith.constant 6 : i32
        %shift_left3A_1252 = vector.broadcast %shift_left3A_1251 : i32 to vector<16xi32>
        %shift_left3A_1253 = arith.shli %xor3A_1249, %shift_left3A_1252 : vector<16xi32>
        %shift_right_logical3A_1254 = arith.constant 26 : i32
        %shift_right_logical3A_1255 = vector.broadcast %shift_right_logical3A_1254 : i32 to vector<16xi32>
        %shift_right_logical3A_1256 = arith.shrui %xor3A_1249, %shift_right_logical3A_1255 : vector<16xi32>
        %or3A_1257 = arith.ori %shift_left3A_1253, %shift_right_logical3A_1256 : vector<16xi32>
        %xor3A_1258 = arith.xori %add3A_1250, %or3A_1257 : vector<16xi32>
        %add3A_1259 = arith.constant 0 : i32
        %add3A_1260 = vector.broadcast %add3A_1259 : i32 to vector<16xi32>
        %add3A_1261 = arith.addi %add3A_1250, %add3A_1260 : vector<16xi32>
        %add3A_1262 = arith.constant 45 : i32
        %add3A_1263 = vector.broadcast %add3A_1262 : i32 to vector<16xi32>
        %add3A_1264 = arith.addi %xor3A_1258, %add3A_1263 : vector<16xi32>
        %add3A_1265 = arith.addi %add3A_1261, %add3A_1264 : vector<16xi32>
        %shift_left3A_1266 = arith.constant 17 : i32
        %shift_left3A_1267 = vector.broadcast %shift_left3A_1266 : i32 to vector<16xi32>
        %shift_left3A_1268 = arith.shli %add3A_1264, %shift_left3A_1267 : vector<16xi32>
        %shift_right_logical3A_1269 = arith.constant 15 : i32
        %shift_right_logical3A_1270 = vector.broadcast %shift_right_logical3A_1269 : i32 to vector<16xi32>
        %shift_right_logical3A_1271 = arith.shrui %add3A_1264, %shift_right_logical3A_1270 : vector<16xi32>
        %or3A_1272 = arith.ori %shift_left3A_1268, %shift_right_logical3A_1271 : vector<16xi32>
        %xor3A_1273 = arith.xori %add3A_1265, %or3A_1272 : vector<16xi32>
        %add3A_1274 = arith.addi %add3A_1265, %xor3A_1273 : vector<16xi32>
        %shift_left3A_1275 = arith.constant 29 : i32
        %shift_left3A_1276 = vector.broadcast %shift_left3A_1275 : i32 to vector<16xi32>
        %shift_left3A_1277 = arith.shli %xor3A_1273, %shift_left3A_1276 : vector<16xi32>
        %shift_right_logical3A_1278 = arith.constant 3 : i32
        %shift_right_logical3A_1279 = vector.broadcast %shift_right_logical3A_1278 : i32 to vector<16xi32>
        %shift_right_logical3A_1280 = arith.shrui %xor3A_1273, %shift_right_logical3A_1279 : vector<16xi32>
        %or3A_1281 = arith.ori %shift_left3A_1277, %shift_right_logical3A_1280 : vector<16xi32>
        %xor3A_1282 = arith.xori %add3A_1274, %or3A_1281 : vector<16xi32>
        %add3A_1283 = arith.addi %add3A_1274, %xor3A_1282 : vector<16xi32>
        %shift_left3A_1284 = arith.constant 16 : i32
        %shift_left3A_1285 = vector.broadcast %shift_left3A_1284 : i32 to vector<16xi32>
        %shift_left3A_1286 = arith.shli %xor3A_1282, %shift_left3A_1285 : vector<16xi32>
        %shift_right_logical3A_1287 = arith.constant 16 : i32
        %shift_right_logical3A_1288 = vector.broadcast %shift_right_logical3A_1287 : i32 to vector<16xi32>
        %shift_right_logical3A_1289 = arith.shrui %xor3A_1282, %shift_right_logical3A_1288 : vector<16xi32>
        %or3A_1290 = arith.ori %shift_left3A_1286, %shift_right_logical3A_1289 : vector<16xi32>
        %xor3A_1291 = arith.xori %add3A_1283, %or3A_1290 : vector<16xi32>
        %add3A_1292 = arith.addi %add3A_1283, %xor3A_1291 : vector<16xi32>
        %shift_left3A_1293 = arith.constant 24 : i32
        %shift_left3A_1294 = vector.broadcast %shift_left3A_1293 : i32 to vector<16xi32>
        %shift_left3A_1295 = arith.shli %xor3A_1291, %shift_left3A_1294 : vector<16xi32>
        %shift_right_logical3A_1296 = arith.constant 8 : i32
        %shift_right_logical3A_1297 = vector.broadcast %shift_right_logical3A_1296 : i32 to vector<16xi32>
        %shift_right_logical3A_1298 = arith.shrui %xor3A_1291, %shift_right_logical3A_1297 : vector<16xi32>
        %or3A_1299 = arith.ori %shift_left3A_1295, %shift_right_logical3A_1298 : vector<16xi32>
        %xor3A_1300 = arith.xori %add3A_1292, %or3A_1299 : vector<16xi32>
        %add3A_1301 = arith.constant 42 : i32
        %add3A_1302 = vector.broadcast %add3A_1301 : i32 to vector<16xi32>
        %add3A_1303 = arith.addi %add3A_1292, %add3A_1302 : vector<16xi32>
        %add3A_1304 = arith.constant 466689012 : i32
        %add3A_1305 = vector.broadcast %add3A_1304 : i32 to vector<16xi32>
        %add3A_1306 = arith.addi %xor3A_1300, %add3A_1305 : vector<16xi32>
        %add3A_1307 = arith.addi %add3A_1303, %add3A_1306 : vector<16xi32>
        %shift_left3A_1308 = arith.constant 13 : i32
        %shift_left3A_1309 = vector.broadcast %shift_left3A_1308 : i32 to vector<16xi32>
        %shift_left3A_1310 = arith.shli %add3A_1306, %shift_left3A_1309 : vector<16xi32>
        %shift_right_logical3A_1311 = arith.constant 19 : i32
        %shift_right_logical3A_1312 = vector.broadcast %shift_right_logical3A_1311 : i32 to vector<16xi32>
        %shift_right_logical3A_1313 = arith.shrui %add3A_1306, %shift_right_logical3A_1312 : vector<16xi32>
        %or3A_1314 = arith.ori %shift_left3A_1310, %shift_right_logical3A_1313 : vector<16xi32>
        %xor3A_1315 = arith.xori %add3A_1307, %or3A_1314 : vector<16xi32>
        %add3A_1316 = arith.addi %add3A_1307, %xor3A_1315 : vector<16xi32>
        %shift_left3A_1317 = arith.constant 15 : i32
        %shift_left3A_1318 = vector.broadcast %shift_left3A_1317 : i32 to vector<16xi32>
        %shift_left3A_1319 = arith.shli %xor3A_1315, %shift_left3A_1318 : vector<16xi32>
        %shift_right_logical3A_1320 = arith.constant 17 : i32
        %shift_right_logical3A_1321 = vector.broadcast %shift_right_logical3A_1320 : i32 to vector<16xi32>
        %shift_right_logical3A_1322 = arith.shrui %xor3A_1315, %shift_right_logical3A_1321 : vector<16xi32>
        %or3A_1323 = arith.ori %shift_left3A_1319, %shift_right_logical3A_1322 : vector<16xi32>
        %xor3A_1324 = arith.xori %add3A_1316, %or3A_1323 : vector<16xi32>
        %add3A_1325 = arith.addi %add3A_1316, %xor3A_1324 : vector<16xi32>
        %shift_left3A_1326 = arith.constant 26 : i32
        %shift_left3A_1327 = vector.broadcast %shift_left3A_1326 : i32 to vector<16xi32>
        %shift_left3A_1328 = arith.shli %xor3A_1324, %shift_left3A_1327 : vector<16xi32>
        %shift_right_logical3A_1329 = arith.constant 6 : i32
        %shift_right_logical3A_1330 = vector.broadcast %shift_right_logical3A_1329 : i32 to vector<16xi32>
        %shift_right_logical3A_1331 = arith.shrui %xor3A_1324, %shift_right_logical3A_1330 : vector<16xi32>
        %or3A_1332 = arith.ori %shift_left3A_1328, %shift_right_logical3A_1331 : vector<16xi32>
        %xor3A_1333 = arith.xori %add3A_1325, %or3A_1332 : vector<16xi32>
        %add3A_1334 = arith.addi %add3A_1325, %xor3A_1333 : vector<16xi32>
        %shift_left3A_1335 = arith.constant 6 : i32
        %shift_left3A_1336 = vector.broadcast %shift_left3A_1335 : i32 to vector<16xi32>
        %shift_left3A_1337 = arith.shli %xor3A_1333, %shift_left3A_1336 : vector<16xi32>
        %shift_right_logical3A_1338 = arith.constant 26 : i32
        %shift_right_logical3A_1339 = vector.broadcast %shift_right_logical3A_1338 : i32 to vector<16xi32>
        %shift_right_logical3A_1340 = arith.shrui %xor3A_1333, %shift_right_logical3A_1339 : vector<16xi32>
        %or3A_1341 = arith.ori %shift_left3A_1337, %shift_right_logical3A_1340 : vector<16xi32>
        %xor3A_1342 = arith.xori %add3A_1334, %or3A_1341 : vector<16xi32>
        %add3A_1343 = arith.constant 466689008 : i32
        %add3A_1344 = vector.broadcast %add3A_1343 : i32 to vector<16xi32>
        %add3A_1345 = arith.addi %add3A_1334, %add3A_1344 : vector<16xi32>
        %add3A_1346 = arith.constant 5 : i32
        %add3A_1347 = vector.broadcast %add3A_1346 : i32 to vector<16xi32>
        %add3A_1348 = arith.addi %xor3A_1342, %add3A_1347 : vector<16xi32>
        %xor3A_1349 = arith.xori %add3A_1345, %add3A_1348 : vector<16xi32>
        %swap3A_1350 = arith.index_cast %add3A_1134 : i32 to index
        %swap3A_1351 = tpu.vector_load %arg3[%swap3A_1350] {strides = array<i32>} : memref<8192xi32, #tpu.memory_space<vmem>>, vector<16xi32>,
        %swap3A_1352 = vector.shape_cast %swap3A_1351 : vector<16xi32> to vector<16xi32>
        %swap3A_1353 = vector.shape_cast %xor3A_1349 : vector<16xi32> to vector<16xi32>
        tpu.vector_store %arg3[%swap3A_1350], %swap3A_1353 {strides = array<i32>} : memref<8192xi32, #tpu.memory_space<vmem>>, vector<16xi32>,
        %mul3A_1354 = arith.constant 128 : i32
        %mul3A_1355 = arith.muli %scan3A_20, %mul3A_1354 : i32
        %add3A_1356 = arith.constant 96 : i32
        %add3A_1357 = arith.addi %mul3A_1355, %add3A_1356 : i32
        %add3A_1358 = arith.addi %mul3A_13, %add3A_1357 : i32
        %add3A_1359 = arith.constant 42 : i32
        %add3A_1360 = arith.addi %add3A_1358, %add3A_1359 : i32
        %add3A_1361 = vector.broadcast %add3A_1360 : i32 to vector<16xi32>
        %add3A_1362 = arith.addi %iota3A, %add3A_1361 : vector<16xi32>
        %shift_left3A_1363 = arith.constant 13 : i32
        %shift_left3A_1364 = vector.broadcast %shift_left3A_1363 : i32 to vector<16xi32>
        %shift_left3A_1365 = arith.shli %add3A_1362, %shift_left3A_1364 : vector<16xi32>
        %shift_right_logical3A_1366 = arith.constant 19 : i32
        %shift_right_logical3A_1367 = vector.broadcast %shift_right_logical3A_1366 : i32 to vector<16xi32>
        %shift_right_logical3A_1368 = arith.shrui %add3A_1362, %shift_right_logical3A_1367 : vector<16xi32>
        %or3A_1369 = arith.ori %shift_left3A_1365, %shift_right_logical3A_1368 : vector<16xi32>
        %xor3A_1370 = arith.xori %add3A_1362, %or3A_1369 : vector<16xi32>
        %add3A_1371 = arith.addi %add3A_1362, %xor3A_1370 : vector<16xi32>
        %shift_left3A_1372 = arith.constant 15 : i32
        %shift_left3A_1373 = vector.broadcast %shift_left3A_1372 : i32 to vector<16xi32>
        %shift_left3A_1374 = arith.shli %xor3A_1370, %shift_left3A_1373 : vector<16xi32>
        %shift_right_logical3A_1375 = arith.constant 17 : i32
        %shift_right_logical3A_1376 = vector.broadcast %shift_right_logical3A_1375 : i32 to vector<16xi32>
        %shift_right_logical3A_1377 = arith.shrui %xor3A_1370, %shift_right_logical3A_1376 : vector<16xi32>
        %or3A_1378 = arith.ori %shift_left3A_1374, %shift_right_logical3A_1377 : vector<16xi32>
        %xor3A_1379 = arith.xori %add3A_1371, %or3A_1378 : vector<16xi32>
        %add3A_1380 = arith.addi %add3A_1371, %xor3A_1379 : vector<16xi32>
        %shift_left3A_1381 = arith.constant 26 : i32
        %shift_left3A_1382 = vector.broadcast %shift_left3A_1381 : i32 to vector<16xi32>
        %shift_left3A_1383 = arith.shli %xor3A_1379, %shift_left3A_1382 : vector<16xi32>
        %shift_right_logical3A_1384 = arith.constant 6 : i32
        %shift_right_logical3A_1385 = vector.broadcast %shift_right_logical3A_1384 : i32 to vector<16xi32>
        %shift_right_logical3A_1386 = arith.shrui %xor3A_1379, %shift_right_logical3A_1385 : vector<16xi32>
        %or3A_1387 = arith.ori %shift_left3A_1383, %shift_right_logical3A_1386 : vector<16xi32>
        %xor3A_1388 = arith.xori %add3A_1380, %or3A_1387 : vector<16xi32>
        %add3A_1389 = arith.addi %add3A_1380, %xor3A_1388 : vector<16xi32>
        %shift_left3A_1390 = arith.constant 6 : i32
        %shift_left3A_1391 = vector.broadcast %shift_left3A_1390 : i32 to vector<16xi32>
        %shift_left3A_1392 = arith.shli %xor3A_1388, %shift_left3A_1391 : vector<16xi32>
        %shift_right_logical3A_1393 = arith.constant 26 : i32
        %shift_right_logical3A_1394 = vector.broadcast %shift_right_logical3A_1393 : i32 to vector<16xi32>
        %shift_right_logical3A_1395 = arith.shrui %xor3A_1388, %shift_right_logical3A_1394 : vector<16xi32>
        %or3A_1396 = arith.ori %shift_left3A_1392, %shift_right_logical3A_1395 : vector<16xi32>
        %xor3A_1397 = arith.xori %add3A_1389, %or3A_1396 : vector<16xi32>
        %add3A_1398 = arith.constant 42 : i32
        %add3A_1399 = vector.broadcast %add3A_1398 : i32 to vector<16xi32>
        %add3A_1400 = arith.addi %add3A_1389, %add3A_1399 : vector<16xi32>
        %add3A_1401 = arith.constant 466689009 : i32
        %add3A_1402 = vector.broadcast %add3A_1401 : i32 to vector<16xi32>
        %add3A_1403 = arith.addi %xor3A_1397, %add3A_1402 : vector<16xi32>
        %add3A_1404 = arith.addi %add3A_1400, %add3A_1403 : vector<16xi32>
        %shift_left3A_1405 = arith.constant 17 : i32
        %shift_left3A_1406 = vector.broadcast %shift_left3A_1405 : i32 to vector<16xi32>
        %shift_left3A_1407 = arith.shli %add3A_1403, %shift_left3A_1406 : vector<16xi32>
        %shift_right_logical3A_1408 = arith.constant 15 : i32
        %shift_right_logical3A_1409 = vector.broadcast %shift_right_logical3A_1408 : i32 to vector<16xi32>
        %shift_right_logical3A_1410 = arith.shrui %add3A_1403, %shift_right_logical3A_1409 : vector<16xi32>
        %or3A_1411 = arith.ori %shift_left3A_1407, %shift_right_logical3A_1410 : vector<16xi32>
        %xor3A_1412 = arith.xori %add3A_1404, %or3A_1411 : vector<16xi32>
        %add3A_1413 = arith.addi %add3A_1404, %xor3A_1412 : vector<16xi32>
        %shift_left3A_1414 = arith.constant 29 : i32
        %shift_left3A_1415 = vector.broadcast %shift_left3A_1414 : i32 to vector<16xi32>
        %shift_left3A_1416 = arith.shli %xor3A_1412, %shift_left3A_1415 : vector<16xi32>
        %shift_right_logical3A_1417 = arith.constant 3 : i32
        %shift_right_logical3A_1418 = vector.broadcast %shift_right_logical3A_1417 : i32 to vector<16xi32>
        %shift_right_logical3A_1419 = arith.shrui %xor3A_1412, %shift_right_logical3A_1418 : vector<16xi32>
        %or3A_1420 = arith.ori %shift_left3A_1416, %shift_right_logical3A_1419 : vector<16xi32>
        %xor3A_1421 = arith.xori %add3A_1413, %or3A_1420 : vector<16xi32>
        %add3A_1422 = arith.addi %add3A_1413, %xor3A_1421 : vector<16xi32>
        %shift_left3A_1423 = arith.constant 16 : i32
        %shift_left3A_1424 = vector.broadcast %shift_left3A_1423 : i32 to vector<16xi32>
        %shift_left3A_1425 = arith.shli %xor3A_1421, %shift_left3A_1424 : vector<16xi32>
        %shift_right_logical3A_1426 = arith.constant 16 : i32
        %shift_right_logical3A_1427 = vector.broadcast %shift_right_logical3A_1426 : i32 to vector<16xi32>
        %shift_right_logical3A_1428 = arith.shrui %xor3A_1421, %shift_right_logical3A_1427 : vector<16xi32>
        %or3A_1429 = arith.ori %shift_left3A_1425, %shift_right_logical3A_1428 : vector<16xi32>
        %xor3A_1430 = arith.xori %add3A_1422, %or3A_1429 : vector<16xi32>
        %add3A_1431 = arith.addi %add3A_1422, %xor3A_1430 : vector<16xi32>
        %shift_left3A_1432 = arith.constant 24 : i32
        %shift_left3A_1433 = vector.broadcast %shift_left3A_1432 : i32 to vector<16xi32>
        %shift_left3A_1434 = arith.shli %xor3A_1430, %shift_left3A_1433 : vector<16xi32>
        %shift_right_logical3A_1435 = arith.constant 8 : i32
        %shift_right_logical3A_1436 = vector.broadcast %shift_right_logical3A_1435 : i32 to vector<16xi32>
        %shift_right_logical3A_1437 = arith.shrui %xor3A_1430, %shift_right_logical3A_1436 : vector<16xi32>
        %or3A_1438 = arith.ori %shift_left3A_1434, %shift_right_logical3A_1437 : vector<16xi32>
        %xor3A_1439 = arith.xori %add3A_1431, %or3A_1438 : vector<16xi32>
        %add3A_1440 = arith.constant 466689008 : i32
        %add3A_1441 = vector.broadcast %add3A_1440 : i32 to vector<16xi32>
        %add3A_1442 = arith.addi %add3A_1431, %add3A_1441 : vector<16xi32>
        %add3A_1443 = arith.constant 2 : i32
        %add3A_1444 = vector.broadcast %add3A_1443 : i32 to vector<16xi32>
        %add3A_1445 = arith.addi %xor3A_1439, %add3A_1444 : vector<16xi32>
        %add3A_1446 = arith.addi %add3A_1442, %add3A_1445 : vector<16xi32>
        %shift_left3A_1447 = arith.constant 13 : i32
        %shift_left3A_1448 = vector.broadcast %shift_left3A_1447 : i32 to vector<16xi32>
        %shift_left3A_1449 = arith.shli %add3A_1445, %shift_left3A_1448 : vector<16xi32>
        %shift_right_logical3A_1450 = arith.constant 19 : i32
        %shift_right_logical3A_1451 = vector.broadcast %shift_right_logical3A_1450 : i32 to vector<16xi32>
        %shift_right_logical3A_1452 = arith.shrui %add3A_1445, %shift_right_logical3A_1451 : vector<16xi32>
        %or3A_1453 = arith.ori %shift_left3A_1449, %shift_right_logical3A_1452 : vector<16xi32>
        %xor3A_1454 = arith.xori %add3A_1446, %or3A_1453 : vector<16xi32>
        %add3A_1455 = arith.addi %add3A_1446, %xor3A_1454 : vector<16xi32>
        %shift_left3A_1456 = arith.constant 15 : i32
        %shift_left3A_1457 = vector.broadcast %shift_left3A_1456 : i32 to vector<16xi32>
        %shift_left3A_1458 = arith.shli %xor3A_1454, %shift_left3A_1457 : vector<16xi32>
        %shift_right_logical3A_1459 = arith.constant 17 : i32
        %shift_right_logical3A_1460 = vector.broadcast %shift_right_logical3A_1459 : i32 to vector<16xi32>
        %shift_right_logical3A_1461 = arith.shrui %xor3A_1454, %shift_right_logical3A_1460 : vector<16xi32>
        %or3A_1462 = arith.ori %shift_left3A_1458, %shift_right_logical3A_1461 : vector<16xi32>
        %xor3A_1463 = arith.xori %add3A_1455, %or3A_1462 : vector<16xi32>
        %add3A_1464 = arith.addi %add3A_1455, %xor3A_1463 : vector<16xi32>
        %shift_left3A_1465 = arith.constant 26 : i32
        %shift_left3A_1466 = vector.broadcast %shift_left3A_1465 : i32 to vector<16xi32>
        %shift_left3A_1467 = arith.shli %xor3A_1463, %shift_left3A_1466 : vector<16xi32>
        %shift_right_logical3A_1468 = arith.constant 6 : i32
        %shift_right_logical3A_1469 = vector.broadcast %shift_right_logical3A_1468 : i32 to vector<16xi32>
        %shift_right_logical3A_1470 = arith.shrui %xor3A_1463, %shift_right_logical3A_1469 : vector<16xi32>
        %or3A_1471 = arith.ori %shift_left3A_1467, %shift_right_logical3A_1470 : vector<16xi32>
        %xor3A_1472 = arith.xori %add3A_1464, %or3A_1471 : vector<16xi32>
        %add3A_1473 = arith.addi %add3A_1464, %xor3A_1472 : vector<16xi32>
        %shift_left3A_1474 = arith.constant 6 : i32
        %shift_left3A_1475 = vector.broadcast %shift_left3A_1474 : i32 to vector<16xi32>
        %shift_left3A_1476 = arith.shli %xor3A_1472, %shift_left3A_1475 : vector<16xi32>
        %shift_right_logical3A_1477 = arith.constant 26 : i32
        %shift_right_logical3A_1478 = vector.broadcast %shift_right_logical3A_1477 : i32 to vector<16xi32>
        %shift_right_logical3A_1479 = arith.shrui %xor3A_1472, %shift_right_logical3A_1478 : vector<16xi32>
        %or3A_1480 = arith.ori %shift_left3A_1476, %shift_right_logical3A_1479 : vector<16xi32>
        %xor3A_1481 = arith.xori %add3A_1473, %or3A_1480 : vector<16xi32>
        %add3A_1482 = arith.constant 0 : i32
        %add3A_1483 = vector.broadcast %add3A_1482 : i32 to vector<16xi32>
        %add3A_1484 = arith.addi %add3A_1473, %add3A_1483 : vector<16xi32>
        %add3A_1485 = arith.constant 45 : i32
        %add3A_1486 = vector.broadcast %add3A_1485 : i32 to vector<16xi32>
        %add3A_1487 = arith.addi %xor3A_1481, %add3A_1486 : vector<16xi32>
        %add3A_1488 = arith.addi %add3A_1484, %add3A_1487 : vector<16xi32>
        %shift_left3A_1489 = arith.constant 17 : i32
        %shift_left3A_1490 = vector.broadcast %shift_left3A_1489 : i32 to vector<16xi32>
        %shift_left3A_1491 = arith.shli %add3A_1487, %shift_left3A_1490 : vector<16xi32>
        %shift_right_logical3A_1492 = arith.constant 15 : i32
        %shift_right_logical3A_1493 = vector.broadcast %shift_right_logical3A_1492 : i32 to vector<16xi32>
        %shift_right_logical3A_1494 = arith.shrui %add3A_1487, %shift_right_logical3A_1493 : vector<16xi32>
        %or3A_1495 = arith.ori %shift_left3A_1491, %shift_right_logical3A_1494 : vector<16xi32>
        %xor3A_1496 = arith.xori %add3A_1488, %or3A_1495 : vector<16xi32>
        %add3A_1497 = arith.addi %add3A_1488, %xor3A_1496 : vector<16xi32>
        %shift_left3A_1498 = arith.constant 29 : i32
        %shift_left3A_1499 = vector.broadcast %shift_left3A_1498 : i32 to vector<16xi32>
        %shift_left3A_1500 = arith.shli %xor3A_1496, %shift_left3A_1499 : vector<16xi32>
        %shift_right_logical3A_1501 = arith.constant 3 : i32
        %shift_right_logical3A_1502 = vector.broadcast %shift_right_logical3A_1501 : i32 to vector<16xi32>
        %shift_right_logical3A_1503 = arith.shrui %xor3A_1496, %shift_right_logical3A_1502 : vector<16xi32>
        %or3A_1504 = arith.ori %shift_left3A_1500, %shift_right_logical3A_1503 : vector<16xi32>
        %xor3A_1505 = arith.xori %add3A_1497, %or3A_1504 : vector<16xi32>
        %add3A_1506 = arith.addi %add3A_1497, %xor3A_1505 : vector<16xi32>
        %shift_left3A_1507 = arith.constant 16 : i32
        %shift_left3A_1508 = vector.broadcast %shift_left3A_1507 : i32 to vector<16xi32>
        %shift_left3A_1509 = arith.shli %xor3A_1505, %shift_left3A_1508 : vector<16xi32>
        %shift_right_logical3A_1510 = arith.constant 16 : i32
        %shift_right_logical3A_1511 = vector.broadcast %shift_right_logical3A_1510 : i32 to vector<16xi32>
        %shift_right_logical3A_1512 = arith.shrui %xor3A_1505, %shift_right_logical3A_1511 : vector<16xi32>
        %or3A_1513 = arith.ori %shift_left3A_1509, %shift_right_logical3A_1512 : vector<16xi32>
        %xor3A_1514 = arith.xori %add3A_1506, %or3A_1513 : vector<16xi32>
        %add3A_1515 = arith.addi %add3A_1506, %xor3A_1514 : vector<16xi32>
        %shift_left3A_1516 = arith.constant 24 : i32
        %shift_left3A_1517 = vector.broadcast %shift_left3A_1516 : i32 to vector<16xi32>
        %shift_left3A_1518 = arith.shli %xor3A_1514, %shift_left3A_1517 : vector<16xi32>
        %shift_right_logical3A_1519 = arith.constant 8 : i32
        %shift_right_logical3A_1520 = vector.broadcast %shift_right_logical3A_1519 : i32 to vector<16xi32>
        %shift_right_logical3A_1521 = arith.shrui %xor3A_1514, %shift_right_logical3A_1520 : vector<16xi32>
        %or3A_1522 = arith.ori %shift_left3A_1518, %shift_right_logical3A_1521 : vector<16xi32>
        %xor3A_1523 = arith.xori %add3A_1515, %or3A_1522 : vector<16xi32>
        %add3A_1524 = arith.constant 42 : i32
        %add3A_1525 = vector.broadcast %add3A_1524 : i32 to vector<16xi32>
        %add3A_1526 = arith.addi %add3A_1515, %add3A_1525 : vector<16xi32>
        %add3A_1527 = arith.constant 466689012 : i32
        %add3A_1528 = vector.broadcast %add3A_1527 : i32 to vector<16xi32>
        %add3A_1529 = arith.addi %xor3A_1523, %add3A_1528 : vector<16xi32>
        %add3A_1530 = arith.addi %add3A_1526, %add3A_1529 : vector<16xi32>
        %shift_left3A_1531 = arith.constant 13 : i32
        %shift_left3A_1532 = vector.broadcast %shift_left3A_1531 : i32 to vector<16xi32>
        %shift_left3A_1533 = arith.shli %add3A_1529, %shift_left3A_1532 : vector<16xi32>
        %shift_right_logical3A_1534 = arith.constant 19 : i32
        %shift_right_logical3A_1535 = vector.broadcast %shift_right_logical3A_1534 : i32 to vector<16xi32>
        %shift_right_logical3A_1536 = arith.shrui %add3A_1529, %shift_right_logical3A_1535 : vector<16xi32>
        %or3A_1537 = arith.ori %shift_left3A_1533, %shift_right_logical3A_1536 : vector<16xi32>
        %xor3A_1538 = arith.xori %add3A_1530, %or3A_1537 : vector<16xi32>
        %add3A_1539 = arith.addi %add3A_1530, %xor3A_1538 : vector<16xi32>
        %shift_left3A_1540 = arith.constant 15 : i32
        %shift_left3A_1541 = vector.broadcast %shift_left3A_1540 : i32 to vector<16xi32>
        %shift_left3A_1542 = arith.shli %xor3A_1538, %shift_left3A_1541 : vector<16xi32>
        %shift_right_logical3A_1543 = arith.constant 17 : i32
        %shift_right_logical3A_1544 = vector.broadcast %shift_right_logical3A_1543 : i32 to vector<16xi32>
        %shift_right_logical3A_1545 = arith.shrui %xor3A_1538, %shift_right_logical3A_1544 : vector<16xi32>
        %or3A_1546 = arith.ori %shift_left3A_1542, %shift_right_logical3A_1545 : vector<16xi32>
        %xor3A_1547 = arith.xori %add3A_1539, %or3A_1546 : vector<16xi32>
        %add3A_1548 = arith.addi %add3A_1539, %xor3A_1547 : vector<16xi32>
        %shift_left3A_1549 = arith.constant 26 : i32
        %shift_left3A_1550 = vector.broadcast %shift_left3A_1549 : i32 to vector<16xi32>
        %shift_left3A_1551 = arith.shli %xor3A_1547, %shift_left3A_1550 : vector<16xi32>
        %shift_right_logical3A_1552 = arith.constant 6 : i32
        %shift_right_logical3A_1553 = vector.broadcast %shift_right_logical3A_1552 : i32 to vector<16xi32>
        %shift_right_logical3A_1554 = arith.shrui %xor3A_1547, %shift_right_logical3A_1553 : vector<16xi32>
        %or3A_1555 = arith.ori %shift_left3A_1551, %shift_right_logical3A_1554 : vector<16xi32>
        %xor3A_1556 = arith.xori %add3A_1548, %or3A_1555 : vector<16xi32>
        %add3A_1557 = arith.addi %add3A_1548, %xor3A_1556 : vector<16xi32>
        %shift_left3A_1558 = arith.constant 6 : i32
        %shift_left3A_1559 = vector.broadcast %shift_left3A_1558 : i32 to vector<16xi32>
        %shift_left3A_1560 = arith.shli %xor3A_1556, %shift_left3A_1559 : vector<16xi32>
        %shift_right_logical3A_1561 = arith.constant 26 : i32
        %shift_right_logical3A_1562 = vector.broadcast %shift_right_logical3A_1561 : i32 to vector<16xi32>
        %shift_right_logical3A_1563 = arith.shrui %xor3A_1556, %shift_right_logical3A_1562 : vector<16xi32>
        %or3A_1564 = arith.ori %shift_left3A_1560, %shift_right_logical3A_1563 : vector<16xi32>
        %xor3A_1565 = arith.xori %add3A_1557, %or3A_1564 : vector<16xi32>
        %add3A_1566 = arith.constant 466689008 : i32
        %add3A_1567 = vector.broadcast %add3A_1566 : i32 to vector<16xi32>
        %add3A_1568 = arith.addi %add3A_1557, %add3A_1567 : vector<16xi32>
        %add3A_1569 = arith.constant 5 : i32
        %add3A_1570 = vector.broadcast %add3A_1569 : i32 to vector<16xi32>
        %add3A_1571 = arith.addi %xor3A_1565, %add3A_1570 : vector<16xi32>
        %xor3A_1572 = arith.xori %add3A_1568, %add3A_1571 : vector<16xi32>
        %swap3A_1573 = arith.index_cast %add3A_1357 : i32 to index
        %swap3A_1574 = tpu.vector_load %arg3[%swap3A_1573] {strides = array<i32>} : memref<8192xi32, #tpu.memory_space<vmem>>, vector<16xi32>,
        %swap3A_1575 = vector.shape_cast %swap3A_1574 : vector<16xi32> to vector<16xi32>
        %swap3A_1576 = vector.shape_cast %xor3A_1572 : vector<16xi32> to vector<16xi32>
        tpu.vector_store %arg3[%swap3A_1573], %swap3A_1576 {strides = array<i32>} : memref<8192xi32, #tpu.memory_space<vmem>>, vector<16xi32>,
        %mul3A_1577 = arith.constant 128 : i32
        %mul3A_1578 = arith.muli %scan3A_20, %mul3A_1577 : i32
        %add3A_1579 = arith.constant 112 : i32
        %add3A_1580 = arith.addi %mul3A_1578, %add3A_1579 : i32
        %add3A_1581 = arith.addi %mul3A_13, %add3A_1580 : i32
        %add3A_1582 = arith.constant 42 : i32
        %add3A_1583 = arith.addi %add3A_1581, %add3A_1582 : i32
        %add3A_1584 = vector.broadcast %add3A_1583 : i32 to vector<16xi32>
        %add3A_1585 = arith.addi %iota3A, %add3A_1584 : vector<16xi32>
        %shift_left3A_1586 = arith.constant 13 : i32
        %shift_left3A_1587 = vector.broadcast %shift_left3A_1586 : i32 to vector<16xi32>
        %shift_left3A_1588 = arith.shli %add3A_1585, %shift_left3A_1587 : vector<16xi32>
        %shift_right_logical3A_1589 = arith.constant 19 : i32
        %shift_right_logical3A_1590 = vector.broadcast %shift_right_logical3A_1589 : i32 to vector<16xi32>
        %shift_right_logical3A_1591 = arith.shrui %add3A_1585, %shift_right_logical3A_1590 : vector<16xi32>
        %or3A_1592 = arith.ori %shift_left3A_1588, %shift_right_logical3A_1591 : vector<16xi32>
        %xor3A_1593 = arith.xori %add3A_1585, %or3A_1592 : vector<16xi32>
        %add3A_1594 = arith.addi %add3A_1585, %xor3A_1593 : vector<16xi32>
        %shift_left3A_1595 = arith.constant 15 : i32
        %shift_left3A_1596 = vector.broadcast %shift_left3A_1595 : i32 to vector<16xi32>
        %shift_left3A_1597 = arith.shli %xor3A_1593, %shift_left3A_1596 : vector<16xi32>
        %shift_right_logical3A_1598 = arith.constant 17 : i32
        %shift_right_logical3A_1599 = vector.broadcast %shift_right_logical3A_1598 : i32 to vector<16xi32>
        %shift_right_logical3A_1600 = arith.shrui %xor3A_1593, %shift_right_logical3A_1599 : vector<16xi32>
        %or3A_1601 = arith.ori %shift_left3A_1597, %shift_right_logical3A_1600 : vector<16xi32>
        %xor3A_1602 = arith.xori %add3A_1594, %or3A_1601 : vector<16xi32>
        %add3A_1603 = arith.addi %add3A_1594, %xor3A_1602 : vector<16xi32>
        %shift_left3A_1604 = arith.constant 26 : i32
        %shift_left3A_1605 = vector.broadcast %shift_left3A_1604 : i32 to vector<16xi32>
        %shift_left3A_1606 = arith.shli %xor3A_1602, %shift_left3A_1605 : vector<16xi32>
        %shift_right_logical3A_1607 = arith.constant 6 : i32
        %shift_right_logical3A_1608 = vector.broadcast %shift_right_logical3A_1607 : i32 to vector<16xi32>
        %shift_right_logical3A_1609 = arith.shrui %xor3A_1602, %shift_right_logical3A_1608 : vector<16xi32>
        %or3A_1610 = arith.ori %shift_left3A_1606, %shift_right_logical3A_1609 : vector<16xi32>
        %xor3A_1611 = arith.xori %add3A_1603, %or3A_1610 : vector<16xi32>
        %add3A_1612 = arith.addi %add3A_1603, %xor3A_1611 : vector<16xi32>
        %shift_left3A_1613 = arith.constant 6 : i32
        %shift_left3A_1614 = vector.broadcast %shift_left3A_1613 : i32 to vector<16xi32>
        %shift_left3A_1615 = arith.shli %xor3A_1611, %shift_left3A_1614 : vector<16xi32>
        %shift_right_logical3A_1616 = arith.constant 26 : i32
        %shift_right_logical3A_1617 = vector.broadcast %shift_right_logical3A_1616 : i32 to vector<16xi32>
        %shift_right_logical3A_1618 = arith.shrui %xor3A_1611, %shift_right_logical3A_1617 : vector<16xi32>
        %or3A_1619 = arith.ori %shift_left3A_1615, %shift_right_logical3A_1618 : vector<16xi32>
        %xor3A_1620 = arith.xori %add3A_1612, %or3A_1619 : vector<16xi32>
        %add3A_1621 = arith.constant 42 : i32
        %add3A_1622 = vector.broadcast %add3A_1621 : i32 to vector<16xi32>
        %add3A_1623 = arith.addi %add3A_1612, %add3A_1622 : vector<16xi32>
        %add3A_1624 = arith.constant 466689009 : i32
        %add3A_1625 = vector.broadcast %add3A_1624 : i32 to vector<16xi32>
        %add3A_1626 = arith.addi %xor3A_1620, %add3A_1625 : vector<16xi32>
        %add3A_1627 = arith.addi %add3A_1623, %add3A_1626 : vector<16xi32>
        %shift_left3A_1628 = arith.constant 17 : i32
        %shift_left3A_1629 = vector.broadcast %shift_left3A_1628 : i32 to vector<16xi32>
        %shift_left3A_1630 = arith.shli %add3A_1626, %shift_left3A_1629 : vector<16xi32>
        %shift_right_logical3A_1631 = arith.constant 15 : i32
        %shift_right_logical3A_1632 = vector.broadcast %shift_right_logical3A_1631 : i32 to vector<16xi32>
        %shift_right_logical3A_1633 = arith.shrui %add3A_1626, %shift_right_logical3A_1632 : vector<16xi32>
        %or3A_1634 = arith.ori %shift_left3A_1630, %shift_right_logical3A_1633 : vector<16xi32>
        %xor3A_1635 = arith.xori %add3A_1627, %or3A_1634 : vector<16xi32>
        %add3A_1636 = arith.addi %add3A_1627, %xor3A_1635 : vector<16xi32>
        %shift_left3A_1637 = arith.constant 29 : i32
        %shift_left3A_1638 = vector.broadcast %shift_left3A_1637 : i32 to vector<16xi32>
        %shift_left3A_1639 = arith.shli %xor3A_1635, %shift_left3A_1638 : vector<16xi32>
        %shift_right_logical3A_1640 = arith.constant 3 : i32
        %shift_right_logical3A_1641 = vector.broadcast %shift_right_logical3A_1640 : i32 to vector<16xi32>
        %shift_right_logical3A_1642 = arith.shrui %xor3A_1635, %shift_right_logical3A_1641 : vector<16xi32>
        %or3A_1643 = arith.ori %shift_left3A_1639, %shift_right_logical3A_1642 : vector<16xi32>
        %xor3A_1644 = arith.xori %add3A_1636, %or3A_1643 : vector<16xi32>
        %add3A_1645 = arith.addi %add3A_1636, %xor3A_1644 : vector<16xi32>
        %shift_left3A_1646 = arith.constant 16 : i32
        %shift_left3A_1647 = vector.broadcast %shift_left3A_1646 : i32 to vector<16xi32>
        %shift_left3A_1648 = arith.shli %xor3A_1644, %shift_left3A_1647 : vector<16xi32>
        %shift_right_logical3A_1649 = arith.constant 16 : i32
        %shift_right_logical3A_1650 = vector.broadcast %shift_right_logical3A_1649 : i32 to vector<16xi32>
        %shift_right_logical3A_1651 = arith.shrui %xor3A_1644, %shift_right_logical3A_1650 : vector<16xi32>
        %or3A_1652 = arith.ori %shift_left3A_1648, %shift_right_logical3A_1651 : vector<16xi32>
        %xor3A_1653 = arith.xori %add3A_1645, %or3A_1652 : vector<16xi32>
        %add3A_1654 = arith.addi %add3A_1645, %xor3A_1653 : vector<16xi32>
        %shift_left3A_1655 = arith.constant 24 : i32
        %shift_left3A_1656 = vector.broadcast %shift_left3A_1655 : i32 to vector<16xi32>
        %shift_left3A_1657 = arith.shli %xor3A_1653, %shift_left3A_1656 : vector<16xi32>
        %shift_right_logical3A_1658 = arith.constant 8 : i32
        %shift_right_logical3A_1659 = vector.broadcast %shift_right_logical3A_1658 : i32 to vector<16xi32>
        %shift_right_logical3A_1660 = arith.shrui %xor3A_1653, %shift_right_logical3A_1659 : vector<16xi32>
        %or3A_1661 = arith.ori %shift_left3A_1657, %shift_right_logical3A_1660 : vector<16xi32>
        %xor3A_1662 = arith.xori %add3A_1654, %or3A_1661 : vector<16xi32>
        %add3A_1663 = arith.constant 466689008 : i32
        %add3A_1664 = vector.broadcast %add3A_1663 : i32 to vector<16xi32>
        %add3A_1665 = arith.addi %add3A_1654, %add3A_1664 : vector<16xi32>
        %add3A_1666 = arith.constant 2 : i32
        %add3A_1667 = vector.broadcast %add3A_1666 : i32 to vector<16xi32>
        %add3A_1668 = arith.addi %xor3A_1662, %add3A_1667 : vector<16xi32>
        %add3A_1669 = arith.addi %add3A_1665, %add3A_1668 : vector<16xi32>
        %shift_left3A_1670 = arith.constant 13 : i32
        %shift_left3A_1671 = vector.broadcast %shift_left3A_1670 : i32 to vector<16xi32>
        %shift_left3A_1672 = arith.shli %add3A_1668, %shift_left3A_1671 : vector<16xi32>
        %shift_right_logical3A_1673 = arith.constant 19 : i32
        %shift_right_logical3A_1674 = vector.broadcast %shift_right_logical3A_1673 : i32 to vector<16xi32>
        %shift_right_logical3A_1675 = arith.shrui %add3A_1668, %shift_right_logical3A_1674 : vector<16xi32>
        %or3A_1676 = arith.ori %shift_left3A_1672, %shift_right_logical3A_1675 : vector<16xi32>
        %xor3A_1677 = arith.xori %add3A_1669, %or3A_1676 : vector<16xi32>
        %add3A_1678 = arith.addi %add3A_1669, %xor3A_1677 : vector<16xi32>
        %shift_left3A_1679 = arith.constant 15 : i32
        %shift_left3A_1680 = vector.broadcast %shift_left3A_1679 : i32 to vector<16xi32>
        %shift_left3A_1681 = arith.shli %xor3A_1677, %shift_left3A_1680 : vector<16xi32>
        %shift_right_logical3A_1682 = arith.constant 17 : i32
        %shift_right_logical3A_1683 = vector.broadcast %shift_right_logical3A_1682 : i32 to vector<16xi32>
        %shift_right_logical3A_1684 = arith.shrui %xor3A_1677, %shift_right_logical3A_1683 : vector<16xi32>
        %or3A_1685 = arith.ori %shift_left3A_1681, %shift_right_logical3A_1684 : vector<16xi32>
        %xor3A_1686 = arith.xori %add3A_1678, %or3A_1685 : vector<16xi32>
        %add3A_1687 = arith.addi %add3A_1678, %xor3A_1686 : vector<16xi32>
        %shift_left3A_1688 = arith.constant 26 : i32
        %shift_left3A_1689 = vector.broadcast %shift_left3A_1688 : i32 to vector<16xi32>
        %shift_left3A_1690 = arith.shli %xor3A_1686, %shift_left3A_1689 : vector<16xi32>
        %shift_right_logical3A_1691 = arith.constant 6 : i32
        %shift_right_logical3A_1692 = vector.broadcast %shift_right_logical3A_1691 : i32 to vector<16xi32>
        %shift_right_logical3A_1693 = arith.shrui %xor3A_1686, %shift_right_logical3A_1692 : vector<16xi32>
        %or3A_1694 = arith.ori %shift_left3A_1690, %shift_right_logical3A_1693 : vector<16xi32>
        %xor3A_1695 = arith.xori %add3A_1687, %or3A_1694 : vector<16xi32>
        %add3A_1696 = arith.addi %add3A_1687, %xor3A_1695 : vector<16xi32>
        %shift_left3A_1697 = arith.constant 6 : i32
        %shift_left3A_1698 = vector.broadcast %shift_left3A_1697 : i32 to vector<16xi32>
        %shift_left3A_1699 = arith.shli %xor3A_1695, %shift_left3A_1698 : vector<16xi32>
        %shift_right_logical3A_1700 = arith.constant 26 : i32
        %shift_right_logical3A_1701 = vector.broadcast %shift_right_logical3A_1700 : i32 to vector<16xi32>
        %shift_right_logical3A_1702 = arith.shrui %xor3A_1695, %shift_right_logical3A_1701 : vector<16xi32>
        %or3A_1703 = arith.ori %shift_left3A_1699, %shift_right_logical3A_1702 : vector<16xi32>
        %xor3A_1704 = arith.xori %add3A_1696, %or3A_1703 : vector<16xi32>
        %add3A_1705 = arith.constant 0 : i32
        %add3A_1706 = vector.broadcast %add3A_1705 : i32 to vector<16xi32>
        %add3A_1707 = arith.addi %add3A_1696, %add3A_1706 : vector<16xi32>
        %add3A_1708 = arith.constant 45 : i32
        %add3A_1709 = vector.broadcast %add3A_1708 : i32 to vector<16xi32>
        %add3A_1710 = arith.addi %xor3A_1704, %add3A_1709 : vector<16xi32>
        %add3A_1711 = arith.addi %add3A_1707, %add3A_1710 : vector<16xi32>
        %shift_left3A_1712 = arith.constant 17 : i32
        %shift_left3A_1713 = vector.broadcast %shift_left3A_1712 : i32 to vector<16xi32>
        %shift_left3A_1714 = arith.shli %add3A_1710, %shift_left3A_1713 : vector<16xi32>
        %shift_right_logical3A_1715 = arith.constant 15 : i32
        %shift_right_logical3A_1716 = vector.broadcast %shift_right_logical3A_1715 : i32 to vector<16xi32>
        %shift_right_logical3A_1717 = arith.shrui %add3A_1710, %shift_right_logical3A_1716 : vector<16xi32>
        %or3A_1718 = arith.ori %shift_left3A_1714, %shift_right_logical3A_1717 : vector<16xi32>
        %xor3A_1719 = arith.xori %add3A_1711, %or3A_1718 : vector<16xi32>
        %add3A_1720 = arith.addi %add3A_1711, %xor3A_1719 : vector<16xi32>
        %shift_left3A_1721 = arith.constant 29 : i32
        %shift_left3A_1722 = vector.broadcast %shift_left3A_1721 : i32 to vector<16xi32>
        %shift_left3A_1723 = arith.shli %xor3A_1719, %shift_left3A_1722 : vector<16xi32>
        %shift_right_logical3A_1724 = arith.constant 3 : i32
        %shift_right_logical3A_1725 = vector.broadcast %shift_right_logical3A_1724 : i32 to vector<16xi32>
        %shift_right_logical3A_1726 = arith.shrui %xor3A_1719, %shift_right_logical3A_1725 : vector<16xi32>
        %or3A_1727 = arith.ori %shift_left3A_1723, %shift_right_logical3A_1726 : vector<16xi32>
        %xor3A_1728 = arith.xori %add3A_1720, %or3A_1727 : vector<16xi32>
        %add3A_1729 = arith.addi %add3A_1720, %xor3A_1728 : vector<16xi32>
        %shift_left3A_1730 = arith.constant 16 : i32
        %shift_left3A_1731 = vector.broadcast %shift_left3A_1730 : i32 to vector<16xi32>
        %shift_left3A_1732 = arith.shli %xor3A_1728, %shift_left3A_1731 : vector<16xi32>
        %shift_right_logical3A_1733 = arith.constant 16 : i32
        %shift_right_logical3A_1734 = vector.broadcast %shift_right_logical3A_1733 : i32 to vector<16xi32>
        %shift_right_logical3A_1735 = arith.shrui %xor3A_1728, %shift_right_logical3A_1734 : vector<16xi32>
        %or3A_1736 = arith.ori %shift_left3A_1732, %shift_right_logical3A_1735 : vector<16xi32>
        %xor3A_1737 = arith.xori %add3A_1729, %or3A_1736 : vector<16xi32>
        %add3A_1738 = arith.addi %add3A_1729, %xor3A_1737 : vector<16xi32>
        %shift_left3A_1739 = arith.constant 24 : i32
        %shift_left3A_1740 = vector.broadcast %shift_left3A_1739 : i32 to vector<16xi32>
        %shift_left3A_1741 = arith.shli %xor3A_1737, %shift_left3A_1740 : vector<16xi32>
        %shift_right_logical3A_1742 = arith.constant 8 : i32
        %shift_right_logical3A_1743 = vector.broadcast %shift_right_logical3A_1742 : i32 to vector<16xi32>
        %shift_right_logical3A_1744 = arith.shrui %xor3A_1737, %shift_right_logical3A_1743 : vector<16xi32>
        %or3A_1745 = arith.ori %shift_left3A_1741, %shift_right_logical3A_1744 : vector<16xi32>
        %xor3A_1746 = arith.xori %add3A_1738, %or3A_1745 : vector<16xi32>
        %add3A_1747 = arith.constant 42 : i32
        %add3A_1748 = vector.broadcast %add3A_1747 : i32 to vector<16xi32>
        %add3A_1749 = arith.addi %add3A_1738, %add3A_1748 : vector<16xi32>
        %add3A_1750 = arith.constant 466689012 : i32
        %add3A_1751 = vector.broadcast %add3A_1750 : i32 to vector<16xi32>
        %add3A_1752 = arith.addi %xor3A_1746, %add3A_1751 : vector<16xi32>
        %add3A_1753 = arith.addi %add3A_1749, %add3A_1752 : vector<16xi32>
        %shift_left3A_1754 = arith.constant 13 : i32
        %shift_left3A_1755 = vector.broadcast %shift_left3A_1754 : i32 to vector<16xi32>
        %shift_left3A_1756 = arith.shli %add3A_1752, %shift_left3A_1755 : vector<16xi32>
        %shift_right_logical3A_1757 = arith.constant 19 : i32
        %shift_right_logical3A_1758 = vector.broadcast %shift_right_logical3A_1757 : i32 to vector<16xi32>
        %shift_right_logical3A_1759 = arith.shrui %add3A_1752, %shift_right_logical3A_1758 : vector<16xi32>
        %or3A_1760 = arith.ori %shift_left3A_1756, %shift_right_logical3A_1759 : vector<16xi32>
        %xor3A_1761 = arith.xori %add3A_1753, %or3A_1760 : vector<16xi32>
        %add3A_1762 = arith.addi %add3A_1753, %xor3A_1761 : vector<16xi32>
        %shift_left3A_1763 = arith.constant 15 : i32
        %shift_left3A_1764 = vector.broadcast %shift_left3A_1763 : i32 to vector<16xi32>
        %shift_left3A_1765 = arith.shli %xor3A_1761, %shift_left3A_1764 : vector<16xi32>
        %shift_right_logical3A_1766 = arith.constant 17 : i32
        %shift_right_logical3A_1767 = vector.broadcast %shift_right_logical3A_1766 : i32 to vector<16xi32>
        %shift_right_logical3A_1768 = arith.shrui %xor3A_1761, %shift_right_logical3A_1767 : vector<16xi32>
        %or3A_1769 = arith.ori %shift_left3A_1765, %shift_right_logical3A_1768 : vector<16xi32>
        %xor3A_1770 = arith.xori %add3A_1762, %or3A_1769 : vector<16xi32>
        %add3A_1771 = arith.addi %add3A_1762, %xor3A_1770 : vector<16xi32>
        %shift_left3A_1772 = arith.constant 26 : i32
        %shift_left3A_1773 = vector.broadcast %shift_left3A_1772 : i32 to vector<16xi32>
        %shift_left3A_1774 = arith.shli %xor3A_1770, %shift_left3A_1773 : vector<16xi32>
        %shift_right_logical3A_1775 = arith.constant 6 : i32
        %shift_right_logical3A_1776 = vector.broadcast %shift_right_logical3A_1775 : i32 to vector<16xi32>
        %shift_right_logical3A_1777 = arith.shrui %xor3A_1770, %shift_right_logical3A_1776 : vector<16xi32>
        %or3A_1778 = arith.ori %shift_left3A_1774, %shift_right_logical3A_1777 : vector<16xi32>
        %xor3A_1779 = arith.xori %add3A_1771, %or3A_1778 : vector<16xi32>
        %add3A_1780 = arith.addi %add3A_1771, %xor3A_1779 : vector<16xi32>
        %shift_left3A_1781 = arith.constant 6 : i32
        %shift_left3A_1782 = vector.broadcast %shift_left3A_1781 : i32 to vector<16xi32>
        %shift_left3A_1783 = arith.shli %xor3A_1779, %shift_left3A_1782 : vector<16xi32>
        %shift_right_logical3A_1784 = arith.constant 26 : i32
        %shift_right_logical3A_1785 = vector.broadcast %shift_right_logical3A_1784 : i32 to vector<16xi32>
        %shift_right_logical3A_1786 = arith.shrui %xor3A_1779, %shift_right_logical3A_1785 : vector<16xi32>
        %or3A_1787 = arith.ori %shift_left3A_1783, %shift_right_logical3A_1786 : vector<16xi32>
        %xor3A_1788 = arith.xori %add3A_1780, %or3A_1787 : vector<16xi32>
        %add3A_1789 = arith.constant 466689008 : i32
        %add3A_1790 = vector.broadcast %add3A_1789 : i32 to vector<16xi32>
        %add3A_1791 = arith.addi %add3A_1780, %add3A_1790 : vector<16xi32>
        %add3A_1792 = arith.constant 5 : i32
        %add3A_1793 = vector.broadcast %add3A_1792 : i32 to vector<16xi32>
        %add3A_1794 = arith.addi %xor3A_1788, %add3A_1793 : vector<16xi32>
        %xor3A_1795 = arith.xori %add3A_1791, %add3A_1794 : vector<16xi32>
        %swap3A_1796 = arith.index_cast %add3A_1580 : i32 to index
        %swap3A_1797 = tpu.vector_load %arg3[%swap3A_1796] {strides = array<i32>} : memref<8192xi32, #tpu.memory_space<vmem>>, vector<16xi32>,
        %swap3A_1798 = vector.shape_cast %swap3A_1797 : vector<16xi32> to vector<16xi32>
        %swap3A_1799 = vector.shape_cast %xor3A_1795 : vector<16xi32> to vector<16xi32>
        tpu.vector_store %arg3[%swap3A_1796], %swap3A_1799 {strides = array<i32>} : memref<8192xi32, #tpu.memory_space<vmem>>, vector<16xi32>,
      }
      %scan3A_19 = arith.constant 64 : i32
      "tpu.region"() ({
        %run_scoped3A = tpu.sem_alloc : memref<!tpu.dma_semaphore, #tpu.memory_space<semaphore_mem>>
        %dma_start3A = arith.constant 0 : i32
        %dma_start3A_20 = tpu.memref_slice %arg2[%add3A_9, %dma_start3A] : memref<2368x8192xi32, #tpu.memory_space<hbm>> -> memref<1x8192xi32, #tpu.memory_space<hbm>>
        %dma_start3A_21 = tpu.memref_squeeze %dma_start3A_20 : memref<1x8192xi32, #tpu.memory_space<hbm>> -> memref<8192xi32, #tpu.memory_space<hbm>>
        %dma_start3A_22 = arith.constant 0 : i32
        %dma_start3A_23 = tpu.memref_slice %arg2[%add3A_9, %dma_start3A_22] : memref<2368x8192xi32, #tpu.memory_space<hbm>> -> memref<1x8192xi32, #tpu.memory_space<hbm>>
        %dma_start3A_24 = tpu.memref_squeeze %dma_start3A_23 : memref<1x8192xi32, #tpu.memory_space<hbm>> -> memref<8192xi32, #tpu.memory_space<hbm>>
        tpu.enqueue_dma source(%arg3 : memref<8192xi32, #tpu.memory_space<vmem>>) target(%dma_start3A_24 : memref<8192xi32, #tpu.memory_space<hbm>>) target_semaphore(%run_scoped3A : memref<!tpu.dma_semaphore, #tpu.memory_space<semaphore_mem>>)
        %dma_wait3A = arith.constant 0 : i32
        %dma_wait3A_25 = tpu.memref_slice %arg2[%add3A_9, %dma_wait3A] : memref<2368x8192xi32, #tpu.memory_space<hbm>> -> memref<1x8192xi32, #tpu.memory_space<hbm>>
        %dma_wait3A_26 = tpu.memref_squeeze %dma_wait3A_25 : memref<1x8192xi32, #tpu.memory_space<hbm>> -> memref<8192xi32, #tpu.memory_space<hbm>>
        %dma_wait3A_27 = arith.constant 0 : i32
        %dma_wait3A_28 = tpu.memref_slice %arg2[%add3A_9, %dma_wait3A_27] : memref<2368x8192xi32, #tpu.memory_space<hbm>> -> memref<1x8192xi32, #tpu.memory_space<hbm>>
        %dma_wait3A_29 = tpu.memref_squeeze %dma_wait3A_28 : memref<1x8192xi32, #tpu.memory_space<hbm>> -> memref<8192xi32, #tpu.memory_space<hbm>>
        tpu.wait_dma2 semaphore(%run_scoped3A : memref<!tpu.dma_semaphore, #tpu.memory_space<semaphore_mem>>) src(%arg3 : memref<8192xi32, #tpu.memory_space<vmem>>) dst(%dma_wait3A_29 : memref<8192xi32, #tpu.memory_space<hbm>>)
        tpu.yield
      }) : () -> ()
    }
    %scan3A_5 = arith.constant 74 : i32
    return
  }
}

module attributes {stable_mosaic.version = 14 : i64} {
  func.func @_tail_body(%arg0: i32, %arg1: memref<64x8192xf32, #tpu.memory_space<vmem>>, %arg2: memref<64x8192xi32, #tpu.memory_space<vmem>>, %arg3: memref<8192x8192xf32, #tpu.memory_space<any>>, %arg4: memref<64x8192xf32, #tpu.memory_space<vmem>>) attributes {dimension_semantics = [#tpu.dimension_semantics<parallel>], iteration_bounds = array<i64: 37>, scalar_prefetch = 0 : i64, scratch_operands = 0 : i64, tpu.core_type = #tpu.core_type<tc>, window_params = [{transform_indices = @transform_0, window_bounds = array<i64: 64, 8192>}, {transform_indices = @transform_1, window_bounds = array<i64: 64, 8192>}, {}, {transform_indices = @transform_3, window_bounds = array<i64: 64, 8192>}]} {
    %iota3A = tpu.iota {dimensions = array<i32: 1>} : vector<64x2048xi32>
    %broadcast_in_dim3A = arith.constant 0xFF800000 : f32
    %broadcast_in_dim3A_0 = vector.broadcast %broadcast_in_dim3A : f32 to vector<64x1xf32>
    %broadcast_in_dim3A_1 = arith.constant 0 : i32
    %broadcast_in_dim3A_2 = vector.broadcast %broadcast_in_dim3A_1 : i32 to vector<64x1xi32>
    %get3A = arith.constant 0 : index
    %get3A_3 = arith.constant 0 : index
    %get3A_4 = vector.load %arg2[%get3A, %get3A_3] : memref<64x8192xi32, #tpu.memory_space<vmem>>, vector<64x2048xi32>
    %shift_right_logical3A = arith.constant 9 : i32
    %shift_right_logical3A_5 = vector.broadcast %shift_right_logical3A : i32 to vector<64x2048xi32>
    %shift_right_logical3A_6 = arith.shrui %get3A_4, %shift_right_logical3A_5 : vector<64x2048xi32>
    %or3A = arith.constant 1065353216 : i32
    %or3A_7 = vector.broadcast %or3A : i32 to vector<64x2048xi32>
    %or3A_8 = arith.ori %shift_right_logical3A_6, %or3A_7 : vector<64x2048xi32>
    %bitcast_convert_type3A = tpu.bitcast %or3A_8 : vector<64x2048xi32> -> vector<64x2048xf32>
    %sub3A = arith.constant 1.000000e+00 : f32
    %sub3A_9 = vector.broadcast %sub3A : f32 to vector<64x2048xf32>
    %sub3A_10 = arith.subf %bitcast_convert_type3A, %sub3A_9 : vector<64x2048xf32>
    %log3A = math.log %sub3A_10 : vector<64x2048xf32>
    %neg3A = arith.constant 0.000000e+00 : f32
    %neg3A_11 = vector.broadcast %neg3A : f32 to vector<64x2048xf32>
    %neg3A_12 = arith.subf %neg3A_11, %log3A : vector<64x2048xf32>
    %log3A_13 = math.log %neg3A_12 : vector<64x2048xf32>
    %neg3A_14 = arith.constant 0.000000e+00 : f32
    %neg3A_15 = vector.broadcast %neg3A_14 : f32 to vector<64x2048xf32>
    %neg3A_16 = arith.subf %neg3A_15, %log3A_13 : vector<64x2048xf32>
    %get3A_17 = arith.constant 0 : index
    %get3A_18 = arith.constant 0 : index
    %get3A_19 = vector.load %arg1[%get3A_17, %get3A_18] : memref<64x8192xf32, #tpu.memory_space<vmem>>, vector<64x2048xf32>
    %add3A = arith.addf %get3A_19, %neg3A_16 : vector<64x2048xf32>
    %reduce_max3A = arith.constant dense<0xFF800000> : vector<64xf32>
    %reduce_max3A_20 = vector.multi_reduction <maximumf>, %add3A, %reduce_max3A [1] : vector<64x2048xf32> to vector<64xf32>
    %broadcast_in_dim3A_21 = vector.shape_cast %reduce_max3A_20 : vector<64xf32> to vector<64x1xf32>
    %eq3A = vector.broadcast %broadcast_in_dim3A_21 : vector<64x1xf32> to vector<64x2048xf32>
    %eq3A_22 = arith.cmpf oeq, %add3A, %eq3A : vector<64x2048xf32>
    %jit3A = arith.constant 2048 : i32
    %broadcast_in_dim3A_23 = vector.broadcast %jit3A : i32 to vector<64x2048xi32>
    %select_n3A = arith.select %eq3A_22, %iota3A, %broadcast_in_dim3A_23 : vector<64x2048xi1>, vector<64x2048xi32>
    %reduce_min3A = arith.constant dense<2147483647> : vector<64xi32>
    %reduce_min3A_24 = vector.multi_reduction <minsi>, %select_n3A, %reduce_min3A [1] : vector<64x2048xi32> to vector<64xi32>
    %broadcast_in_dim3A_25 = vector.shape_cast %reduce_min3A_24 : vector<64xi32> to vector<64x1xi32>
    %add3A_26 = arith.constant 0 : i32
    %add3A_27 = vector.broadcast %add3A_26 : i32 to vector<64x1xi32>
    %add3A_28 = arith.addi %broadcast_in_dim3A_25, %add3A_27 : vector<64x1xi32>
    %gt3A = arith.cmpf ogt, %broadcast_in_dim3A_21, %broadcast_in_dim3A_0 : vector<64x1xf32>
    %select_n3A_29 = arith.select %gt3A, %broadcast_in_dim3A_21, %broadcast_in_dim3A_0 : vector<64x1xi1>, vector<64x1xf32>
    %select_n3A_30 = arith.select %gt3A, %add3A_28, %broadcast_in_dim3A_2 : vector<64x1xi1>, vector<64x1xi32>
    %get3A_31 = arith.constant 0 : index
    %get3A_32 = arith.constant 2048 : index
    %get3A_33 = vector.load %arg2[%get3A_31, %get3A_32] : memref<64x8192xi32, #tpu.memory_space<vmem>>, vector<64x2048xi32>
    %shift_right_logical3A_34 = arith.constant 9 : i32
    %shift_right_logical3A_35 = vector.broadcast %shift_right_logical3A_34 : i32 to vector<64x2048xi32>
    %shift_right_logical3A_36 = arith.shrui %get3A_33, %shift_right_logical3A_35 : vector<64x2048xi32>
    %or3A_37 = arith.constant 1065353216 : i32
    %or3A_38 = vector.broadcast %or3A_37 : i32 to vector<64x2048xi32>
    %or3A_39 = arith.ori %shift_right_logical3A_36, %or3A_38 : vector<64x2048xi32>
    %bitcast_convert_type3A_40 = tpu.bitcast %or3A_39 : vector<64x2048xi32> -> vector<64x2048xf32>
    %sub3A_41 = arith.constant 1.000000e+00 : f32
    %sub3A_42 = vector.broadcast %sub3A_41 : f32 to vector<64x2048xf32>
    %sub3A_43 = arith.subf %bitcast_convert_type3A_40, %sub3A_42 : vector<64x2048xf32>
    %log3A_44 = math.log %sub3A_43 : vector<64x2048xf32>
    %neg3A_45 = arith.constant 0.000000e+00 : f32
    %neg3A_46 = vector.broadcast %neg3A_45 : f32 to vector<64x2048xf32>
    %neg3A_47 = arith.subf %neg3A_46, %log3A_44 : vector<64x2048xf32>
    %log3A_48 = math.log %neg3A_47 : vector<64x2048xf32>
    %neg3A_49 = arith.constant 0.000000e+00 : f32
    %neg3A_50 = vector.broadcast %neg3A_49 : f32 to vector<64x2048xf32>
    %neg3A_51 = arith.subf %neg3A_50, %log3A_48 : vector<64x2048xf32>
    %get3A_52 = arith.constant 0 : index
    %get3A_53 = arith.constant 2048 : index
    %get3A_54 = vector.load %arg1[%get3A_52, %get3A_53] : memref<64x8192xf32, #tpu.memory_space<vmem>>, vector<64x2048xf32>
    %add3A_55 = arith.addf %get3A_54, %neg3A_51 : vector<64x2048xf32>
    %reduce_max3A_56 = arith.constant dense<0xFF800000> : vector<64xf32>
    %reduce_max3A_57 = vector.multi_reduction <maximumf>, %add3A_55, %reduce_max3A_56 [1] : vector<64x2048xf32> to vector<64xf32>
    %broadcast_in_dim3A_58 = vector.shape_cast %reduce_max3A_57 : vector<64xf32> to vector<64x1xf32>
    %eq3A_59 = vector.broadcast %broadcast_in_dim3A_58 : vector<64x1xf32> to vector<64x2048xf32>
    %eq3A_60 = arith.cmpf oeq, %add3A_55, %eq3A_59 : vector<64x2048xf32>
    %jit3A_61 = arith.constant 2048 : i32
    %broadcast_in_dim3A_62 = vector.broadcast %jit3A_61 : i32 to vector<64x2048xi32>
    %select_n3A_63 = arith.select %eq3A_60, %iota3A, %broadcast_in_dim3A_62 : vector<64x2048xi1>, vector<64x2048xi32>
    %reduce_min3A_64 = arith.constant dense<2147483647> : vector<64xi32>
    %reduce_min3A_65 = vector.multi_reduction <minsi>, %select_n3A_63, %reduce_min3A_64 [1] : vector<64x2048xi32> to vector<64xi32>
    %broadcast_in_dim3A_66 = vector.shape_cast %reduce_min3A_65 : vector<64xi32> to vector<64x1xi32>
    %add3A_67 = arith.constant 2048 : i32
    %add3A_68 = vector.broadcast %add3A_67 : i32 to vector<64x1xi32>
    %add3A_69 = arith.addi %broadcast_in_dim3A_66, %add3A_68 : vector<64x1xi32>
    %gt3A_70 = arith.cmpf ogt, %broadcast_in_dim3A_58, %select_n3A_29 : vector<64x1xf32>
    %select_n3A_71 = arith.select %gt3A_70, %broadcast_in_dim3A_58, %select_n3A_29 : vector<64x1xi1>, vector<64x1xf32>
    %select_n3A_72 = arith.select %gt3A_70, %add3A_69, %select_n3A_30 : vector<64x1xi1>, vector<64x1xi32>
    %get3A_73 = arith.constant 0 : index
    %get3A_74 = arith.constant 4096 : index
    %get3A_75 = vector.load %arg2[%get3A_73, %get3A_74] : memref<64x8192xi32, #tpu.memory_space<vmem>>, vector<64x2048xi32>
    %shift_right_logical3A_76 = arith.constant 9 : i32
    %shift_right_logical3A_77 = vector.broadcast %shift_right_logical3A_76 : i32 to vector<64x2048xi32>
    %shift_right_logical3A_78 = arith.shrui %get3A_75, %shift_right_logical3A_77 : vector<64x2048xi32>
    %or3A_79 = arith.constant 1065353216 : i32
    %or3A_80 = vector.broadcast %or3A_79 : i32 to vector<64x2048xi32>
    %or3A_81 = arith.ori %shift_right_logical3A_78, %or3A_80 : vector<64x2048xi32>
    %bitcast_convert_type3A_82 = tpu.bitcast %or3A_81 : vector<64x2048xi32> -> vector<64x2048xf32>
    %sub3A_83 = arith.constant 1.000000e+00 : f32
    %sub3A_84 = vector.broadcast %sub3A_83 : f32 to vector<64x2048xf32>
    %sub3A_85 = arith.subf %bitcast_convert_type3A_82, %sub3A_84 : vector<64x2048xf32>
    %log3A_86 = math.log %sub3A_85 : vector<64x2048xf32>
    %neg3A_87 = arith.constant 0.000000e+00 : f32
    %neg3A_88 = vector.broadcast %neg3A_87 : f32 to vector<64x2048xf32>
    %neg3A_89 = arith.subf %neg3A_88, %log3A_86 : vector<64x2048xf32>
    %log3A_90 = math.log %neg3A_89 : vector<64x2048xf32>
    %neg3A_91 = arith.constant 0.000000e+00 : f32
    %neg3A_92 = vector.broadcast %neg3A_91 : f32 to vector<64x2048xf32>
    %neg3A_93 = arith.subf %neg3A_92, %log3A_90 : vector<64x2048xf32>
    %get3A_94 = arith.constant 0 : index
    %get3A_95 = arith.constant 4096 : index
    %get3A_96 = vector.load %arg1[%get3A_94, %get3A_95] : memref<64x8192xf32, #tpu.memory_space<vmem>>, vector<64x2048xf32>
    %add3A_97 = arith.addf %get3A_96, %neg3A_93 : vector<64x2048xf32>
    %reduce_max3A_98 = arith.constant dense<0xFF800000> : vector<64xf32>
    %reduce_max3A_99 = vector.multi_reduction <maximumf>, %add3A_97, %reduce_max3A_98 [1] : vector<64x2048xf32> to vector<64xf32>
    %broadcast_in_dim3A_100 = vector.shape_cast %reduce_max3A_99 : vector<64xf32> to vector<64x1xf32>
    %eq3A_101 = vector.broadcast %broadcast_in_dim3A_100 : vector<64x1xf32> to vector<64x2048xf32>
    %eq3A_102 = arith.cmpf oeq, %add3A_97, %eq3A_101 : vector<64x2048xf32>
    %jit3A_103 = arith.constant 2048 : i32
    %broadcast_in_dim3A_104 = vector.broadcast %jit3A_103 : i32 to vector<64x2048xi32>
    %select_n3A_105 = arith.select %eq3A_102, %iota3A, %broadcast_in_dim3A_104 : vector<64x2048xi1>, vector<64x2048xi32>
    %reduce_min3A_106 = arith.constant dense<2147483647> : vector<64xi32>
    %reduce_min3A_107 = vector.multi_reduction <minsi>, %select_n3A_105, %reduce_min3A_106 [1] : vector<64x2048xi32> to vector<64xi32>
    %broadcast_in_dim3A_108 = vector.shape_cast %reduce_min3A_107 : vector<64xi32> to vector<64x1xi32>
    %add3A_109 = arith.constant 4096 : i32
    %add3A_110 = vector.broadcast %add3A_109 : i32 to vector<64x1xi32>
    %add3A_111 = arith.addi %broadcast_in_dim3A_108, %add3A_110 : vector<64x1xi32>
    %gt3A_112 = arith.cmpf ogt, %broadcast_in_dim3A_100, %select_n3A_71 : vector<64x1xf32>
    %select_n3A_113 = arith.select %gt3A_112, %broadcast_in_dim3A_100, %select_n3A_71 : vector<64x1xi1>, vector<64x1xf32>
    %select_n3A_114 = arith.select %gt3A_112, %add3A_111, %select_n3A_72 : vector<64x1xi1>, vector<64x1xi32>
    %get3A_115 = arith.constant 0 : index
    %get3A_116 = arith.constant 6144 : index
    %get3A_117 = vector.load %arg2[%get3A_115, %get3A_116] : memref<64x8192xi32, #tpu.memory_space<vmem>>, vector<64x2048xi32>
    %shift_right_logical3A_118 = arith.constant 9 : i32
    %shift_right_logical3A_119 = vector.broadcast %shift_right_logical3A_118 : i32 to vector<64x2048xi32>
    %shift_right_logical3A_120 = arith.shrui %get3A_117, %shift_right_logical3A_119 : vector<64x2048xi32>
    %or3A_121 = arith.constant 1065353216 : i32
    %or3A_122 = vector.broadcast %or3A_121 : i32 to vector<64x2048xi32>
    %or3A_123 = arith.ori %shift_right_logical3A_120, %or3A_122 : vector<64x2048xi32>
    %bitcast_convert_type3A_124 = tpu.bitcast %or3A_123 : vector<64x2048xi32> -> vector<64x2048xf32>
    %sub3A_125 = arith.constant 1.000000e+00 : f32
    %sub3A_126 = vector.broadcast %sub3A_125 : f32 to vector<64x2048xf32>
    %sub3A_127 = arith.subf %bitcast_convert_type3A_124, %sub3A_126 : vector<64x2048xf32>
    %log3A_128 = math.log %sub3A_127 : vector<64x2048xf32>
    %neg3A_129 = arith.constant 0.000000e+00 : f32
    %neg3A_130 = vector.broadcast %neg3A_129 : f32 to vector<64x2048xf32>
    %neg3A_131 = arith.subf %neg3A_130, %log3A_128 : vector<64x2048xf32>
    %log3A_132 = math.log %neg3A_131 : vector<64x2048xf32>
    %neg3A_133 = arith.constant 0.000000e+00 : f32
    %neg3A_134 = vector.broadcast %neg3A_133 : f32 to vector<64x2048xf32>
    %neg3A_135 = arith.subf %neg3A_134, %log3A_132 : vector<64x2048xf32>
    %get3A_136 = arith.constant 0 : index
    %get3A_137 = arith.constant 6144 : index
    %get3A_138 = vector.load %arg1[%get3A_136, %get3A_137] : memref<64x8192xf32, #tpu.memory_space<vmem>>, vector<64x2048xf32>
    %add3A_139 = arith.addf %get3A_138, %neg3A_135 : vector<64x2048xf32>
    %reduce_max3A_140 = arith.constant dense<0xFF800000> : vector<64xf32>
    %reduce_max3A_141 = vector.multi_reduction <maximumf>, %add3A_139, %reduce_max3A_140 [1] : vector<64x2048xf32> to vector<64xf32>
    %broadcast_in_dim3A_142 = vector.shape_cast %reduce_max3A_141 : vector<64xf32> to vector<64x1xf32>
    %eq3A_143 = vector.broadcast %broadcast_in_dim3A_142 : vector<64x1xf32> to vector<64x2048xf32>
    %eq3A_144 = arith.cmpf oeq, %add3A_139, %eq3A_143 : vector<64x2048xf32>
    %jit3A_145 = arith.constant 2048 : i32
    %broadcast_in_dim3A_146 = vector.broadcast %jit3A_145 : i32 to vector<64x2048xi32>
    %select_n3A_147 = arith.select %eq3A_144, %iota3A, %broadcast_in_dim3A_146 : vector<64x2048xi1>, vector<64x2048xi32>
    %reduce_min3A_148 = arith.constant dense<2147483647> : vector<64xi32>
    %reduce_min3A_149 = vector.multi_reduction <minsi>, %select_n3A_147, %reduce_min3A_148 [1] : vector<64x2048xi32> to vector<64xi32>
    %broadcast_in_dim3A_150 = vector.shape_cast %reduce_min3A_149 : vector<64xi32> to vector<64x1xi32>
    %add3A_151 = arith.constant 6144 : i32
    %add3A_152 = vector.broadcast %add3A_151 : i32 to vector<64x1xi32>
    %add3A_153 = arith.addi %broadcast_in_dim3A_150, %add3A_152 : vector<64x1xi32>
    %gt3A_154 = arith.cmpf ogt, %broadcast_in_dim3A_142, %select_n3A_113 : vector<64x1xf32>
    %select_n3A_155 = arith.select %gt3A_154, %add3A_153, %select_n3A_114 : vector<64x1xi1>, vector<64x1xi32>
    %sub3A_156 = arith.constant 0 : i32
    %sub3A_157 = vector.broadcast %sub3A_156 : i32 to vector<64x1xi32>
    %sub3A_158 = arith.subi %select_n3A_155, %sub3A_157 : vector<64x1xi32>
    %eq3A_159 = vector.broadcast %sub3A_158 : vector<64x1xi32> to vector<64x2048xi32>
    %eq3A_160 = arith.cmpi eq, %iota3A, %eq3A_159 : vector<64x2048xi32>
    %jit3A_161 = arith.constant 1.000000e+00 : f32
    %jit3A_162 = arith.constant 0.000000e+00 : f32
    %broadcast_in_dim3A_163 = vector.broadcast %jit3A_161 : f32 to vector<64x2048xf32>
    %broadcast_in_dim3A_164 = vector.broadcast %jit3A_162 : f32 to vector<64x2048xf32>
    %select_n3A_165 = arith.select %eq3A_160, %broadcast_in_dim3A_163, %broadcast_in_dim3A_164 : vector<64x2048xi1>, vector<64x2048xf32>
    %swap3A = arith.constant 0 : index
    %swap3A_166 = arith.constant 0 : index
    %swap3A_167 = vector.load %arg4[%swap3A, %swap3A_166] : memref<64x8192xf32, #tpu.memory_space<vmem>>, vector<64x2048xf32>
    tpu.vector_store %arg4[%swap3A, %swap3A_166], %select_n3A_165 {strides = array<i32>} : memref<64x8192xf32, #tpu.memory_space<vmem>>, vector<64x2048xf32>,
    %sub3A_168 = arith.constant 2048 : i32
    %sub3A_169 = vector.broadcast %sub3A_168 : i32 to vector<64x1xi32>
    %sub3A_170 = arith.subi %select_n3A_155, %sub3A_169 : vector<64x1xi32>
    %eq3A_171 = vector.broadcast %sub3A_170 : vector<64x1xi32> to vector<64x2048xi32>
    %eq3A_172 = arith.cmpi eq, %iota3A, %eq3A_171 : vector<64x2048xi32>
    %jit3A_173 = arith.constant 1.000000e+00 : f32
    %jit3A_174 = arith.constant 0.000000e+00 : f32
    %broadcast_in_dim3A_175 = vector.broadcast %jit3A_173 : f32 to vector<64x2048xf32>
    %broadcast_in_dim3A_176 = vector.broadcast %jit3A_174 : f32 to vector<64x2048xf32>
    %select_n3A_177 = arith.select %eq3A_172, %broadcast_in_dim3A_175, %broadcast_in_dim3A_176 : vector<64x2048xi1>, vector<64x2048xf32>
    %swap3A_178 = arith.constant 0 : index
    %swap3A_179 = arith.constant 2048 : index
    %swap3A_180 = vector.load %arg4[%swap3A_178, %swap3A_179] : memref<64x8192xf32, #tpu.memory_space<vmem>>, vector<64x2048xf32>
    tpu.vector_store %arg4[%swap3A_178, %swap3A_179], %select_n3A_177 {strides = array<i32>} : memref<64x8192xf32, #tpu.memory_space<vmem>>, vector<64x2048xf32>,
    %sub3A_181 = arith.constant 4096 : i32
    %sub3A_182 = vector.broadcast %sub3A_181 : i32 to vector<64x1xi32>
    %sub3A_183 = arith.subi %select_n3A_155, %sub3A_182 : vector<64x1xi32>
    %eq3A_184 = vector.broadcast %sub3A_183 : vector<64x1xi32> to vector<64x2048xi32>
    %eq3A_185 = arith.cmpi eq, %iota3A, %eq3A_184 : vector<64x2048xi32>
    %jit3A_186 = arith.constant 1.000000e+00 : f32
    %jit3A_187 = arith.constant 0.000000e+00 : f32
    %broadcast_in_dim3A_188 = vector.broadcast %jit3A_186 : f32 to vector<64x2048xf32>
    %broadcast_in_dim3A_189 = vector.broadcast %jit3A_187 : f32 to vector<64x2048xf32>
    %select_n3A_190 = arith.select %eq3A_185, %broadcast_in_dim3A_188, %broadcast_in_dim3A_189 : vector<64x2048xi1>, vector<64x2048xf32>
    %swap3A_191 = arith.constant 0 : index
    %swap3A_192 = arith.constant 4096 : index
    %swap3A_193 = vector.load %arg4[%swap3A_191, %swap3A_192] : memref<64x8192xf32, #tpu.memory_space<vmem>>, vector<64x2048xf32>
    tpu.vector_store %arg4[%swap3A_191, %swap3A_192], %select_n3A_190 {strides = array<i32>} : memref<64x8192xf32, #tpu.memory_space<vmem>>, vector<64x2048xf32>,
    %sub3A_194 = arith.constant 6144 : i32
    %sub3A_195 = vector.broadcast %sub3A_194 : i32 to vector<64x1xi32>
    %sub3A_196 = arith.subi %select_n3A_155, %sub3A_195 : vector<64x1xi32>
    %eq3A_197 = vector.broadcast %sub3A_196 : vector<64x1xi32> to vector<64x2048xi32>
    %eq3A_198 = arith.cmpi eq, %iota3A, %eq3A_197 : vector<64x2048xi32>
    %jit3A_199 = arith.constant 1.000000e+00 : f32
    %jit3A_200 = arith.constant 0.000000e+00 : f32
    %broadcast_in_dim3A_201 = vector.broadcast %jit3A_199 : f32 to vector<64x2048xf32>
    %broadcast_in_dim3A_202 = vector.broadcast %jit3A_200 : f32 to vector<64x2048xf32>
    %select_n3A_203 = arith.select %eq3A_198, %broadcast_in_dim3A_201, %broadcast_in_dim3A_202 : vector<64x2048xi1>, vector<64x2048xf32>
    %swap3A_204 = arith.constant 0 : index
    %swap3A_205 = arith.constant 6144 : index
    %swap3A_206 = vector.load %arg4[%swap3A_204, %swap3A_205] : memref<64x8192xf32, #tpu.memory_space<vmem>>, vector<64x2048xf32>
    tpu.vector_store %arg4[%swap3A_204, %swap3A_205], %select_n3A_203 {strides = array<i32>} : memref<64x8192xf32, #tpu.memory_space<vmem>>, vector<64x2048xf32>,
    return
  }
  func.func @transform_0(%arg0: i32) -> (i32, i32) {
    %add3A = arith.constant 91 : i32
    %add3A_0 = arith.addi %arg0, %add3A : i32
    %c0_i32 = arith.constant 0 : i32
    %c0_i32_1 = arith.constant 0 : i32
    return %add3A_0, %c0_i32 : i32, i32
  }
  func.func @transform_1(%arg0: i32) -> (i32, i32) {
    %c0_i32 = arith.constant 0 : i32
    %c0_i32_0 = arith.constant 0 : i32
    return %arg0, %c0_i32 : i32, i32
  }
  func.func @transform_3(%arg0: i32) -> (i32, i32) {
    %add3A = arith.constant 91 : i32
    %add3A_0 = arith.addi %arg0, %add3A : i32
    %c0_i32 = arith.constant 0 : i32
    %c0_i32_1 = arith.constant 0 : i32
    return %add3A_0, %c0_i32 : i32, i32
  }
}

module attributes {stable_mosaic.version = 14 : i64} {
  func.func @_main_body(%arg0: i32, %arg1: memref<64x8192xf32, #tpu.memory_space<vmem>>, %arg2: memref<64x8192xf32, #tpu.memory_space<vmem>>) attributes {dimension_semantics = [#tpu.dimension_semantics<parallel>], iteration_bounds = array<i64: 91>, scalar_prefetch = 0 : i64, scratch_operands = 0 : i64, tpu.core_type = #tpu.core_type<tc>, window_params = [{transform_indices = @transform_0, window_bounds = array<i64: 64, 8192>}, {transform_indices = @transform_1, window_bounds = array<i64: 64, 8192>}]} {
    %mul3A = arith.constant 64 : i32
    %mul3A_0 = arith.muli %arg0, %mul3A : i32
    %mul3A_1 = arith.constant 8192 : i32
    %mul3A_2 = arith.muli %mul3A_0, %mul3A_1 : i32
    %iota3A = tpu.iota {dimensions = array<i32: 0>} : vector<64x2048xi32>
    %iota3A_3 = tpu.iota {dimensions = array<i32: 1>} : vector<64x2048xi32>
    %mul3A_4 = arith.constant 8192 : i32
    %mul3A_5 = vector.broadcast %mul3A_4 : i32 to vector<64x2048xi32>
    %mul3A_6 = arith.muli %iota3A, %mul3A_5 : vector<64x2048xi32>
    %add3A = vector.broadcast %mul3A_2 : i32 to vector<64x2048xi32>
    %add3A_7 = arith.addi %add3A, %mul3A_6 : vector<64x2048xi32>
    %add3A_8 = arith.addi %add3A_7, %iota3A_3 : vector<64x2048xi32>
    %broadcast_in_dim3A = arith.constant 0xFF800000 : f32
    %broadcast_in_dim3A_9 = vector.broadcast %broadcast_in_dim3A : f32 to vector<64x1xf32>
    %broadcast_in_dim3A_10 = arith.constant 0 : i32
    %broadcast_in_dim3A_11 = vector.broadcast %broadcast_in_dim3A_10 : i32 to vector<64x1xi32>
    %add3A_12 = arith.constant 42 : i32
    %add3A_13 = vector.broadcast %add3A_12 : i32 to vector<64x2048xi32>
    %add3A_14 = arith.addi %add3A_8, %add3A_13 : vector<64x2048xi32>
    %shift_left3A = arith.constant 13 : i32
    %shift_left3A_15 = vector.broadcast %shift_left3A : i32 to vector<64x2048xi32>
    %shift_left3A_16 = arith.shli %add3A_14, %shift_left3A_15 : vector<64x2048xi32>
    %shift_right_logical3A = arith.constant 19 : i32
    %shift_right_logical3A_17 = vector.broadcast %shift_right_logical3A : i32 to vector<64x2048xi32>
    %shift_right_logical3A_18 = arith.shrui %add3A_14, %shift_right_logical3A_17 : vector<64x2048xi32>
    %or3A = arith.ori %shift_left3A_16, %shift_right_logical3A_18 : vector<64x2048xi32>
    %xor3A = arith.xori %add3A_14, %or3A : vector<64x2048xi32>
    %add3A_19 = arith.addi %add3A_14, %xor3A : vector<64x2048xi32>
    %shift_left3A_20 = arith.constant 15 : i32
    %shift_left3A_21 = vector.broadcast %shift_left3A_20 : i32 to vector<64x2048xi32>
    %shift_left3A_22 = arith.shli %xor3A, %shift_left3A_21 : vector<64x2048xi32>
    %shift_right_logical3A_23 = arith.constant 17 : i32
    %shift_right_logical3A_24 = vector.broadcast %shift_right_logical3A_23 : i32 to vector<64x2048xi32>
    %shift_right_logical3A_25 = arith.shrui %xor3A, %shift_right_logical3A_24 : vector<64x2048xi32>
    %or3A_26 = arith.ori %shift_left3A_22, %shift_right_logical3A_25 : vector<64x2048xi32>
    %xor3A_27 = arith.xori %add3A_19, %or3A_26 : vector<64x2048xi32>
    %add3A_28 = arith.addi %add3A_19, %xor3A_27 : vector<64x2048xi32>
    %shift_left3A_29 = arith.constant 26 : i32
    %shift_left3A_30 = vector.broadcast %shift_left3A_29 : i32 to vector<64x2048xi32>
    %shift_left3A_31 = arith.shli %xor3A_27, %shift_left3A_30 : vector<64x2048xi32>
    %shift_right_logical3A_32 = arith.constant 6 : i32
    %shift_right_logical3A_33 = vector.broadcast %shift_right_logical3A_32 : i32 to vector<64x2048xi32>
    %shift_right_logical3A_34 = arith.shrui %xor3A_27, %shift_right_logical3A_33 : vector<64x2048xi32>
    %or3A_35 = arith.ori %shift_left3A_31, %shift_right_logical3A_34 : vector<64x2048xi32>
    %xor3A_36 = arith.xori %add3A_28, %or3A_35 : vector<64x2048xi32>
    %add3A_37 = arith.addi %add3A_28, %xor3A_36 : vector<64x2048xi32>
    %shift_left3A_38 = arith.constant 6 : i32
    %shift_left3A_39 = vector.broadcast %shift_left3A_38 : i32 to vector<64x2048xi32>
    %shift_left3A_40 = arith.shli %xor3A_36, %shift_left3A_39 : vector<64x2048xi32>
    %shift_right_logical3A_41 = arith.constant 26 : i32
    %shift_right_logical3A_42 = vector.broadcast %shift_right_logical3A_41 : i32 to vector<64x2048xi32>
    %shift_right_logical3A_43 = arith.shrui %xor3A_36, %shift_right_logical3A_42 : vector<64x2048xi32>
    %or3A_44 = arith.ori %shift_left3A_40, %shift_right_logical3A_43 : vector<64x2048xi32>
    %xor3A_45 = arith.xori %add3A_37, %or3A_44 : vector<64x2048xi32>
    %add3A_46 = arith.constant 42 : i32
    %add3A_47 = vector.broadcast %add3A_46 : i32 to vector<64x2048xi32>
    %add3A_48 = arith.addi %add3A_37, %add3A_47 : vector<64x2048xi32>
    %add3A_49 = arith.constant 466689009 : i32
    %add3A_50 = vector.broadcast %add3A_49 : i32 to vector<64x2048xi32>
    %add3A_51 = arith.addi %xor3A_45, %add3A_50 : vector<64x2048xi32>
    %add3A_52 = arith.addi %add3A_48, %add3A_51 : vector<64x2048xi32>
    %shift_left3A_53 = arith.constant 17 : i32
    %shift_left3A_54 = vector.broadcast %shift_left3A_53 : i32 to vector<64x2048xi32>
    %shift_left3A_55 = arith.shli %add3A_51, %shift_left3A_54 : vector<64x2048xi32>
    %shift_right_logical3A_56 = arith.constant 15 : i32
    %shift_right_logical3A_57 = vector.broadcast %shift_right_logical3A_56 : i32 to vector<64x2048xi32>
    %shift_right_logical3A_58 = arith.shrui %add3A_51, %shift_right_logical3A_57 : vector<64x2048xi32>
    %or3A_59 = arith.ori %shift_left3A_55, %shift_right_logical3A_58 : vector<64x2048xi32>
    %xor3A_60 = arith.xori %add3A_52, %or3A_59 : vector<64x2048xi32>
    %add3A_61 = arith.addi %add3A_52, %xor3A_60 : vector<64x2048xi32>
    %shift_left3A_62 = arith.constant 29 : i32
    %shift_left3A_63 = vector.broadcast %shift_left3A_62 : i32 to vector<64x2048xi32>
    %shift_left3A_64 = arith.shli %xor3A_60, %shift_left3A_63 : vector<64x2048xi32>
    %shift_right_logical3A_65 = arith.constant 3 : i32
    %shift_right_logical3A_66 = vector.broadcast %shift_right_logical3A_65 : i32 to vector<64x2048xi32>
    %shift_right_logical3A_67 = arith.shrui %xor3A_60, %shift_right_logical3A_66 : vector<64x2048xi32>
    %or3A_68 = arith.ori %shift_left3A_64, %shift_right_logical3A_67 : vector<64x2048xi32>
    %xor3A_69 = arith.xori %add3A_61, %or3A_68 : vector<64x2048xi32>
    %add3A_70 = arith.addi %add3A_61, %xor3A_69 : vector<64x2048xi32>
    %shift_left3A_71 = arith.constant 16 : i32
    %shift_left3A_72 = vector.broadcast %shift_left3A_71 : i32 to vector<64x2048xi32>
    %shift_left3A_73 = arith.shli %xor3A_69, %shift_left3A_72 : vector<64x2048xi32>
    %shift_right_logical3A_74 = arith.constant 16 : i32
    %shift_right_logical3A_75 = vector.broadcast %shift_right_logical3A_74 : i32 to vector<64x2048xi32>
    %shift_right_logical3A_76 = arith.shrui %xor3A_69, %shift_right_logical3A_75 : vector<64x2048xi32>
    %or3A_77 = arith.ori %shift_left3A_73, %shift_right_logical3A_76 : vector<64x2048xi32>
    %xor3A_78 = arith.xori %add3A_70, %or3A_77 : vector<64x2048xi32>
    %add3A_79 = arith.addi %add3A_70, %xor3A_78 : vector<64x2048xi32>
    %shift_left3A_80 = arith.constant 24 : i32
    %shift_left3A_81 = vector.broadcast %shift_left3A_80 : i32 to vector<64x2048xi32>
    %shift_left3A_82 = arith.shli %xor3A_78, %shift_left3A_81 : vector<64x2048xi32>
    %shift_right_logical3A_83 = arith.constant 8 : i32
    %shift_right_logical3A_84 = vector.broadcast %shift_right_logical3A_83 : i32 to vector<64x2048xi32>
    %shift_right_logical3A_85 = arith.shrui %xor3A_78, %shift_right_logical3A_84 : vector<64x2048xi32>
    %or3A_86 = arith.ori %shift_left3A_82, %shift_right_logical3A_85 : vector<64x2048xi32>
    %xor3A_87 = arith.xori %add3A_79, %or3A_86 : vector<64x2048xi32>
    %add3A_88 = arith.constant 466689008 : i32
    %add3A_89 = vector.broadcast %add3A_88 : i32 to vector<64x2048xi32>
    %add3A_90 = arith.addi %add3A_79, %add3A_89 : vector<64x2048xi32>
    %add3A_91 = arith.constant 2 : i32
    %add3A_92 = vector.broadcast %add3A_91 : i32 to vector<64x2048xi32>
    %add3A_93 = arith.addi %xor3A_87, %add3A_92 : vector<64x2048xi32>
    %add3A_94 = arith.addi %add3A_90, %add3A_93 : vector<64x2048xi32>
    %shift_left3A_95 = arith.constant 13 : i32
    %shift_left3A_96 = vector.broadcast %shift_left3A_95 : i32 to vector<64x2048xi32>
    %shift_left3A_97 = arith.shli %add3A_93, %shift_left3A_96 : vector<64x2048xi32>
    %shift_right_logical3A_98 = arith.constant 19 : i32
    %shift_right_logical3A_99 = vector.broadcast %shift_right_logical3A_98 : i32 to vector<64x2048xi32>
    %shift_right_logical3A_100 = arith.shrui %add3A_93, %shift_right_logical3A_99 : vector<64x2048xi32>
    %or3A_101 = arith.ori %shift_left3A_97, %shift_right_logical3A_100 : vector<64x2048xi32>
    %xor3A_102 = arith.xori %add3A_94, %or3A_101 : vector<64x2048xi32>
    %add3A_103 = arith.addi %add3A_94, %xor3A_102 : vector<64x2048xi32>
    %shift_left3A_104 = arith.constant 15 : i32
    %shift_left3A_105 = vector.broadcast %shift_left3A_104 : i32 to vector<64x2048xi32>
    %shift_left3A_106 = arith.shli %xor3A_102, %shift_left3A_105 : vector<64x2048xi32>
    %shift_right_logical3A_107 = arith.constant 17 : i32
    %shift_right_logical3A_108 = vector.broadcast %shift_right_logical3A_107 : i32 to vector<64x2048xi32>
    %shift_right_logical3A_109 = arith.shrui %xor3A_102, %shift_right_logical3A_108 : vector<64x2048xi32>
    %or3A_110 = arith.ori %shift_left3A_106, %shift_right_logical3A_109 : vector<64x2048xi32>
    %xor3A_111 = arith.xori %add3A_103, %or3A_110 : vector<64x2048xi32>
    %add3A_112 = arith.addi %add3A_103, %xor3A_111 : vector<64x2048xi32>
    %shift_left3A_113 = arith.constant 26 : i32
    %shift_left3A_114 = vector.broadcast %shift_left3A_113 : i32 to vector<64x2048xi32>
    %shift_left3A_115 = arith.shli %xor3A_111, %shift_left3A_114 : vector<64x2048xi32>
    %shift_right_logical3A_116 = arith.constant 6 : i32
    %shift_right_logical3A_117 = vector.broadcast %shift_right_logical3A_116 : i32 to vector<64x2048xi32>
    %shift_right_logical3A_118 = arith.shrui %xor3A_111, %shift_right_logical3A_117 : vector<64x2048xi32>
    %or3A_119 = arith.ori %shift_left3A_115, %shift_right_logical3A_118 : vector<64x2048xi32>
    %xor3A_120 = arith.xori %add3A_112, %or3A_119 : vector<64x2048xi32>
    %add3A_121 = arith.addi %add3A_112, %xor3A_120 : vector<64x2048xi32>
    %shift_left3A_122 = arith.constant 6 : i32
    %shift_left3A_123 = vector.broadcast %shift_left3A_122 : i32 to vector<64x2048xi32>
    %shift_left3A_124 = arith.shli %xor3A_120, %shift_left3A_123 : vector<64x2048xi32>
    %shift_right_logical3A_125 = arith.constant 26 : i32
    %shift_right_logical3A_126 = vector.broadcast %shift_right_logical3A_125 : i32 to vector<64x2048xi32>
    %shift_right_logical3A_127 = arith.shrui %xor3A_120, %shift_right_logical3A_126 : vector<64x2048xi32>
    %or3A_128 = arith.ori %shift_left3A_124, %shift_right_logical3A_127 : vector<64x2048xi32>
    %xor3A_129 = arith.xori %add3A_121, %or3A_128 : vector<64x2048xi32>
    %add3A_130 = arith.constant 0 : i32
    %add3A_131 = vector.broadcast %add3A_130 : i32 to vector<64x2048xi32>
    %add3A_132 = arith.addi %add3A_121, %add3A_131 : vector<64x2048xi32>
    %add3A_133 = arith.constant 45 : i32
    %add3A_134 = vector.broadcast %add3A_133 : i32 to vector<64x2048xi32>
    %add3A_135 = arith.addi %xor3A_129, %add3A_134 : vector<64x2048xi32>
    %add3A_136 = arith.addi %add3A_132, %add3A_135 : vector<64x2048xi32>
    %shift_left3A_137 = arith.constant 17 : i32
    %shift_left3A_138 = vector.broadcast %shift_left3A_137 : i32 to vector<64x2048xi32>
    %shift_left3A_139 = arith.shli %add3A_135, %shift_left3A_138 : vector<64x2048xi32>
    %shift_right_logical3A_140 = arith.constant 15 : i32
    %shift_right_logical3A_141 = vector.broadcast %shift_right_logical3A_140 : i32 to vector<64x2048xi32>
    %shift_right_logical3A_142 = arith.shrui %add3A_135, %shift_right_logical3A_141 : vector<64x2048xi32>
    %or3A_143 = arith.ori %shift_left3A_139, %shift_right_logical3A_142 : vector<64x2048xi32>
    %xor3A_144 = arith.xori %add3A_136, %or3A_143 : vector<64x2048xi32>
    %add3A_145 = arith.addi %add3A_136, %xor3A_144 : vector<64x2048xi32>
    %shift_left3A_146 = arith.constant 29 : i32
    %shift_left3A_147 = vector.broadcast %shift_left3A_146 : i32 to vector<64x2048xi32>
    %shift_left3A_148 = arith.shli %xor3A_144, %shift_left3A_147 : vector<64x2048xi32>
    %shift_right_logical3A_149 = arith.constant 3 : i32
    %shift_right_logical3A_150 = vector.broadcast %shift_right_logical3A_149 : i32 to vector<64x2048xi32>
    %shift_right_logical3A_151 = arith.shrui %xor3A_144, %shift_right_logical3A_150 : vector<64x2048xi32>
    %or3A_152 = arith.ori %shift_left3A_148, %shift_right_logical3A_151 : vector<64x2048xi32>
    %xor3A_153 = arith.xori %add3A_145, %or3A_152 : vector<64x2048xi32>
    %add3A_154 = arith.addi %add3A_145, %xor3A_153 : vector<64x2048xi32>
    %shift_left3A_155 = arith.constant 16 : i32
    %shift_left3A_156 = vector.broadcast %shift_left3A_155 : i32 to vector<64x2048xi32>
    %shift_left3A_157 = arith.shli %xor3A_153, %shift_left3A_156 : vector<64x2048xi32>
    %shift_right_logical3A_158 = arith.constant 16 : i32
    %shift_right_logical3A_159 = vector.broadcast %shift_right_logical3A_158 : i32 to vector<64x2048xi32>
    %shift_right_logical3A_160 = arith.shrui %xor3A_153, %shift_right_logical3A_159 : vector<64x2048xi32>
    %or3A_161 = arith.ori %shift_left3A_157, %shift_right_logical3A_160 : vector<64x2048xi32>
    %xor3A_162 = arith.xori %add3A_154, %or3A_161 : vector<64x2048xi32>
    %add3A_163 = arith.addi %add3A_154, %xor3A_162 : vector<64x2048xi32>
    %shift_left3A_164 = arith.constant 24 : i32
    %shift_left3A_165 = vector.broadcast %shift_left3A_164 : i32 to vector<64x2048xi32>
    %shift_left3A_166 = arith.shli %xor3A_162, %shift_left3A_165 : vector<64x2048xi32>
    %shift_right_logical3A_167 = arith.constant 8 : i32
    %shift_right_logical3A_168 = vector.broadcast %shift_right_logical3A_167 : i32 to vector<64x2048xi32>
    %shift_right_logical3A_169 = arith.shrui %xor3A_162, %shift_right_logical3A_168 : vector<64x2048xi32>
    %or3A_170 = arith.ori %shift_left3A_166, %shift_right_logical3A_169 : vector<64x2048xi32>
    %xor3A_171 = arith.xori %add3A_163, %or3A_170 : vector<64x2048xi32>
    %add3A_172 = arith.constant 42 : i32
    %add3A_173 = vector.broadcast %add3A_172 : i32 to vector<64x2048xi32>
    %add3A_174 = arith.addi %add3A_163, %add3A_173 : vector<64x2048xi32>
    %add3A_175 = arith.constant 466689012 : i32
    %add3A_176 = vector.broadcast %add3A_175 : i32 to vector<64x2048xi32>
    %add3A_177 = arith.addi %xor3A_171, %add3A_176 : vector<64x2048xi32>
    %add3A_178 = arith.addi %add3A_174, %add3A_177 : vector<64x2048xi32>
    %shift_left3A_179 = arith.constant 13 : i32
    %shift_left3A_180 = vector.broadcast %shift_left3A_179 : i32 to vector<64x2048xi32>
    %shift_left3A_181 = arith.shli %add3A_177, %shift_left3A_180 : vector<64x2048xi32>
    %shift_right_logical3A_182 = arith.constant 19 : i32
    %shift_right_logical3A_183 = vector.broadcast %shift_right_logical3A_182 : i32 to vector<64x2048xi32>
    %shift_right_logical3A_184 = arith.shrui %add3A_177, %shift_right_logical3A_183 : vector<64x2048xi32>
    %or3A_185 = arith.ori %shift_left3A_181, %shift_right_logical3A_184 : vector<64x2048xi32>
    %xor3A_186 = arith.xori %add3A_178, %or3A_185 : vector<64x2048xi32>
    %add3A_187 = arith.addi %add3A_178, %xor3A_186 : vector<64x2048xi32>
    %shift_left3A_188 = arith.constant 15 : i32
    %shift_left3A_189 = vector.broadcast %shift_left3A_188 : i32 to vector<64x2048xi32>
    %shift_left3A_190 = arith.shli %xor3A_186, %shift_left3A_189 : vector<64x2048xi32>
    %shift_right_logical3A_191 = arith.constant 17 : i32
    %shift_right_logical3A_192 = vector.broadcast %shift_right_logical3A_191 : i32 to vector<64x2048xi32>
    %shift_right_logical3A_193 = arith.shrui %xor3A_186, %shift_right_logical3A_192 : vector<64x2048xi32>
    %or3A_194 = arith.ori %shift_left3A_190, %shift_right_logical3A_193 : vector<64x2048xi32>
    %xor3A_195 = arith.xori %add3A_187, %or3A_194 : vector<64x2048xi32>
    %add3A_196 = arith.addi %add3A_187, %xor3A_195 : vector<64x2048xi32>
    %shift_left3A_197 = arith.constant 26 : i32
    %shift_left3A_198 = vector.broadcast %shift_left3A_197 : i32 to vector<64x2048xi32>
    %shift_left3A_199 = arith.shli %xor3A_195, %shift_left3A_198 : vector<64x2048xi32>
    %shift_right_logical3A_200 = arith.constant 6 : i32
    %shift_right_logical3A_201 = vector.broadcast %shift_right_logical3A_200 : i32 to vector<64x2048xi32>
    %shift_right_logical3A_202 = arith.shrui %xor3A_195, %shift_right_logical3A_201 : vector<64x2048xi32>
    %or3A_203 = arith.ori %shift_left3A_199, %shift_right_logical3A_202 : vector<64x2048xi32>
    %xor3A_204 = arith.xori %add3A_196, %or3A_203 : vector<64x2048xi32>
    %add3A_205 = arith.addi %add3A_196, %xor3A_204 : vector<64x2048xi32>
    %shift_left3A_206 = arith.constant 6 : i32
    %shift_left3A_207 = vector.broadcast %shift_left3A_206 : i32 to vector<64x2048xi32>
    %shift_left3A_208 = arith.shli %xor3A_204, %shift_left3A_207 : vector<64x2048xi32>
    %shift_right_logical3A_209 = arith.constant 26 : i32
    %shift_right_logical3A_210 = vector.broadcast %shift_right_logical3A_209 : i32 to vector<64x2048xi32>
    %shift_right_logical3A_211 = arith.shrui %xor3A_204, %shift_right_logical3A_210 : vector<64x2048xi32>
    %or3A_212 = arith.ori %shift_left3A_208, %shift_right_logical3A_211 : vector<64x2048xi32>
    %xor3A_213 = arith.xori %add3A_205, %or3A_212 : vector<64x2048xi32>
    %add3A_214 = arith.constant 466689008 : i32
    %add3A_215 = vector.broadcast %add3A_214 : i32 to vector<64x2048xi32>
    %add3A_216 = arith.addi %add3A_205, %add3A_215 : vector<64x2048xi32>
    %add3A_217 = arith.constant 5 : i32
    %add3A_218 = vector.broadcast %add3A_217 : i32 to vector<64x2048xi32>
    %add3A_219 = arith.addi %xor3A_213, %add3A_218 : vector<64x2048xi32>
    %xor3A_220 = arith.xori %add3A_216, %add3A_219 : vector<64x2048xi32>
    %shift_right_logical3A_221 = arith.constant 9 : i32
    %shift_right_logical3A_222 = vector.broadcast %shift_right_logical3A_221 : i32 to vector<64x2048xi32>
    %shift_right_logical3A_223 = arith.shrui %xor3A_220, %shift_right_logical3A_222 : vector<64x2048xi32>
    %or3A_224 = arith.constant 1065353216 : i32
    %or3A_225 = vector.broadcast %or3A_224 : i32 to vector<64x2048xi32>
    %or3A_226 = arith.ori %shift_right_logical3A_223, %or3A_225 : vector<64x2048xi32>
    %bitcast_convert_type3A = tpu.bitcast %or3A_226 : vector<64x2048xi32> -> vector<64x2048xf32>
    %sub3A = arith.constant 1.000000e+00 : f32
    %sub3A_227 = vector.broadcast %sub3A : f32 to vector<64x2048xf32>
    %sub3A_228 = arith.subf %bitcast_convert_type3A, %sub3A_227 : vector<64x2048xf32>
    %log3A = math.log %sub3A_228 : vector<64x2048xf32>
    %neg3A = arith.constant 0.000000e+00 : f32
    %neg3A_229 = vector.broadcast %neg3A : f32 to vector<64x2048xf32>
    %neg3A_230 = arith.subf %neg3A_229, %log3A : vector<64x2048xf32>
    %log3A_231 = math.log %neg3A_230 : vector<64x2048xf32>
    %neg3A_232 = arith.constant 0.000000e+00 : f32
    %neg3A_233 = vector.broadcast %neg3A_232 : f32 to vector<64x2048xf32>
    %neg3A_234 = arith.subf %neg3A_233, %log3A_231 : vector<64x2048xf32>
    %get3A = arith.constant 0 : index
    %get3A_235 = arith.constant 0 : index
    %get3A_236 = vector.load %arg1[%get3A, %get3A_235] : memref<64x8192xf32, #tpu.memory_space<vmem>>, vector<64x2048xf32>
    %add3A_237 = arith.addf %get3A_236, %neg3A_234 : vector<64x2048xf32>
    %reduce_max3A = arith.constant dense<0xFF800000> : vector<64xf32>
    %reduce_max3A_238 = vector.multi_reduction <maximumf>, %add3A_237, %reduce_max3A [1] : vector<64x2048xf32> to vector<64xf32>
    %broadcast_in_dim3A_239 = vector.shape_cast %reduce_max3A_238 : vector<64xf32> to vector<64x1xf32>
    %eq3A = vector.broadcast %broadcast_in_dim3A_239 : vector<64x1xf32> to vector<64x2048xf32>
    %eq3A_240 = arith.cmpf oeq, %add3A_237, %eq3A : vector<64x2048xf32>
    %jit3A = arith.constant 2048 : i32
    %broadcast_in_dim3A_241 = vector.broadcast %jit3A : i32 to vector<64x2048xi32>
    %select_n3A = arith.select %eq3A_240, %iota3A_3, %broadcast_in_dim3A_241 : vector<64x2048xi1>, vector<64x2048xi32>
    %reduce_min3A = arith.constant dense<2147483647> : vector<64xi32>
    %reduce_min3A_242 = vector.multi_reduction <minsi>, %select_n3A, %reduce_min3A [1] : vector<64x2048xi32> to vector<64xi32>
    %broadcast_in_dim3A_243 = vector.shape_cast %reduce_min3A_242 : vector<64xi32> to vector<64x1xi32>
    %add3A_244 = arith.constant 0 : i32
    %add3A_245 = vector.broadcast %add3A_244 : i32 to vector<64x1xi32>
    %add3A_246 = arith.addi %broadcast_in_dim3A_243, %add3A_245 : vector<64x1xi32>
    %gt3A = arith.cmpf ogt, %broadcast_in_dim3A_239, %broadcast_in_dim3A_9 : vector<64x1xf32>
    %select_n3A_247 = arith.select %gt3A, %broadcast_in_dim3A_239, %broadcast_in_dim3A_9 : vector<64x1xi1>, vector<64x1xf32>
    %select_n3A_248 = arith.select %gt3A, %add3A_246, %broadcast_in_dim3A_11 : vector<64x1xi1>, vector<64x1xi32>
    %add3A_249 = arith.constant 2090 : i32
    %add3A_250 = vector.broadcast %add3A_249 : i32 to vector<64x2048xi32>
    %add3A_251 = arith.addi %add3A_8, %add3A_250 : vector<64x2048xi32>
    %shift_left3A_252 = arith.constant 13 : i32
    %shift_left3A_253 = vector.broadcast %shift_left3A_252 : i32 to vector<64x2048xi32>
    %shift_left3A_254 = arith.shli %add3A_251, %shift_left3A_253 : vector<64x2048xi32>
    %shift_right_logical3A_255 = arith.constant 19 : i32
    %shift_right_logical3A_256 = vector.broadcast %shift_right_logical3A_255 : i32 to vector<64x2048xi32>
    %shift_right_logical3A_257 = arith.shrui %add3A_251, %shift_right_logical3A_256 : vector<64x2048xi32>
    %or3A_258 = arith.ori %shift_left3A_254, %shift_right_logical3A_257 : vector<64x2048xi32>
    %xor3A_259 = arith.xori %add3A_251, %or3A_258 : vector<64x2048xi32>
    %add3A_260 = arith.addi %add3A_251, %xor3A_259 : vector<64x2048xi32>
    %shift_left3A_261 = arith.constant 15 : i32
    %shift_left3A_262 = vector.broadcast %shift_left3A_261 : i32 to vector<64x2048xi32>
    %shift_left3A_263 = arith.shli %xor3A_259, %shift_left3A_262 : vector<64x2048xi32>
    %shift_right_logical3A_264 = arith.constant 17 : i32
    %shift_right_logical3A_265 = vector.broadcast %shift_right_logical3A_264 : i32 to vector<64x2048xi32>
    %shift_right_logical3A_266 = arith.shrui %xor3A_259, %shift_right_logical3A_265 : vector<64x2048xi32>
    %or3A_267 = arith.ori %shift_left3A_263, %shift_right_logical3A_266 : vector<64x2048xi32>
    %xor3A_268 = arith.xori %add3A_260, %or3A_267 : vector<64x2048xi32>
    %add3A_269 = arith.addi %add3A_260, %xor3A_268 : vector<64x2048xi32>
    %shift_left3A_270 = arith.constant 26 : i32
    %shift_left3A_271 = vector.broadcast %shift_left3A_270 : i32 to vector<64x2048xi32>
    %shift_left3A_272 = arith.shli %xor3A_268, %shift_left3A_271 : vector<64x2048xi32>
    %shift_right_logical3A_273 = arith.constant 6 : i32
    %shift_right_logical3A_274 = vector.broadcast %shift_right_logical3A_273 : i32 to vector<64x2048xi32>
    %shift_right_logical3A_275 = arith.shrui %xor3A_268, %shift_right_logical3A_274 : vector<64x2048xi32>
    %or3A_276 = arith.ori %shift_left3A_272, %shift_right_logical3A_275 : vector<64x2048xi32>
    %xor3A_277 = arith.xori %add3A_269, %or3A_276 : vector<64x2048xi32>
    %add3A_278 = arith.addi %add3A_269, %xor3A_277 : vector<64x2048xi32>
    %shift_left3A_279 = arith.constant 6 : i32
    %shift_left3A_280 = vector.broadcast %shift_left3A_279 : i32 to vector<64x2048xi32>
    %shift_left3A_281 = arith.shli %xor3A_277, %shift_left3A_280 : vector<64x2048xi32>
    %shift_right_logical3A_282 = arith.constant 26 : i32
    %shift_right_logical3A_283 = vector.broadcast %shift_right_logical3A_282 : i32 to vector<64x2048xi32>
    %shift_right_logical3A_284 = arith.shrui %xor3A_277, %shift_right_logical3A_283 : vector<64x2048xi32>
    %or3A_285 = arith.ori %shift_left3A_281, %shift_right_logical3A_284 : vector<64x2048xi32>
    %xor3A_286 = arith.xori %add3A_278, %or3A_285 : vector<64x2048xi32>
    %add3A_287 = arith.constant 42 : i32
    %add3A_288 = vector.broadcast %add3A_287 : i32 to vector<64x2048xi32>
    %add3A_289 = arith.addi %add3A_278, %add3A_288 : vector<64x2048xi32>
    %add3A_290 = arith.constant 466689009 : i32
    %add3A_291 = vector.broadcast %add3A_290 : i32 to vector<64x2048xi32>
    %add3A_292 = arith.addi %xor3A_286, %add3A_291 : vector<64x2048xi32>
    %add3A_293 = arith.addi %add3A_289, %add3A_292 : vector<64x2048xi32>
    %shift_left3A_294 = arith.constant 17 : i32
    %shift_left3A_295 = vector.broadcast %shift_left3A_294 : i32 to vector<64x2048xi32>
    %shift_left3A_296 = arith.shli %add3A_292, %shift_left3A_295 : vector<64x2048xi32>
    %shift_right_logical3A_297 = arith.constant 15 : i32
    %shift_right_logical3A_298 = vector.broadcast %shift_right_logical3A_297 : i32 to vector<64x2048xi32>
    %shift_right_logical3A_299 = arith.shrui %add3A_292, %shift_right_logical3A_298 : vector<64x2048xi32>
    %or3A_300 = arith.ori %shift_left3A_296, %shift_right_logical3A_299 : vector<64x2048xi32>
    %xor3A_301 = arith.xori %add3A_293, %or3A_300 : vector<64x2048xi32>
    %add3A_302 = arith.addi %add3A_293, %xor3A_301 : vector<64x2048xi32>
    %shift_left3A_303 = arith.constant 29 : i32
    %shift_left3A_304 = vector.broadcast %shift_left3A_303 : i32 to vector<64x2048xi32>
    %shift_left3A_305 = arith.shli %xor3A_301, %shift_left3A_304 : vector<64x2048xi32>
    %shift_right_logical3A_306 = arith.constant 3 : i32
    %shift_right_logical3A_307 = vector.broadcast %shift_right_logical3A_306 : i32 to vector<64x2048xi32>
    %shift_right_logical3A_308 = arith.shrui %xor3A_301, %shift_right_logical3A_307 : vector<64x2048xi32>
    %or3A_309 = arith.ori %shift_left3A_305, %shift_right_logical3A_308 : vector<64x2048xi32>
    %xor3A_310 = arith.xori %add3A_302, %or3A_309 : vector<64x2048xi32>
    %add3A_311 = arith.addi %add3A_302, %xor3A_310 : vector<64x2048xi32>
    %shift_left3A_312 = arith.constant 16 : i32
    %shift_left3A_313 = vector.broadcast %shift_left3A_312 : i32 to vector<64x2048xi32>
    %shift_left3A_314 = arith.shli %xor3A_310, %shift_left3A_313 : vector<64x2048xi32>
    %shift_right_logical3A_315 = arith.constant 16 : i32
    %shift_right_logical3A_316 = vector.broadcast %shift_right_logical3A_315 : i32 to vector<64x2048xi32>
    %shift_right_logical3A_317 = arith.shrui %xor3A_310, %shift_right_logical3A_316 : vector<64x2048xi32>
    %or3A_318 = arith.ori %shift_left3A_314, %shift_right_logical3A_317 : vector<64x2048xi32>
    %xor3A_319 = arith.xori %add3A_311, %or3A_318 : vector<64x2048xi32>
    %add3A_320 = arith.addi %add3A_311, %xor3A_319 : vector<64x2048xi32>
    %shift_left3A_321 = arith.constant 24 : i32
    %shift_left3A_322 = vector.broadcast %shift_left3A_321 : i32 to vector<64x2048xi32>
    %shift_left3A_323 = arith.shli %xor3A_319, %shift_left3A_322 : vector<64x2048xi32>
    %shift_right_logical3A_324 = arith.constant 8 : i32
    %shift_right_logical3A_325 = vector.broadcast %shift_right_logical3A_324 : i32 to vector<64x2048xi32>
    %shift_right_logical3A_326 = arith.shrui %xor3A_319, %shift_right_logical3A_325 : vector<64x2048xi32>
    %or3A_327 = arith.ori %shift_left3A_323, %shift_right_logical3A_326 : vector<64x2048xi32>
    %xor3A_328 = arith.xori %add3A_320, %or3A_327 : vector<64x2048xi32>
    %add3A_329 = arith.constant 466689008 : i32
    %add3A_330 = vector.broadcast %add3A_329 : i32 to vector<64x2048xi32>
    %add3A_331 = arith.addi %add3A_320, %add3A_330 : vector<64x2048xi32>
    %add3A_332 = arith.constant 2 : i32
    %add3A_333 = vector.broadcast %add3A_332 : i32 to vector<64x2048xi32>
    %add3A_334 = arith.addi %xor3A_328, %add3A_333 : vector<64x2048xi32>
    %add3A_335 = arith.addi %add3A_331, %add3A_334 : vector<64x2048xi32>
    %shift_left3A_336 = arith.constant 13 : i32
    %shift_left3A_337 = vector.broadcast %shift_left3A_336 : i32 to vector<64x2048xi32>
    %shift_left3A_338 = arith.shli %add3A_334, %shift_left3A_337 : vector<64x2048xi32>
    %shift_right_logical3A_339 = arith.constant 19 : i32
    %shift_right_logical3A_340 = vector.broadcast %shift_right_logical3A_339 : i32 to vector<64x2048xi32>
    %shift_right_logical3A_341 = arith.shrui %add3A_334, %shift_right_logical3A_340 : vector<64x2048xi32>
    %or3A_342 = arith.ori %shift_left3A_338, %shift_right_logical3A_341 : vector<64x2048xi32>
    %xor3A_343 = arith.xori %add3A_335, %or3A_342 : vector<64x2048xi32>
    %add3A_344 = arith.addi %add3A_335, %xor3A_343 : vector<64x2048xi32>
    %shift_left3A_345 = arith.constant 15 : i32
    %shift_left3A_346 = vector.broadcast %shift_left3A_345 : i32 to vector<64x2048xi32>
    %shift_left3A_347 = arith.shli %xor3A_343, %shift_left3A_346 : vector<64x2048xi32>
    %shift_right_logical3A_348 = arith.constant 17 : i32
    %shift_right_logical3A_349 = vector.broadcast %shift_right_logical3A_348 : i32 to vector<64x2048xi32>
    %shift_right_logical3A_350 = arith.shrui %xor3A_343, %shift_right_logical3A_349 : vector<64x2048xi32>
    %or3A_351 = arith.ori %shift_left3A_347, %shift_right_logical3A_350 : vector<64x2048xi32>
    %xor3A_352 = arith.xori %add3A_344, %or3A_351 : vector<64x2048xi32>
    %add3A_353 = arith.addi %add3A_344, %xor3A_352 : vector<64x2048xi32>
    %shift_left3A_354 = arith.constant 26 : i32
    %shift_left3A_355 = vector.broadcast %shift_left3A_354 : i32 to vector<64x2048xi32>
    %shift_left3A_356 = arith.shli %xor3A_352, %shift_left3A_355 : vector<64x2048xi32>
    %shift_right_logical3A_357 = arith.constant 6 : i32
    %shift_right_logical3A_358 = vector.broadcast %shift_right_logical3A_357 : i32 to vector<64x2048xi32>
    %shift_right_logical3A_359 = arith.shrui %xor3A_352, %shift_right_logical3A_358 : vector<64x2048xi32>
    %or3A_360 = arith.ori %shift_left3A_356, %shift_right_logical3A_359 : vector<64x2048xi32>
    %xor3A_361 = arith.xori %add3A_353, %or3A_360 : vector<64x2048xi32>
    %add3A_362 = arith.addi %add3A_353, %xor3A_361 : vector<64x2048xi32>
    %shift_left3A_363 = arith.constant 6 : i32
    %shift_left3A_364 = vector.broadcast %shift_left3A_363 : i32 to vector<64x2048xi32>
    %shift_left3A_365 = arith.shli %xor3A_361, %shift_left3A_364 : vector<64x2048xi32>
    %shift_right_logical3A_366 = arith.constant 26 : i32
    %shift_right_logical3A_367 = vector.broadcast %shift_right_logical3A_366 : i32 to vector<64x2048xi32>
    %shift_right_logical3A_368 = arith.shrui %xor3A_361, %shift_right_logical3A_367 : vector<64x2048xi32>
    %or3A_369 = arith.ori %shift_left3A_365, %shift_right_logical3A_368 : vector<64x2048xi32>
    %xor3A_370 = arith.xori %add3A_362, %or3A_369 : vector<64x2048xi32>
    %add3A_371 = arith.constant 0 : i32
    %add3A_372 = vector.broadcast %add3A_371 : i32 to vector<64x2048xi32>
    %add3A_373 = arith.addi %add3A_362, %add3A_372 : vector<64x2048xi32>
    %add3A_374 = arith.constant 45 : i32
    %add3A_375 = vector.broadcast %add3A_374 : i32 to vector<64x2048xi32>
    %add3A_376 = arith.addi %xor3A_370, %add3A_375 : vector<64x2048xi32>
    %add3A_377 = arith.addi %add3A_373, %add3A_376 : vector<64x2048xi32>
    %shift_left3A_378 = arith.constant 17 : i32
    %shift_left3A_379 = vector.broadcast %shift_left3A_378 : i32 to vector<64x2048xi32>
    %shift_left3A_380 = arith.shli %add3A_376, %shift_left3A_379 : vector<64x2048xi32>
    %shift_right_logical3A_381 = arith.constant 15 : i32
    %shift_right_logical3A_382 = vector.broadcast %shift_right_logical3A_381 : i32 to vector<64x2048xi32>
    %shift_right_logical3A_383 = arith.shrui %add3A_376, %shift_right_logical3A_382 : vector<64x2048xi32>
    %or3A_384 = arith.ori %shift_left3A_380, %shift_right_logical3A_383 : vector<64x2048xi32>
    %xor3A_385 = arith.xori %add3A_377, %or3A_384 : vector<64x2048xi32>
    %add3A_386 = arith.addi %add3A_377, %xor3A_385 : vector<64x2048xi32>
    %shift_left3A_387 = arith.constant 29 : i32
    %shift_left3A_388 = vector.broadcast %shift_left3A_387 : i32 to vector<64x2048xi32>
    %shift_left3A_389 = arith.shli %xor3A_385, %shift_left3A_388 : vector<64x2048xi32>
    %shift_right_logical3A_390 = arith.constant 3 : i32
    %shift_right_logical3A_391 = vector.broadcast %shift_right_logical3A_390 : i32 to vector<64x2048xi32>
    %shift_right_logical3A_392 = arith.shrui %xor3A_385, %shift_right_logical3A_391 : vector<64x2048xi32>
    %or3A_393 = arith.ori %shift_left3A_389, %shift_right_logical3A_392 : vector<64x2048xi32>
    %xor3A_394 = arith.xori %add3A_386, %or3A_393 : vector<64x2048xi32>
    %add3A_395 = arith.addi %add3A_386, %xor3A_394 : vector<64x2048xi32>
    %shift_left3A_396 = arith.constant 16 : i32
    %shift_left3A_397 = vector.broadcast %shift_left3A_396 : i32 to vector<64x2048xi32>
    %shift_left3A_398 = arith.shli %xor3A_394, %shift_left3A_397 : vector<64x2048xi32>
    %shift_right_logical3A_399 = arith.constant 16 : i32
    %shift_right_logical3A_400 = vector.broadcast %shift_right_logical3A_399 : i32 to vector<64x2048xi32>
    %shift_right_logical3A_401 = arith.shrui %xor3A_394, %shift_right_logical3A_400 : vector<64x2048xi32>
    %or3A_402 = arith.ori %shift_left3A_398, %shift_right_logical3A_401 : vector<64x2048xi32>
    %xor3A_403 = arith.xori %add3A_395, %or3A_402 : vector<64x2048xi32>
    %add3A_404 = arith.addi %add3A_395, %xor3A_403 : vector<64x2048xi32>
    %shift_left3A_405 = arith.constant 24 : i32
    %shift_left3A_406 = vector.broadcast %shift_left3A_405 : i32 to vector<64x2048xi32>
    %shift_left3A_407 = arith.shli %xor3A_403, %shift_left3A_406 : vector<64x2048xi32>
    %shift_right_logical3A_408 = arith.constant 8 : i32
    %shift_right_logical3A_409 = vector.broadcast %shift_right_logical3A_408 : i32 to vector<64x2048xi32>
    %shift_right_logical3A_410 = arith.shrui %xor3A_403, %shift_right_logical3A_409 : vector<64x2048xi32>
    %or3A_411 = arith.ori %shift_left3A_407, %shift_right_logical3A_410 : vector<64x2048xi32>
    %xor3A_412 = arith.xori %add3A_404, %or3A_411 : vector<64x2048xi32>
    %add3A_413 = arith.constant 42 : i32
    %add3A_414 = vector.broadcast %add3A_413 : i32 to vector<64x2048xi32>
    %add3A_415 = arith.addi %add3A_404, %add3A_414 : vector<64x2048xi32>
    %add3A_416 = arith.constant 466689012 : i32
    %add3A_417 = vector.broadcast %add3A_416 : i32 to vector<64x2048xi32>
    %add3A_418 = arith.addi %xor3A_412, %add3A_417 : vector<64x2048xi32>
    %add3A_419 = arith.addi %add3A_415, %add3A_418 : vector<64x2048xi32>
    %shift_left3A_420 = arith.constant 13 : i32
    %shift_left3A_421 = vector.broadcast %shift_left3A_420 : i32 to vector<64x2048xi32>
    %shift_left3A_422 = arith.shli %add3A_418, %shift_left3A_421 : vector<64x2048xi32>
    %shift_right_logical3A_423 = arith.constant 19 : i32
    %shift_right_logical3A_424 = vector.broadcast %shift_right_logical3A_423 : i32 to vector<64x2048xi32>
    %shift_right_logical3A_425 = arith.shrui %add3A_418, %shift_right_logical3A_424 : vector<64x2048xi32>
    %or3A_426 = arith.ori %shift_left3A_422, %shift_right_logical3A_425 : vector<64x2048xi32>
    %xor3A_427 = arith.xori %add3A_419, %or3A_426 : vector<64x2048xi32>
    %add3A_428 = arith.addi %add3A_419, %xor3A_427 : vector<64x2048xi32>
    %shift_left3A_429 = arith.constant 15 : i32
    %shift_left3A_430 = vector.broadcast %shift_left3A_429 : i32 to vector<64x2048xi32>
    %shift_left3A_431 = arith.shli %xor3A_427, %shift_left3A_430 : vector<64x2048xi32>
    %shift_right_logical3A_432 = arith.constant 17 : i32
    %shift_right_logical3A_433 = vector.broadcast %shift_right_logical3A_432 : i32 to vector<64x2048xi32>
    %shift_right_logical3A_434 = arith.shrui %xor3A_427, %shift_right_logical3A_433 : vector<64x2048xi32>
    %or3A_435 = arith.ori %shift_left3A_431, %shift_right_logical3A_434 : vector<64x2048xi32>
    %xor3A_436 = arith.xori %add3A_428, %or3A_435 : vector<64x2048xi32>
    %add3A_437 = arith.addi %add3A_428, %xor3A_436 : vector<64x2048xi32>
    %shift_left3A_438 = arith.constant 26 : i32
    %shift_left3A_439 = vector.broadcast %shift_left3A_438 : i32 to vector<64x2048xi32>
    %shift_left3A_440 = arith.shli %xor3A_436, %shift_left3A_439 : vector<64x2048xi32>
    %shift_right_logical3A_441 = arith.constant 6 : i32
    %shift_right_logical3A_442 = vector.broadcast %shift_right_logical3A_441 : i32 to vector<64x2048xi32>
    %shift_right_logical3A_443 = arith.shrui %xor3A_436, %shift_right_logical3A_442 : vector<64x2048xi32>
    %or3A_444 = arith.ori %shift_left3A_440, %shift_right_logical3A_443 : vector<64x2048xi32>
    %xor3A_445 = arith.xori %add3A_437, %or3A_444 : vector<64x2048xi32>
    %add3A_446 = arith.addi %add3A_437, %xor3A_445 : vector<64x2048xi32>
    %shift_left3A_447 = arith.constant 6 : i32
    %shift_left3A_448 = vector.broadcast %shift_left3A_447 : i32 to vector<64x2048xi32>
    %shift_left3A_449 = arith.shli %xor3A_445, %shift_left3A_448 : vector<64x2048xi32>
    %shift_right_logical3A_450 = arith.constant 26 : i32
    %shift_right_logical3A_451 = vector.broadcast %shift_right_logical3A_450 : i32 to vector<64x2048xi32>
    %shift_right_logical3A_452 = arith.shrui %xor3A_445, %shift_right_logical3A_451 : vector<64x2048xi32>
    %or3A_453 = arith.ori %shift_left3A_449, %shift_right_logical3A_452 : vector<64x2048xi32>
    %xor3A_454 = arith.xori %add3A_446, %or3A_453 : vector<64x2048xi32>
    %add3A_455 = arith.constant 466689008 : i32
    %add3A_456 = vector.broadcast %add3A_455 : i32 to vector<64x2048xi32>
    %add3A_457 = arith.addi %add3A_446, %add3A_456 : vector<64x2048xi32>
    %add3A_458 = arith.constant 5 : i32
    %add3A_459 = vector.broadcast %add3A_458 : i32 to vector<64x2048xi32>
    %add3A_460 = arith.addi %xor3A_454, %add3A_459 : vector<64x2048xi32>
    %xor3A_461 = arith.xori %add3A_457, %add3A_460 : vector<64x2048xi32>
    %shift_right_logical3A_462 = arith.constant 9 : i32
    %shift_right_logical3A_463 = vector.broadcast %shift_right_logical3A_462 : i32 to vector<64x2048xi32>
    %shift_right_logical3A_464 = arith.shrui %xor3A_461, %shift_right_logical3A_463 : vector<64x2048xi32>
    %or3A_465 = arith.constant 1065353216 : i32
    %or3A_466 = vector.broadcast %or3A_465 : i32 to vector<64x2048xi32>
    %or3A_467 = arith.ori %shift_right_logical3A_464, %or3A_466 : vector<64x2048xi32>
    %bitcast_convert_type3A_468 = tpu.bitcast %or3A_467 : vector<64x2048xi32> -> vector<64x2048xf32>
    %sub3A_469 = arith.constant 1.000000e+00 : f32
    %sub3A_470 = vector.broadcast %sub3A_469 : f32 to vector<64x2048xf32>
    %sub3A_471 = arith.subf %bitcast_convert_type3A_468, %sub3A_470 : vector<64x2048xf32>
    %log3A_472 = math.log %sub3A_471 : vector<64x2048xf32>
    %neg3A_473 = arith.constant 0.000000e+00 : f32
    %neg3A_474 = vector.broadcast %neg3A_473 : f32 to vector<64x2048xf32>
    %neg3A_475 = arith.subf %neg3A_474, %log3A_472 : vector<64x2048xf32>
    %log3A_476 = math.log %neg3A_475 : vector<64x2048xf32>
    %neg3A_477 = arith.constant 0.000000e+00 : f32
    %neg3A_478 = vector.broadcast %neg3A_477 : f32 to vector<64x2048xf32>
    %neg3A_479 = arith.subf %neg3A_478, %log3A_476 : vector<64x2048xf32>
    %get3A_480 = arith.constant 0 : index
    %get3A_481 = arith.constant 2048 : index
    %get3A_482 = vector.load %arg1[%get3A_480, %get3A_481] : memref<64x8192xf32, #tpu.memory_space<vmem>>, vector<64x2048xf32>
    %add3A_483 = arith.addf %get3A_482, %neg3A_479 : vector<64x2048xf32>
    %reduce_max3A_484 = arith.constant dense<0xFF800000> : vector<64xf32>
    %reduce_max3A_485 = vector.multi_reduction <maximumf>, %add3A_483, %reduce_max3A_484 [1] : vector<64x2048xf32> to vector<64xf32>
    %broadcast_in_dim3A_486 = vector.shape_cast %reduce_max3A_485 : vector<64xf32> to vector<64x1xf32>
    %eq3A_487 = vector.broadcast %broadcast_in_dim3A_486 : vector<64x1xf32> to vector<64x2048xf32>
    %eq3A_488 = arith.cmpf oeq, %add3A_483, %eq3A_487 : vector<64x2048xf32>
    %jit3A_489 = arith.constant 2048 : i32
    %broadcast_in_dim3A_490 = vector.broadcast %jit3A_489 : i32 to vector<64x2048xi32>
    %select_n3A_491 = arith.select %eq3A_488, %iota3A_3, %broadcast_in_dim3A_490 : vector<64x2048xi1>, vector<64x2048xi32>
    %reduce_min3A_492 = arith.constant dense<2147483647> : vector<64xi32>
    %reduce_min3A_493 = vector.multi_reduction <minsi>, %select_n3A_491, %reduce_min3A_492 [1] : vector<64x2048xi32> to vector<64xi32>
    %broadcast_in_dim3A_494 = vector.shape_cast %reduce_min3A_493 : vector<64xi32> to vector<64x1xi32>
    %add3A_495 = arith.constant 2048 : i32
    %add3A_496 = vector.broadcast %add3A_495 : i32 to vector<64x1xi32>
    %add3A_497 = arith.addi %broadcast_in_dim3A_494, %add3A_496 : vector<64x1xi32>
    %gt3A_498 = arith.cmpf ogt, %broadcast_in_dim3A_486, %select_n3A_247 : vector<64x1xf32>
    %select_n3A_499 = arith.select %gt3A_498, %broadcast_in_dim3A_486, %select_n3A_247 : vector<64x1xi1>, vector<64x1xf32>
    %select_n3A_500 = arith.select %gt3A_498, %add3A_497, %select_n3A_248 : vector<64x1xi1>, vector<64x1xi32>
    %add3A_501 = arith.constant 4138 : i32
    %add3A_502 = vector.broadcast %add3A_501 : i32 to vector<64x2048xi32>
    %add3A_503 = arith.addi %add3A_8, %add3A_502 : vector<64x2048xi32>
    %shift_left3A_504 = arith.constant 13 : i32
    %shift_left3A_505 = vector.broadcast %shift_left3A_504 : i32 to vector<64x2048xi32>
    %shift_left3A_506 = arith.shli %add3A_503, %shift_left3A_505 : vector<64x2048xi32>
    %shift_right_logical3A_507 = arith.constant 19 : i32
    %shift_right_logical3A_508 = vector.broadcast %shift_right_logical3A_507 : i32 to vector<64x2048xi32>
    %shift_right_logical3A_509 = arith.shrui %add3A_503, %shift_right_logical3A_508 : vector<64x2048xi32>
    %or3A_510 = arith.ori %shift_left3A_506, %shift_right_logical3A_509 : vector<64x2048xi32>
    %xor3A_511 = arith.xori %add3A_503, %or3A_510 : vector<64x2048xi32>
    %add3A_512 = arith.addi %add3A_503, %xor3A_511 : vector<64x2048xi32>
    %shift_left3A_513 = arith.constant 15 : i32
    %shift_left3A_514 = vector.broadcast %shift_left3A_513 : i32 to vector<64x2048xi32>
    %shift_left3A_515 = arith.shli %xor3A_511, %shift_left3A_514 : vector<64x2048xi32>
    %shift_right_logical3A_516 = arith.constant 17 : i32
    %shift_right_logical3A_517 = vector.broadcast %shift_right_logical3A_516 : i32 to vector<64x2048xi32>
    %shift_right_logical3A_518 = arith.shrui %xor3A_511, %shift_right_logical3A_517 : vector<64x2048xi32>
    %or3A_519 = arith.ori %shift_left3A_515, %shift_right_logical3A_518 : vector<64x2048xi32>
    %xor3A_520 = arith.xori %add3A_512, %or3A_519 : vector<64x2048xi32>
    %add3A_521 = arith.addi %add3A_512, %xor3A_520 : vector<64x2048xi32>
    %shift_left3A_522 = arith.constant 26 : i32
    %shift_left3A_523 = vector.broadcast %shift_left3A_522 : i32 to vector<64x2048xi32>
    %shift_left3A_524 = arith.shli %xor3A_520, %shift_left3A_523 : vector<64x2048xi32>
    %shift_right_logical3A_525 = arith.constant 6 : i32
    %shift_right_logical3A_526 = vector.broadcast %shift_right_logical3A_525 : i32 to vector<64x2048xi32>
    %shift_right_logical3A_527 = arith.shrui %xor3A_520, %shift_right_logical3A_526 : vector<64x2048xi32>
    %or3A_528 = arith.ori %shift_left3A_524, %shift_right_logical3A_527 : vector<64x2048xi32>
    %xor3A_529 = arith.xori %add3A_521, %or3A_528 : vector<64x2048xi32>
    %add3A_530 = arith.addi %add3A_521, %xor3A_529 : vector<64x2048xi32>
    %shift_left3A_531 = arith.constant 6 : i32
    %shift_left3A_532 = vector.broadcast %shift_left3A_531 : i32 to vector<64x2048xi32>
    %shift_left3A_533 = arith.shli %xor3A_529, %shift_left3A_532 : vector<64x2048xi32>
    %shift_right_logical3A_534 = arith.constant 26 : i32
    %shift_right_logical3A_535 = vector.broadcast %shift_right_logical3A_534 : i32 to vector<64x2048xi32>
    %shift_right_logical3A_536 = arith.shrui %xor3A_529, %shift_right_logical3A_535 : vector<64x2048xi32>
    %or3A_537 = arith.ori %shift_left3A_533, %shift_right_logical3A_536 : vector<64x2048xi32>
    %xor3A_538 = arith.xori %add3A_530, %or3A_537 : vector<64x2048xi32>
    %add3A_539 = arith.constant 42 : i32
    %add3A_540 = vector.broadcast %add3A_539 : i32 to vector<64x2048xi32>
    %add3A_541 = arith.addi %add3A_530, %add3A_540 : vector<64x2048xi32>
    %add3A_542 = arith.constant 466689009 : i32
    %add3A_543 = vector.broadcast %add3A_542 : i32 to vector<64x2048xi32>
    %add3A_544 = arith.addi %xor3A_538, %add3A_543 : vector<64x2048xi32>
    %add3A_545 = arith.addi %add3A_541, %add3A_544 : vector<64x2048xi32>
    %shift_left3A_546 = arith.constant 17 : i32
    %shift_left3A_547 = vector.broadcast %shift_left3A_546 : i32 to vector<64x2048xi32>
    %shift_left3A_548 = arith.shli %add3A_544, %shift_left3A_547 : vector<64x2048xi32>
    %shift_right_logical3A_549 = arith.constant 15 : i32
    %shift_right_logical3A_550 = vector.broadcast %shift_right_logical3A_549 : i32 to vector<64x2048xi32>
    %shift_right_logical3A_551 = arith.shrui %add3A_544, %shift_right_logical3A_550 : vector<64x2048xi32>
    %or3A_552 = arith.ori %shift_left3A_548, %shift_right_logical3A_551 : vector<64x2048xi32>
    %xor3A_553 = arith.xori %add3A_545, %or3A_552 : vector<64x2048xi32>
    %add3A_554 = arith.addi %add3A_545, %xor3A_553 : vector<64x2048xi32>
    %shift_left3A_555 = arith.constant 29 : i32
    %shift_left3A_556 = vector.broadcast %shift_left3A_555 : i32 to vector<64x2048xi32>
    %shift_left3A_557 = arith.shli %xor3A_553, %shift_left3A_556 : vector<64x2048xi32>
    %shift_right_logical3A_558 = arith.constant 3 : i32
    %shift_right_logical3A_559 = vector.broadcast %shift_right_logical3A_558 : i32 to vector<64x2048xi32>
    %shift_right_logical3A_560 = arith.shrui %xor3A_553, %shift_right_logical3A_559 : vector<64x2048xi32>
    %or3A_561 = arith.ori %shift_left3A_557, %shift_right_logical3A_560 : vector<64x2048xi32>
    %xor3A_562 = arith.xori %add3A_554, %or3A_561 : vector<64x2048xi32>
    %add3A_563 = arith.addi %add3A_554, %xor3A_562 : vector<64x2048xi32>
    %shift_left3A_564 = arith.constant 16 : i32
    %shift_left3A_565 = vector.broadcast %shift_left3A_564 : i32 to vector<64x2048xi32>
    %shift_left3A_566 = arith.shli %xor3A_562, %shift_left3A_565 : vector<64x2048xi32>
    %shift_right_logical3A_567 = arith.constant 16 : i32
    %shift_right_logical3A_568 = vector.broadcast %shift_right_logical3A_567 : i32 to vector<64x2048xi32>
    %shift_right_logical3A_569 = arith.shrui %xor3A_562, %shift_right_logical3A_568 : vector<64x2048xi32>
    %or3A_570 = arith.ori %shift_left3A_566, %shift_right_logical3A_569 : vector<64x2048xi32>
    %xor3A_571 = arith.xori %add3A_563, %or3A_570 : vector<64x2048xi32>
    %add3A_572 = arith.addi %add3A_563, %xor3A_571 : vector<64x2048xi32>
    %shift_left3A_573 = arith.constant 24 : i32
    %shift_left3A_574 = vector.broadcast %shift_left3A_573 : i32 to vector<64x2048xi32>
    %shift_left3A_575 = arith.shli %xor3A_571, %shift_left3A_574 : vector<64x2048xi32>
    %shift_right_logical3A_576 = arith.constant 8 : i32
    %shift_right_logical3A_577 = vector.broadcast %shift_right_logical3A_576 : i32 to vector<64x2048xi32>
    %shift_right_logical3A_578 = arith.shrui %xor3A_571, %shift_right_logical3A_577 : vector<64x2048xi32>
    %or3A_579 = arith.ori %shift_left3A_575, %shift_right_logical3A_578 : vector<64x2048xi32>
    %xor3A_580 = arith.xori %add3A_572, %or3A_579 : vector<64x2048xi32>
    %add3A_581 = arith.constant 466689008 : i32
    %add3A_582 = vector.broadcast %add3A_581 : i32 to vector<64x2048xi32>
    %add3A_583 = arith.addi %add3A_572, %add3A_582 : vector<64x2048xi32>
    %add3A_584 = arith.constant 2 : i32
    %add3A_585 = vector.broadcast %add3A_584 : i32 to vector<64x2048xi32>
    %add3A_586 = arith.addi %xor3A_580, %add3A_585 : vector<64x2048xi32>
    %add3A_587 = arith.addi %add3A_583, %add3A_586 : vector<64x2048xi32>
    %shift_left3A_588 = arith.constant 13 : i32
    %shift_left3A_589 = vector.broadcast %shift_left3A_588 : i32 to vector<64x2048xi32>
    %shift_left3A_590 = arith.shli %add3A_586, %shift_left3A_589 : vector<64x2048xi32>
    %shift_right_logical3A_591 = arith.constant 19 : i32
    %shift_right_logical3A_592 = vector.broadcast %shift_right_logical3A_591 : i32 to vector<64x2048xi32>
    %shift_right_logical3A_593 = arith.shrui %add3A_586, %shift_right_logical3A_592 : vector<64x2048xi32>
    %or3A_594 = arith.ori %shift_left3A_590, %shift_right_logical3A_593 : vector<64x2048xi32>
    %xor3A_595 = arith.xori %add3A_587, %or3A_594 : vector<64x2048xi32>
    %add3A_596 = arith.addi %add3A_587, %xor3A_595 : vector<64x2048xi32>
    %shift_left3A_597 = arith.constant 15 : i32
    %shift_left3A_598 = vector.broadcast %shift_left3A_597 : i32 to vector<64x2048xi32>
    %shift_left3A_599 = arith.shli %xor3A_595, %shift_left3A_598 : vector<64x2048xi32>
    %shift_right_logical3A_600 = arith.constant 17 : i32
    %shift_right_logical3A_601 = vector.broadcast %shift_right_logical3A_600 : i32 to vector<64x2048xi32>
    %shift_right_logical3A_602 = arith.shrui %xor3A_595, %shift_right_logical3A_601 : vector<64x2048xi32>
    %or3A_603 = arith.ori %shift_left3A_599, %shift_right_logical3A_602 : vector<64x2048xi32>
    %xor3A_604 = arith.xori %add3A_596, %or3A_603 : vector<64x2048xi32>
    %add3A_605 = arith.addi %add3A_596, %xor3A_604 : vector<64x2048xi32>
    %shift_left3A_606 = arith.constant 26 : i32
    %shift_left3A_607 = vector.broadcast %shift_left3A_606 : i32 to vector<64x2048xi32>
    %shift_left3A_608 = arith.shli %xor3A_604, %shift_left3A_607 : vector<64x2048xi32>
    %shift_right_logical3A_609 = arith.constant 6 : i32
    %shift_right_logical3A_610 = vector.broadcast %shift_right_logical3A_609 : i32 to vector<64x2048xi32>
    %shift_right_logical3A_611 = arith.shrui %xor3A_604, %shift_right_logical3A_610 : vector<64x2048xi32>
    %or3A_612 = arith.ori %shift_left3A_608, %shift_right_logical3A_611 : vector<64x2048xi32>
    %xor3A_613 = arith.xori %add3A_605, %or3A_612 : vector<64x2048xi32>
    %add3A_614 = arith.addi %add3A_605, %xor3A_613 : vector<64x2048xi32>
    %shift_left3A_615 = arith.constant 6 : i32
    %shift_left3A_616 = vector.broadcast %shift_left3A_615 : i32 to vector<64x2048xi32>
    %shift_left3A_617 = arith.shli %xor3A_613, %shift_left3A_616 : vector<64x2048xi32>
    %shift_right_logical3A_618 = arith.constant 26 : i32
    %shift_right_logical3A_619 = vector.broadcast %shift_right_logical3A_618 : i32 to vector<64x2048xi32>
    %shift_right_logical3A_620 = arith.shrui %xor3A_613, %shift_right_logical3A_619 : vector<64x2048xi32>
    %or3A_621 = arith.ori %shift_left3A_617, %shift_right_logical3A_620 : vector<64x2048xi32>
    %xor3A_622 = arith.xori %add3A_614, %or3A_621 : vector<64x2048xi32>
    %add3A_623 = arith.constant 0 : i32
    %add3A_624 = vector.broadcast %add3A_623 : i32 to vector<64x2048xi32>
    %add3A_625 = arith.addi %add3A_614, %add3A_624 : vector<64x2048xi32>
    %add3A_626 = arith.constant 45 : i32
    %add3A_627 = vector.broadcast %add3A_626 : i32 to vector<64x2048xi32>
    %add3A_628 = arith.addi %xor3A_622, %add3A_627 : vector<64x2048xi32>
    %add3A_629 = arith.addi %add3A_625, %add3A_628 : vector<64x2048xi32>
    %shift_left3A_630 = arith.constant 17 : i32
    %shift_left3A_631 = vector.broadcast %shift_left3A_630 : i32 to vector<64x2048xi32>
    %shift_left3A_632 = arith.shli %add3A_628, %shift_left3A_631 : vector<64x2048xi32>
    %shift_right_logical3A_633 = arith.constant 15 : i32
    %shift_right_logical3A_634 = vector.broadcast %shift_right_logical3A_633 : i32 to vector<64x2048xi32>
    %shift_right_logical3A_635 = arith.shrui %add3A_628, %shift_right_logical3A_634 : vector<64x2048xi32>
    %or3A_636 = arith.ori %shift_left3A_632, %shift_right_logical3A_635 : vector<64x2048xi32>
    %xor3A_637 = arith.xori %add3A_629, %or3A_636 : vector<64x2048xi32>
    %add3A_638 = arith.addi %add3A_629, %xor3A_637 : vector<64x2048xi32>
    %shift_left3A_639 = arith.constant 29 : i32
    %shift_left3A_640 = vector.broadcast %shift_left3A_639 : i32 to vector<64x2048xi32>
    %shift_left3A_641 = arith.shli %xor3A_637, %shift_left3A_640 : vector<64x2048xi32>
    %shift_right_logical3A_642 = arith.constant 3 : i32
    %shift_right_logical3A_643 = vector.broadcast %shift_right_logical3A_642 : i32 to vector<64x2048xi32>
    %shift_right_logical3A_644 = arith.shrui %xor3A_637, %shift_right_logical3A_643 : vector<64x2048xi32>
    %or3A_645 = arith.ori %shift_left3A_641, %shift_right_logical3A_644 : vector<64x2048xi32>
    %xor3A_646 = arith.xori %add3A_638, %or3A_645 : vector<64x2048xi32>
    %add3A_647 = arith.addi %add3A_638, %xor3A_646 : vector<64x2048xi32>
    %shift_left3A_648 = arith.constant 16 : i32
    %shift_left3A_649 = vector.broadcast %shift_left3A_648 : i32 to vector<64x2048xi32>
    %shift_left3A_650 = arith.shli %xor3A_646, %shift_left3A_649 : vector<64x2048xi32>
    %shift_right_logical3A_651 = arith.constant 16 : i32
    %shift_right_logical3A_652 = vector.broadcast %shift_right_logical3A_651 : i32 to vector<64x2048xi32>
    %shift_right_logical3A_653 = arith.shrui %xor3A_646, %shift_right_logical3A_652 : vector<64x2048xi32>
    %or3A_654 = arith.ori %shift_left3A_650, %shift_right_logical3A_653 : vector<64x2048xi32>
    %xor3A_655 = arith.xori %add3A_647, %or3A_654 : vector<64x2048xi32>
    %add3A_656 = arith.addi %add3A_647, %xor3A_655 : vector<64x2048xi32>
    %shift_left3A_657 = arith.constant 24 : i32
    %shift_left3A_658 = vector.broadcast %shift_left3A_657 : i32 to vector<64x2048xi32>
    %shift_left3A_659 = arith.shli %xor3A_655, %shift_left3A_658 : vector<64x2048xi32>
    %shift_right_logical3A_660 = arith.constant 8 : i32
    %shift_right_logical3A_661 = vector.broadcast %shift_right_logical3A_660 : i32 to vector<64x2048xi32>
    %shift_right_logical3A_662 = arith.shrui %xor3A_655, %shift_right_logical3A_661 : vector<64x2048xi32>
    %or3A_663 = arith.ori %shift_left3A_659, %shift_right_logical3A_662 : vector<64x2048xi32>
    %xor3A_664 = arith.xori %add3A_656, %or3A_663 : vector<64x2048xi32>
    %add3A_665 = arith.constant 42 : i32
    %add3A_666 = vector.broadcast %add3A_665 : i32 to vector<64x2048xi32>
    %add3A_667 = arith.addi %add3A_656, %add3A_666 : vector<64x2048xi32>
    %add3A_668 = arith.constant 466689012 : i32
    %add3A_669 = vector.broadcast %add3A_668 : i32 to vector<64x2048xi32>
    %add3A_670 = arith.addi %xor3A_664, %add3A_669 : vector<64x2048xi32>
    %add3A_671 = arith.addi %add3A_667, %add3A_670 : vector<64x2048xi32>
    %shift_left3A_672 = arith.constant 13 : i32
    %shift_left3A_673 = vector.broadcast %shift_left3A_672 : i32 to vector<64x2048xi32>
    %shift_left3A_674 = arith.shli %add3A_670, %shift_left3A_673 : vector<64x2048xi32>
    %shift_right_logical3A_675 = arith.constant 19 : i32
    %shift_right_logical3A_676 = vector.broadcast %shift_right_logical3A_675 : i32 to vector<64x2048xi32>
    %shift_right_logical3A_677 = arith.shrui %add3A_670, %shift_right_logical3A_676 : vector<64x2048xi32>
    %or3A_678 = arith.ori %shift_left3A_674, %shift_right_logical3A_677 : vector<64x2048xi32>
    %xor3A_679 = arith.xori %add3A_671, %or3A_678 : vector<64x2048xi32>
    %add3A_680 = arith.addi %add3A_671, %xor3A_679 : vector<64x2048xi32>
    %shift_left3A_681 = arith.constant 15 : i32
    %shift_left3A_682 = vector.broadcast %shift_left3A_681 : i32 to vector<64x2048xi32>
    %shift_left3A_683 = arith.shli %xor3A_679, %shift_left3A_682 : vector<64x2048xi32>
    %shift_right_logical3A_684 = arith.constant 17 : i32
    %shift_right_logical3A_685 = vector.broadcast %shift_right_logical3A_684 : i32 to vector<64x2048xi32>
    %shift_right_logical3A_686 = arith.shrui %xor3A_679, %shift_right_logical3A_685 : vector<64x2048xi32>
    %or3A_687 = arith.ori %shift_left3A_683, %shift_right_logical3A_686 : vector<64x2048xi32>
    %xor3A_688 = arith.xori %add3A_680, %or3A_687 : vector<64x2048xi32>
    %add3A_689 = arith.addi %add3A_680, %xor3A_688 : vector<64x2048xi32>
    %shift_left3A_690 = arith.constant 26 : i32
    %shift_left3A_691 = vector.broadcast %shift_left3A_690 : i32 to vector<64x2048xi32>
    %shift_left3A_692 = arith.shli %xor3A_688, %shift_left3A_691 : vector<64x2048xi32>
    %shift_right_logical3A_693 = arith.constant 6 : i32
    %shift_right_logical3A_694 = vector.broadcast %shift_right_logical3A_693 : i32 to vector<64x2048xi32>
    %shift_right_logical3A_695 = arith.shrui %xor3A_688, %shift_right_logical3A_694 : vector<64x2048xi32>
    %or3A_696 = arith.ori %shift_left3A_692, %shift_right_logical3A_695 : vector<64x2048xi32>
    %xor3A_697 = arith.xori %add3A_689, %or3A_696 : vector<64x2048xi32>
    %add3A_698 = arith.addi %add3A_689, %xor3A_697 : vector<64x2048xi32>
    %shift_left3A_699 = arith.constant 6 : i32
    %shift_left3A_700 = vector.broadcast %shift_left3A_699 : i32 to vector<64x2048xi32>
    %shift_left3A_701 = arith.shli %xor3A_697, %shift_left3A_700 : vector<64x2048xi32>
    %shift_right_logical3A_702 = arith.constant 26 : i32
    %shift_right_logical3A_703 = vector.broadcast %shift_right_logical3A_702 : i32 to vector<64x2048xi32>
    %shift_right_logical3A_704 = arith.shrui %xor3A_697, %shift_right_logical3A_703 : vector<64x2048xi32>
    %or3A_705 = arith.ori %shift_left3A_701, %shift_right_logical3A_704 : vector<64x2048xi32>
    %xor3A_706 = arith.xori %add3A_698, %or3A_705 : vector<64x2048xi32>
    %add3A_707 = arith.constant 466689008 : i32
    %add3A_708 = vector.broadcast %add3A_707 : i32 to vector<64x2048xi32>
    %add3A_709 = arith.addi %add3A_698, %add3A_708 : vector<64x2048xi32>
    %add3A_710 = arith.constant 5 : i32
    %add3A_711 = vector.broadcast %add3A_710 : i32 to vector<64x2048xi32>
    %add3A_712 = arith.addi %xor3A_706, %add3A_711 : vector<64x2048xi32>
    %xor3A_713 = arith.xori %add3A_709, %add3A_712 : vector<64x2048xi32>
    %shift_right_logical3A_714 = arith.constant 9 : i32
    %shift_right_logical3A_715 = vector.broadcast %shift_right_logical3A_714 : i32 to vector<64x2048xi32>
    %shift_right_logical3A_716 = arith.shrui %xor3A_713, %shift_right_logical3A_715 : vector<64x2048xi32>
    %or3A_717 = arith.constant 1065353216 : i32
    %or3A_718 = vector.broadcast %or3A_717 : i32 to vector<64x2048xi32>
    %or3A_719 = arith.ori %shift_right_logical3A_716, %or3A_718 : vector<64x2048xi32>
    %bitcast_convert_type3A_720 = tpu.bitcast %or3A_719 : vector<64x2048xi32> -> vector<64x2048xf32>
    %sub3A_721 = arith.constant 1.000000e+00 : f32
    %sub3A_722 = vector.broadcast %sub3A_721 : f32 to vector<64x2048xf32>
    %sub3A_723 = arith.subf %bitcast_convert_type3A_720, %sub3A_722 : vector<64x2048xf32>
    %log3A_724 = math.log %sub3A_723 : vector<64x2048xf32>
    %neg3A_725 = arith.constant 0.000000e+00 : f32
    %neg3A_726 = vector.broadcast %neg3A_725 : f32 to vector<64x2048xf32>
    %neg3A_727 = arith.subf %neg3A_726, %log3A_724 : vector<64x2048xf32>
    %log3A_728 = math.log %neg3A_727 : vector<64x2048xf32>
    %neg3A_729 = arith.constant 0.000000e+00 : f32
    %neg3A_730 = vector.broadcast %neg3A_729 : f32 to vector<64x2048xf32>
    %neg3A_731 = arith.subf %neg3A_730, %log3A_728 : vector<64x2048xf32>
    %get3A_732 = arith.constant 0 : index
    %get3A_733 = arith.constant 4096 : index
    %get3A_734 = vector.load %arg1[%get3A_732, %get3A_733] : memref<64x8192xf32, #tpu.memory_space<vmem>>, vector<64x2048xf32>
    %add3A_735 = arith.addf %get3A_734, %neg3A_731 : vector<64x2048xf32>
    %reduce_max3A_736 = arith.constant dense<0xFF800000> : vector<64xf32>
    %reduce_max3A_737 = vector.multi_reduction <maximumf>, %add3A_735, %reduce_max3A_736 [1] : vector<64x2048xf32> to vector<64xf32>
    %broadcast_in_dim3A_738 = vector.shape_cast %reduce_max3A_737 : vector<64xf32> to vector<64x1xf32>
    %eq3A_739 = vector.broadcast %broadcast_in_dim3A_738 : vector<64x1xf32> to vector<64x2048xf32>
    %eq3A_740 = arith.cmpf oeq, %add3A_735, %eq3A_739 : vector<64x2048xf32>
    %jit3A_741 = arith.constant 2048 : i32
    %broadcast_in_dim3A_742 = vector.broadcast %jit3A_741 : i32 to vector<64x2048xi32>
    %select_n3A_743 = arith.select %eq3A_740, %iota3A_3, %broadcast_in_dim3A_742 : vector<64x2048xi1>, vector<64x2048xi32>
    %reduce_min3A_744 = arith.constant dense<2147483647> : vector<64xi32>
    %reduce_min3A_745 = vector.multi_reduction <minsi>, %select_n3A_743, %reduce_min3A_744 [1] : vector<64x2048xi32> to vector<64xi32>
    %broadcast_in_dim3A_746 = vector.shape_cast %reduce_min3A_745 : vector<64xi32> to vector<64x1xi32>
    %add3A_747 = arith.constant 4096 : i32
    %add3A_748 = vector.broadcast %add3A_747 : i32 to vector<64x1xi32>
    %add3A_749 = arith.addi %broadcast_in_dim3A_746, %add3A_748 : vector<64x1xi32>
    %gt3A_750 = arith.cmpf ogt, %broadcast_in_dim3A_738, %select_n3A_499 : vector<64x1xf32>
    %select_n3A_751 = arith.select %gt3A_750, %broadcast_in_dim3A_738, %select_n3A_499 : vector<64x1xi1>, vector<64x1xf32>
    %select_n3A_752 = arith.select %gt3A_750, %add3A_749, %select_n3A_500 : vector<64x1xi1>, vector<64x1xi32>
    %add3A_753 = arith.constant 6186 : i32
    %add3A_754 = vector.broadcast %add3A_753 : i32 to vector<64x2048xi32>
    %add3A_755 = arith.addi %add3A_8, %add3A_754 : vector<64x2048xi32>
    %shift_left3A_756 = arith.constant 13 : i32
    %shift_left3A_757 = vector.broadcast %shift_left3A_756 : i32 to vector<64x2048xi32>
    %shift_left3A_758 = arith.shli %add3A_755, %shift_left3A_757 : vector<64x2048xi32>
    %shift_right_logical3A_759 = arith.constant 19 : i32
    %shift_right_logical3A_760 = vector.broadcast %shift_right_logical3A_759 : i32 to vector<64x2048xi32>
    %shift_right_logical3A_761 = arith.shrui %add3A_755, %shift_right_logical3A_760 : vector<64x2048xi32>
    %or3A_762 = arith.ori %shift_left3A_758, %shift_right_logical3A_761 : vector<64x2048xi32>
    %xor3A_763 = arith.xori %add3A_755, %or3A_762 : vector<64x2048xi32>
    %add3A_764 = arith.addi %add3A_755, %xor3A_763 : vector<64x2048xi32>
    %shift_left3A_765 = arith.constant 15 : i32
    %shift_left3A_766 = vector.broadcast %shift_left3A_765 : i32 to vector<64x2048xi32>
    %shift_left3A_767 = arith.shli %xor3A_763, %shift_left3A_766 : vector<64x2048xi32>
    %shift_right_logical3A_768 = arith.constant 17 : i32
    %shift_right_logical3A_769 = vector.broadcast %shift_right_logical3A_768 : i32 to vector<64x2048xi32>
    %shift_right_logical3A_770 = arith.shrui %xor3A_763, %shift_right_logical3A_769 : vector<64x2048xi32>
    %or3A_771 = arith.ori %shift_left3A_767, %shift_right_logical3A_770 : vector<64x2048xi32>
    %xor3A_772 = arith.xori %add3A_764, %or3A_771 : vector<64x2048xi32>
    %add3A_773 = arith.addi %add3A_764, %xor3A_772 : vector<64x2048xi32>
    %shift_left3A_774 = arith.constant 26 : i32
    %shift_left3A_775 = vector.broadcast %shift_left3A_774 : i32 to vector<64x2048xi32>
    %shift_left3A_776 = arith.shli %xor3A_772, %shift_left3A_775 : vector<64x2048xi32>
    %shift_right_logical3A_777 = arith.constant 6 : i32
    %shift_right_logical3A_778 = vector.broadcast %shift_right_logical3A_777 : i32 to vector<64x2048xi32>
    %shift_right_logical3A_779 = arith.shrui %xor3A_772, %shift_right_logical3A_778 : vector<64x2048xi32>
    %or3A_780 = arith.ori %shift_left3A_776, %shift_right_logical3A_779 : vector<64x2048xi32>
    %xor3A_781 = arith.xori %add3A_773, %or3A_780 : vector<64x2048xi32>
    %add3A_782 = arith.addi %add3A_773, %xor3A_781 : vector<64x2048xi32>
    %shift_left3A_783 = arith.constant 6 : i32
    %shift_left3A_784 = vector.broadcast %shift_left3A_783 : i32 to vector<64x2048xi32>
    %shift_left3A_785 = arith.shli %xor3A_781, %shift_left3A_784 : vector<64x2048xi32>
    %shift_right_logical3A_786 = arith.constant 26 : i32
    %shift_right_logical3A_787 = vector.broadcast %shift_right_logical3A_786 : i32 to vector<64x2048xi32>
    %shift_right_logical3A_788 = arith.shrui %xor3A_781, %shift_right_logical3A_787 : vector<64x2048xi32>
    %or3A_789 = arith.ori %shift_left3A_785, %shift_right_logical3A_788 : vector<64x2048xi32>
    %xor3A_790 = arith.xori %add3A_782, %or3A_789 : vector<64x2048xi32>
    %add3A_791 = arith.constant 42 : i32
    %add3A_792 = vector.broadcast %add3A_791 : i32 to vector<64x2048xi32>
    %add3A_793 = arith.addi %add3A_782, %add3A_792 : vector<64x2048xi32>
    %add3A_794 = arith.constant 466689009 : i32
    %add3A_795 = vector.broadcast %add3A_794 : i32 to vector<64x2048xi32>
    %add3A_796 = arith.addi %xor3A_790, %add3A_795 : vector<64x2048xi32>
    %add3A_797 = arith.addi %add3A_793, %add3A_796 : vector<64x2048xi32>
    %shift_left3A_798 = arith.constant 17 : i32
    %shift_left3A_799 = vector.broadcast %shift_left3A_798 : i32 to vector<64x2048xi32>
    %shift_left3A_800 = arith.shli %add3A_796, %shift_left3A_799 : vector<64x2048xi32>
    %shift_right_logical3A_801 = arith.constant 15 : i32
    %shift_right_logical3A_802 = vector.broadcast %shift_right_logical3A_801 : i32 to vector<64x2048xi32>
    %shift_right_logical3A_803 = arith.shrui %add3A_796, %shift_right_logical3A_802 : vector<64x2048xi32>
    %or3A_804 = arith.ori %shift_left3A_800, %shift_right_logical3A_803 : vector<64x2048xi32>
    %xor3A_805 = arith.xori %add3A_797, %or3A_804 : vector<64x2048xi32>
    %add3A_806 = arith.addi %add3A_797, %xor3A_805 : vector<64x2048xi32>
    %shift_left3A_807 = arith.constant 29 : i32
    %shift_left3A_808 = vector.broadcast %shift_left3A_807 : i32 to vector<64x2048xi32>
    %shift_left3A_809 = arith.shli %xor3A_805, %shift_left3A_808 : vector<64x2048xi32>
    %shift_right_logical3A_810 = arith.constant 3 : i32
    %shift_right_logical3A_811 = vector.broadcast %shift_right_logical3A_810 : i32 to vector<64x2048xi32>
    %shift_right_logical3A_812 = arith.shrui %xor3A_805, %shift_right_logical3A_811 : vector<64x2048xi32>
    %or3A_813 = arith.ori %shift_left3A_809, %shift_right_logical3A_812 : vector<64x2048xi32>
    %xor3A_814 = arith.xori %add3A_806, %or3A_813 : vector<64x2048xi32>
    %add3A_815 = arith.addi %add3A_806, %xor3A_814 : vector<64x2048xi32>
    %shift_left3A_816 = arith.constant 16 : i32
    %shift_left3A_817 = vector.broadcast %shift_left3A_816 : i32 to vector<64x2048xi32>
    %shift_left3A_818 = arith.shli %xor3A_814, %shift_left3A_817 : vector<64x2048xi32>
    %shift_right_logical3A_819 = arith.constant 16 : i32
    %shift_right_logical3A_820 = vector.broadcast %shift_right_logical3A_819 : i32 to vector<64x2048xi32>
    %shift_right_logical3A_821 = arith.shrui %xor3A_814, %shift_right_logical3A_820 : vector<64x2048xi32>
    %or3A_822 = arith.ori %shift_left3A_818, %shift_right_logical3A_821 : vector<64x2048xi32>
    %xor3A_823 = arith.xori %add3A_815, %or3A_822 : vector<64x2048xi32>
    %add3A_824 = arith.addi %add3A_815, %xor3A_823 : vector<64x2048xi32>
    %shift_left3A_825 = arith.constant 24 : i32
    %shift_left3A_826 = vector.broadcast %shift_left3A_825 : i32 to vector<64x2048xi32>
    %shift_left3A_827 = arith.shli %xor3A_823, %shift_left3A_826 : vector<64x2048xi32>
    %shift_right_logical3A_828 = arith.constant 8 : i32
    %shift_right_logical3A_829 = vector.broadcast %shift_right_logical3A_828 : i32 to vector<64x2048xi32>
    %shift_right_logical3A_830 = arith.shrui %xor3A_823, %shift_right_logical3A_829 : vector<64x2048xi32>
    %or3A_831 = arith.ori %shift_left3A_827, %shift_right_logical3A_830 : vector<64x2048xi32>
    %xor3A_832 = arith.xori %add3A_824, %or3A_831 : vector<64x2048xi32>
    %add3A_833 = arith.constant 466689008 : i32
    %add3A_834 = vector.broadcast %add3A_833 : i32 to vector<64x2048xi32>
    %add3A_835 = arith.addi %add3A_824, %add3A_834 : vector<64x2048xi32>
    %add3A_836 = arith.constant 2 : i32
    %add3A_837 = vector.broadcast %add3A_836 : i32 to vector<64x2048xi32>
    %add3A_838 = arith.addi %xor3A_832, %add3A_837 : vector<64x2048xi32>
    %add3A_839 = arith.addi %add3A_835, %add3A_838 : vector<64x2048xi32>
    %shift_left3A_840 = arith.constant 13 : i32
    %shift_left3A_841 = vector.broadcast %shift_left3A_840 : i32 to vector<64x2048xi32>
    %shift_left3A_842 = arith.shli %add3A_838, %shift_left3A_841 : vector<64x2048xi32>
    %shift_right_logical3A_843 = arith.constant 19 : i32
    %shift_right_logical3A_844 = vector.broadcast %shift_right_logical3A_843 : i32 to vector<64x2048xi32>
    %shift_right_logical3A_845 = arith.shrui %add3A_838, %shift_right_logical3A_844 : vector<64x2048xi32>
    %or3A_846 = arith.ori %shift_left3A_842, %shift_right_logical3A_845 : vector<64x2048xi32>
    %xor3A_847 = arith.xori %add3A_839, %or3A_846 : vector<64x2048xi32>
    %add3A_848 = arith.addi %add3A_839, %xor3A_847 : vector<64x2048xi32>
    %shift_left3A_849 = arith.constant 15 : i32
    %shift_left3A_850 = vector.broadcast %shift_left3A_849 : i32 to vector<64x2048xi32>
    %shift_left3A_851 = arith.shli %xor3A_847, %shift_left3A_850 : vector<64x2048xi32>
    %shift_right_logical3A_852 = arith.constant 17 : i32
    %shift_right_logical3A_853 = vector.broadcast %shift_right_logical3A_852 : i32 to vector<64x2048xi32>
    %shift_right_logical3A_854 = arith.shrui %xor3A_847, %shift_right_logical3A_853 : vector<64x2048xi32>
    %or3A_855 = arith.ori %shift_left3A_851, %shift_right_logical3A_854 : vector<64x2048xi32>
    %xor3A_856 = arith.xori %add3A_848, %or3A_855 : vector<64x2048xi32>
    %add3A_857 = arith.addi %add3A_848, %xor3A_856 : vector<64x2048xi32>
    %shift_left3A_858 = arith.constant 26 : i32
    %shift_left3A_859 = vector.broadcast %shift_left3A_858 : i32 to vector<64x2048xi32>
    %shift_left3A_860 = arith.shli %xor3A_856, %shift_left3A_859 : vector<64x2048xi32>
    %shift_right_logical3A_861 = arith.constant 6 : i32
    %shift_right_logical3A_862 = vector.broadcast %shift_right_logical3A_861 : i32 to vector<64x2048xi32>
    %shift_right_logical3A_863 = arith.shrui %xor3A_856, %shift_right_logical3A_862 : vector<64x2048xi32>
    %or3A_864 = arith.ori %shift_left3A_860, %shift_right_logical3A_863 : vector<64x2048xi32>
    %xor3A_865 = arith.xori %add3A_857, %or3A_864 : vector<64x2048xi32>
    %add3A_866 = arith.addi %add3A_857, %xor3A_865 : vector<64x2048xi32>
    %shift_left3A_867 = arith.constant 6 : i32
    %shift_left3A_868 = vector.broadcast %shift_left3A_867 : i32 to vector<64x2048xi32>
    %shift_left3A_869 = arith.shli %xor3A_865, %shift_left3A_868 : vector<64x2048xi32>
    %shift_right_logical3A_870 = arith.constant 26 : i32
    %shift_right_logical3A_871 = vector.broadcast %shift_right_logical3A_870 : i32 to vector<64x2048xi32>
    %shift_right_logical3A_872 = arith.shrui %xor3A_865, %shift_right_logical3A_871 : vector<64x2048xi32>
    %or3A_873 = arith.ori %shift_left3A_869, %shift_right_logical3A_872 : vector<64x2048xi32>
    %xor3A_874 = arith.xori %add3A_866, %or3A_873 : vector<64x2048xi32>
    %add3A_875 = arith.constant 0 : i32
    %add3A_876 = vector.broadcast %add3A_875 : i32 to vector<64x2048xi32>
    %add3A_877 = arith.addi %add3A_866, %add3A_876 : vector<64x2048xi32>
    %add3A_878 = arith.constant 45 : i32
    %add3A_879 = vector.broadcast %add3A_878 : i32 to vector<64x2048xi32>
    %add3A_880 = arith.addi %xor3A_874, %add3A_879 : vector<64x2048xi32>
    %add3A_881 = arith.addi %add3A_877, %add3A_880 : vector<64x2048xi32>
    %shift_left3A_882 = arith.constant 17 : i32
    %shift_left3A_883 = vector.broadcast %shift_left3A_882 : i32 to vector<64x2048xi32>
    %shift_left3A_884 = arith.shli %add3A_880, %shift_left3A_883 : vector<64x2048xi32>
    %shift_right_logical3A_885 = arith.constant 15 : i32
    %shift_right_logical3A_886 = vector.broadcast %shift_right_logical3A_885 : i32 to vector<64x2048xi32>
    %shift_right_logical3A_887 = arith.shrui %add3A_880, %shift_right_logical3A_886 : vector<64x2048xi32>
    %or3A_888 = arith.ori %shift_left3A_884, %shift_right_logical3A_887 : vector<64x2048xi32>
    %xor3A_889 = arith.xori %add3A_881, %or3A_888 : vector<64x2048xi32>
    %add3A_890 = arith.addi %add3A_881, %xor3A_889 : vector<64x2048xi32>
    %shift_left3A_891 = arith.constant 29 : i32
    %shift_left3A_892 = vector.broadcast %shift_left3A_891 : i32 to vector<64x2048xi32>
    %shift_left3A_893 = arith.shli %xor3A_889, %shift_left3A_892 : vector<64x2048xi32>
    %shift_right_logical3A_894 = arith.constant 3 : i32
    %shift_right_logical3A_895 = vector.broadcast %shift_right_logical3A_894 : i32 to vector<64x2048xi32>
    %shift_right_logical3A_896 = arith.shrui %xor3A_889, %shift_right_logical3A_895 : vector<64x2048xi32>
    %or3A_897 = arith.ori %shift_left3A_893, %shift_right_logical3A_896 : vector<64x2048xi32>
    %xor3A_898 = arith.xori %add3A_890, %or3A_897 : vector<64x2048xi32>
    %add3A_899 = arith.addi %add3A_890, %xor3A_898 : vector<64x2048xi32>
    %shift_left3A_900 = arith.constant 16 : i32
    %shift_left3A_901 = vector.broadcast %shift_left3A_900 : i32 to vector<64x2048xi32>
    %shift_left3A_902 = arith.shli %xor3A_898, %shift_left3A_901 : vector<64x2048xi32>
    %shift_right_logical3A_903 = arith.constant 16 : i32
    %shift_right_logical3A_904 = vector.broadcast %shift_right_logical3A_903 : i32 to vector<64x2048xi32>
    %shift_right_logical3A_905 = arith.shrui %xor3A_898, %shift_right_logical3A_904 : vector<64x2048xi32>
    %or3A_906 = arith.ori %shift_left3A_902, %shift_right_logical3A_905 : vector<64x2048xi32>
    %xor3A_907 = arith.xori %add3A_899, %or3A_906 : vector<64x2048xi32>
    %add3A_908 = arith.addi %add3A_899, %xor3A_907 : vector<64x2048xi32>
    %shift_left3A_909 = arith.constant 24 : i32
    %shift_left3A_910 = vector.broadcast %shift_left3A_909 : i32 to vector<64x2048xi32>
    %shift_left3A_911 = arith.shli %xor3A_907, %shift_left3A_910 : vector<64x2048xi32>
    %shift_right_logical3A_912 = arith.constant 8 : i32
    %shift_right_logical3A_913 = vector.broadcast %shift_right_logical3A_912 : i32 to vector<64x2048xi32>
    %shift_right_logical3A_914 = arith.shrui %xor3A_907, %shift_right_logical3A_913 : vector<64x2048xi32>
    %or3A_915 = arith.ori %shift_left3A_911, %shift_right_logical3A_914 : vector<64x2048xi32>
    %xor3A_916 = arith.xori %add3A_908, %or3A_915 : vector<64x2048xi32>
    %add3A_917 = arith.constant 42 : i32
    %add3A_918 = vector.broadcast %add3A_917 : i32 to vector<64x2048xi32>
    %add3A_919 = arith.addi %add3A_908, %add3A_918 : vector<64x2048xi32>
    %add3A_920 = arith.constant 466689012 : i32
    %add3A_921 = vector.broadcast %add3A_920 : i32 to vector<64x2048xi32>
    %add3A_922 = arith.addi %xor3A_916, %add3A_921 : vector<64x2048xi32>
    %add3A_923 = arith.addi %add3A_919, %add3A_922 : vector<64x2048xi32>
    %shift_left3A_924 = arith.constant 13 : i32
    %shift_left3A_925 = vector.broadcast %shift_left3A_924 : i32 to vector<64x2048xi32>
    %shift_left3A_926 = arith.shli %add3A_922, %shift_left3A_925 : vector<64x2048xi32>
    %shift_right_logical3A_927 = arith.constant 19 : i32
    %shift_right_logical3A_928 = vector.broadcast %shift_right_logical3A_927 : i32 to vector<64x2048xi32>
    %shift_right_logical3A_929 = arith.shrui %add3A_922, %shift_right_logical3A_928 : vector<64x2048xi32>
    %or3A_930 = arith.ori %shift_left3A_926, %shift_right_logical3A_929 : vector<64x2048xi32>
    %xor3A_931 = arith.xori %add3A_923, %or3A_930 : vector<64x2048xi32>
    %add3A_932 = arith.addi %add3A_923, %xor3A_931 : vector<64x2048xi32>
    %shift_left3A_933 = arith.constant 15 : i32
    %shift_left3A_934 = vector.broadcast %shift_left3A_933 : i32 to vector<64x2048xi32>
    %shift_left3A_935 = arith.shli %xor3A_931, %shift_left3A_934 : vector<64x2048xi32>
    %shift_right_logical3A_936 = arith.constant 17 : i32
    %shift_right_logical3A_937 = vector.broadcast %shift_right_logical3A_936 : i32 to vector<64x2048xi32>
    %shift_right_logical3A_938 = arith.shrui %xor3A_931, %shift_right_logical3A_937 : vector<64x2048xi32>
    %or3A_939 = arith.ori %shift_left3A_935, %shift_right_logical3A_938 : vector<64x2048xi32>
    %xor3A_940 = arith.xori %add3A_932, %or3A_939 : vector<64x2048xi32>
    %add3A_941 = arith.addi %add3A_932, %xor3A_940 : vector<64x2048xi32>
    %shift_left3A_942 = arith.constant 26 : i32
    %shift_left3A_943 = vector.broadcast %shift_left3A_942 : i32 to vector<64x2048xi32>
    %shift_left3A_944 = arith.shli %xor3A_940, %shift_left3A_943 : vector<64x2048xi32>
    %shift_right_logical3A_945 = arith.constant 6 : i32
    %shift_right_logical3A_946 = vector.broadcast %shift_right_logical3A_945 : i32 to vector<64x2048xi32>
    %shift_right_logical3A_947 = arith.shrui %xor3A_940, %shift_right_logical3A_946 : vector<64x2048xi32>
    %or3A_948 = arith.ori %shift_left3A_944, %shift_right_logical3A_947 : vector<64x2048xi32>
    %xor3A_949 = arith.xori %add3A_941, %or3A_948 : vector<64x2048xi32>
    %add3A_950 = arith.addi %add3A_941, %xor3A_949 : vector<64x2048xi32>
    %shift_left3A_951 = arith.constant 6 : i32
    %shift_left3A_952 = vector.broadcast %shift_left3A_951 : i32 to vector<64x2048xi32>
    %shift_left3A_953 = arith.shli %xor3A_949, %shift_left3A_952 : vector<64x2048xi32>
    %shift_right_logical3A_954 = arith.constant 26 : i32
    %shift_right_logical3A_955 = vector.broadcast %shift_right_logical3A_954 : i32 to vector<64x2048xi32>
    %shift_right_logical3A_956 = arith.shrui %xor3A_949, %shift_right_logical3A_955 : vector<64x2048xi32>
    %or3A_957 = arith.ori %shift_left3A_953, %shift_right_logical3A_956 : vector<64x2048xi32>
    %xor3A_958 = arith.xori %add3A_950, %or3A_957 : vector<64x2048xi32>
    %add3A_959 = arith.constant 466689008 : i32
    %add3A_960 = vector.broadcast %add3A_959 : i32 to vector<64x2048xi32>
    %add3A_961 = arith.addi %add3A_950, %add3A_960 : vector<64x2048xi32>
    %add3A_962 = arith.constant 5 : i32
    %add3A_963 = vector.broadcast %add3A_962 : i32 to vector<64x2048xi32>
    %add3A_964 = arith.addi %xor3A_958, %add3A_963 : vector<64x2048xi32>
    %xor3A_965 = arith.xori %add3A_961, %add3A_964 : vector<64x2048xi32>
    %shift_right_logical3A_966 = arith.constant 9 : i32
    %shift_right_logical3A_967 = vector.broadcast %shift_right_logical3A_966 : i32 to vector<64x2048xi32>
    %shift_right_logical3A_968 = arith.shrui %xor3A_965, %shift_right_logical3A_967 : vector<64x2048xi32>
    %or3A_969 = arith.constant 1065353216 : i32
    %or3A_970 = vector.broadcast %or3A_969 : i32 to vector<64x2048xi32>
    %or3A_971 = arith.ori %shift_right_logical3A_968, %or3A_970 : vector<64x2048xi32>
    %bitcast_convert_type3A_972 = tpu.bitcast %or3A_971 : vector<64x2048xi32> -> vector<64x2048xf32>
    %sub3A_973 = arith.constant 1.000000e+00 : f32
    %sub3A_974 = vector.broadcast %sub3A_973 : f32 to vector<64x2048xf32>
    %sub3A_975 = arith.subf %bitcast_convert_type3A_972, %sub3A_974 : vector<64x2048xf32>
    %log3A_976 = math.log %sub3A_975 : vector<64x2048xf32>
    %neg3A_977 = arith.constant 0.000000e+00 : f32
    %neg3A_978 = vector.broadcast %neg3A_977 : f32 to vector<64x2048xf32>
    %neg3A_979 = arith.subf %neg3A_978, %log3A_976 : vector<64x2048xf32>
    %log3A_980 = math.log %neg3A_979 : vector<64x2048xf32>
    %neg3A_981 = arith.constant 0.000000e+00 : f32
    %neg3A_982 = vector.broadcast %neg3A_981 : f32 to vector<64x2048xf32>
    %neg3A_983 = arith.subf %neg3A_982, %log3A_980 : vector<64x2048xf32>
    %get3A_984 = arith.constant 0 : index
    %get3A_985 = arith.constant 6144 : index
    %get3A_986 = vector.load %arg1[%get3A_984, %get3A_985] : memref<64x8192xf32, #tpu.memory_space<vmem>>, vector<64x2048xf32>
    %add3A_987 = arith.addf %get3A_986, %neg3A_983 : vector<64x2048xf32>
    %reduce_max3A_988 = arith.constant dense<0xFF800000> : vector<64xf32>
    %reduce_max3A_989 = vector.multi_reduction <maximumf>, %add3A_987, %reduce_max3A_988 [1] : vector<64x2048xf32> to vector<64xf32>
    %broadcast_in_dim3A_990 = vector.shape_cast %reduce_max3A_989 : vector<64xf32> to vector<64x1xf32>
    %eq3A_991 = vector.broadcast %broadcast_in_dim3A_990 : vector<64x1xf32> to vector<64x2048xf32>
    %eq3A_992 = arith.cmpf oeq, %add3A_987, %eq3A_991 : vector<64x2048xf32>
    %jit3A_993 = arith.constant 2048 : i32
    %broadcast_in_dim3A_994 = vector.broadcast %jit3A_993 : i32 to vector<64x2048xi32>
    %select_n3A_995 = arith.select %eq3A_992, %iota3A_3, %broadcast_in_dim3A_994 : vector<64x2048xi1>, vector<64x2048xi32>
    %reduce_min3A_996 = arith.constant dense<2147483647> : vector<64xi32>
    %reduce_min3A_997 = vector.multi_reduction <minsi>, %select_n3A_995, %reduce_min3A_996 [1] : vector<64x2048xi32> to vector<64xi32>
    %broadcast_in_dim3A_998 = vector.shape_cast %reduce_min3A_997 : vector<64xi32> to vector<64x1xi32>
    %add3A_999 = arith.constant 6144 : i32
    %add3A_1000 = vector.broadcast %add3A_999 : i32 to vector<64x1xi32>
    %add3A_1001 = arith.addi %broadcast_in_dim3A_998, %add3A_1000 : vector<64x1xi32>
    %gt3A_1002 = arith.cmpf ogt, %broadcast_in_dim3A_990, %select_n3A_751 : vector<64x1xf32>
    %select_n3A_1003 = arith.select %gt3A_1002, %add3A_1001, %select_n3A_752 : vector<64x1xi1>, vector<64x1xi32>
    %sub3A_1004 = arith.constant 0 : i32
    %sub3A_1005 = vector.broadcast %sub3A_1004 : i32 to vector<64x1xi32>
    %sub3A_1006 = arith.subi %select_n3A_1003, %sub3A_1005 : vector<64x1xi32>
    %eq3A_1007 = vector.broadcast %sub3A_1006 : vector<64x1xi32> to vector<64x2048xi32>
    %eq3A_1008 = arith.cmpi eq, %iota3A_3, %eq3A_1007 : vector<64x2048xi32>
    %jit3A_1009 = arith.constant 1.000000e+00 : f32
    %jit3A_1010 = arith.constant 0.000000e+00 : f32
    %broadcast_in_dim3A_1011 = vector.broadcast %jit3A_1009 : f32 to vector<64x2048xf32>
    %broadcast_in_dim3A_1012 = vector.broadcast %jit3A_1010 : f32 to vector<64x2048xf32>
    %select_n3A_1013 = arith.select %eq3A_1008, %broadcast_in_dim3A_1011, %broadcast_in_dim3A_1012 : vector<64x2048xi1>, vector<64x2048xf32>
    %swap3A = arith.constant 0 : index
    %swap3A_1014 = arith.constant 0 : index
    %swap3A_1015 = vector.load %arg2[%swap3A, %swap3A_1014] : memref<64x8192xf32, #tpu.memory_space<vmem>>, vector<64x2048xf32>
    tpu.vector_store %arg2[%swap3A, %swap3A_1014], %select_n3A_1013 {strides = array<i32>} : memref<64x8192xf32, #tpu.memory_space<vmem>>, vector<64x2048xf32>,
    %sub3A_1016 = arith.constant 2048 : i32
    %sub3A_1017 = vector.broadcast %sub3A_1016 : i32 to vector<64x1xi32>
    %sub3A_1018 = arith.subi %select_n3A_1003, %sub3A_1017 : vector<64x1xi32>
    %eq3A_1019 = vector.broadcast %sub3A_1018 : vector<64x1xi32> to vector<64x2048xi32>
    %eq3A_1020 = arith.cmpi eq, %iota3A_3, %eq3A_1019 : vector<64x2048xi32>
    %jit3A_1021 = arith.constant 1.000000e+00 : f32
    %jit3A_1022 = arith.constant 0.000000e+00 : f32
    %broadcast_in_dim3A_1023 = vector.broadcast %jit3A_1021 : f32 to vector<64x2048xf32>
    %broadcast_in_dim3A_1024 = vector.broadcast %jit3A_1022 : f32 to vector<64x2048xf32>
    %select_n3A_1025 = arith.select %eq3A_1020, %broadcast_in_dim3A_1023, %broadcast_in_dim3A_1024 : vector<64x2048xi1>, vector<64x2048xf32>
    %swap3A_1026 = arith.constant 0 : index
    %swap3A_1027 = arith.constant 2048 : index
    %swap3A_1028 = vector.load %arg2[%swap3A_1026, %swap3A_1027] : memref<64x8192xf32, #tpu.memory_space<vmem>>, vector<64x2048xf32>
    tpu.vector_store %arg2[%swap3A_1026, %swap3A_1027], %select_n3A_1025 {strides = array<i32>} : memref<64x8192xf32, #tpu.memory_space<vmem>>, vector<64x2048xf32>,
    %sub3A_1029 = arith.constant 4096 : i32
    %sub3A_1030 = vector.broadcast %sub3A_1029 : i32 to vector<64x1xi32>
    %sub3A_1031 = arith.subi %select_n3A_1003, %sub3A_1030 : vector<64x1xi32>
    %eq3A_1032 = vector.broadcast %sub3A_1031 : vector<64x1xi32> to vector<64x2048xi32>
    %eq3A_1033 = arith.cmpi eq, %iota3A_3, %eq3A_1032 : vector<64x2048xi32>
    %jit3A_1034 = arith.constant 1.000000e+00 : f32
    %jit3A_1035 = arith.constant 0.000000e+00 : f32
    %broadcast_in_dim3A_1036 = vector.broadcast %jit3A_1034 : f32 to vector<64x2048xf32>
    %broadcast_in_dim3A_1037 = vector.broadcast %jit3A_1035 : f32 to vector<64x2048xf32>
    %select_n3A_1038 = arith.select %eq3A_1033, %broadcast_in_dim3A_1036, %broadcast_in_dim3A_1037 : vector<64x2048xi1>, vector<64x2048xf32>
    %swap3A_1039 = arith.constant 0 : index
    %swap3A_1040 = arith.constant 4096 : index
    %swap3A_1041 = vector.load %arg2[%swap3A_1039, %swap3A_1040] : memref<64x8192xf32, #tpu.memory_space<vmem>>, vector<64x2048xf32>
    tpu.vector_store %arg2[%swap3A_1039, %swap3A_1040], %select_n3A_1038 {strides = array<i32>} : memref<64x8192xf32, #tpu.memory_space<vmem>>, vector<64x2048xf32>,
    %sub3A_1042 = arith.constant 6144 : i32
    %sub3A_1043 = vector.broadcast %sub3A_1042 : i32 to vector<64x1xi32>
    %sub3A_1044 = arith.subi %select_n3A_1003, %sub3A_1043 : vector<64x1xi32>
    %eq3A_1045 = vector.broadcast %sub3A_1044 : vector<64x1xi32> to vector<64x2048xi32>
    %eq3A_1046 = arith.cmpi eq, %iota3A_3, %eq3A_1045 : vector<64x2048xi32>
    %jit3A_1047 = arith.constant 1.000000e+00 : f32
    %jit3A_1048 = arith.constant 0.000000e+00 : f32
    %broadcast_in_dim3A_1049 = vector.broadcast %jit3A_1047 : f32 to vector<64x2048xf32>
    %broadcast_in_dim3A_1050 = vector.broadcast %jit3A_1048 : f32 to vector<64x2048xf32>
    %select_n3A_1051 = arith.select %eq3A_1046, %broadcast_in_dim3A_1049, %broadcast_in_dim3A_1050 : vector<64x2048xi1>, vector<64x2048xf32>
    %swap3A_1052 = arith.constant 0 : index
    %swap3A_1053 = arith.constant 6144 : index
    %swap3A_1054 = vector.load %arg2[%swap3A_1052, %swap3A_1053] : memref<64x8192xf32, #tpu.memory_space<vmem>>, vector<64x2048xf32>
    tpu.vector_store %arg2[%swap3A_1052, %swap3A_1053], %select_n3A_1051 {strides = array<i32>} : memref<64x8192xf32, #tpu.memory_space<vmem>>, vector<64x2048xf32>,
    return
  }
  func.func @transform_0(%arg0: i32) -> (i32, i32) {
    %c0_i32 = arith.constant 0 : i32
    %c0_i32_0 = arith.constant 0 : i32
    return %arg0, %c0_i32 : i32, i32
  }
  func.func @transform_1(%arg0: i32) -> (i32, i32) {
    %c0_i32 = arith.constant 0 : i32
    %c0_i32_0 = arith.constant 0 : i32
    return %arg0, %c0_i32 : i32, i32
  }
}

</mosaic_0001>

<sc_bundles>
// kernel: kernel.5.cloned.1.call-start
scs
__scs_entry_jumppad:
0x0: {  	(pc) =	sbr.rel $0x88, $3  }
0x1: {  	(tag) =	ssettag $0x0;
	lr =	simm.s32 $0x1  }
0x2: {  	[smem:$0x3FA0] =	sst lr;
	_ =	strace $0xD0000000  }
0x3: {  	_ = 	snop  }
0x4: {  	_ = 	snop  }
0x5: {  	_ = 	snop  }
0x6: {  	_ = 	snop  }
0x7: {  	_ = 	snop  }
__scs_overlays_trampoline_lowered:
0x8: {  	[smem:$0x3FAF] =	sst s0  }
0x9: {  	[smem:$0x3FB0] =	sst s1  }
0xa: {  	[smem:$0x3FB1] =	sst s2  }
0xb: {  	[smem:$0x3FB2] =	sst s3  }
0xc: {  	[smem:$0x3FB3] =	sst s4  }
0xd: {  	[smem:$0x3FB4] =	sst s5  }
0xe: {  	[smem:$0x3FB5] =	sst s6  }
0xf: {  	[smem:$0x3FB6] =	sst s7  }
0x10: {  	[smem:$0x3FB7] =	sst s8  }
0x11: {  	[smem:$0x3FB8] =	sst s9;
	s0 =	simm.s32 @!p0 $0x0  }
0x12: {  	s1 =	sld [smem:$0x3F9E];
	s0 =	simm.s32 @p0 $0x1  }
0x13: {  	[smem:$0x3FB9] =	sst s0;
	s0 =	simm.s32 @!p1 $0x0  }
0x14: {  	s2 =	sld [smem:$0x3F9D];
	s0 =	simm.s32 @p1 $0x1  }
0x15: {  	[smem:$0x3FBA] =	sst s0;
	s0 =	simm.s32 @!p2 $0x0  }
0x16: {  	s3 =	sld [smem:$0x3FDB];
	s0 =	simm.s32 @p2 $0x1  }
0x17: {  	s4 =	simm.s32 $0x1BF5;
	[smem:$0x3FBC] =	sst s0  }
0x18: {  	s0 =	sld [smem:$0x3F9F];
	_ =	swait.ge [sflag:s4], $0x0  }
0x19: {  	s7 =	sld [smem:$0x3FA0]  }
0x1a: {  	s8 =	sadd.s32 $0xFFFFE003, lr  }
0x1b: {  	s9 =	sadd.s32 $0xFFFFFEF7, lr;
	s5 =	simm.s32 $0xFFFFFFFF;
	p2 =	slt.u32 s8, $0xFFFFF086  }
0x1c: {  	p1 =	slt.u32 s9, $0xF7A;
	s5 =	simm.s32 @!p2 $0x0  }
0x1d: {  	s5 =	simm.s32 @p1 $0x1;
	p0 =	seq.s32 s7, s2  }
0x1e: {  	s7 =	smul.u32 @!p0 $0xF7A, s2;
	p2 =	seq.s32 @!p0 s5, $0x0  }
0x1f: {  	s9 =	smul.u32 $0xF7A, s1;
	s8 =	simm.s32 @!p0 $0x1BF5;
	p2 =	por !p2, p0  }
0x20: {  	[sflag:s8] =	ssyncset.s32 @!p0 $0xFFFFF086;
	s6 =	sadd.s32 @!p0 s3, s7;
	s7 =	simm.s32 @!p0 $0x108  }
0x21: {  	s3 =	sadd.s32 s3, s9;
	s6 =	sadd.s32 @!p0 $0x88, s6;
	s7 =	simm.s32 @p2 $0x1082  }
0x22: {  	[simem:s7], [sflag:s8] =	dma.local @!p0 [hbm:s6], $0xF7A  }
0x23: {  	s9 =	sor.u32 $0xD0000000, s2;
	s6 =	simm.s32 $0x108;
	_ =	swait.ge @!p0 [sflag:s8], $0x0  }
0x24: {  	s3 =	sadd.s32 $0x88, s3;
	s6 =	simm.s32 @!p1 $0x1082;
	[sflag:s4] =	ssyncset.s32 $0xFFFFF086  }
0x25: {  	[simem:s6], [sflag:s4] =	dma.local [hbm:s3], $0xF7A  }
0x26: {  	[smem:$0x3FA0] =	sst s1;
	(tag) =	ssettag s2;
	_ =	strace s9  }
0x27: {  	s1 =	sld [smem:$0x3FB0]  }
0x28: {  	s2 =	sld [smem:$0x3FB1]  }
0x29: {  	s4 =	sld [smem:$0x3FB3]  }
0x2a: {  	p0 =	seq.s32 s5, $0x0;
	s5 =	sld [smem:$0x3FB4]  }
0x2b: {  	s6 =	sld [smem:$0x3FB5]  }
0x2c: {  	s7 =	sld [smem:$0x3FB6]  }
0x2d: {  	s3 =	simm.s32 $0x108;
	s8 =	sld [smem:$0x3FB7]  }
0x2e: {  	s3 =	simm.s32 @!p0 $0x1082;
	s9 =	sld [smem:$0x3FB8]  }
0x2f: {  	lr =	sadd.s32 s0, s3;
	s0 =	sld [smem:$0x3FAF]  }
0x30: {  	s3 =	sld [smem:$0x3FB2]  }
0x31: {  	[smem:$0x3FBB] =	sst s10  }
0x32: {  	s10 =	sld [smem:$0x3FB9];
	_ =	sdelay $0x3  }
0x33: {  	p0 =	seq.s32 s10, $0x1;
	s10 =	sld [smem:$0x3FBB];
	_ =	sdelay $0x3  }
0x34: {  	[smem:$0x3FBB] =	sst s10  }
0x35: {  	s10 =	sld [smem:$0x3FBA];
	_ =	sdelay $0x3  }
0x36: {  	p1 =	seq.s32 s10, $0x1;
	s10 =	sld [smem:$0x3FBB];
	_ =	sdelay $0x3  }
0x37: {  	[smem:$0x3FBB] =	sst s10  }
0x38: {  	s10 =	sld [smem:$0x3FBC]  }
0x39: {  	_ = 	snop;
	(pc) =	sbr.ind lr, $3  }
0x3a: {  	_ = 	snop  }
0x3b: {  	_ = 	snop  }
0x3c: {  	p2 =	seq.s32 s10, $0x1;
	s10 =	sld [smem:$0x3FBB]  }
0x3d: {  	_ =	shalt  }
0x3e: {  	_ =	shalt  }
0x3f: {  	_ =	shalt  }
0x40: {  	_ =	shalt  }
0x41: {  	_ =	shalt  }
0x42: {  	_ =	shalt  }
0x43: {  	_ =	shalt  }
0x44: {  	_ =	shalt  }
0x45: {  	_ =	shalt  }
0x46: {  	_ =	shalt  }
0x47: {  	_ =	shalt  }
0x48: {  	_ =	shalt  }
0x49: {  	_ =	shalt  }
0x4a: {  	_ =	shalt  }
0x4b: {  	_ =	shalt  }
0x4c: {  	_ =	shalt  }
0x4d: {  	_ =	shalt  }
0x4e: {  	_ =	shalt  }
0x4f: {  	_ =	shalt  }
0x50: {  	_ =	shalt  }
0x51: {  	_ =	shalt  }
0x52: {  	_ =	shalt  }
0x53: {  	_ =	shalt  }
0x54: {  	_ =	shalt  }
0x55: {  	_ =	shalt  }
0x56: {  	_ =	shalt  }
0x57: {  	_ =	shalt  }
0x58: {  	_ =	shalt  }
0x59: {  	_ =	shalt  }
0x5a: {  	_ =	shalt  }
0x5b: {  	_ =	shalt  }
0x5c: {  	_ =	shalt  }
0x5d: {  	_ =	shalt  }
0x5e: {  	_ =	shalt  }
0x5f: {  	_ =	shalt  }
0x60: {  	_ =	shalt  }
0x61: {  	_ =	shalt  }
0x62: {  	_ =	shalt  }
0x63: {  	_ =	shalt  }
0x64: {  	_ =	shalt  }
0x65: {  	_ =	shalt  }
0x66: {  	_ =	shalt  }
0x67: {  	_ =	shalt  }
0x68: {  	_ =	shalt  }
0x69: {  	_ =	shalt  }
0x6a: {  	_ =	shalt  }
0x6b: {  	_ =	shalt  }
0x6c: {  	_ =	shalt  }
0x6d: {  	_ =	shalt  }
0x6e: {  	_ =	shalt  }
0x6f: {  	_ =	shalt  }
0x70: {  	_ =	shalt  }
0x71: {  	_ =	shalt  }
0x72: {  	_ =	shalt  }
0x73: {  	_ =	shalt  }
0x74: {  	_ =	shalt  }
0x75: {  	_ =	shalt  }
0x76: {  	_ =	shalt  }
0x77: {  	_ =	shalt  }
0x78: {  	_ =	shalt  }
0x79: {  	_ =	shalt  }
0x7a: {  	_ =	shalt  }
0x7b: {  	_ =	shalt  }
0x7c: {  	_ =	shalt  }
0x7d: {  	_ =	shalt  }
0x7e: {  	_ =	shalt  }
0x7f: {  	_ =	shalt  }
0x80: {  	_ =	shalt  }
0x81: {  	_ =	shalt  }
0x82: {  	_ =	shalt  }
0x83: {  	_ =	shalt  }
0x84: {  	_ =	shalt  }
0x85: {  	_ =	shalt  }
0x86: {  	_ =	shalt  }
0x87: {  	_ =	shalt  }
.Lfunc_end0:
.L_simem_size_0:
called_computation_lowered:
.L_overlay_start_0:
0x88: {  	s2 =	sld [smem:$0x3FD9]  }
0x89: {  	s3 =	sld [smem:$0x3FFE];
	_ =	sdelay $0x1  }
0x8a: {  	s1 =	srdreg.scid  }
0x8b: {  	s0 =	sand.u32 $0x1, s1  }
0x8c: {  	s16 =	sshll.u32 s0, $0xA;
	s2 =	sadd.s32 s3, s2  }
0x8d: {  	s2 =	sadd.s32 s2, s16  }
0x8e: {  	[smem:$0x3FC7] =	sst s2  }
0x8f: {  	_ = 	snop  }
0x90: {  	(tm) =	ssettm $0x1  }
0x91: {  	s17 =	sld [smem:$0x3FFB];
	_ =	sdelay $0x3  }
0x92: {  	_ =	strace s17  }
0x93: {  	s2 =	sld [smem:$0x3FFC];
	_ =	sdelay $0x3  }
0x94: {  	_ =	strace s2  }
0x95: {  	s2 =	sld [smem:$0x3FFD];
	_ =	sdelay $0x3  }
0x96: {  	_ =	strace s2  }
0x97: {  	_ =	strace $0x8FFFFFFF  }
0x98: {  	s18 =	sld [smem:$0x3FDB];
	_ =	sdelay $0x1  }
0x99: {  	s19 =	simm.s32 $_scs_section_size  }
0x9a: {  	s4 =	simm.s32 $_size__tile_overlayer_lowered;
	s5 =	simm.s32 $_tile_overlayer_lowered  }
0x9b: {  	s22 =	simm.s32 $0x1BFF;
	s21 =	sshll.u32 s5, $0x1;
	s2 =	sadd.s32 s19, s18  }
0x9c: {  	s6 =	simm.s32 $0x0;
	s20 =	sshll.u32 s4, $0x1;
	s4 =	sadd.s32 s21, s2  }
0x9d: {  	[timem:s6], [sflag:s22] =	dma.local [hbm:s4], s20  }
0x9e: {  	_ =	swait.ge [sflag:s22], s20  }
0x9f: {  	s3 =	ssub.s32 $0x0, s20;
	[sflag:s22] =	ssyncset.done $0x0  }
0xa0: {  	[sflag:s22] =	ssyncadd.s32 s3;
	_ =	sdelay $0x1  }
0xa1: {  	s23 =	simm.s32 $0x1B8B  }
0xa2: {  	_ =	swait.ge [sflag:s23], $0x1  }
0xa3: {  	[sflag:s23] =	ssyncset.done $0x0  }
0xa4: {  	s25 =	simm.s32 $0x1B8E;
	s24 =	sld [smem:$0x3FFE];
	[sflag:s23] =	ssyncadd.s32 $0xFFFFFFFF  }
0xa5: {  	s26 =	simm.s32 $execute0_lowered;
	[smem:$0x3FD2] =	sst s25  }
0xa6: {  	s4 =	sshll.u32 s26, $0x1;
	_ =	strace $0x80000046;
	[dreg:$0x1] =	wrdreg $0xFFFFFFFF  }
0xa7: {  	s28 =	simm.s32 $_size_execute0_lowered;
	s2 =	sadd.s32 s2, s4;
	[dreg:$0x0] =	wrdreg $0x0  }
0xa8: {  	s4 =	sshll.u32 s28, $0x1;
	[dreg:$0x2] =	wrdreg s2  }
0xa9: {  	[dreg:$0x3] =	wrdreg s4  }
0xaa: {  	[dreg:$0x4] =	wrdreg $0xC0  }
0xab: {  	_ =	task [dreg:s6], $0x5FFFF  }
0xac: {  	[dreg:$0x1] =	wrdreg $0xFFFFFFFF  }
0xad: {  	[dreg:$0x0] =	wrdreg $0x60  }
0xae: {  	[dreg:$0x2] =	wrdreg s24  }
0xaf: {  	[dreg:$0x3] =	wrdreg $0x9  }
0xb0: {  	_ =	task.clear_ibuf [dreg:s6], $0x4FFFF;
	_ =	strace $0x90000046  }
0xb1: {  	s29 =	simm.s32 $0x9;
	_ =	strace $0x80000048  }
0xb2: {  	_ =	swait.ge [sflag:s29], $0x1  }
0xb3: {  	[sflag:s29] =	ssyncadd.s32 $0xFFFFFFFF  }
0xb4: {  	_ =	strace $0x90000048  }
0xb5: {  	_ =	sfence  }
0xb6: {  	s30 =	sld [smem:$0x0];
	_ =	sdelay $0x2  }
0xb7: {  	s31 =	sshll.u32 s1, $0xD;
	s1 =	sshrl.u32 s1, $0x2  }
0xb8: {  	s3 =	sand.u32 $0x4000, s31;
	s1 =	sadd.s32 s1, s30  }
0xb9: {  	s0 =	sor.u32 s3, s0;
	s1 =	sshll.u32 s1, $0x11  }
0xba: {  	s0 =	sor.u32 s1, s0  }
0xbb: {  	s0 =	sadd.s32 $0x8F2B, s0  }
0xbc: {  	[sflag:s0] =	ssyncadd.remote.s32 $0x1  }
0xbd: {  	_ =	sfence.sel $0xFFFF  }
0xbe: {  	[dreg:$0x0] =	wrdreg $0xFFFFFFFF;
	(pc) =	sbr.abs _section_cstart, $3  }
0xbf: {  	[dreg:$0x1] =	wrdreg $0xFFFFFFFF  }
0xc0: {  	_ =	task.clear_ibuf [dreg:s6], $0x2FFFF;
	_ =	strace $0x9FFFFFFF  }
0xc1: {  	(tm) =	ssettm $0x7FFFFFFF  }
tec
execute0_lowered:
.L_overlay_start_1:
0x0: {  	(tag) =	ssettag $0x1  }
0x1: {  	s3 =	rddreg [dreg:$0x0]  }
0x2: {  	s0 =	rddreg [dreg:$0x1]  }
0x3: {  	s2 =	simm.s32 $0x0;
	s4 =	srdreg.scid;
	s1 =	stileid.u32  }
0x4: {  	s10 =	simm.s32 $0x0;
	[smem:$0x7FF] =	sst s2;
	s4 =	sand.u32 $0x1, s4  }
0x5: {  	s6 =	sshll.u32 s1, $0x1;
	s7 =	smul.u32 $0x128000, s1;
	s3 =	sadd.s32 $0x400, s3  }
0x6: {  	s5 =	ssub.s32 $0x2, s4;
	s6 =	sor.u32 s4, s6;
	s9 =	smul.u32 $0x94000, s4  }
0x7: {  	_ =	strace $0x80000047;
	s8 =	sshrl.u32 s5, $0x1;
	s4 =	smul.u32 $0x4A, s6  }
0x8: {  	s5 =	ssub.s32 s5, s8;
	s6 =	sadd.s32 s9, s7;
	s7 =	simm.s32 $0x80  }
0x9: {  	v0 =	vlaneseq.u32;
	s8 =	simm.s32 $0x400;
	s9 =	simm.s32 $0x1;
	s5 =	smax.u32 s5, $0x1  }
.LBB2_1:
0xa: {  	s11 =	smov.u32 s6;
	s12 =	simm.s32 $0x0  }
.LBB2_2:
0xb: {  	s13 =	sadd.s32 $0x0, s11  }
0xc: {  	s14 =	sadd.s32 $0x2D8009A, s13;
	s15 =	sadd.s32 $0x2D8002A, s13  }
0xd: {  	s28 =	sadd.s32 $0x2D8003A, s13;
	s29 =	sadd.s32 $0x2D8004A, s13  }
0xe: {  	s16 =	sadd.s32 $0x2D8005A, s13;
	s30 =	sadd.s32 $0x2D8006A, s13;
	v1 =	vadd.s32 s14, v0  }
0xf: {  	s31 =	sadd.s32 $0x2D8007A, s13;
	s13 =	sadd.s32 $0x2D8008A, s13;
	v2 =	vadd.s32 s15, v0;
	v5 =	vadd.s32 s28, v0;
	v6 =	vadd.s32 s29, v0  }
0x10: {  	v7 =	vadd.s32 s30, v0;
	v8 =	vadd.s32 s31, v0;
	v11 =	vadd.s32 s13, v0  }
0x11: {  	v3 =	vshrl.u32 v1, $0x13;
	v4 =	vshll.u32 v1, $0xD;
	v12 =	vshrl.u32 v5, $0x13  }
0x12: {  	v15 =	vshll.u32 v5, $0xD;
	v45 =	vshrl.u32 v6, $0x13;
	v46 =	vshll.u32 v6, $0xD  }
0x13: {  	v47 =	vshrl.u32 v7, $0x13;
	v48 =	vshll.u32 v7, $0xD;
	v20 =	vshrl.u32 v8, $0x13  }
0x14: {  	v21 =	vshll.u32 v8, $0xD;
	v23 =	vshrl.u32 v11, $0x13;
	v3 =	vor.u32 v3, v4  }
0x15: {  	v4 =	vadd.s32 s16, v0;
	v12 =	vor.u32 v12, v15;
	v52 =	vor.u32 v47, v48  }
0x16: {  	v53 =	vor.u32 v20, v21;
	v3 =	vxor.u32 v1, v3;
	v16 =	vshrl.u32 v4, $0x13  }
0x17: {  	v19 =	vshll.u32 v4, $0xD;
	v12 =	vxor.u32 v5, v12;
	v15 =	vxor.u32 v7, v52  }
0x18: {  	v9 =	vshrl.u32 v3, $0x11;
	v10 =	vshll.u32 v3, $0xF;
	v1 =	vadd.s32 v1, v3  }
0x19: {  	v51 =	vor.u32 v16, v19;
	v16 =	vxor.u32 v8, v53;
	v61 =	vshrl.u32 v12, $0x11  }
0x1a: {  	v62 =	vshll.u32 v12, $0xF;
	v25 =	vshrl.u32 v15, $0x11;
	v28 =	vshll.u32 v15, $0xF  }
0x1b: {  	v5 =	vadd.s32 v5, v12;
	v7 =	vadd.s32 v7, v15;
	v3 =	vor.u32 v9, v10  }
0x1c: {  	v9 =	vshrl.u32 v2, $0x13;
	v10 =	vshll.u32 v2, $0xD;
	v40 =	vshrl.u32 v16, $0x11  }
0x1d: {  	v41 =	vshll.u32 v16, $0xF;
	v44 =	vor.u32 v25, v28;
	v8 =	vadd.s32 v8, v16  }
0x1e: {  	v3 =	vxor.u32 v3, v1;
	v9 =	vor.u32 v9, v10;
	v10 =	vshll.u32 v11, $0xD  }
0x1f: {  	v47 =	vor.u32 v40, v41;
	v13 =	vshrl.u32 v3, $0x6;
	v14 =	vshll.u32 v3, $0x1A  }
0x20: {  	v1 =	vadd.s32 v1, v3;
	v10 =	vor.u32 v23, v10;
	v9 =	vxor.u32 v2, v9  }
0x21: {  	v3 =	vor.u32 v13, v14;
	v13 =	vor.u32 v45, v46;
	v14 =	vxor.u32 v4, v51  }
0x22: {  	v58 =	vshrl.u32 v9, $0x11;
	v10 =	vxor.u32 v11, v10;
	v60 =	vshll.u32 v9, $0xF  }
0x23: {  	v2 =	vadd.s32 v2, v9;
	v3 =	vxor.u32 v3, v1;
	v13 =	vxor.u32 v6, v13  }
0x24: {  	v38 =	vshrl.u32 v14, $0x11;
	v17 =	vshrl.u32 v3, $0x1A;
	v18 =	vshll.u32 v3, $0x6  }
0x25: {  	v39 =	vshll.u32 v14, $0xF;
	v1 =	vadd.s32 v1, v3;
	v3 =	vor.u32 v17, v18  }
0x26: {  	v29 =	vshrl.u32 v10, $0x11;
	v32 =	vshll.u32 v10, $0xF;
	v3 =	vxor.u32 v3, v1  }
0x27: {  	v4 =	vadd.s32 v4, v14;
	v10 =	vadd.s32 v11, v10;
	v3 =	vadd.s32 $0x1BD11BF1, v3  }
0x28: {  	v1 =	vadd.s32 v3, v1;
	v22 =	vshrl.u32 v3, $0xF;
	v3 =	vshll.u32 v3, $0x11  }
0x29: {  	v63 =	vshrl.u32 v13, $0x11;
	v1 =	vadd.s32 $0x2A, v1;
	v3 =	vor.u32 v22, v3  }
0x2a: {  	v24 =	vshll.u32 v13, $0xF;
	v43 =	vor.u32 v38, v39;
	v3 =	vxor.u32 v3, v1  }
0x2b: {  	v9 =	vor.u32 v29, v32;
	v49 =	vshrl.u32 v3, $0x3;
	v50 =	vshll.u32 v3, $0x1D  }
0x2c: {  	v6 =	vadd.s32 v6, v13;
	v1 =	vadd.s32 v1, v3;
	v3 =	vor.u32 v49, v50  }
0x2d: {  	v17 =	vor.u32 v58, v60;
	v18 =	vor.u32 v61, v62;
	v3 =	vxor.u32 v3, v1  }
0x2e: {  	v42 =	vor.u32 v63, v24;
	v54 =	vshrl.u32 v3, $0x10;
	v55 =	vshll.u32 v3, $0x10  }
0x2f: {  	v58 =	vxor.u32 v47, v8;
	v1 =	vadd.s32 v1, v3;
	v3 =	vor.u32 v54, v55  }
0x30: {  	v9 =	vxor.u32 v9, v10;
	v11 =	vxor.u32 v17, v2;
	v3 =	vxor.u32 v3, v1  }
0x31: {  	v52 =	vxor.u32 v18, v5;
	v56 =	vshrl.u32 v3, $0x8;
	v57 =	vshll.u32 v3, $0x18  }
0x32: {  	v53 =	vxor.u32 v42, v6;
	v1 =	vadd.s32 v1, v3;
	v3 =	vor.u32 v56, v57  }
0x33: {  	v8 =	vadd.s32 v8, v58;
	v17 =	vshrl.u32 v11, $0x6;
	v3 =	vxor.u32 v3, v1  }
0x34: {  	v60 =	vshll.u32 v11, $0x1A;
	v61 =	vshrl.u32 v52, $0x6;
	v3 =	vadd.s32 $0x2, v3  }
0x35: {  	v1 =	vadd.s32 v3, v1;
	v59 =	vshrl.u32 v3, $0x13;
	v3 =	vshll.u32 v3, $0xD  }
0x36: {  	v62 =	vshll.u32 v52, $0x1A;
	v1 =	vadd.s32 $0x1BD11BF0, v1;
	v3 =	vor.u32 v59, v3  }
0x37: {  	v63 =	vshrl.u32 v53, $0x6;
	v2 =	vadd.s32 v2, v11;
	v3 =	vxor.u32 v3, v1  }
0x38: {  	v5 =	vadd.s32 v5, v52;
	v36 =	vshrl.u32 v3, $0x11;
	v37 =	vshll.u32 v3, $0xF  }
0x39: {  	v6 =	vadd.s32 v6, v53;
	v1 =	vadd.s32 v1, v3;
	v3 =	vor.u32 v36, v37  }
0x3a: {  	v17 =	vor.u32 v17, v60;
	v18 =	vor.u32 v61, v62;
	v3 =	vxor.u32 v3, v1  }
0x3b: {  	v12 =	vxor.u32 v18, v5;
	v26 =	vshrl.u32 v3, $0x6;
	v27 =	vshll.u32 v3, $0x1A  }
0x3c: {  	v18 =	vshrl.u32 v12, $0x1A;
	v1 =	vadd.s32 v1, v3;
	v3 =	vor.u32 v26, v27  }
0x3d: {  	v5 =	vadd.s32 v5, v12;
	v56 =	vxor.u32 v43, v4;
	v3 =	vxor.u32 v3, v1  }
0x3e: {  	v57 =	vxor.u32 v44, v7;
	v30 =	vshrl.u32 v3, $0x1A;
	v31 =	vshll.u32 v3, $0x6  }
0x3f: {  	v43 =	vshrl.u32 v58, $0x6;
	v1 =	vadd.s32 v1, v3;
	v3 =	vor.u32 v30, v31  }
0x40: {  	v44 =	vshll.u32 v58, $0x1A;
	v38 =	vshll.u32 v56, $0x1A;
	v3 =	vxor.u32 v3, v1  }
0x41: {  	v39 =	vshrl.u32 v57, $0x6;
	v42 =	vshll.u32 v57, $0x1A;
	v3 =	vadd.s32 $0x2D, v3  }
0x42: {  	v4 =	vadd.s32 v4, v56;
	v45 =	vshrl.u32 v3, $0xF;
	v46 =	vshll.u32 v3, $0x11  }
0x43: {  	v7 =	vadd.s32 v7, v57;
	v1 =	vadd.s32 v1, v3;
	v3 =	vor.u32 v45, v46  }
0x44: {  	v36 =	vshll.u32 v53, $0x1A;
	v37 =	vshrl.u32 v56, $0x6;
	v3 =	vxor.u32 v3, v1  }
0x45: {  	v45 =	vshrl.u32 v9, $0x6;
	v48 =	vshrl.u32 v3, $0x3;
	v49 =	vshll.u32 v3, $0x1D  }
0x46: {  	v1 =	vadd.s32 v1, v3;
	v3 =	vor.u32 v48, v49;
	v48 =	vshll.u32 v9, $0x1A  }
0x47: {  	v49 =	vor.u32 v63, v36;
	v9 =	vadd.s32 v10, v9;
	v10 =	vxor.u32 v17, v2  }
0x48: {  	v3 =	vxor.u32 v3, v1;
	v11 =	vor.u32 v45, v48;
	v13 =	vxor.u32 v49, v6  }
0x49: {  	v17 =	vshll.u32 v10, $0x6;
	v2 =	vadd.s32 v2, v10;
	v50 =	vshrl.u32 v3, $0x10  }
0x4a: {  	v51 =	vshll.u32 v3, $0x10;
	v1 =	vadd.s32 v1, v3;
	v11 =	vxor.u32 v11, v9  }
0x4b: {  	v56 =	vshrl.u32 v13, $0x1A;
	v57 =	vshll.u32 v13, $0x6;
	v6 =	vadd.s32 v6, v13  }
0x4c: {  	v3 =	vor.u32 v50, v51;
	v50 =	vor.u32 v37, v38;
	v51 =	vor.u32 v39, v42  }
0x4d: {  	v32 =	vshrl.u32 v11, $0x1A;
	v33 =	vshll.u32 v11, $0x6;
	v3 =	vxor.u32 v3, v1  }
0x4e: {  	v52 =	vxor.u32 v50, v4;
	v53 =	vxor.u32 v51, v7;
	v54 =	vshrl.u32 v3, $0x8  }
0x4f: {  	v55 =	vshll.u32 v3, $0x18;
	v1 =	vadd.s32 v1, v3;
	v58 =	vshrl.u32 v52, $0x1A  }
0x50: {  	v60 =	vshrl.u32 v53, $0x1A;
	v61 =	vshll.u32 v53, $0x6;
	v4 =	vadd.s32 v4, v52  }
0x51: {  	v7 =	vadd.s32 v7, v53;
	v3 =	vor.u32 v54, v55;
	v54 =	vshrl.u32 v10, $0x1A  }
0x52: {  	v55 =	vshll.u32 v12, $0x6;
	v37 =	vor.u32 v60, v61;
	v3 =	vxor.u32 v3, v1  }
0x53: {  	v10 =	vor.u32 v32, v33;
	v16 =	vor.u32 v54, v17;
	v3 =	vadd.s32 $0x1BD11BF4, v3  }
0x54: {  	v1 =	vadd.s32 v3, v1;
	v59 =	vshrl.u32 v3, $0x13;
	v3 =	vshll.u32 v3, $0xD  }
0x55: {  	v39 =	vxor.u32 v16, v2;
	v1 =	vadd.s32 $0x2A, v1;
	v3 =	vor.u32 v59, v3  }
0x56: {  	v12 =	vadd.s32 $0x1BD11BF1, v39;
	v59 =	vshll.u32 v52, $0x6;
	v3 =	vxor.u32 v3, v1  }
0x57: {  	v2 =	vadd.s32 v12, v2;
	v34 =	vshrl.u32 v3, $0x11;
	v35 =	vshll.u32 v3, $0xF  }
0x58: {  	v36 =	vor.u32 v58, v59;
	v1 =	vadd.s32 v1, v3;
	v3 =	vor.u32 v34, v35  }
0x59: {  	v2 =	vadd.s32 $0x2A, v2;
	v34 =	vor.u32 v18, v55;
	v3 =	vxor.u32 v3, v1  }
0x5a: {  	v35 =	vor.u32 v56, v57;
	v40 =	vshrl.u32 v3, $0x6;
	v41 =	vshll.u32 v3, $0x1A  }
0x5b: {  	v1 =	vadd.s32 v1, v3;
	v3 =	vor.u32 v40, v41;
	v40 =	vxor.u32 v36, v4  }
0x5c: {  	v41 =	vxor.u32 v37, v7;
	v3 =	vxor.u32 v3, v1;
	v13 =	vadd.s32 $0x1BD11BF1, v40  }
0x5d: {  	v14 =	vadd.s32 $0x1BD11BF1, v41;
	v46 =	vshrl.u32 v3, $0x1A;
	v47 =	vshll.u32 v3, $0x6  }
0x5e: {  	v1 =	vadd.s32 v1, v3;
	v4 =	vadd.s32 v13, v4;
	v7 =	vadd.s32 v14, v7  }
0x5f: {  	v3 =	vor.u32 v46, v47;
	v46 =	vshrl.u32 v13, $0xF;
	v13 =	vshll.u32 v13, $0x11  }
0x60: {  	v47 =	vshrl.u32 v14, $0xF;
	v14 =	vshll.u32 v14, $0x11;
	v4 =	vadd.s32 $0x2A, v4  }
0x61: {  	v7 =	vadd.s32 $0x2A, v7;
	v3 =	vxor.u32 v3, v1;
	v1 =	vadd.s32 $0x1BD11BF0, v1  }
0x62: {  	v13 =	vor.u32 v46, v13;
	v14 =	vor.u32 v47, v14;
	v3 =	vadd.s32 $0x5, v3  }
0x63: {  	v13 =	vxor.u32 v13, v4;
	v14 =	vxor.u32 v14, v7;
	v1 =	vxor.u32 v1, v3  }
0x64: {  	v3 =	vor.u32 v43, v44;
	v43 =	vshrl.u32 v12, $0xF;
	v12 =	vshll.u32 v12, $0x11  }
0x65: {  	v56 =	vshrl.u32 v13, $0x3;
	v57 =	vshll.u32 v13, $0x1D;
	v58 =	vshrl.u32 v14, $0x3  }
0x66: {  	v59 =	vshll.u32 v14, $0x1D;
	v4 =	vadd.s32 v4, v13;
	v3 =	vxor.u32 v3, v8  }
0x67: {  	v7 =	vadd.s32 v7, v14;
	v12 =	vor.u32 v43, v12;
	v62 =	vshrl.u32 v3, $0x1A  }
0x68: {  	v63 =	vshll.u32 v3, $0x6;
	v3 =	vadd.s32 v8, v3;
	v8 =	vadd.s32 v9, v11  }
0x69: {  	v9 =	vxor.u32 v34, v5;
	v11 =	vxor.u32 v35, v6;
	v12 =	vxor.u32 v12, v2  }
0x6a: {  	v34 =	vor.u32 v56, v57;
	v35 =	vor.u32 v58, v59;
	v38 =	vor.u32 v62, v63  }
0x6b: {  	v10 =	vxor.u32 v10, v8;
	v9 =	vadd.s32 $0x1BD11BF1, v9;
	v11 =	vadd.s32 $0x1BD11BF1, v11  }
0x6c: {  	v50 =	vshrl.u32 v12, $0x3;
	v51 =	vshll.u32 v12, $0x1D;
	v2 =	vadd.s32 v2, v12  }
0x6d: {  	v13 =	vxor.u32 v34, v4;
	v14 =	vxor.u32 v35, v7;
	v42 =	vxor.u32 v38, v3  }
0x6e: {  	v10 =	vadd.s32 $0x1BD11BF1, v10;
	v5 =	vadd.s32 v9, v5;
	v44 =	vshrl.u32 v9, $0xF  }
0x6f: {  	v9 =	vshll.u32 v9, $0x11;
	v6 =	vadd.s32 v11, v6;
	v45 =	vshrl.u32 v11, $0xF  }
0x70: {  	v11 =	vshll.u32 v11, $0x11;
	v16 =	vor.u32 v50, v51;
	v43 =	vshrl.u32 v13, $0x10  }
0x71: {  	v46 =	vshll.u32 v14, $0x10;
	v4 =	vadd.s32 v4, v13;
	v7 =	vadd.s32 v7, v14  }
0x72: {  	v15 =	vadd.s32 $0x1BD11BF1, v42;
	v8 =	vadd.s32 v10, v8;
	v49 =	vshrl.u32 v10, $0xF  }
0x73: {  	v10 =	vshll.u32 v10, $0x11;
	v5 =	vadd.s32 $0x2A, v5;
	v9 =	vor.u32 v44, v9  }
0x74: {  	v6 =	vadd.s32 $0x2A, v6;
	v11 =	vor.u32 v45, v11;
	v44 =	vshll.u32 v13, $0x10  }
0x75: {  	v45 =	vshrl.u32 v14, $0x10;
	v3 =	vadd.s32 v15, v3;
	v48 =	vshrl.u32 v15, $0xF  }
0x76: {  	v15 =	vshll.u32 v15, $0x11;
	v8 =	vadd.s32 $0x2A, v8;
	v10 =	vor.u32 v49, v10  }
0x77: {  	v9 =	vxor.u32 v9, v5;
	v11 =	vxor.u32 v11, v6;
	v3 =	vadd.s32 $0x2A, v3  }
0x78: {  	v15 =	vor.u32 v48, v15;
	v10 =	vxor.u32 v10, v8;
	v52 =	vshrl.u32 v9, $0x3  }
0x79: {  	v53 =	vshll.u32 v9, $0x1D;
	v54 =	vshrl.u32 v11, $0x3;
	v55 =	vshll.u32 v11, $0x1D  }
0x7a: {  	v5 =	vadd.s32 v5, v9;
	v6 =	vadd.s32 v6, v11;
	v11 =	vxor.u32 v16, v2  }
0x7b: {  	v15 =	vxor.u32 v15, v3;
	v62 =	vshrl.u32 v10, $0x3;
	v63 =	vshll.u32 v10, $0x1D  }
0x7c: {  	v32 =	vor.u32 v52, v53;
	v33 =	vor.u32 v54, v55;
	v8 =	vadd.s32 v8, v10  }
0x7d: {  	v16 =	vshrl.u32 v11, $0x10;
	v38 =	vshll.u32 v11, $0x10;
	v52 =	vor.u32 v43, v44  }
0x7e: {  	v53 =	vor.u32 v45, v46;
	v2 =	vadd.s32 v2, v11;
	v60 =	vshrl.u32 v15, $0x3  }
0x7f: {  	v61 =	vshll.u32 v15, $0x1D;
	v9 =	vor.u32 v62, v63;
	v3 =	vadd.s32 v3, v15  }
0x80: {  	v10 =	vxor.u32 v32, v5;
	v37 =	vxor.u32 v33, v6;
	v16 =	vor.u32 v16, v38  }
0x81: {  	v55 =	vxor.u32 v52, v4;
	v56 =	vxor.u32 v53, v7;
	v36 =	vor.u32 v60, v61  }
0x82: {  	v9 =	vxor.u32 v9, v8;
	v39 =	vshrl.u32 v10, $0x10;
	v40 =	vshll.u32 v10, $0x10  }
0x83: {  	v41 =	vshrl.u32 v37, $0x10;
	v42 =	vshll.u32 v37, $0x10;
	v5 =	vadd.s32 v5, v10  }
0x84: {  	v6 =	vadd.s32 v6, v37;
	v10 =	vxor.u32 v16, v2;
	v63 =	vshrl.u32 v55, $0x8  }
0x85: {  	v32 =	vshll.u32 v55, $0x18;
	v33 =	vshrl.u32 v56, $0x8;
	v34 =	vshll.u32 v56, $0x18  }
0x86: {  	v4 =	vadd.s32 v4, v55;
	v7 =	vadd.s32 v7, v56;
	v15 =	vxor.u32 v36, v3  }
0x87: {  	v49 =	vshrl.u32 v9, $0x10;
	v50 =	vshll.u32 v9, $0x10;
	v18 =	vor.u32 v39, v40  }
0x88: {  	v51 =	vor.u32 v41, v42;
	v8 =	vadd.s32 v8, v9;
	v57 =	vshrl.u32 v10, $0x8  }
0x89: {  	v59 =	vshll.u32 v10, $0x18;
	v41 =	vor.u32 v63, v32;
	v42 =	vor.u32 v33, v34  }
0x8a: {  	v2 =	vadd.s32 v2, v10;
	v47 =	vshrl.u32 v15, $0x10;
	v48 =	vshll.u32 v15, $0x10  }
0x8b: {  	v17 =	vor.u32 v49, v50;
	v3 =	vadd.s32 v3, v15;
	v11 =	vxor.u32 v18, v5  }
0x8c: {  	v9 =	vxor.u32 v51, v6;
	v14 =	vor.u32 v57, v59;
	v44 =	vxor.u32 v41, v4  }
0x8d: {  	v45 =	vxor.u32 v42, v7;
	v54 =	vor.u32 v47, v48;
	v58 =	vxor.u32 v17, v8  }
0x8e: {  	v18 =	vshrl.u32 v11, $0x8;
	v60 =	vshll.u32 v11, $0x18;
	v61 =	vshrl.u32 v9, $0x8  }
0x8f: {  	v62 =	vshll.u32 v9, $0x18;
	v5 =	vadd.s32 v5, v11;
	v6 =	vadd.s32 v6, v9  }
0x90: {  	v9 =	vxor.u32 v14, v2;
	v13 =	vadd.s32 $0x2, v44;
	v14 =	vadd.s32 $0x2, v45  }
0x91: {  	v15 =	vxor.u32 v54, v3;
	v37 =	vshrl.u32 v58, $0x8;
	v38 =	vor.u32 v18, v60  }
0x92: {  	v39 =	vshll.u32 v58, $0x18;
	v40 =	vor.u32 v61, v62;
	v8 =	vadd.s32 v8, v58  }
0x93: {  	v9 =	vadd.s32 $0x2, v9;
	v4 =	vadd.s32 v13, v4;
	v50 =	vshrl.u32 v13, $0x13  }
0x94: {  	v13 =	vshll.u32 v13, $0xD;
	v7 =	vadd.s32 v14, v7;
	v51 =	vshrl.u32 v14, $0x13  }
0x95: {  	v14 =	vshll.u32 v14, $0xD;
	v35 =	vshrl.u32 v15, $0x8;
	v36 =	vshll.u32 v15, $0x18  }
0x96: {  	v18 =	vor.u32 v37, v39;
	v3 =	vadd.s32 v3, v15;
	v11 =	vxor.u32 v38, v5  }
0x97: {  	v43 =	vxor.u32 v40, v6;
	v2 =	vadd.s32 v9, v2;
	v47 =	vshrl.u32 v9, $0x13  }
0x98: {  	v9 =	vshll.u32 v9, $0xD;
	v4 =	vadd.s32 $0x1BD11BF0, v4;
	v13 =	vor.u32 v50, v13  }
0x99: {  	v7 =	vadd.s32 $0x1BD11BF0, v7;
	v14 =	vor.u32 v51, v14;
	v10 =	vor.u32 v35, v36  }
0x9a: {  	v11 =	vadd.s32 $0x2, v11;
	v46 =	vxor.u32 v18, v8;
	v12 =	vadd.s32 $0x2, v43  }
0x9b: {  	v2 =	vadd.s32 $0x1BD11BF0, v2;
	v9 =	vor.u32 v47, v9;
	v13 =	vxor.u32 v13, v4  }
0x9c: {  	v14 =	vxor.u32 v14, v7;
	v10 =	vxor.u32 v10, v3;
	v15 =	vadd.s32 $0x2, v46  }
0x9d: {  	v5 =	vadd.s32 v11, v5;
	v48 =	vshrl.u32 v11, $0x13;
	v11 =	vshll.u32 v11, $0xD  }
0x9e: {  	v6 =	vadd.s32 v12, v6;
	v49 =	vshrl.u32 v12, $0x13;
	v12 =	vshll.u32 v12, $0xD  }
0x9f: {  	v9 =	vxor.u32 v9, v2;
	v60 =	vshrl.u32 v13, $0x11;
	v61 =	vshll.u32 v13, $0xF  }
0xa0: {  	v62 =	vshrl.u32 v14, $0x11;
	v63 =	vshll.u32 v14, $0xF;
	v4 =	vadd.s32 v4, v13  }
0xa1: {  	v7 =	vadd.s32 v7, v14;
	v10 =	vadd.s32 $0x2, v10;
	v8 =	vadd.s32 v15, v8  }
0xa2: {  	v53 =	vshrl.u32 v15, $0x13;
	v15 =	vshll.u32 v15, $0xD;
	v5 =	vadd.s32 $0x1BD11BF0, v5  }
0xa3: {  	v11 =	vor.u32 v48, v11;
	v6 =	vadd.s32 $0x1BD11BF0, v6;
	v12 =	vor.u32 v49, v12  }
0xa4: {  	v54 =	vshrl.u32 v9, $0x11;
	v55 =	vshll.u32 v9, $0xF;
	v38 =	vor.u32 v60, v61  }
0xa5: {  	v39 =	vor.u32 v62, v63;
	v2 =	vadd.s32 v2, v9;
	v3 =	vadd.s32 v10, v3  }
0xa6: {  	v52 =	vshrl.u32 v10, $0x13;
	v10 =	vshll.u32 v10, $0xD;
	v8 =	vadd.s32 $0x1BD11BF0, v8  }
0xa7: {  	v11 =	vxor.u32 v11, v5;
	v15 =	vor.u32 v53, v15;
	v12 =	vxor.u32 v12, v6  }
0xa8: {  	v16 =	vor.u32 v54, v55;
	v13 =	vxor.u32 v38, v4;
	v14 =	vxor.u32 v39, v7  }
0xa9: {  	v3 =	vadd.s32 $0x1BD11BF0, v3;
	v10 =	vor.u32 v52, v10;
	v15 =	vxor.u32 v15, v8  }
0xaa: {  	v56 =	vshrl.u32 v11, $0x11;
	v57 =	vshll.u32 v11, $0xF;
	v58 =	vshrl.u32 v12, $0x11  }
0xab: {  	v59 =	vshll.u32 v12, $0xF;
	v5 =	vadd.s32 v5, v11;
	v6 =	vadd.s32 v6, v12  }
0xac: {  	v46 =	vshrl.u32 v13, $0x6;
	v47 =	vshll.u32 v13, $0x1A;
	v48 =	vshrl.u32 v14, $0x6  }
0xad: {  	v49 =	vshll.u32 v14, $0x1A;
	v4 =	vadd.s32 v4, v13;
	v7 =	vadd.s32 v7, v14  }
0xae: {  	v10 =	vxor.u32 v10, v3;
	v34 =	vshrl.u32 v15, $0x11;
	v35 =	vor.u32 v56, v57  }
0xaf: {  	v36 =	vshll.u32 v15, $0xF;
	v37 =	vor.u32 v58, v59;
	v8 =	vadd.s32 v8, v15  }
0xb0: {  	v56 =	vor.u32 v46, v47;
	v57 =	vor.u32 v48, v49;
	v32 =	vshrl.u32 v10, $0x11  }
0xb1: {  	v33 =	vshll.u32 v10, $0xF;
	v18 =	vor.u32 v34, v36;
	v3 =	vadd.s32 v3, v10  }
0xb2: {  	v10 =	vxor.u32 v16, v2;
	v11 =	vxor.u32 v35, v5;
	v12 =	vxor.u32 v37, v6  }
0xb3: {  	v13 =	vxor.u32 v56, v4;
	v14 =	vxor.u32 v57, v7;
	v9 =	vor.u32 v32, v33  }
0xb4: {  	v40 =	vshrl.u32 v10, $0x6;
	v16 =	vshll.u32 v10, $0x1A;
	v41 =	vxor.u32 v18, v8  }
0xb5: {  	v42 =	vshrl.u32 v11, $0x6;
	v43 =	vshll.u32 v11, $0x1A;
	v44 =	vshrl.u32 v12, $0x6  }
0xb6: {  	v45 =	vshll.u32 v12, $0x1A;
	v2 =	vadd.s32 v2, v10;
	v5 =	vadd.s32 v5, v11  }
0xb7: {  	v6 =	vadd.s32 v6, v12;
	v34 =	vshrl.u32 v13, $0x1A;
	v35 =	vshll.u32 v13, $0x6  }
0xb8: {  	v36 =	vshrl.u32 v14, $0x1A;
	v37 =	vshll.u32 v14, $0x6;
	v4 =	vadd.s32 v4, v13  }
0xb9: {  	v7 =	vadd.s32 v7, v14;
	v9 =	vxor.u32 v9, v3;
	v52 =	vshrl.u32 v41, $0x6  }
0xba: {  	v53 =	vshll.u32 v41, $0x1A;
	v15 =	vor.u32 v40, v16;
	v54 =	vor.u32 v42, v43  }
0xbb: {  	v55 =	vor.u32 v44, v45;
	v8 =	vadd.s32 v8, v41;
	v43 =	vor.u32 v34, v35  }
0xbc: {  	v44 =	vor.u32 v36, v37;
	v50 =	vshrl.u32 v9, $0x6;
	v51 =	vshll.u32 v9, $0x1A  }
0xbd: {  	v10 =	vor.u32 v52, v53;
	v11 =	vxor.u32 v15, v2;
	v3 =	vadd.s32 v3, v9  }
0xbe: {  	v9 =	vxor.u32 v54, v5;
	v12 =	vxor.u32 v55, v6;
	v46 =	vxor.u32 v43, v4  }
0xbf: {  	v47 =	vxor.u32 v44, v7;
	v58 =	vor.u32 v50, v51;
	v10 =	vxor.u32 v10, v8  }
0xc0: {  	v60 =	vshrl.u32 v11, $0x1A;
	v61 =	vshll.u32 v11, $0x6;
	v62 =	vshrl.u32 v9, $0x1A  }
0xc1: {  	v63 =	vshll.u32 v9, $0x6;
	v32 =	vshrl.u32 v12, $0x1A;
	v33 =	vshll.u32 v12, $0x6  }
0xc2: {  	v2 =	vadd.s32 v2, v11;
	v5 =	vadd.s32 v5, v9;
	v6 =	vadd.s32 v6, v12  }
0xc3: {  	v12 =	vadd.s32 $0x2D, v46;
	v13 =	vadd.s32 $0x2D, v47;
	v59 =	vxor.u32 v58, v3  }
0xc4: {  	v16 =	vor.u32 v60, v61;
	v40 =	vshrl.u32 v10, $0x1A;
	v41 =	vshll.u32 v10, $0x6  }
0xc5: {  	v18 =	vor.u32 v62, v63;
	v42 =	vor.u32 v32, v33;
	v8 =	vadd.s32 v8, v10  }
0xc6: {  	v56 =	vshrl.u32 v12, $0xF;
	v57 =	vshll.u32 v12, $0x11;
	v58 =	vshrl.u32 v13, $0xF  }
0xc7: {  	v4 =	vadd.s32 v4, v12;
	v7 =	vadd.s32 v7, v13;
	v38 =	vshrl.u32 v59, $0x1A  }
0xc8: {  	v39 =	vshll.u32 v59, $0x6;
	v17 =	vor.u32 v40, v41;
	v3 =	vadd.s32 v3, v59  }
0xc9: {  	v9 =	vxor.u32 v16, v2;
	v11 =	vxor.u32 v18, v5;
	v10 =	vxor.u32 v42, v6  }
0xca: {  	v59 =	vshll.u32 v13, $0x11;
	v32 =	vor.u32 v56, v57;
	v45 =	vor.u32 v38, v39  }
0xcb: {  	v9 =	vadd.s32 $0x2D, v9;
	v49 =	vxor.u32 v17, v8;
	v11 =	vadd.s32 $0x2D, v11  }
0xcc: {  	v10 =	vadd.s32 $0x2D, v10;
	v33 =	vor.u32 v58, v59;
	v12 =	vxor.u32 v32, v4  }
0xcd: {  	v48 =	vxor.u32 v45, v3;
	v15 =	vadd.s32 $0x2D, v49;
	v50 =	vshrl.u32 v9, $0xF  }
0xce: {  	v51 =	vshll.u32 v9, $0x11;
	v52 =	vshrl.u32 v11, $0xF;
	v53 =	vshll.u32 v11, $0x11  }
0xcf: {  	v54 =	vshrl.u32 v10, $0xF;
	v55 =	vshll.u32 v10, $0x11;
	v2 =	vadd.s32 v2, v9  }
0xd0: {  	v5 =	vadd.s32 v5, v11;
	v6 =	vadd.s32 v6, v10;
	v13 =	vxor.u32 v33, v7  }
0xd1: {  	v42 =	vshrl.u32 v12, $0x3;
	v43 =	vshll.u32 v12, $0x1D;
	v4 =	vadd.s32 v4, v12  }
0xd2: {  	v14 =	vadd.s32 $0x2D, v48;
	v16 =	vor.u32 v50, v51;
	v62 =	vshrl.u32 v15, $0xF  }
0xd3: {  	v63 =	vshll.u32 v15, $0x11;
	v18 =	vor.u32 v52, v53;
	v31 =	vor.u32 v54, v55  }
0xd4: {  	v8 =	vadd.s32 v8, v15;
	v44 =	vshrl.u32 v13, $0x3;
	v45 =	vshll.u32 v13, $0x1D  }
0xd5: {  	v52 =	vor.u32 v42, v43;
	v7 =	vadd.s32 v7, v13;
	v60 =	vshrl.u32 v14, $0xF  }
0xd6: {  	v61 =	vshll.u32 v14, $0x11;
	v17 =	vor.u32 v62, v63;
	v3 =	vadd.s32 v3, v14  }
0xd7: {  	v9 =	vxor.u32 v16, v2;
	v10 =	vxor.u32 v18, v5;
	v11 =	vxor.u32 v31, v6  }
0xd8: {  	v53 =	vor.u32 v44, v45;
	v55 =	vxor.u32 v52, v4;
	v34 =	vor.u32 v60, v61  }
0xd9: {  	v35 =	vshrl.u32 v9, $0x3;
	v37 =	vxor.u32 v17, v8;
	v38 =	vshll.u32 v9, $0x1D  }
0xda: {  	v18 =	vshrl.u32 v10, $0x3;
	v39 =	vshll.u32 v10, $0x1D;
	v40 =	vshrl.u32 v11, $0x3  }
0xdb: {  	v41 =	vshll.u32 v11, $0x1D;
	v2 =	vadd.s32 v2, v9;
	v5 =	vadd.s32 v5, v10  }
0xdc: {  	v6 =	vadd.s32 v6, v11;
	v56 =	vxor.u32 v53, v7;
	v32 =	vshrl.u32 v55, $0x10  }
0xdd: {  	v33 =	vshll.u32 v55, $0x10;
	v4 =	vadd.s32 v4, v55;
	v36 =	vxor.u32 v34, v3  }
0xde: {  	v48 =	vshrl.u32 v37, $0x3;
	v14 =	vor.u32 v35, v38;
	v49 =	vor.u32 v18, v39  }
0xdf: {  	v50 =	vshll.u32 v37, $0x1D;
	v51 =	vor.u32 v40, v41;
	v8 =	vadd.s32 v8, v37  }
0xe0: {  	v34 =	vshrl.u32 v56, $0x10;
	v35 =	vshll.u32 v56, $0x10;
	v42 =	vor.u32 v32, v33  }
0xe1: {  	v7 =	vadd.s32 v7, v56;
	v46 =	vshrl.u32 v36, $0x3;
	v47 =	vshll.u32 v36, $0x1D  }
0xe2: {  	v18 =	vor.u32 v48, v50;
	v3 =	vadd.s32 v3, v36;
	v10 =	vxor.u32 v14, v2  }
0xe3: {  	v11 =	vxor.u32 v49, v5;
	v54 =	vxor.u32 v51, v6;
	v43 =	vor.u32 v34, v35  }
0xe4: {  	v13 =	vxor.u32 v42, v4;
	v9 =	vor.u32 v46, v47;
	v57 =	vshrl.u32 v10, $0x10  }
0xe5: {  	v58 =	vshll.u32 v10, $0x10;
	v59 =	vxor.u32 v18, v8;
	v60 =	vshrl.u32 v11, $0x10  }
0xe6: {  	v61 =	vshll.u32 v11, $0x10;
	v62 =	vshrl.u32 v54, $0x10;
	v63 =	vshll.u32 v54, $0x10  }
0xe7: {  	v2 =	vadd.s32 v2, v10;
	v5 =	vadd.s32 v5, v11;
	v6 =	vadd.s32 v6, v54  }
0xe8: {  	v14 =	vxor.u32 v43, v7;
	v52 =	vshrl.u32 v13, $0x8;
	v53 =	vshll.u32 v13, $0x18  }
0xe9: {  	v4 =	vadd.s32 v4, v13;
	v9 =	vxor.u32 v9, v3;
	v38 =	vshrl.u32 v59, $0x10  }
0xea: {  	v39 =	vshll.u32 v59, $0x10;
	v15 =	vor.u32 v57, v58;
	v40 =	vor.u32 v60, v61  }
0xeb: {  	v41 =	vor.u32 v62, v63;
	v8 =	vadd.s32 v8, v59;
	v54 =	vshrl.u32 v14, $0x8  }
0xec: {  	v55 =	vshll.u32 v14, $0x18;
	v61 =	vor.u32 v52, v53;
	v7 =	vadd.s32 v7, v14  }
0xed: {  	v36 =	vshrl.u32 v9, $0x10;
	v37 =	vshll.u32 v9, $0x10;
	v10 =	vor.u32 v38, v39  }
0xee: {  	v11 =	vxor.u32 v15, v2;
	v3 =	vadd.s32 v3, v9;
	v9 =	vxor.u32 v40, v5  }
0xef: {  	v12 =	vxor.u32 v41, v6;
	v62 =	vor.u32 v54, v55;
	v20 =	vxor.u32 v61, v4  }
0xf0: {  	v44 =	vor.u32 v36, v37;
	v10 =	vxor.u32 v10, v8;
	v46 =	vshrl.u32 v11, $0x8  }
0xf1: {  	v47 =	vshll.u32 v11, $0x18;
	v48 =	vshrl.u32 v9, $0x8;
	v49 =	vshll.u32 v9, $0x18  }
0xf2: {  	v50 =	vshrl.u32 v12, $0x8;
	v51 =	vshll.u32 v12, $0x18;
	v2 =	vadd.s32 v2, v11  }
0xf3: {  	v5 =	vadd.s32 v5, v9;
	v6 =	vadd.s32 v6, v12;
	v21 =	vxor.u32 v62, v7  }
0xf4: {  	v12 =	vadd.s32 $0x1BD11BF4, v20;
	v45 =	vxor.u32 v44, v3;
	v16 =	vor.u32 v46, v47  }
0xf5: {  	v58 =	vshrl.u32 v10, $0x8;
	v59 =	vshll.u32 v10, $0x18;
	v18 =	vor.u32 v48, v49  }
0xf6: {  	v60 =	vor.u32 v50, v51;
	v8 =	vadd.s32 v8, v10;
	v13 =	vadd.s32 $0x1BD11BF4, v21  }
0xf7: {  	v4 =	vadd.s32 v12, v4;
	v28 =	vshrl.u32 v12, $0x13;
	v12 =	vshll.u32 v12, $0xD  }
0xf8: {  	v56 =	vshrl.u32 v45, $0x8;
	v57 =	vshll.u32 v45, $0x18;
	v17 =	vor.u32 v58, v59  }
0xf9: {  	v3 =	vadd.s32 v3, v45;
	v9 =	vxor.u32 v16, v2;
	v11 =	vxor.u32 v18, v5  }
0xfa: {  	v10 =	vxor.u32 v60, v6;
	v7 =	vadd.s32 v13, v7;
	v29 =	vshrl.u32 v13, $0x13  }
0xfb: {  	v13 =	vshll.u32 v13, $0xD;
	v4 =	vadd.s32 $0x2A, v4;
	v12 =	vor.u32 v28, v12  }
0xfc: {  	v63 =	vor.u32 v56, v57;
	v9 =	vadd.s32 $0x1BD11BF4, v9;
	v24 =	vxor.u32 v17, v8  }
0xfd: {  	v11 =	vadd.s32 $0x1BD11BF4, v11;
	v10 =	vadd.s32 $0x1BD11BF4, v10;
	v7 =	vadd.s32 $0x2A, v7  }
0xfe: {  	v13 =	vor.u32 v29, v13;
	v12 =	vxor.u32 v12, v4;
	v23 =	vxor.u32 v63, v3  }
0xff: {  	v15 =	vadd.s32 $0x1BD11BF4, v24;
	v2 =	vadd.s32 v9, v2;
	v25 =	vshrl.u32 v9, $0x13  }
0x100: {  	v9 =	vshll.u32 v9, $0xD;
	v5 =	vadd.s32 v11, v5;
	v26 =	vshrl.u32 v11, $0x13  }
0x101: {  	v11 =	vshll.u32 v11, $0xD;
	v6 =	vadd.s32 v10, v6;
	v27 =	vshrl.u32 v10, $0x13  }
0x102: {  	v10 =	vshll.u32 v10, $0xD;
	v13 =	vxor.u32 v13, v7;
	v38 =	vshrl.u32 v12, $0x11  }
0x103: {  	v39 =	vshll.u32 v12, $0xF;
	v4 =	vadd.s32 v4, v12;
	v14 =	vadd.s32 $0x1BD11BF4, v23  }
0x104: {  	v8 =	vadd.s32 v15, v8;
	v31 =	vshrl.u32 v15, $0x13;
	v15 =	vshll.u32 v15, $0xD  }
0x105: {  	v2 =	vadd.s32 $0x2A, v2;
	v9 =	vor.u32 v25, v9;
	v5 =	vadd.s32 $0x2A, v5  }
0x106: {  	v11 =	vor.u32 v26, v11;
	v6 =	vadd.s32 $0x2A, v6;
	v10 =	vor.u32 v27, v10  }
0x107: {  	v40 =	vshrl.u32 v13, $0x11;
	v41 =	vshll.u32 v13, $0xF;
	v47 =	vor.u32 v38, v39  }
0x108: {  	v7 =	vadd.s32 v7, v13;
	v3 =	vadd.s32 v14, v3;
	v30 =	vshrl.u32 v14, $0x13  }
0x109: {  	v14 =	vshll.u32 v14, $0xD;
	v9 =	vxor.u32 v9, v2;
	v8 =	vadd.s32 $0x2A, v8  }
0x10a: {  	v15 =	vor.u32 v31, v15;
	v11 =	vxor.u32 v11, v5;
	v10 =	vxor.u32 v10, v6  }
0x10b: {  	v48 =	vor.u32 v40, v41;
	v12 =	vxor.u32 v47, v4;
	v3 =	vadd.s32 $0x2A, v3  }
0x10c: {  	v14 =	vor.u32 v30, v14;
	v15 =	vxor.u32 v15, v8;
	v32 =	vshrl.u32 v9, $0x11  }
0x10d: {  	v33 =	vshll.u32 v9, $0xF;
	v34 =	vshrl.u32 v11, $0x11;
	v35 =	vshll.u32 v11, $0xF  }
0x10e: {  	v36 =	vshrl.u32 v10, $0x11;
	v37 =	vshll.u32 v10, $0xF;
	v2 =	vadd.s32 v2, v9  }
0x10f: {  	v5 =	vadd.s32 v5, v11;
	v6 =	vadd.s32 v6, v10;
	v13 =	vxor.u32 v48, v7  }
0x110: {  	v57 =	vshrl.u32 v12, $0x6;
	v58 =	vshll.u32 v12, $0x1A;
	v4 =	vadd.s32 v4, v12  }
0x111: {  	v14 =	vxor.u32 v14, v3;
	v16 =	vor.u32 v32, v33;
	v44 =	vshrl.u32 v15, $0x11  }
0x112: {  	v45 =	vshll.u32 v15, $0xF;
	v18 =	vor.u32 v34, v35;
	v46 =	vor.u32 v36, v37  }
0x113: {  	v8 =	vadd.s32 v8, v15;
	v59 =	vshrl.u32 v13, $0x6;
	v60 =	vshll.u32 v13, $0x1A  }
0x114: {  	v32 =	vor.u32 v57, v58;
	v7 =	vadd.s32 v7, v13;
	v42 =	vshrl.u32 v14, $0x11  }
0x115: {  	v43 =	vshll.u32 v14, $0xF;
	v17 =	vor.u32 v44, v45;
	v3 =	vadd.s32 v3, v14  }
0x116: {  	v9 =	vxor.u32 v16, v2;
	v10 =	vxor.u32 v18, v5;
	v11 =	vxor.u32 v46, v6  }
0x117: {  	v33 =	vor.u32 v59, v60;
	v35 =	vxor.u32 v32, v4;
	v49 =	vor.u32 v42, v43  }
0x118: {  	v50 =	vshrl.u32 v9, $0x6;
	v52 =	vxor.u32 v17, v8;
	v53 =	vshll.u32 v9, $0x1A  }
0x119: {  	v18 =	vshrl.u32 v10, $0x6;
	v54 =	vshll.u32 v10, $0x1A;
	v55 =	vshrl.u32 v11, $0x6  }
0x11a: {  	v56 =	vshll.u32 v11, $0x1A;
	v2 =	vadd.s32 v2, v9;
	v5 =	vadd.s32 v5, v10  }
0x11b: {  	v6 =	vadd.s32 v6, v11;
	v36 =	vxor.u32 v33, v7;
	v44 =	vshrl.u32 v35, $0x1A  }
0x11c: {  	v45 =	vshll.u32 v35, $0x6;
	v51 =	vxor.u32 v49, v3;
	v63 =	vshrl.u32 v52, $0x6  }
0x11d: {  	v14 =	vor.u32 v50, v53;
	v29 =	vor.u32 v18, v54;
	v30 =	vshll.u32 v52, $0x1A  }
0x11e: {  	v31 =	vor.u32 v55, v56;
	v8 =	vadd.s32 v8, v52;
	v46 =	vshrl.u32 v36, $0x1A  }
0x11f: {  	v47 =	vshll.u32 v36, $0x6;
	v54 =	vor.u32 v44, v45;
	v57 =	vadd.s32 v7, v36  }
0x120: {  	v61 =	vshrl.u32 v51, $0x6;
	v62 =	vshll.u32 v51, $0x1A;
	v18 =	vor.u32 v63, v30  }
0x121: {  	v3 =	vadd.s32 v3, v51;
	v10 =	vxor.u32 v14, v2;
	v11 =	vxor.u32 v29, v5  }
0x122: {  	v34 =	vxor.u32 v31, v6;
	v55 =	vor.u32 v46, v47;
	v9 =	vor.u32 v61, v62  }
0x123: {  	v37 =	vshrl.u32 v10, $0x1A;
	v38 =	vshll.u32 v10, $0x6;
	v39 =	vxor.u32 v18, v8  }
0x124: {  	v40 =	vshrl.u32 v11, $0x1A;
	v41 =	vshll.u32 v11, $0x6;
	v42 =	vshrl.u32 v34, $0x1A  }
0x125: {  	v43 =	vshll.u32 v34, $0x6;
	v2 =	vadd.s32 v2, v10;
	v10 =	vadd.s32 v5, v11  }
0x126: {  	v6 =	vadd.s32 v6, v34;
	v11 =	vadd.s32 v4, v35;
	v14 =	vxor.u32 v55, v57  }
0x127: {  	v9 =	vxor.u32 v9, v3;
	v50 =	vshrl.u32 v39, $0x1A;
	v51 =	vshll.u32 v39, $0x6  }
0x128: {  	v15 =	vor.u32 v37, v38;
	v52 =	vor.u32 v40, v41;
	v53 =	vor.u32 v42, v43  }
0x129: {  	v8 =	vadd.s32 v8, v39;
	v13 =	vxor.u32 v54, v11;
	v63 =	vadd.s32 $0x1BD11BF0, v6  }
0x12a: {  	v11 =	vadd.s32 $0x1BD11BF0, v11;
	v48 =	vshrl.u32 v9, $0x1A;
	v49 =	vshll.u32 v9, $0x6  }
0x12b: {  	v5 =	vor.u32 v50, v51;
	v4 =	vxor.u32 v15, v2;
	v3 =	vadd.s32 v3, v9  }
0x12c: {  	v7 =	vxor.u32 v52, v10;
	v9 =	vxor.u32 v53, v6;
	v13 =	vadd.s32 $0x5, v13  }
0x12d: {  	v2 =	vadd.s32 $0x1BD11BF0, v2;
	v10 =	vadd.s32 $0x1BD11BF0, v10;
	v6 =	vadd.s32 $0x1BD11BF0, v57  }
0x12e: {  	v56 =	vor.u32 v48, v49;
	v59 =	vxor.u32 v5, v8;
	v60 =	vadd.s32 $0x5, v4  }
0x12f: {  	v61 =	vadd.s32 $0x5, v7;
	v62 =	vadd.s32 $0x5, v9;
	v4 =	vadd.s32 $0x5, v14  }
0x130: {  	s14 =	simm.s32 $0x40;
	v9 =	vadd.s32 $0x1BD11BF0, v3;
	v8 =	vadd.s32 $0x1BD11BF0, v8;
	v58 =	vxor.u32 v56, v3  }
0x131: {  	[tilespmem:s14+$0x30] =	vst v1;
	v7 =	vadd.s32 $0x5, v59;
	v1 =	vxor.u32 v2, v60;
	v3 =	vxor.u32 v10, v61  }
0x132: {  	s13 =	sadd.s32 s4, s12;
	s15 =	simm.s32 $0x100;
	s16 =	sadd.s32 $0x80, s11;
	v2 =	vxor.u32 v63, v62;
	v5 =	vadd.s32 $0x5, v58;
	[tilespmem:s14+$0xFFFFFFC0] =	vst v1;
	v1 =	vxor.u32 v11, v13  }
.LBB2_3:
0x133: {  	p0 =	sne.s32 s15, $0x1F80;
	s17 =	sadd.s32 $0x2D8009A, s16;
	[tilespmem:s14+$0xFFFFFFD0] =	vst v3;
	v3 =	vxor.u32 v6, v4;
	v6 =	vxor.u32 v9, v5;
	v7 =	vxor.u32 v8, v7  }
0x134: {  	s18 =	sadd.s32 $0x2D8002A, s16;
	s19 =	sadd.s32 $0x2D8003A, s16;
	v8 =	vadd.s32 s17, v0;
	[tilespmem:s14+$0xFFFFFFE0] =	vst v2  }
0x135: {  	v2 =	vadd.s32 s18, v0;
	s17 =	sadd.s32 $0x2D8004A, s16;
	s18 =	sadd.s32 $0x2D8005A, s16;
	v4 =	vshrl.u32 v8, $0x13;
	v9 =	vshll.u32 v8, $0xD;
	[tilespmem:s14+$0x0] =	vst v3  }
0x136: {  	v5 =	vadd.s32 s19, v0;
	s19 =	sadd.s32 $0x2D8007A, s16;
	v3 =	vadd.s32 s17, v0;
	s17 =	sadd.s32 $0x2D8006A, s16;
	v9 =	vor.u32 v4, v9;
	[tilespmem:s14+$0xFFFFFFF0] =	vst v1  }
0x137: {  	s16 =	sadd.s32 $0x2D8008A, s16;
	v1 =	vadd.s32 s18, v0;
	v4 =	vadd.s32 s17, v0;
	v9 =	vxor.u32 v8, v9;
	[tilespmem:s14+$0x10] =	vst v6  }
0x138: {  	v6 =	vadd.s32 s19, v0;
	v10 =	vshrl.u32 v9, $0x11;
	v11 =	vshll.u32 v9, $0xF;
	[tilespmem:s14+$0x20] =	vst v7  }
0x139: {  	v7 =	vadd.s32 s16, v0;
	v8 =	vadd.s32 v8, v9;
	v9 =	vor.u32 v10, v11  }
0x13a: {  	v10 =	vshrl.u32 v2, $0x13;
	v11 =	vshll.u32 v2, $0xD;
	v9 =	vxor.u32 v9, v8  }
0x13b: {  	v12 =	vshrl.u32 v5, $0x13;
	v13 =	vshrl.u32 v9, $0x6;
	v14 =	vshll.u32 v9, $0x1A  }
0x13c: {  	v15 =	vshll.u32 v5, $0xD;
	v8 =	vadd.s32 v8, v9;
	v9 =	vor.u32 v13, v14  }
0x13d: {  	v13 =	vshrl.u32 v3, $0x13;
	v14 =	vshll.u32 v3, $0xD;
	v9 =	vxor.u32 v9, v8  }
0x13e: {  	v16 =	vshrl.u32 v1, $0x13;
	v17 =	vshrl.u32 v9, $0x1A;
	v18 =	vshll.u32 v9, $0x6  }
0x13f: {  	v19 =	vshll.u32 v1, $0xD;
	v8 =	vadd.s32 v8, v9;
	v9 =	vor.u32 v17, v18  }
0x140: {  	v17 =	vshrl.u32 v4, $0x13;
	v18 =	vshll.u32 v4, $0xD;
	v9 =	vxor.u32 v9, v8  }
0x141: {  	v20 =	vshrl.u32 v6, $0x13;
	v21 =	vshll.u32 v6, $0xD;
	v9 =	vadd.s32 $0x1BD11BF1, v9  }
0x142: {  	v8 =	vadd.s32 v9, v8;
	v22 =	vshrl.u32 v9, $0xF;
	v9 =	vshll.u32 v9, $0x11  }
0x143: {  	v23 =	vshrl.u32 v7, $0x13;
	v8 =	vadd.s32 $0x2A, v8;
	v9 =	vor.u32 v22, v9  }
0x144: {  	v10 =	vor.u32 v10, v11;
	v11 =	vshll.u32 v7, $0xD;
	v9 =	vxor.u32 v9, v8  }
0x145: {  	v12 =	vor.u32 v12, v15;
	v15 =	vshrl.u32 v9, $0x3;
	v22 =	vshll.u32 v9, $0x1D  }
0x146: {  	v13 =	vor.u32 v13, v14;
	v8 =	vadd.s32 v8, v9;
	v9 =	vor.u32 v15, v22  }
0x147: {  	v14 =	vor.u32 v16, v19;
	v15 =	vor.u32 v17, v18;
	v9 =	vxor.u32 v9, v8  }
0x148: {  	v16 =	vor.u32 v20, v21;
	v17 =	vshrl.u32 v9, $0x10;
	v18 =	vshll.u32 v9, $0x10  }
0x149: {  	v11 =	vor.u32 v23, v11;
	v8 =	vadd.s32 v8, v9;
	v9 =	vor.u32 v17, v18  }
0x14a: {  	v12 =	vxor.u32 v5, v12;
	v10 =	vxor.u32 v2, v10;
	v9 =	vxor.u32 v9, v8  }
0x14b: {  	v13 =	vxor.u32 v3, v13;
	v17 =	vshrl.u32 v9, $0x8;
	v18 =	vshll.u32 v9, $0x18  }
0x14c: {  	v14 =	vxor.u32 v1, v14;
	v8 =	vadd.s32 v8, v9;
	v9 =	vor.u32 v17, v18  }
0x14d: {  	v16 =	vxor.u32 v6, v16;
	v15 =	vxor.u32 v4, v15;
	v9 =	vxor.u32 v9, v8  }
0x14e: {  	v11 =	vxor.u32 v7, v11;
	v17 =	vshrl.u32 v10, $0x11;
	v9 =	vadd.s32 $0x2, v9  }
0x14f: {  	v8 =	vadd.s32 v9, v8;
	v18 =	vshrl.u32 v9, $0x13;
	v9 =	vshll.u32 v9, $0xD  }
0x150: {  	v19 =	vshll.u32 v10, $0xF;
	v8 =	vadd.s32 $0x1BD11BF0, v8;
	v9 =	vor.u32 v18, v9  }
0x151: {  	v20 =	vshll.u32 v12, $0xF;
	v18 =	vshrl.u32 v12, $0x11;
	v9 =	vxor.u32 v9, v8  }
0x152: {  	v21 =	vshrl.u32 v13, $0x11;
	v22 =	vshrl.u32 v9, $0x11;
	v23 =	vshll.u32 v9, $0xF  }
0x153: {  	v24 =	vshll.u32 v13, $0xF;
	v8 =	vadd.s32 v8, v9;
	v9 =	vor.u32 v22, v23  }
0x154: {  	v22 =	vshrl.u32 v14, $0x11;
	v23 =	vshll.u32 v14, $0xF;
	v9 =	vxor.u32 v9, v8  }
0x155: {  	v25 =	vshrl.u32 v15, $0x11;
	v26 =	vshrl.u32 v9, $0x6;
	v27 =	vshll.u32 v9, $0x1A  }
0x156: {  	v28 =	vshll.u32 v15, $0xF;
	v8 =	vadd.s32 v8, v9;
	v9 =	vor.u32 v26, v27  }
0x157: {  	v26 =	vshrl.u32 v16, $0x11;
	v27 =	vshll.u32 v16, $0xF;
	v9 =	vxor.u32 v9, v8  }
0x158: {  	v29 =	vshrl.u32 v11, $0x11;
	v30 =	vshrl.u32 v9, $0x1A;
	v31 =	vshll.u32 v9, $0x6  }
0x159: {  	v32 =	vshll.u32 v11, $0xF;
	v8 =	vadd.s32 v8, v9;
	v9 =	vor.u32 v30, v31  }
0x15a: {  	v17 =	vor.u32 v17, v19;
	v18 =	vor.u32 v18, v20;
	v9 =	vxor.u32 v9, v8  }
0x15b: {  	v19 =	vor.u32 v21, v24;
	v20 =	vor.u32 v22, v23;
	v9 =	vadd.s32 $0x2D, v9  }
0x15c: {  	v21 =	vor.u32 v25, v28;
	v22 =	vshrl.u32 v9, $0xF;
	v23 =	vshll.u32 v9, $0x11  }
0x15d: {  	v24 =	vor.u32 v26, v27;
	v8 =	vadd.s32 v8, v9;
	v9 =	vor.u32 v22, v23  }
0x15e: {  	v2 =	vadd.s32 v2, v10;
	v10 =	vor.u32 v29, v32;
	v9 =	vxor.u32 v9, v8  }
0x15f: {  	v5 =	vadd.s32 v5, v12;
	v12 =	vshrl.u32 v9, $0x3;
	v22 =	vshll.u32 v9, $0x1D  }
0x160: {  	v3 =	vadd.s32 v3, v13;
	v8 =	vadd.s32 v8, v9;
	v9 =	vor.u32 v12, v22  }
0x161: {  	v1 =	vadd.s32 v1, v14;
	v4 =	vadd.s32 v4, v15;
	v9 =	vxor.u32 v9, v8  }
0x162: {  	v6 =	vadd.s32 v6, v16;
	v12 =	vshrl.u32 v9, $0x10;
	v13 =	vshll.u32 v9, $0x10  }
0x163: {  	v7 =	vadd.s32 v7, v11;
	v8 =	vadd.s32 v8, v9;
	v9 =	vor.u32 v12, v13  }
0x164: {  	v11 =	vxor.u32 v17, v2;
	v12 =	vxor.u32 v18, v5;
	v9 =	vxor.u32 v9, v8  }
0x165: {  	v13 =	vxor.u32 v19, v3;
	v14 =	vshrl.u32 v9, $0x8;
	v15 =	vshll.u32 v9, $0x18  }
0x166: {  	v16 =	vxor.u32 v20, v1;
	v8 =	vadd.s32 v8, v9;
	v9 =	vor.u32 v14, v15  }
0x167: {  	v14 =	vxor.u32 v21, v4;
	v15 =	vxor.u32 v24, v6;
	v9 =	vxor.u32 v9, v8  }
0x168: {  	v10 =	vxor.u32 v10, v7;
	v17 =	vshrl.u32 v11, $0x6;
	v9 =	vadd.s32 $0x1BD11BF4, v9  }
0x169: {  	v8 =	vadd.s32 v9, v8;
	v18 =	vshrl.u32 v9, $0x13;
	v9 =	vshll.u32 v9, $0xD  }
0x16a: {  	v19 =	vshll.u32 v11, $0x1A;
	v8 =	vadd.s32 $0x2A, v8;
	v9 =	vor.u32 v18, v9  }
0x16b: {  	v20 =	vshll.u32 v12, $0x1A;
	v18 =	vshrl.u32 v12, $0x6;
	v9 =	vxor.u32 v9, v8  }
0x16c: {  	v21 =	vshrl.u32 v13, $0x6;
	v22 =	vshrl.u32 v9, $0x11;
	v23 =	vshll.u32 v9, $0xF  }
0x16d: {  	v24 =	vshll.u32 v13, $0x1A;
	v8 =	vadd.s32 v8, v9;
	v9 =	vor.u32 v22, v23  }
0x16e: {  	v22 =	vshrl.u32 v16, $0x6;
	v23 =	vshll.u32 v16, $0x1A;
	v9 =	vxor.u32 v9, v8  }
0x16f: {  	v25 =	vshrl.u32 v14, $0x6;
	v26 =	vshrl.u32 v9, $0x6;
	v27 =	vshll.u32 v9, $0x1A  }
0x170: {  	v28 =	vshll.u32 v14, $0x1A;
	v8 =	vadd.s32 v8, v9;
	v9 =	vor.u32 v26, v27  }
0x171: {  	v26 =	vshrl.u32 v15, $0x6;
	v27 =	vshll.u32 v15, $0x1A;
	v9 =	vxor.u32 v9, v8  }
0x172: {  	v29 =	vshrl.u32 v10, $0x6;
	v30 =	vshrl.u32 v9, $0x1A;
	v31 =	vshll.u32 v9, $0x6  }
0x173: {  	v32 =	vshll.u32 v10, $0x1A;
	v8 =	vadd.s32 v8, v9;
	v9 =	vor.u32 v30, v31  }
0x174: {  	v17 =	vor.u32 v17, v19;
	v18 =	vor.u32 v18, v20;
	v9 =	vxor.u32 v9, v8  }
0x175: {  	v19 =	vor.u32 v21, v24;
	v8 =	vadd.s32 $0x1BD11BF0, v8;
	v9 =	vadd.s32 $0x5, v9  }
0x176: {  	s14 =	sadd.s32 $0x80, s14;
	v21 =	vor.u32 v25, v28;
	v20 =	vor.u32 v22, v23;
	v8 =	vxor.u32 v8, v9  }
0x177: {  	v2 =	vadd.s32 v2, v11;
	v11 =	vor.u32 v29, v32;
	v9 =	vor.u32 v26, v27;
	[tilespmem:s14+$0x30] =	vst v8  }
0x178: {  	v1 =	vadd.s32 v1, v16;
	v5 =	vadd.s32 v5, v12;
	v3 =	vadd.s32 v3, v13  }
0x179: {  	v7 =	vadd.s32 v7, v10;
	v4 =	vadd.s32 v4, v14;
	v6 =	vadd.s32 v6, v15  }
0x17a: {  	v12 =	vxor.u32 v19, v3;
	v10 =	vxor.u32 v18, v5;
	v8 =	vxor.u32 v17, v2  }
0x17b: {  	v14 =	vxor.u32 v21, v4;
	v13 =	vxor.u32 v20, v1;
	v9 =	vxor.u32 v9, v6  }
0x17c: {  	v11 =	vxor.u32 v11, v7;
	v15 =	vshrl.u32 v8, $0x1A;
	v16 =	vshll.u32 v8, $0x6  }
0x17d: {  	v19 =	vshrl.u32 v12, $0x1A;
	v18 =	vshll.u32 v10, $0x6;
	v17 =	vshrl.u32 v10, $0x1A  }
0x17e: {  	v20 =	vshll.u32 v12, $0x6;
	v21 =	vshrl.u32 v13, $0x1A;
	v22 =	vshll.u32 v13, $0x6  }
0x17f: {  	v24 =	vshll.u32 v14, $0x6;
	v23 =	vshrl.u32 v14, $0x1A;
	v25 =	vshrl.u32 v9, $0x1A  }
0x180: {  	v28 =	vshll.u32 v11, $0x6;
	v27 =	vshrl.u32 v11, $0x1A;
	v26 =	vshll.u32 v9, $0x6  }
0x181: {  	v15 =	vor.u32 v15, v16;
	v16 =	vor.u32 v17, v18;
	v17 =	vor.u32 v19, v20  }
0x182: {  	v18 =	vor.u32 v21, v22;
	v19 =	vor.u32 v23, v24;
	v20 =	vor.u32 v25, v26  }
0x183: {  	v5 =	vadd.s32 v5, v10;
	v2 =	vadd.s32 v2, v8;
	v8 =	vor.u32 v27, v28  }
0x184: {  	v4 =	vadd.s32 v4, v14;
	v3 =	vadd.s32 v3, v12;
	v1 =	vadd.s32 v1, v13  }
0x185: {  	v7 =	vadd.s32 v7, v11;
	v6 =	vadd.s32 v6, v9;
	v10 =	vxor.u32 v15, v2  }
0x186: {  	v9 =	vxor.u32 v16, v5;
	v11 =	vxor.u32 v17, v3;
	v12 =	vxor.u32 v18, v1  }
0x187: {  	v8 =	vxor.u32 v8, v7;
	v13 =	vxor.u32 v19, v4;
	v14 =	vxor.u32 v20, v6  }
0x188: {  	v10 =	vadd.s32 $0x1BD11BF1, v10;
	v9 =	vadd.s32 $0x1BD11BF1, v9;
	v11 =	vadd.s32 $0x1BD11BF1, v11  }
0x189: {  	v12 =	vadd.s32 $0x1BD11BF1, v12;
	v13 =	vadd.s32 $0x1BD11BF1, v13;
	v14 =	vadd.s32 $0x1BD11BF1, v14  }
0x18a: {  	v8 =	vadd.s32 $0x1BD11BF1, v8;
	v2 =	vadd.s32 v10, v2;
	v15 =	vshrl.u32 v10, $0xF  }
0x18b: {  	v10 =	vshll.u32 v10, $0x11;
	v5 =	vadd.s32 v9, v5;
	v16 =	vshrl.u32 v9, $0xF  }
0x18c: {  	v9 =	vshll.u32 v9, $0x11;
	v3 =	vadd.s32 v11, v3;
	v17 =	vshrl.u32 v11, $0xF  }
0x18d: {  	v11 =	vshll.u32 v11, $0x11;
	v1 =	vadd.s32 v12, v1;
	v18 =	vshrl.u32 v12, $0xF  }
0x18e: {  	v12 =	vshll.u32 v12, $0x11;
	v4 =	vadd.s32 v13, v4;
	v19 =	vshrl.u32 v13, $0xF  }
0x18f: {  	v13 =	vshll.u32 v13, $0x11;
	v6 =	vadd.s32 v14, v6;
	v20 =	vshrl.u32 v14, $0xF  }
0x190: {  	v7 =	vadd.s32 v8, v7;
	v21 =	vshrl.u32 v8, $0xF;
	v14 =	vshll.u32 v14, $0x11  }
0x191: {  	v8 =	vshll.u32 v8, $0x11;
	v2 =	vadd.s32 $0x2A, v2;
	v10 =	vor.u32 v15, v10  }
0x192: {  	v5 =	vadd.s32 $0x2A, v5;
	v9 =	vor.u32 v16, v9;
	v3 =	vadd.s32 $0x2A, v3  }
0x193: {  	v11 =	vor.u32 v17, v11;
	v1 =	vadd.s32 $0x2A, v1;
	v12 =	vor.u32 v18, v12  }
0x194: {  	v4 =	vadd.s32 $0x2A, v4;
	v13 =	vor.u32 v19, v13;
	v6 =	vadd.s32 $0x2A, v6  }
0x195: {  	v7 =	vadd.s32 $0x2A, v7;
	v8 =	vor.u32 v21, v8;
	v14 =	vor.u32 v20, v14  }
0x196: {  	v10 =	vxor.u32 v10, v2;
	v9 =	vxor.u32 v9, v5;
	v11 =	vxor.u32 v11, v3  }
0x197: {  	v12 =	vxor.u32 v12, v1;
	v13 =	vxor.u32 v13, v4;
	v14 =	vxor.u32 v14, v6  }
0x198: {  	v8 =	vxor.u32 v8, v7;
	v15 =	vshrl.u32 v10, $0x3;
	v16 =	vshll.u32 v10, $0x1D  }
0x199: {  	v17 =	vshrl.u32 v9, $0x3;
	v18 =	vshll.u32 v9, $0x1D;
	v19 =	vshrl.u32 v11, $0x3  }
0x19a: {  	v20 =	vshll.u32 v11, $0x1D;
	v21 =	vshrl.u32 v12, $0x3;
	v22 =	vshll.u32 v12, $0x1D  }
0x19b: {  	v23 =	vshrl.u32 v13, $0x3;
	v24 =	vshll.u32 v13, $0x1D;
	v25 =	vshrl.u32 v14, $0x3  }
0x19c: {  	v27 =	vshrl.u32 v8, $0x3;
	v28 =	vshll.u32 v8, $0x1D;
	v26 =	vshll.u32 v14, $0x1D  }
0x19d: {  	v15 =	vor.u32 v15, v16;
	v16 =	vor.u32 v17, v18;
	v17 =	vor.u32 v19, v20  }
0x19e: {  	v18 =	vor.u32 v21, v22;
	v19 =	vor.u32 v23, v24;
	v20 =	vor.u32 v25, v26  }
0x19f: {  	v2 =	vadd.s32 v2, v10;
	v5 =	vadd.s32 v5, v9;
	v9 =	vor.u32 v27, v28  }
0x1a0: {  	v3 =	vadd.s32 v3, v11;
	v1 =	vadd.s32 v1, v12;
	v4 =	vadd.s32 v4, v13  }
0x1a1: {  	v7 =	vadd.s32 v7, v8;
	v6 =	vadd.s32 v6, v14;
	v10 =	vxor.u32 v15, v2  }
0x1a2: {  	v8 =	vxor.u32 v16, v5;
	v11 =	vxor.u32 v17, v3;
	v12 =	vxor.u32 v18, v1  }
0x1a3: {  	v9 =	vxor.u32 v9, v7;
	v13 =	vxor.u32 v19, v4;
	v14 =	vxor.u32 v20, v6  }
0x1a4: {  	v15 =	vshrl.u32 v10, $0x10;
	v16 =	vshll.u32 v10, $0x10;
	v17 =	vshrl.u32 v8, $0x10  }
0x1a5: {  	v18 =	vshll.u32 v8, $0x10;
	v19 =	vshrl.u32 v11, $0x10;
	v20 =	vshll.u32 v11, $0x10  }
0x1a6: {  	v21 =	vshrl.u32 v12, $0x10;
	v22 =	vshll.u32 v12, $0x10;
	v23 =	vshrl.u32 v13, $0x10  }
0x1a7: {  	v24 =	vshll.u32 v13, $0x10;
	v25 =	vshrl.u32 v14, $0x10;
	v26 =	vshll.u32 v14, $0x10  }
0x1a8: {  	v27 =	vshll.u32 v9, $0x10;
	v15 =	vor.u32 v15, v16;
	v16 =	vshrl.u32 v9, $0x10  }
0x1a9: {  	v17 =	vor.u32 v17, v18;
	v18 =	vor.u32 v19, v20;
	v19 =	vor.u32 v21, v22  }
0x1aa: {  	v20 =	vor.u32 v23, v24;
	v21 =	vor.u32 v25, v26;
	v16 =	vor.u32 v16, v27  }
0x1ab: {  	v2 =	vadd.s32 v2, v10;
	v5 =	vadd.s32 v5, v8;
	v3 =	vadd.s32 v3, v11  }
0x1ac: {  	v1 =	vadd.s32 v1, v12;
	v4 =	vadd.s32 v4, v13;
	v6 =	vadd.s32 v6, v14  }
0x1ad: {  	v7 =	vadd.s32 v7, v9;
	v8 =	vxor.u32 v15, v2;
	v10 =	vxor.u32 v17, v5  }
0x1ae: {  	v9 =	vxor.u32 v18, v3;
	v11 =	vxor.u32 v19, v1;
	v12 =	vxor.u32 v20, v4  }
0x1af: {  	v14 =	vxor.u32 v21, v6;
	v13 =	vshrl.u32 v8, $0x8;
	v15 =	vxor.u32 v16, v7  }
0x1b0: {  	v16 =	vshll.u32 v8, $0x18;
	v17 =	vshrl.u32 v10, $0x8;
	v18 =	vshll.u32 v10, $0x18  }
0x1b1: {  	v19 =	vshrl.u32 v9, $0x8;
	v20 =	vshll.u32 v9, $0x18;
	v21 =	vshrl.u32 v11, $0x8  }
0x1b2: {  	v22 =	vshll.u32 v11, $0x18;
	v23 =	vshrl.u32 v12, $0x8;
	v24 =	vshll.u32 v12, $0x18  }
0x1b3: {  	v25 =	vshrl.u32 v14, $0x8;
	v26 =	vshll.u32 v14, $0x18;
	v27 =	vshrl.u32 v15, $0x8  }
0x1b4: {  	v13 =	vor.u32 v13, v16;
	v16 =	vor.u32 v17, v18;
	v17 =	vshll.u32 v15, $0x18  }
0x1b5: {  	v18 =	vor.u32 v19, v20;
	v19 =	vor.u32 v21, v22;
	v20 =	vor.u32 v23, v24  }
0x1b6: {  	v2 =	vadd.s32 v2, v8;
	v8 =	vor.u32 v25, v26;
	v17 =	vor.u32 v27, v17  }
0x1b7: {  	v5 =	vadd.s32 v5, v10;
	v3 =	vadd.s32 v3, v9;
	v1 =	vadd.s32 v1, v11  }
0x1b8: {  	v4 =	vadd.s32 v4, v12;
	v6 =	vadd.s32 v6, v14;
	v7 =	vadd.s32 v7, v15  }
0x1b9: {  	v9 =	vxor.u32 v13, v2;
	v10 =	vxor.u32 v16, v5;
	v11 =	vxor.u32 v18, v3  }
0x1ba: {  	v12 =	vxor.u32 v19, v1;
	v13 =	vxor.u32 v20, v4;
	v8 =	vxor.u32 v8, v6  }
0x1bb: {  	v9 =	vadd.s32 $0x2, v9;
	v10 =	vadd.s32 $0x2, v10;
	v14 =	vxor.u32 v17, v7  }
0x1bc: {  	v11 =	vadd.s32 $0x2, v11;
	v12 =	vadd.s32 $0x2, v12;
	v13 =	vadd.s32 $0x2, v13  }
0x1bd: {  	v8 =	vadd.s32 $0x2, v8;
	v2 =	vadd.s32 v9, v2;
	v14 =	vadd.s32 $0x2, v14  }
0x1be: {  	v15 =	vshrl.u32 v9, $0x13;
	v9 =	vshll.u32 v9, $0xD;
	v5 =	vadd.s32 v10, v5  }
0x1bf: {  	v16 =	vshrl.u32 v10, $0x13;
	v10 =	vshll.u32 v10, $0xD;
	v3 =	vadd.s32 v11, v3  }
0x1c0: {  	v17 =	vshrl.u32 v11, $0x13;
	v11 =	vshll.u32 v11, $0xD;
	v1 =	vadd.s32 v12, v1  }
0x1c1: {  	v18 =	vshrl.u32 v12, $0x13;
	v12 =	vshll.u32 v12, $0xD;
	v4 =	vadd.s32 v13, v4  }
0x1c2: {  	v19 =	vshrl.u32 v13, $0x13;
	v13 =	vshll.u32 v13, $0xD;
	v6 =	vadd.s32 v8, v6  }
0x1c3: {  	v20 =	vshrl.u32 v8, $0x13;
	v8 =	vshll.u32 v8, $0xD;
	v7 =	vadd.s32 v14, v7  }
0x1c4: {  	v2 =	vadd.s32 $0x1BD11BF0, v2;
	v21 =	vshrl.u32 v14, $0x13;
	v14 =	vshll.u32 v14, $0xD  }
0x1c5: {  	v9 =	vor.u32 v15, v9;
	v5 =	vadd.s32 $0x1BD11BF0, v5;
	v10 =	vor.u32 v16, v10  }
0x1c6: {  	v3 =	vadd.s32 $0x1BD11BF0, v3;
	v11 =	vor.u32 v17, v11;
	v1 =	vadd.s32 $0x1BD11BF0, v1  }
0x1c7: {  	v12 =	vor.u32 v18, v12;
	v4 =	vadd.s32 $0x1BD11BF0, v4;
	v13 =	vor.u32 v19, v13  }
0x1c8: {  	v6 =	vadd.s32 $0x1BD11BF0, v6;
	v8 =	vor.u32 v20, v8;
	v7 =	vadd.s32 $0x1BD11BF0, v7  }
0x1c9: {  	v9 =	vxor.u32 v9, v2;
	v10 =	vxor.u32 v10, v5;
	v14 =	vor.u32 v21, v14  }
0x1ca: {  	v11 =	vxor.u32 v11, v3;
	v12 =	vxor.u32 v12, v1;
	v13 =	vxor.u32 v13, v4  }
0x1cb: {  	v8 =	vxor.u32 v8, v6;
	v15 =	vshrl.u32 v9, $0x11;
	v14 =	vxor.u32 v14, v7  }
0x1cc: {  	v16 =	vshll.u32 v9, $0xF;
	v17 =	vshrl.u32 v10, $0x11;
	v18 =	vshll.u32 v10, $0xF  }
0x1cd: {  	v19 =	vshrl.u32 v11, $0x11;
	v20 =	vshll.u32 v11, $0xF;
	v21 =	vshrl.u32 v12, $0x11  }
0x1ce: {  	v22 =	vshll.u32 v12, $0xF;
	v23 =	vshrl.u32 v13, $0x11;
	v24 =	vshll.u32 v13, $0xF  }
0x1cf: {  	v25 =	vshrl.u32 v8, $0x11;
	v26 =	vshll.u32 v8, $0xF;
	v27 =	vshrl.u32 v14, $0x11  }
0x1d0: {  	v15 =	vor.u32 v15, v16;
	v16 =	vor.u32 v17, v18;
	v17 =	vshll.u32 v14, $0xF  }
0x1d1: {  	v18 =	vor.u32 v19, v20;
	v19 =	vor.u32 v21, v22;
	v20 =	vor.u32 v23, v24  }
0x1d2: {  	v2 =	vadd.s32 v2, v9;
	v9 =	vor.u32 v25, v26;
	v17 =	vor.u32 v27, v17  }
0x1d3: {  	v5 =	vadd.s32 v5, v10;
	v3 =	vadd.s32 v3, v11;
	v1 =	vadd.s32 v1, v12  }
0x1d4: {  	v4 =	vadd.s32 v4, v13;
	v6 =	vadd.s32 v6, v8;
	v7 =	vadd.s32 v7, v14  }
0x1d5: {  	v8 =	vxor.u32 v15, v2;
	v10 =	vxor.u32 v16, v5;
	v11 =	vxor.u32 v18, v3  }
0x1d6: {  	v12 =	vxor.u32 v19, v1;
	v13 =	vxor.u32 v20, v4;
	v9 =	vxor.u32 v9, v6  }
0x1d7: {  	v14 =	vshrl.u32 v8, $0x6;
	v15 =	vshll.u32 v8, $0x1A;
	v16 =	vxor.u32 v17, v7  }
0x1d8: {  	v17 =	vshrl.u32 v10, $0x6;
	v18 =	vshll.u32 v10, $0x1A;
	v19 =	vshrl.u32 v11, $0x6  }
0x1d9: {  	v20 =	vshll.u32 v11, $0x1A;
	v21 =	vshrl.u32 v12, $0x6;
	v22 =	vshll.u32 v12, $0x1A  }
0x1da: {  	v23 =	vshrl.u32 v13, $0x6;
	v24 =	vshll.u32 v13, $0x1A;
	v25 =	vshrl.u32 v9, $0x6  }
0x1db: {  	v26 =	vshll.u32 v9, $0x1A;
	v27 =	vshrl.u32 v16, $0x6;
	v28 =	vshll.u32 v16, $0x1A  }
0x1dc: {  	v14 =	vor.u32 v14, v15;
	v15 =	vor.u32 v17, v18;
	v17 =	vor.u32 v19, v20  }
0x1dd: {  	v18 =	vor.u32 v21, v22;
	v19 =	vor.u32 v23, v24;
	v20 =	vor.u32 v25, v26  }
0x1de: {  	v2 =	vadd.s32 v2, v8;
	v5 =	vadd.s32 v5, v10;
	v8 =	vor.u32 v27, v28  }
0x1df: {  	v3 =	vadd.s32 v3, v11;
	v1 =	vadd.s32 v1, v12;
	v4 =	vadd.s32 v4, v13  }
0x1e0: {  	v6 =	vadd.s32 v6, v9;
	v7 =	vadd.s32 v7, v16;
	v10 =	vxor.u32 v14, v2  }
0x1e1: {  	v9 =	vxor.u32 v15, v5;
	v11 =	vxor.u32 v17, v3;
	v12 =	vxor.u32 v18, v1  }
0x1e2: {  	v13 =	vxor.u32 v19, v4;
	v14 =	vxor.u32 v20, v6;
	v8 =	vxor.u32 v8, v7  }
0x1e3: {  	v15 =	vshrl.u32 v10, $0x1A;
	v16 =	vshll.u32 v10, $0x6;
	v17 =	vshrl.u32 v9, $0x1A  }
0x1e4: {  	v18 =	vshll.u32 v9, $0x6;
	v19 =	vshrl.u32 v11, $0x1A;
	v20 =	vshll.u32 v11, $0x6  }
0x1e5: {  	v21 =	vshrl.u32 v12, $0x1A;
	v22 =	vshll.u32 v12, $0x6;
	v23 =	vshrl.u32 v13, $0x1A  }
0x1e6: {  	v24 =	vshll.u32 v13, $0x6;
	v25 =	vshrl.u32 v14, $0x1A;
	v26 =	vshll.u32 v14, $0x6  }
0x1e7: {  	v15 =	vor.u32 v15, v16;
	v16 =	vshrl.u32 v8, $0x1A;
	v27 =	vshll.u32 v8, $0x6  }
0x1e8: {  	v17 =	vor.u32 v17, v18;
	v18 =	vor.u32 v19, v20;
	v19 =	vor.u32 v21, v22  }
0x1e9: {  	v20 =	vor.u32 v23, v24;
	v21 =	vor.u32 v25, v26;
	v16 =	vor.u32 v16, v27  }
0x1ea: {  	v2 =	vadd.s32 v2, v10;
	v5 =	vadd.s32 v5, v9;
	v3 =	vadd.s32 v3, v11  }
0x1eb: {  	v1 =	vadd.s32 v1, v12;
	v4 =	vadd.s32 v4, v13;
	v6 =	vadd.s32 v6, v14  }
0x1ec: {  	v7 =	vadd.s32 v7, v8;
	v9 =	vxor.u32 v15, v2;
	v10 =	vxor.u32 v17, v5  }
0x1ed: {  	v8 =	vxor.u32 v18, v3;
	v11 =	vxor.u32 v19, v1;
	v12 =	vxor.u32 v20, v4  }
0x1ee: {  	v13 =	vxor.u32 v21, v6;
	v9 =	vadd.s32 $0x2D, v9;
	v14 =	vxor.u32 v16, v7  }
0x1ef: {  	v10 =	vadd.s32 $0x2D, v10;
	v8 =	vadd.s32 $0x2D, v8;
	v11 =	vadd.s32 $0x2D, v11  }
0x1f0: {  	v12 =	vadd.s32 $0x2D, v12;
	v13 =	vadd.s32 $0x2D, v13;
	v14 =	vadd.s32 $0x2D, v14  }
0x1f1: {  	v15 =	vshrl.u32 v9, $0xF;
	v16 =	vshll.u32 v9, $0x11;
	v17 =	vshrl.u32 v10, $0xF  }
0x1f2: {  	v18 =	vshll.u32 v10, $0x11;
	v19 =	vshrl.u32 v8, $0xF;
	v20 =	vshll.u32 v8, $0x11  }
0x1f3: {  	v21 =	vshrl.u32 v11, $0xF;
	v22 =	vshll.u32 v11, $0x11;
	v23 =	vshrl.u32 v12, $0xF  }
0x1f4: {  	v24 =	vshll.u32 v12, $0x11;
	v25 =	vshrl.u32 v13, $0xF;
	v26 =	vshll.u32 v13, $0x11  }
0x1f5: {  	v15 =	vor.u32 v15, v16;
	v16 =	vshrl.u32 v14, $0xF;
	v27 =	vshll.u32 v14, $0x11  }
0x1f6: {  	v17 =	vor.u32 v17, v18;
	v18 =	vor.u32 v19, v20;
	v19 =	vor.u32 v21, v22  }
0x1f7: {  	v20 =	vor.u32 v23, v24;
	v21 =	vor.u32 v25, v26;
	v16 =	vor.u32 v16, v27  }
0x1f8: {  	v2 =	vadd.s32 v2, v9;
	v5 =	vadd.s32 v5, v10;
	v3 =	vadd.s32 v3, v8  }
0x1f9: {  	v1 =	vadd.s32 v1, v11;
	v4 =	vadd.s32 v4, v12;
	v6 =	vadd.s32 v6, v13  }
0x1fa: {  	v7 =	vadd.s32 v7, v14;
	v8 =	vxor.u32 v15, v2;
	v9 =	vxor.u32 v17, v5  }
0x1fb: {  	v10 =	vxor.u32 v18, v3;
	v11 =	vxor.u32 v19, v1;
	v12 =	vxor.u32 v20, v4  }
0x1fc: {  	v14 =	vxor.u32 v21, v6;
	v13 =	vshrl.u32 v8, $0x3;
	v15 =	vxor.u32 v16, v7  }
0x1fd: {  	v16 =	vshll.u32 v8, $0x1D;
	v17 =	vshrl.u32 v9, $0x3;
	v18 =	vshll.u32 v9, $0x1D  }
0x1fe: {  	v19 =	vshrl.u32 v10, $0x3;
	v20 =	vshll.u32 v10, $0x1D;
	v21 =	vshrl.u32 v11, $0x3  }
0x1ff: {  	v22 =	vshll.u32 v11, $0x1D;
	v23 =	vshrl.u32 v12, $0x3;
	v24 =	vshll.u32 v12, $0x1D  }
0x200: {  	v25 =	vshrl.u32 v14, $0x3;
	v26 =	vshll.u32 v14, $0x1D;
	v27 =	vshrl.u32 v15, $0x3  }
0x201: {  	v13 =	vor.u32 v13, v16;
	v16 =	vor.u32 v17, v18;
	v17 =	vshll.u32 v15, $0x1D  }
0x202: {  	v18 =	vor.u32 v19, v20;
	v19 =	vor.u32 v21, v22;
	v20 =	vor.u32 v23, v24  }
0x203: {  	v2 =	vadd.s32 v2, v8;
	v8 =	vor.u32 v25, v26;
	v17 =	vor.u32 v27, v17  }
0x204: {  	v5 =	vadd.s32 v5, v9;
	v3 =	vadd.s32 v3, v10;
	v1 =	vadd.s32 v1, v11  }
0x205: {  	v4 =	vadd.s32 v4, v12;
	v6 =	vadd.s32 v6, v14;
	v7 =	vadd.s32 v7, v15  }
0x206: {  	v9 =	vxor.u32 v13, v2;
	v10 =	vxor.u32 v16, v5;
	v11 =	vxor.u32 v18, v3  }
0x207: {  	v12 =	vxor.u32 v19, v1;
	v13 =	vxor.u32 v20, v4;
	v8 =	vxor.u32 v8, v6  }
0x208: {  	v14 =	vshrl.u32 v9, $0x10;
	v15 =	vshll.u32 v9, $0x10;
	v16 =	vxor.u32 v17, v7  }
0x209: {  	v17 =	vshrl.u32 v10, $0x10;
	v18 =	vshll.u32 v10, $0x10;
	v19 =	vshrl.u32 v11, $0x10  }
0x20a: {  	v20 =	vshll.u32 v11, $0x10;
	v21 =	vshrl.u32 v12, $0x10;
	v22 =	vshll.u32 v12, $0x10  }
0x20b: {  	v23 =	vshrl.u32 v13, $0x10;
	v24 =	vshll.u32 v13, $0x10;
	v25 =	vshrl.u32 v8, $0x10  }
0x20c: {  	v26 =	vshll.u32 v8, $0x10;
	v27 =	vshrl.u32 v16, $0x10;
	v28 =	vshll.u32 v16, $0x10  }
0x20d: {  	v14 =	vor.u32 v14, v15;
	v15 =	vor.u32 v17, v18;
	v17 =	vor.u32 v19, v20  }
0x20e: {  	v18 =	vor.u32 v21, v22;
	v19 =	vor.u32 v23, v24;
	v20 =	vor.u32 v25, v26  }
0x20f: {  	v2 =	vadd.s32 v2, v9;
	v5 =	vadd.s32 v5, v10;
	v9 =	vor.u32 v27, v28  }
0x210: {  	v3 =	vadd.s32 v3, v11;
	v1 =	vadd.s32 v1, v12;
	v4 =	vadd.s32 v4, v13  }
0x211: {  	v6 =	vadd.s32 v6, v8;
	v7 =	vadd.s32 v7, v16;
	v10 =	vxor.u32 v14, v2  }
0x212: {  	v8 =	vxor.u32 v15, v5;
	v11 =	vxor.u32 v17, v3;
	v12 =	vxor.u32 v18, v1  }
0x213: {  	v13 =	vxor.u32 v19, v4;
	v14 =	vxor.u32 v20, v6;
	v9 =	vxor.u32 v9, v7  }
0x214: {  	v15 =	vshrl.u32 v10, $0x8;
	v16 =	vshll.u32 v10, $0x18;
	v17 =	vshrl.u32 v8, $0x8  }
0x215: {  	v18 =	vshll.u32 v8, $0x18;
	v19 =	vshrl.u32 v11, $0x8;
	v20 =	vshll.u32 v11, $0x18  }
0x216: {  	v21 =	vshrl.u32 v12, $0x8;
	v22 =	vshll.u32 v12, $0x18;
	v23 =	vshrl.u32 v13, $0x8  }
0x217: {  	v24 =	vshll.u32 v13, $0x18;
	v25 =	vshrl.u32 v14, $0x8;
	v26 =	vshll.u32 v14, $0x18  }
0x218: {  	v15 =	vor.u32 v15, v16;
	v16 =	vshrl.u32 v9, $0x8;
	v27 =	vshll.u32 v9, $0x18  }
0x219: {  	v17 =	vor.u32 v17, v18;
	v18 =	vor.u32 v19, v20;
	v19 =	vor.u32 v21, v22  }
0x21a: {  	v20 =	vor.u32 v23, v24;
	v21 =	vor.u32 v25, v26;
	v16 =	vor.u32 v16, v27  }
0x21b: {  	v2 =	vadd.s32 v2, v10;
	v5 =	vadd.s32 v5, v8;
	v3 =	vadd.s32 v3, v11  }
0x21c: {  	v1 =	vadd.s32 v1, v12;
	v4 =	vadd.s32 v4, v13;
	v6 =	vadd.s32 v6, v14  }
0x21d: {  	v7 =	vadd.s32 v7, v9;
	v8 =	vxor.u32 v15, v2;
	v10 =	vxor.u32 v17, v5  }
0x21e: {  	v9 =	vxor.u32 v18, v3;
	v11 =	vxor.u32 v19, v1;
	v12 =	vxor.u32 v20, v4  }
0x21f: {  	v13 =	vxor.u32 v21, v6;
	v8 =	vadd.s32 $0x1BD11BF4, v8;
	v14 =	vxor.u32 v16, v7  }
0x220: {  	v10 =	vadd.s32 $0x1BD11BF4, v10;
	v9 =	vadd.s32 $0x1BD11BF4, v9;
	v11 =	vadd.s32 $0x1BD11BF4, v11  }
0x221: {  	v12 =	vadd.s32 $0x1BD11BF4, v12;
	v13 =	vadd.s32 $0x1BD11BF4, v13;
	v14 =	vadd.s32 $0x1BD11BF4, v14  }
0x222: {  	v2 =	vadd.s32 v8, v2;
	v15 =	vshrl.u32 v8, $0x13;
	v8 =	vshll.u32 v8, $0xD  }
0x223: {  	v5 =	vadd.s32 v10, v5;
	v16 =	vshrl.u32 v10, $0x13;
	v10 =	vshll.u32 v10, $0xD  }
0x224: {  	v3 =	vadd.s32 v9, v3;
	v17 =	vshrl.u32 v9, $0x13;
	v9 =	vshll.u32 v9, $0xD  }
0x225: {  	v1 =	vadd.s32 v11, v1;
	v18 =	vshrl.u32 v11, $0x13;
	v11 =	vshll.u32 v11, $0xD  }
0x226: {  	v4 =	vadd.s32 v12, v4;
	v19 =	vshrl.u32 v12, $0x13;
	v12 =	vshll.u32 v12, $0xD  }
0x227: {  	v6 =	vadd.s32 v13, v6;
	v20 =	vshrl.u32 v13, $0x13;
	v13 =	vshll.u32 v13, $0xD  }
0x228: {  	v7 =	vadd.s32 v14, v7;
	v21 =	vshrl.u32 v14, $0x13;
	v14 =	vshll.u32 v14, $0xD  }
0x229: {  	v2 =	vadd.s32 $0x2A, v2;
	v8 =	vor.u32 v15, v8;
	v5 =	vadd.s32 $0x2A, v5  }
0x22a: {  	v10 =	vor.u32 v16, v10;
	v3 =	vadd.s32 $0x2A, v3;
	v9 =	vor.u32 v17, v9  }
0x22b: {  	v1 =	vadd.s32 $0x2A, v1;
	v11 =	vor.u32 v18, v11;
	v4 =	vadd.s32 $0x2A, v4  }
0x22c: {  	v12 =	vor.u32 v19, v12;
	v6 =	vadd.s32 $0x2A, v6;
	v13 =	vor.u32 v20, v13  }
0x22d: {  	v8 =	vxor.u32 v8, v2;
	v7 =	vadd.s32 $0x2A, v7;
	v14 =	vor.u32 v21, v14  }
0x22e: {  	v10 =	vxor.u32 v10, v5;
	v9 =	vxor.u32 v9, v3;
	v11 =	vxor.u32 v11, v1  }
0x22f: {  	v12 =	vxor.u32 v12, v4;
	v13 =	vxor.u32 v13, v6;
	v14 =	vxor.u32 v14, v7  }
0x230: {  	v15 =	vshrl.u32 v8, $0x11;
	v16 =	vshll.u32 v8, $0xF;
	v17 =	vshrl.u32 v10, $0x11  }
0x231: {  	v18 =	vshll.u32 v10, $0xF;
	v19 =	vshrl.u32 v9, $0x11;
	v20 =	vshll.u32 v9, $0xF  }
0x232: {  	v21 =	vshrl.u32 v11, $0x11;
	v22 =	vshll.u32 v11, $0xF;
	v23 =	vshrl.u32 v12, $0x11  }
0x233: {  	v24 =	vshll.u32 v12, $0xF;
	v25 =	vshrl.u32 v13, $0x11;
	v26 =	vshll.u32 v13, $0xF  }
0x234: {  	v15 =	vor.u32 v15, v16;
	v16 =	vshrl.u32 v14, $0x11;
	v27 =	vshll.u32 v14, $0xF  }
0x235: {  	v17 =	vor.u32 v17, v18;
	v18 =	vor.u32 v19, v20;
	v19 =	vor.u32 v21, v22  }
0x236: {  	v20 =	vor.u32 v23, v24;
	v21 =	vor.u32 v25, v26;
	v16 =	vor.u32 v16, v27  }
0x237: {  	v2 =	vadd.s32 v2, v8;
	v5 =	vadd.s32 v5, v10;
	v3 =	vadd.s32 v3, v9  }
0x238: {  	v1 =	vadd.s32 v1, v11;
	v4 =	vadd.s32 v4, v12;
	v6 =	vadd.s32 v6, v13  }
0x239: {  	v7 =	vadd.s32 v7, v14;
	v8 =	vxor.u32 v15, v2;
	v9 =	vxor.u32 v17, v5  }
0x23a: {  	v10 =	vxor.u32 v18, v3;
	v11 =	vxor.u32 v19, v1;
	v12 =	vxor.u32 v20, v4  }
0x23b: {  	v14 =	vxor.u32 v21, v6;
	v13 =	vshrl.u32 v8, $0x6;
	v15 =	vxor.u32 v16, v7  }
0x23c: {  	v16 =	vshll.u32 v8, $0x1A;
	v17 =	vshrl.u32 v9, $0x6;
	v18 =	vshll.u32 v9, $0x1A  }
0x23d: {  	v19 =	vshrl.u32 v10, $0x6;
	v20 =	vshll.u32 v10, $0x1A;
	v21 =	vshrl.u32 v11, $0x6  }
0x23e: {  	v22 =	vshll.u32 v11, $0x1A;
	v23 =	vshrl.u32 v12, $0x6;
	v24 =	vshll.u32 v12, $0x1A  }
0x23f: {  	v25 =	vshrl.u32 v14, $0x6;
	v26 =	vshll.u32 v14, $0x1A;
	v27 =	vshrl.u32 v15, $0x6  }
0x240: {  	v13 =	vor.u32 v13, v16;
	v16 =	vor.u32 v17, v18;
	v17 =	vshll.u32 v15, $0x1A  }
0x241: {  	v18 =	vor.u32 v19, v20;
	v19 =	vor.u32 v21, v22;
	v20 =	vor.u32 v23, v24  }
0x242: {  	v2 =	vadd.s32 v2, v8;
	v8 =	vor.u32 v25, v26;
	v17 =	vor.u32 v27, v17  }
0x243: {  	v5 =	vadd.s32 v5, v9;
	v3 =	vadd.s32 v3, v10;
	v1 =	vadd.s32 v1, v11  }
0x244: {  	v4 =	vadd.s32 v4, v12;
	v6 =	vadd.s32 v6, v14;
	v7 =	vadd.s32 v7, v15  }
0x245: {  	v9 =	vxor.u32 v13, v2;
	v10 =	vxor.u32 v16, v5;
	v11 =	vxor.u32 v18, v3  }
0x246: {  	v12 =	vxor.u32 v19, v1;
	v13 =	vxor.u32 v20, v4;
	v8 =	vxor.u32 v8, v6  }
0x247: {  	v14 =	vshrl.u32 v9, $0x1A;
	v15 =	vshll.u32 v9, $0x6;
	v16 =	vxor.u32 v17, v7  }
0x248: {  	v17 =	vshrl.u32 v10, $0x1A;
	v18 =	vshll.u32 v10, $0x6;
	v19 =	vshrl.u32 v11, $0x1A  }
0x249: {  	v20 =	vshll.u32 v11, $0x6;
	v21 =	vshrl.u32 v12, $0x1A;
	v22 =	vshll.u32 v12, $0x6  }
0x24a: {  	v23 =	vshrl.u32 v13, $0x1A;
	v24 =	vshll.u32 v13, $0x6;
	v25 =	vshrl.u32 v8, $0x1A  }
0x24b: {  	v26 =	vshll.u32 v8, $0x6;
	v27 =	vshrl.u32 v16, $0x1A;
	v28 =	vshll.u32 v16, $0x6  }
0x24c: {  	v14 =	vor.u32 v14, v15;
	v15 =	vor.u32 v17, v18;
	v17 =	vor.u32 v19, v20  }
0x24d: {  	v18 =	vor.u32 v21, v22;
	v19 =	vor.u32 v23, v24;
	v20 =	vor.u32 v25, v26  }
0x24e: {  	v2 =	vadd.s32 v2, v9;
	v9 =	vadd.s32 v5, v10;
	v5 =	vor.u32 v27, v28  }
0x24f: {  	v3 =	vadd.s32 v3, v11;
	v1 =	vadd.s32 v1, v12;
	v10 =	vadd.s32 v4, v13  }
0x250: {  	v8 =	vadd.s32 v6, v8;
	v11 =	vadd.s32 v7, v16;
	v4 =	vxor.u32 v14, v2  }
0x251: {  	v6 =	vxor.u32 v15, v9;
	v7 =	vxor.u32 v17, v3;
	v12 =	vxor.u32 v18, v1  }
0x252: {  	v13 =	vxor.u32 v19, v10;
	v14 =	vxor.u32 v20, v8;
	v15 =	vxor.u32 v5, v11  }
0x253: {  	v16 =	vadd.s32 $0x5, v4;
	v17 =	vadd.s32 $0x5, v6;
	v18 =	vadd.s32 $0x5, v7  }
.Ltmp0:
0x254: {  	v12 =	vadd.s32 $0x5, v12;
	v4 =	vadd.s32 $0x5, v13;
	v5 =	vadd.s32 $0x5, v14;
	(pc) =	sbr.rel @p0 .LBB2_3-.Ltmp0, $4  }
0x255: {  	v2 =	vadd.s32 $0x1BD11BF0, v2;
	v13 =	vadd.s32 $0x1BD11BF0, v9;
	v7 =	vadd.s32 $0x5, v15  }
0x256: {  	v1 =	vadd.s32 $0x1BD11BF0, v1;
	v14 =	vadd.s32 $0x1BD11BF0, v3;
	v6 =	vadd.s32 $0x1BD11BF0, v10  }
0x257: {  	v9 =	vadd.s32 $0x1BD11BF0, v8;
	v8 =	vadd.s32 $0x1BD11BF0, v11;
	v2 =	vxor.u32 v2, v16  }
0x258: {  	s16 =	sadd.s32 s15, s11;
	s15 =	sadd.s32 $0x80, s15;
	v3 =	vxor.u32 v13, v17;
	v1 =	vxor.u32 v1, v12;
	[tilespmem:s14+$0xFFFFFFC0] =	vst v2;
	v2 =	vxor.u32 v14, v18  }
0x259: {  	s15 =	sadd.s32 $0x2D8009A, s16;
	s23 =	sadd.s32 $0x2D8002A, s16  }
0x25a: {  	v6 =	vxor.u32 v6, v4;
	v5 =	vxor.u32 v9, v5;
	v4 =	vxor.u32 v8, v7;
	s17 =	sadd.s32 $0x2D8003A, s16;
	s24 =	sadd.s32 $0x2D8004A, s16  }
0x25b: {  	s18 =	sadd.s32 $0x2D8007A, s16;
	s28 =	sadd.s32 $0x2D8008A, s16;
	v10 =	vadd.s32 s15, v0;
	v7 =	vadd.s32 s23, v0;
	v8 =	vadd.s32 s17, v0  }
0x25c: {  	v9 =	vadd.s32 s24, v0;
	v14 =	vadd.s32 s18, v0;
	v17 =	vadd.s32 s28, v0  }
0x25d: {  	v11 =	vshrl.u32 v10, $0x13;
	v12 =	vshll.u32 v10, $0xD;
	v54 =	vshrl.u32 v7, $0x13  }
0x25e: {  	v55 =	vshll.u32 v7, $0xD;
	v18 =	vshrl.u32 v8, $0x13;
	v21 =	vshll.u32 v8, $0xD  }
0x25f: {  	v57 =	vshrl.u32 v9, $0x13;
	v58 =	vshll.u32 v9, $0xD;
	v26 =	vshrl.u32 v14, $0x13  }
0x260: {  	s25 =	sadd.s32 $0x2D8005A, s16;
	v27 =	vshll.u32 v14, $0xD;
	v30 =	vshrl.u32 v17, $0x13;
	v61 =	vshll.u32 v17, $0xD  }
0x261: {  	v50 =	vor.u32 v11, v12;
	v12 =	vadd.s32 s25, v0;
	v18 =	vor.u32 v18, v21  }
0x262: {  	v35 =	vor.u32 v26, v27;
	v11 =	vxor.u32 v10, v50;
	v22 =	vshrl.u32 v12, $0x13  }
0x263: {  	v23 =	vshll.u32 v12, $0xD;
	v18 =	vxor.u32 v8, v18;
	v51 =	vshrl.u32 v11, $0x11  }
0x264: {  	v13 =	vshll.u32 v11, $0xF;
	v10 =	vadd.s32 v10, v11;
	v33 =	vor.u32 v22, v23  }
0x265: {  	s26 =	sadd.s32 $0x2D8006A, s16;
	v22 =	vxor.u32 v14, v35;
	v45 =	vshrl.u32 v18, $0x11;
	v46 =	vshll.u32 v18, $0xF  }
0x266: {  	v8 =	vadd.s32 v8, v18;
	v52 =	vor.u32 v51, v13;
	v13 =	vadd.s32 s26, v0  }
0x267: {  	v14 =	vadd.s32 v14, v22;
	v11 =	vxor.u32 v52, v10;
	v25 =	vshrl.u32 v13, $0x13  }
0x268: {  	v59 =	vshll.u32 v13, $0xD;
	v15 =	vshrl.u32 v11, $0x6;
	v16 =	vshll.u32 v11, $0x1A  }
0x269: {  	v10 =	vadd.s32 v10, v11;
	v34 =	vor.u32 v25, v59;
	v53 =	vor.u32 v15, v16  }
0x26a: {  	v15 =	vor.u32 v54, v55;
	v16 =	vor.u32 v30, v61;
	v21 =	vxor.u32 v13, v34  }
0x26b: {  	v11 =	vxor.u32 v53, v10;
	v15 =	vxor.u32 v7, v15;
	v16 =	vxor.u32 v17, v16  }
0x26c: {  	v54 =	vshrl.u32 v21, $0x11;
	v55 =	vshll.u32 v21, $0xF;
	v13 =	vadd.s32 v13, v21  }
0x26d: {  	v19 =	vshrl.u32 v11, $0x1A;
	v20 =	vshll.u32 v11, $0x6;
	v10 =	vadd.s32 v10, v11  }
0x26e: {  	v40 =	vshrl.u32 v15, $0x11;
	v43 =	vshll.u32 v15, $0xF;
	v61 =	vshrl.u32 v16, $0x11  }
0x26f: {  	v15 =	vadd.s32 v7, v15;
	v56 =	vor.u32 v19, v20;
	v19 =	vor.u32 v57, v58  }
0x270: {  	v20 =	vxor.u32 v12, v33;
	v23 =	vor.u32 v40, v43;
	v11 =	vxor.u32 v56, v10  }
0x271: {  	v19 =	vxor.u32 v9, v19;
	v52 =	vshrl.u32 v20, $0x11;
	v11 =	vadd.s32 $0x1BD11BF1, v11  }
0x272: {  	v10 =	vadd.s32 v11, v10;
	v24 =	vshrl.u32 v11, $0xF;
	v11 =	vshll.u32 v11, $0x11  }
0x273: {  	v53 =	vshll.u32 v20, $0xF;
	v10 =	vadd.s32 $0x2A, v10;
	v11 =	vor.u32 v24, v11  }
0x274: {  	v56 =	vshrl.u32 v22, $0x11;
	v12 =	vadd.s32 v12, v20;
	v11 =	vxor.u32 v11, v10  }
0x275: {  	v43 =	vxor.u32 v23, v15;
	v28 =	vshrl.u32 v11, $0x3;
	v29 =	vshll.u32 v11, $0x1D  }
0x276: {  	v47 =	vshrl.u32 v19, $0x11;
	v10 =	vadd.s32 v10, v11;
	v60 =	vor.u32 v28, v29  }
0x277: {  	v50 =	vshll.u32 v19, $0xF;
	v9 =	vadd.s32 v9, v19;
	v11 =	vxor.u32 v60, v10  }
0x278: {  	v23 =	vshrl.u32 v43, $0x6;
	v62 =	vshrl.u32 v11, $0x10;
	v63 =	vshll.u32 v11, $0x10  }
0x279: {  	v15 =	vadd.s32 v15, v43;
	v10 =	vadd.s32 v10, v11;
	v32 =	vor.u32 v62, v63  }
0x27a: {  	v57 =	vor.u32 v47, v50;
	v24 =	vor.u32 v45, v46;
	v11 =	vxor.u32 v32, v10  }
0x27b: {  	v45 =	vxor.u32 v57, v9;
	v36 =	vshrl.u32 v11, $0x8;
	v37 =	vshll.u32 v11, $0x18  }
0x27c: {  	v9 =	vadd.s32 v9, v45;
	v10 =	vadd.s32 v10, v11;
	v38 =	vor.u32 v36, v37  }
0x27d: {  	v28 =	vor.u32 v52, v53;
	v52 =	vshll.u32 v43, $0x1A;
	v11 =	vxor.u32 v38, v10  }
0x27e: {  	v60 =	vshll.u32 v22, $0xF;
	v46 =	vxor.u32 v28, v12;
	v11 =	vadd.s32 $0x2, v11  }
0x27f: {  	v10 =	vadd.s32 v11, v10;
	v39 =	vshrl.u32 v11, $0x13;
	v11 =	vshll.u32 v11, $0xD  }
0x280: {  	v23 =	vor.u32 v23, v52;
	v10 =	vadd.s32 $0x1BD11BF0, v10;
	v11 =	vor.u32 v39, v11  }
0x281: {  	v26 =	vor.u32 v56, v60;
	v60 =	vshrl.u32 v46, $0x6;
	v11 =	vxor.u32 v11, v10  }
0x282: {  	v12 =	vadd.s32 v12, v46;
	v41 =	vshrl.u32 v11, $0x11;
	v42 =	vshll.u32 v11, $0xF  }
0x283: {  	v36 =	vshll.u32 v16, $0xF;
	v10 =	vadd.s32 v10, v11;
	v44 =	vor.u32 v41, v42  }
0x284: {  	v16 =	vadd.s32 v17, v16;
	v37 =	vor.u32 v61, v36;
	v11 =	vxor.u32 v44, v10  }
0x285: {  	v61 =	vshll.u32 v46, $0x1A;
	v48 =	vshrl.u32 v11, $0x6;
	v49 =	vshll.u32 v11, $0x1A  }
0x286: {  	v46 =	vxor.u32 v23, v15;
	v10 =	vadd.s32 v10, v11;
	v51 =	vor.u32 v48, v49  }
0x287: {  	v28 =	vor.u32 v60, v61;
	v15 =	vadd.s32 v15, v46;
	v11 =	vxor.u32 v51, v10  }
0x288: {  	v44 =	vxor.u32 v24, v8;
	v31 =	vshrl.u32 v11, $0x1A;
	v32 =	vshll.u32 v11, $0x6  }
0x289: {  	v53 =	vshrl.u32 v44, $0x6;
	v10 =	vadd.s32 v10, v11;
	v31 =	vor.u32 v31, v32  }
0x28a: {  	v8 =	vadd.s32 v8, v44;
	v48 =	vxor.u32 v26, v14;
	v31 =	vxor.u32 v31, v10  }
0x28b: {  	v49 =	vxor.u32 v37, v16;
	v11 =	vor.u32 v54, v55;
	v58 =	vadd.s32 $0x2D, v31  }
0x28c: {  	v54 =	vshll.u32 v44, $0x1A;
	v59 =	vshrl.u32 v58, $0xF;
	v31 =	vshll.u32 v58, $0x11  }
0x28d: {  	v55 =	vshrl.u32 v45, $0x6;
	v10 =	vadd.s32 v10, v58;
	v30 =	vor.u32 v59, v31  }
0x28e: {  	v44 =	vadd.s32 v14, v48;
	v11 =	vxor.u32 v11, v13;
	v62 =	vxor.u32 v30, v10  }
0x28f: {  	v36 =	vshrl.u32 v11, $0x6;
	v63 =	vshrl.u32 v62, $0x3;
	v30 =	vshll.u32 v62, $0x1D  }
0x290: {  	v37 =	vshll.u32 v11, $0x1A;
	v10 =	vadd.s32 v10, v62;
	v27 =	vor.u32 v63, v30  }
0x291: {  	v11 =	vadd.s32 v13, v11;
	v58 =	vshll.u32 v45, $0x1A;
	v27 =	vxor.u32 v27, v10  }
0x292: {  	v45 =	vadd.s32 v16, v49;
	v38 =	vshrl.u32 v27, $0x10;
	v39 =	vshll.u32 v27, $0x10  }
0x293: {  	v10 =	vadd.s32 v10, v27;
	v27 =	vor.u32 v55, v58;
	v18 =	vor.u32 v38, v39  }
0x294: {  	v38 =	vshrl.u32 v48, $0x6;
	v39 =	vshll.u32 v48, $0x1A;
	v48 =	vxor.u32 v28, v12  }
0x295: {  	v18 =	vxor.u32 v18, v10;
	v28 =	vshrl.u32 v48, $0x1A;
	v55 =	vshll.u32 v48, $0x6  }
0x296: {  	v12 =	vadd.s32 v12, v48;
	v40 =	vshrl.u32 v18, $0x8;
	v41 =	vshll.u32 v18, $0x18  }
0x297: {  	v10 =	vadd.s32 v10, v18;
	v28 =	vor.u32 v28, v55;
	v42 =	vor.u32 v40, v41  }
0x298: {  	v40 =	vshrl.u32 v49, $0x6;
	v41 =	vshll.u32 v49, $0x1A;
	v49 =	vshrl.u32 v46, $0x1A  }
0x299: {  	v28 =	vxor.u32 v28, v12;
	v17 =	vxor.u32 v42, v10;
	v42 =	vor.u32 v38, v39  }
0x29a: {  	v43 =	vor.u32 v40, v41;
	v19 =	vadd.s32 $0x1BD11BF1, v28;
	v17 =	vadd.s32 $0x1BD11BF4, v17  }
0x29b: {  	v18 =	vxor.u32 v42, v44;
	v12 =	vadd.s32 v19, v12;
	v35 =	vshrl.u32 v19, $0xF  }
0x29c: {  	v19 =	vshll.u32 v19, $0x11;
	v10 =	vadd.s32 v17, v10;
	v47 =	vshrl.u32 v17, $0x13  }
0x29d: {  	v17 =	vshll.u32 v17, $0xD;
	v58 =	vshrl.u32 v18, $0x1A;
	v13 =	vadd.s32 v44, v18  }
0x29e: {  	v12 =	vadd.s32 $0x2A, v12;
	v19 =	vor.u32 v35, v19;
	v10 =	vadd.s32 $0x2A, v10  }
0x29f: {  	v17 =	vor.u32 v47, v17;
	v47 =	vxor.u32 v27, v9;
	v19 =	vxor.u32 v19, v12  }
0x2a0: {  	v17 =	vxor.u32 v17, v10;
	v27 =	vshll.u32 v47, $0x6;
	v9 =	vadd.s32 v9, v47  }
0x2a1: {  	v12 =	vadd.s32 v12, v19;
	v50 =	vshrl.u32 v17, $0x11;
	v51 =	vshll.u32 v17, $0xF  }
0x2a2: {  	v10 =	vadd.s32 v10, v17;
	v17 =	vor.u32 v53, v54;
	v54 =	vshrl.u32 v47, $0x1A  }
0x2a3: {  	v7 =	vor.u32 v50, v51;
	v17 =	vxor.u32 v17, v8;
	v50 =	vshll.u32 v46, $0x6  }
0x2a4: {  	v51 =	vxor.u32 v43, v45;
	v26 =	vor.u32 v54, v27;
	v46 =	vshll.u32 v19, $0x1D  }
0x2a5: {  	v7 =	vxor.u32 v7, v10;
	v52 =	vshrl.u32 v17, $0x1A;
	v53 =	vshll.u32 v17, $0x6  }
0x2a6: {  	v21 =	vor.u32 v49, v50;
	v60 =	vshrl.u32 v51, $0x1A;
	v61 =	vshll.u32 v51, $0x6  }
0x2a7: {  	v8 =	vadd.s32 v8, v17;
	v14 =	vadd.s32 v45, v51;
	v27 =	vxor.u32 v26, v9  }
0x2a8: {  	v45 =	vshrl.u32 v19, $0x3;
	v56 =	vshrl.u32 v7, $0x6;
	v57 =	vshll.u32 v7, $0x1A  }
0x2a9: {  	v7 =	vadd.s32 v10, v7;
	v24 =	vor.u32 v52, v53;
	v25 =	vxor.u32 v21, v15  }
0x2aa: {  	v28 =	vor.u32 v45, v46;
	v59 =	vor.u32 v56, v57;
	v17 =	vxor.u32 v24, v8  }
0x2ab: {  	v19 =	vxor.u32 v28, v12;
	v10 =	vxor.u32 v59, v7;
	v59 =	vshll.u32 v18, $0x6  }
0x2ac: {  	v17 =	vadd.s32 $0x1BD11BF1, v17;
	v18 =	vadd.s32 $0x1BD11BF1, v27;
	v28 =	vshrl.u32 v19, $0x10  }
0x2ad: {  	v12 =	vadd.s32 v12, v19;
	v62 =	vshrl.u32 v10, $0x1A;
	v63 =	vshll.u32 v10, $0x6  }
0x2ae: {  	v7 =	vadd.s32 v7, v10;
	v10 =	vor.u32 v36, v37;
	v22 =	vor.u32 v58, v59  }
0x2af: {  	v8 =	vadd.s32 v17, v8;
	v33 =	vshrl.u32 v17, $0xF;
	v17 =	vshll.u32 v17, $0x11  }
0x2b0: {  	v9 =	vadd.s32 v18, v9;
	v34 =	vshrl.u32 v18, $0xF;
	v18 =	vshll.u32 v18, $0x11  }
0x2b1: {  	v31 =	vor.u32 v62, v63;
	v10 =	vxor.u32 v10, v11;
	v63 =	vor.u32 v60, v61  }
0x2b2: {  	v8 =	vadd.s32 $0x2A, v8;
	v17 =	vor.u32 v33, v17;
	v9 =	vadd.s32 $0x2A, v9  }
0x2b3: {  	v18 =	vor.u32 v34, v18;
	v60 =	vshll.u32 v19, $0x10;
	v31 =	vxor.u32 v31, v7  }
0x2b4: {  	v7 =	vadd.s32 $0x1BD11BF0, v7;
	v56 =	vshrl.u32 v10, $0x1A;
	v57 =	vshll.u32 v10, $0x6  }
0x2b5: {  	v10 =	vadd.s32 v11, v10;
	v16 =	vxor.u32 v63, v14;
	v11 =	vadd.s32 $0x1BD11BF1, v25  }
0x2b6: {  	v17 =	vxor.u32 v17, v8;
	v18 =	vxor.u32 v18, v9;
	v28 =	vor.u32 v28, v60  }
0x2b7: {  	v31 =	vadd.s32 $0x5, v31;
	v62 =	vor.u32 v56, v57;
	v15 =	vadd.s32 v11, v15  }
0x2b8: {  	v32 =	vshrl.u32 v11, $0xF;
	v16 =	vadd.s32 $0x1BD11BF1, v16;
	v11 =	vshll.u32 v11, $0x11  }
0x2b9: {  	v41 =	vshrl.u32 v17, $0x3;
	v42 =	vshll.u32 v17, $0x1D;
	v43 =	vshrl.u32 v18, $0x3  }
0x2ba: {  	v44 =	vshll.u32 v18, $0x1D;
	v8 =	vadd.s32 v8, v17;
	v9 =	vadd.s32 v9, v18  }
0x2bb: {  	v7 =	vxor.u32 v7, v31;
	v30 =	vxor.u32 v62, v10;
	v31 =	vxor.u32 v22, v13  }
0x2bc: {  	v14 =	vadd.s32 v16, v14;
	v38 =	vshrl.u32 v16, $0xF;
	v15 =	vadd.s32 $0x2A, v15  }
0x2bd: {  	v11 =	vor.u32 v32, v11;
	v16 =	vshll.u32 v16, $0x11;
	v24 =	vor.u32 v41, v42  }
0x2be: {  	v26 =	vor.u32 v43, v44;
	v20 =	vadd.s32 $0x1BD11BF1, v30;
	v21 =	vadd.s32 $0x1BD11BF1, v31  }
0x2bf: {  	v14 =	vadd.s32 $0x2A, v14;
	v16 =	vor.u32 v38, v16;
	v11 =	vxor.u32 v11, v15  }
0x2c0: {  	v56 =	vxor.u32 v24, v8;
	v18 =	vxor.u32 v26, v9;
	v10 =	vadd.s32 v20, v10  }
0x2c1: {  	v36 =	vshrl.u32 v20, $0xF;
	v20 =	vshll.u32 v20, $0x11;
	v13 =	vadd.s32 v21, v13  }
0x2c2: {  	v37 =	vshrl.u32 v21, $0xF;
	v21 =	vshll.u32 v21, $0x11;
	v39 =	vshrl.u32 v11, $0x3  }
0x2c3: {  	v40 =	vshll.u32 v11, $0x1D;
	v16 =	vxor.u32 v16, v14;
	v11 =	vadd.s32 v15, v11  }
0x2c4: {  	v24 =	vshrl.u32 v56, $0x10;
	v58 =	vshll.u32 v56, $0x10;
	v26 =	vshrl.u32 v18, $0x10  }
0x2c5: {  	v59 =	vshll.u32 v18, $0x10;
	v8 =	vadd.s32 v8, v56;
	v9 =	vadd.s32 v9, v18  }
0x2c6: {  	v10 =	vadd.s32 $0x2A, v10;
	v20 =	vor.u32 v36, v20;
	v13 =	vadd.s32 $0x2A, v13  }
0x2c7: {  	v21 =	vor.u32 v37, v21;
	v22 =	vor.u32 v39, v40;
	v51 =	vshrl.u32 v16, $0x3  }
0x2c8: {  	v52 =	vshll.u32 v16, $0x1D;
	v14 =	vadd.s32 v14, v16;
	v24 =	vor.u32 v24, v58  }
0x2c9: {  	v26 =	vor.u32 v26, v59;
	v40 =	vxor.u32 v28, v12;
	v20 =	vxor.u32 v20, v10  }
0x2ca: {  	v21 =	vxor.u32 v21, v13;
	v54 =	vor.u32 v51, v52;
	v55 =	vxor.u32 v22, v11  }
0x2cb: {  	v38 =	vxor.u32 v24, v8;
	v39 =	vxor.u32 v26, v9;
	v28 =	vshrl.u32 v40, $0x8  }
0x2cc: {  	v12 =	vadd.s32 v12, v40;
	v47 =	vshrl.u32 v20, $0x3;
	v48 =	vshll.u32 v20, $0x1D  }
0x2cd: {  	v49 =	vshrl.u32 v21, $0x3;
	v50 =	vshll.u32 v21, $0x1D;
	v10 =	vadd.s32 v10, v20  }
0x2ce: {  	v13 =	vadd.s32 v13, v21;
	v15 =	vxor.u32 v54, v14;
	v22 =	vshrl.u32 v55, $0x10  }
0x2cf: {  	v57 =	vshll.u32 v55, $0x10;
	v11 =	vadd.s32 v11, v55;
	v24 =	vshrl.u32 v38, $0x8  }
0x2d0: {  	v45 =	vshll.u32 v38, $0x18;
	v26 =	vshrl.u32 v39, $0x8;
	v46 =	vshll.u32 v39, $0x18  }
0x2d1: {  	v8 =	vadd.s32 v8, v38;
	v9 =	vadd.s32 v9, v39;
	v53 =	vor.u32 v47, v48  }
0x2d2: {  	v23 =	vor.u32 v49, v50;
	v22 =	vor.u32 v22, v57;
	v34 =	vshrl.u32 v15, $0x10  }
0x2d3: {  	v35 =	vshll.u32 v15, $0x10;
	v14 =	vadd.s32 v14, v15;
	v47 =	vshll.u32 v40, $0x18  }
0x2d4: {  	v24 =	vor.u32 v24, v45;
	v26 =	vor.u32 v26, v46;
	v20 =	vxor.u32 v53, v10  }
0x2d5: {  	v21 =	vxor.u32 v23, v13;
	v25 =	vor.u32 v34, v35;
	v37 =	vxor.u32 v22, v11  }
0x2d6: {  	v28 =	vor.u32 v28, v47;
	v17 =	vxor.u32 v24, v8;
	v58 =	vxor.u32 v26, v9  }
0x2d7: {  	v61 =	vshrl.u32 v20, $0x10;
	v62 =	vshll.u32 v20, $0x10;
	v63 =	vshrl.u32 v21, $0x10  }
0x2d8: {  	v33 =	vshll.u32 v21, $0x10;
	v10 =	vadd.s32 v10, v20;
	v13 =	vadd.s32 v13, v21  }
0x2d9: {  	v42 =	vshrl.u32 v37, $0x8;
	v43 =	vxor.u32 v25, v14;
	v44 =	vshll.u32 v37, $0x18  }
0x2da: {  	v11 =	vadd.s32 v11, v37;
	v59 =	vxor.u32 v28, v12;
	v17 =	vadd.s32 $0x2, v17  }
0x2db: {  	v18 =	vadd.s32 $0x2, v58;
	v36 =	vor.u32 v61, v62;
	v23 =	vor.u32 v63, v33  }
0x2dc: {  	v20 =	vor.u32 v42, v44;
	v52 =	vshrl.u32 v43, $0x8;
	v53 =	vshll.u32 v43, $0x18  }
0x2dd: {  	v14 =	vadd.s32 v14, v43;
	v19 =	vadd.s32 $0x2, v59;
	v8 =	vadd.s32 v17, v8  }
0x2de: {  	v63 =	vshrl.u32 v17, $0x13;
	v17 =	vshll.u32 v17, $0xD;
	v9 =	vadd.s32 v18, v9  }
0x2df: {  	v32 =	vshrl.u32 v18, $0x13;
	v18 =	vshll.u32 v18, $0xD;
	v41 =	vxor.u32 v36, v10  }
0x2e0: {  	v21 =	vxor.u32 v23, v13;
	v56 =	vor.u32 v52, v53;
	v57 =	vxor.u32 v20, v11  }
0x2e1: {  	v12 =	vadd.s32 v19, v12;
	v33 =	vshrl.u32 v19, $0x13;
	v19 =	vshll.u32 v19, $0xD  }
0x2e2: {  	v8 =	vadd.s32 $0x1BD11BF0, v8;
	v17 =	vor.u32 v63, v17;
	v9 =	vadd.s32 $0x1BD11BF0, v9  }
0x2e3: {  	v18 =	vor.u32 v32, v18;
	v48 =	vshrl.u32 v41, $0x8;
	v49 =	vshll.u32 v41, $0x18  }
0x2e4: {  	v50 =	vshrl.u32 v21, $0x8;
	v51 =	vshll.u32 v21, $0x18;
	v10 =	vadd.s32 v10, v41  }
0x2e5: {  	v13 =	vadd.s32 v13, v21;
	v15 =	vadd.s32 $0x2, v57;
	v61 =	vxor.u32 v56, v14  }
0x2e6: {  	v12 =	vadd.s32 $0x1BD11BF0, v12;
	v19 =	vor.u32 v33, v19;
	v17 =	vxor.u32 v17, v8  }
0x2e7: {  	v18 =	vxor.u32 v18, v9;
	v54 =	vor.u32 v48, v49;
	v55 =	vor.u32 v50, v51  }
0x2e8: {  	v11 =	vadd.s32 v15, v11;
	v21 =	vadd.s32 $0x2, v61;
	v62 =	vshrl.u32 v15, $0x13  }
0x2e9: {  	v15 =	vshll.u32 v15, $0xD;
	v19 =	vxor.u32 v19, v12;
	v39 =	vshrl.u32 v17, $0x11  }
0x2ea: {  	v40 =	vshll.u32 v17, $0xF;
	v41 =	vshrl.u32 v18, $0x11;
	v42 =	vshll.u32 v18, $0xF  }
0x2eb: {  	v8 =	vadd.s32 v8, v17;
	v9 =	vadd.s32 v9, v18;
	v60 =	vxor.u32 v54, v10  }
0x2ec: {  	v16 =	vxor.u32 v55, v13;
	v14 =	vadd.s32 v21, v14;
	v11 =	vadd.s32 $0x1BD11BF0, v11  }
0x2ed: {  	v36 =	vshrl.u32 v21, $0x13;
	v21 =	vshll.u32 v21, $0xD;
	v15 =	vor.u32 v62, v15  }
0x2ee: {  	v43 =	vshrl.u32 v19, $0x11;
	v44 =	vshll.u32 v19, $0xF;
	v24 =	vor.u32 v39, v40  }
0x2ef: {  	v26 =	vor.u32 v41, v42;
	v12 =	vadd.s32 v12, v19;
	v20 =	vadd.s32 $0x2, v60  }
0x2f0: {  	v16 =	vadd.s32 $0x2, v16;
	v14 =	vadd.s32 $0x1BD11BF0, v14;
	v15 =	vxor.u32 v15, v11  }
0x2f1: {  	v21 =	vor.u32 v36, v21;
	v28 =	vor.u32 v43, v44;
	v17 =	vxor.u32 v24, v8  }
0x2f2: {  	v18 =	vxor.u32 v26, v9;
	v10 =	vadd.s32 v20, v10;
	v34 =	vshrl.u32 v20, $0x13  }
0x2f3: {  	v20 =	vshll.u32 v20, $0xD;
	v13 =	vadd.s32 v16, v13;
	v35 =	vshrl.u32 v16, $0x13  }
0x2f4: {  	v16 =	vshll.u32 v16, $0xD;
	v37 =	vshrl.u32 v15, $0x11;
	v21 =	vxor.u32 v21, v14  }
0x2f5: {  	v38 =	vshll.u32 v15, $0xF;
	v11 =	vadd.s32 v11, v15;
	v19 =	vxor.u32 v28, v12  }
0x2f6: {  	v24 =	vshrl.u32 v17, $0x6;
	v56 =	vshll.u32 v17, $0x1A;
	v26 =	vshrl.u32 v18, $0x6  }
0x2f7: {  	v57 =	vshll.u32 v18, $0x1A;
	v8 =	vadd.s32 v8, v17;
	v9 =	vadd.s32 v9, v18  }
0x2f8: {  	v10 =	vadd.s32 $0x1BD11BF0, v10;
	v20 =	vor.u32 v34, v20;
	v13 =	vadd.s32 $0x1BD11BF0, v13  }
0x2f9: {  	v16 =	vor.u32 v35, v16;
	v22 =	vor.u32 v37, v38;
	v49 =	vshrl.u32 v21, $0x11  }
0x2fa: {  	v50 =	vshll.u32 v21, $0xF;
	v14 =	vadd.s32 v14, v21;
	v28 =	vshrl.u32 v19, $0x6  }
0x2fb: {  	v58 =	vshll.u32 v19, $0x1A;
	v24 =	vor.u32 v24, v56;
	v26 =	vor.u32 v26, v57  }
0x2fc: {  	v12 =	vadd.s32 v12, v19;
	v20 =	vxor.u32 v20, v10;
	v16 =	vxor.u32 v16, v13  }
0x2fd: {  	v53 =	vor.u32 v49, v50;
	v54 =	vxor.u32 v22, v11;
	v28 =	vor.u32 v28, v58  }
0x2fe: {  	v37 =	vxor.u32 v24, v8;
	v18 =	vxor.u32 v26, v9;
	v45 =	vshrl.u32 v20, $0x11  }
0x2ff: {  	v46 =	vshll.u32 v20, $0xF;
	v47 =	vshrl.u32 v16, $0x11;
	v48 =	vshll.u32 v16, $0xF  }
0x300: {  	v10 =	vadd.s32 v10, v20;
	v13 =	vadd.s32 v13, v16;
	v55 =	vshrl.u32 v54, $0x6  }
0x301: {  	v22 =	vshll.u32 v54, $0x1A;
	v23 =	vxor.u32 v53, v14;
	v11 =	vadd.s32 v11, v54  }
0x302: {  	v19 =	vxor.u32 v28, v12;
	v24 =	vshrl.u32 v37, $0x1A;
	v41 =	vshll.u32 v37, $0x6  }
0x303: {  	v26 =	vshrl.u32 v18, $0x1A;
	v42 =	vshll.u32 v18, $0x6;
	v8 =	vadd.s32 v8, v37  }
0x304: {  	v9 =	vadd.s32 v9, v18;
	v51 =	vor.u32 v45, v46;
	v52 =	vor.u32 v47, v48  }
0x305: {  	v21 =	vor.u32 v55, v22;
	v63 =	vshrl.u32 v23, $0x6;
	v33 =	vshll.u32 v23, $0x1A  }
0x306: {  	v14 =	vadd.s32 v14, v23;
	v28 =	vshrl.u32 v19, $0x1A;
	v43 =	vshll.u32 v19, $0x6  }
0x307: {  	v24 =	vor.u32 v24, v41;
	v26 =	vor.u32 v26, v42;
	v12 =	vadd.s32 v12, v19  }
0x308: {  	v20 =	vxor.u32 v51, v10;
	v15 =	vxor.u32 v52, v13;
	v35 =	vor.u32 v63, v33  }
0x309: {  	v36 =	vxor.u32 v21, v11;
	v28 =	vor.u32 v28, v43;
	v52 =	vxor.u32 v24, v8  }
0x30a: {  	v53 =	vxor.u32 v26, v9;
	v59 =	vshrl.u32 v20, $0x6;
	v60 =	vshll.u32 v20, $0x1A  }
0x30b: {  	v61 =	vshrl.u32 v15, $0x6;
	v62 =	vshll.u32 v15, $0x1A;
	v10 =	vadd.s32 v10, v20  }
0x30c: {  	v13 =	vadd.s32 v13, v15;
	v16 =	vxor.u32 v35, v14;
	v39 =	vshrl.u32 v36, $0x1A  }
0x30d: {  	v40 =	vshll.u32 v36, $0x6;
	v11 =	vadd.s32 v11, v36;
	v54 =	vxor.u32 v28, v12  }
0x30e: {  	v17 =	vadd.s32 $0x2D, v52;
	v34 =	vor.u32 v59, v60;
	v22 =	vor.u32 v61, v62  }
0x30f: {  	v48 =	vshrl.u32 v16, $0x1A;
	v49 =	vshll.u32 v16, $0x6;
	v14 =	vadd.s32 v14, v16  }
0x310: {  	v16 =	vadd.s32 $0x2D, v53;
	v18 =	vadd.s32 $0x2D, v54;
	v60 =	vshrl.u32 v17, $0xF  }
0x311: {  	v61 =	vshll.u32 v17, $0x11;
	v8 =	vadd.s32 v8, v17;
	v20 =	vxor.u32 v34, v10  }
0x312: {  	v38 =	vxor.u32 v22, v13;
	v22 =	vor.u32 v39, v40;
	v25 =	vor.u32 v48, v49  }
0x313: {  	v62 =	vshrl.u32 v16, $0xF;
	v63 =	vshll.u32 v16, $0x11;
	v36 =	vshrl.u32 v18, $0xF  }
0x314: {  	v37 =	vshll.u32 v18, $0x11;
	v24 =	vor.u32 v60, v61;
	v9 =	vadd.s32 v9, v16  }
0x315: {  	v12 =	vadd.s32 v12, v18;
	v44 =	vshrl.u32 v20, $0x1A;
	v45 =	vshll.u32 v20, $0x6  }
0x316: {  	v46 =	vshrl.u32 v38, $0x1A;
	v47 =	vshll.u32 v38, $0x6;
	v10 =	vadd.s32 v10, v20  }
0x317: {  	v13 =	vadd.s32 v13, v38;
	v51 =	vxor.u32 v22, v11;
	v57 =	vxor.u32 v25, v14  }
0x318: {  	v26 =	vor.u32 v62, v63;
	v28 =	vor.u32 v36, v37;
	v50 =	vor.u32 v44, v45  }
0x319: {  	v23 =	vor.u32 v46, v47;
	v15 =	vadd.s32 $0x2D, v51;
	v21 =	vadd.s32 $0x2D, v57  }
0x31a: {  	v45 =	vxor.u32 v24, v8;
	v46 =	vxor.u32 v26, v9;
	v18 =	vxor.u32 v28, v12  }
0x31b: {  	v55 =	vxor.u32 v50, v10;
	v56 =	vxor.u32 v23, v13;
	v58 =	vshrl.u32 v15, $0xF  }
0x31c: {  	v59 =	vshll.u32 v15, $0x11;
	v42 =	vshrl.u32 v21, $0xF;
	v43 =	vshll.u32 v21, $0x11  }
0x31d: {  	v11 =	vadd.s32 v11, v15;
	v14 =	vadd.s32 v14, v21;
	v24 =	vshrl.u32 v45, $0x3  }
0x31e: {  	v51 =	vshll.u32 v45, $0x1D;
	v26 =	vshrl.u32 v46, $0x3;
	v52 =	vshll.u32 v46, $0x1D  }
0x31f: {  	v28 =	vshrl.u32 v18, $0x3;
	v53 =	vshll.u32 v18, $0x1D;
	v8 =	vadd.s32 v8, v45  }
0x320: {  	v9 =	vadd.s32 v9, v46;
	v12 =	vadd.s32 v12, v18;
	v19 =	vadd.s32 $0x2D, v55  }
0x321: {  	v20 =	vadd.s32 $0x2D, v56;
	v22 =	vor.u32 v58, v59;
	v25 =	vor.u32 v42, v43  }
0x322: {  	v24 =	vor.u32 v24, v51;
	v26 =	vor.u32 v26, v52;
	v28 =	vor.u32 v28, v53  }
0x323: {  	v38 =	vshrl.u32 v19, $0xF;
	v39 =	vshll.u32 v19, $0x11;
	v40 =	vshrl.u32 v20, $0xF  }
0x324: {  	v41 =	vshll.u32 v20, $0x11;
	v10 =	vadd.s32 v10, v19;
	v13 =	vadd.s32 v13, v20  }
0x325: {  	v15 =	vxor.u32 v22, v11;
	v49 =	vxor.u32 v25, v14;
	v36 =	vxor.u32 v24, v8  }
0x326: {  	v37 =	vxor.u32 v26, v9;
	v44 =	vor.u32 v38, v39;
	v23 =	vor.u32 v40, v41  }
0x327: {  	v47 =	vshrl.u32 v15, $0x3;
	v50 =	vshll.u32 v15, $0x1D;
	v58 =	vshrl.u32 v49, $0x3  }
0x328: {  	v59 =	vshll.u32 v49, $0x1D;
	v11 =	vadd.s32 v11, v15;
	v14 =	vadd.s32 v14, v49  }
0x329: {  	v38 =	vxor.u32 v28, v12;
	v24 =	vshrl.u32 v36, $0x10;
	v42 =	vshll.u32 v36, $0x10  }
0x32a: {  	v26 =	vshrl.u32 v37, $0x10;
	v43 =	vshll.u32 v37, $0x10;
	v8 =	vadd.s32 v8, v36  }
0x32b: {  	v9 =	vadd.s32 v9, v37;
	v19 =	vxor.u32 v44, v10;
	v48 =	vxor.u32 v23, v13  }
0x32c: {  	v20 =	vor.u32 v47, v50;
	v62 =	vor.u32 v58, v59;
	v28 =	vshrl.u32 v38, $0x10  }
0x32d: {  	v44 =	vshll.u32 v38, $0x10;
	v24 =	vor.u32 v24, v42;
	v26 =	vor.u32 v26, v43  }
0x32e: {  	v12 =	vadd.s32 v12, v38;
	v54 =	vshrl.u32 v19, $0x3;
	v55 =	vshll.u32 v19, $0x1D  }
0x32f: {  	v56 =	vshrl.u32 v48, $0x3;
	v57 =	vshll.u32 v48, $0x1D;
	v10 =	vadd.s32 v10, v19  }
0x330: {  	v13 =	vadd.s32 v13, v48;
	v63 =	vxor.u32 v20, v11;
	v23 =	vxor.u32 v62, v14  }
0x331: {  	v28 =	vor.u32 v28, v44;
	v18 =	vxor.u32 v26, v9;
	v60 =	vor.u32 v54, v55  }
0x332: {  	v61 =	vor.u32 v56, v57;
	v40 =	vshrl.u32 v63, $0x10;
	v41 =	vshll.u32 v63, $0x10  }
0x333: {  	v49 =	vshrl.u32 v23, $0x10;
	v50 =	vshll.u32 v23, $0x10;
	v11 =	vadd.s32 v11, v63  }
0x334: {  	v14 =	vadd.s32 v14, v23;
	v54 =	vxor.u32 v24, v8;
	v19 =	vxor.u32 v28, v12  }
0x335: {  	v26 =	vshrl.u32 v18, $0x8;
	v59 =	vshll.u32 v18, $0x18;
	v9 =	vadd.s32 v9, v18  }
0x336: {  	v39 =	vxor.u32 v60, v10;
	v15 =	vxor.u32 v61, v13;
	v21 =	vor.u32 v40, v41  }
0x337: {  	v52 =	vor.u32 v49, v50;
	v24 =	vshrl.u32 v54, $0x8;
	v58 =	vshll.u32 v54, $0x18  }
0x338: {  	v28 =	vshrl.u32 v19, $0x8;
	v60 =	vshll.u32 v19, $0x18;
	v26 =	vor.u32 v26, v59  }
0x339: {  	v8 =	vadd.s32 v8, v54;
	v12 =	vadd.s32 v12, v19;
	v45 =	vshrl.u32 v39, $0x10  }
0x33a: {  	v46 =	vshll.u32 v39, $0x10;
	v47 =	vshrl.u32 v15, $0x10;
	v48 =	vshll.u32 v15, $0x10  }
0x33b: {  	v10 =	vadd.s32 v10, v39;
	v53 =	vxor.u32 v21, v11;
	v13 =	vadd.s32 v13, v15  }
0x33c: {  	v16 =	vxor.u32 v52, v14;
	v24 =	vor.u32 v24, v58;
	v28 =	vor.u32 v28, v60  }
0x33d: {  	v42 =	vxor.u32 v26, v9;
	v51 =	vor.u32 v45, v46;
	v22 =	vor.u32 v47, v48  }
0x33e: {  	v56 =	vshrl.u32 v53, $0x8;
	v57 =	vshll.u32 v53, $0x18;
	v37 =	vshrl.u32 v16, $0x8  }
0x33f: {  	v38 =	vshll.u32 v16, $0x18;
	v11 =	vadd.s32 v11, v53;
	v41 =	vxor.u32 v24, v8  }
0x340: {  	v14 =	vadd.s32 v14, v16;
	v43 =	vxor.u32 v28, v12;
	v16 =	vadd.s32 $0x1BD11BF4, v42  }
0x341: {  	v20 =	vxor.u32 v51, v10;
	v55 =	vxor.u32 v22, v13;
	v22 =	vor.u32 v56, v57  }
0x342: {  	v25 =	vor.u32 v37, v38;
	v17 =	vadd.s32 $0x1BD11BF4, v41;
	v18 =	vadd.s32 $0x1BD11BF4, v43  }
0x343: {  	v9 =	vadd.s32 v16, v9;
	v49 =	vshrl.u32 v16, $0x13;
	v16 =	vshll.u32 v16, $0xD  }
0x344: {  	v61 =	vshrl.u32 v20, $0x8;
	v62 =	vshll.u32 v20, $0x18;
	v63 =	vshrl.u32 v55, $0x8  }
0x345: {  	v36 =	vshll.u32 v55, $0x18;
	v10 =	vadd.s32 v10, v20;
	v13 =	vadd.s32 v13, v55  }
0x346: {  	v40 =	vxor.u32 v22, v11;
	v46 =	vxor.u32 v25, v14;
	v8 =	vadd.s32 v17, v8  }
0x347: {  	v48 =	vshrl.u32 v17, $0x13;
	v17 =	vshll.u32 v17, $0xD;
	v12 =	vadd.s32 v18, v12  }
0x348: {  	v50 =	vshrl.u32 v18, $0x13;
	v18 =	vshll.u32 v18, $0xD;
	v9 =	vadd.s32 $0x2A, v9  }
0x349: {  	v16 =	vor.u32 v49, v16;
	v39 =	vor.u32 v61, v62;
	v23 =	vor.u32 v63, v36  }
0x34a: {  	v15 =	vadd.s32 $0x1BD11BF4, v40;
	v21 =	vadd.s32 $0x1BD11BF4, v46;
	v8 =	vadd.s32 $0x2A, v8  }
0x34b: {  	v17 =	vor.u32 v48, v17;
	v12 =	vadd.s32 $0x2A, v12;
	v18 =	vor.u32 v50, v18  }
0x34c: {  	v16 =	vxor.u32 v16, v9;
	v44 =	vxor.u32 v39, v10;
	v45 =	vxor.u32 v23, v13  }
0x34d: {  	v11 =	vadd.s32 v15, v11;
	v47 =	vshrl.u32 v15, $0x13;
	v15 =	vshll.u32 v15, $0xD  }
0x34e: {  	v14 =	vadd.s32 v21, v14;
	v53 =	vshrl.u32 v21, $0x13;
	v21 =	vshll.u32 v21, $0xD  }
0x34f: {  	v17 =	vxor.u32 v17, v8;
	v18 =	vxor.u32 v18, v12;
	v58 =	vshrl.u32 v16, $0x11  }
0x350: {  	v59 =	vshll.u32 v16, $0xF;
	v9 =	vadd.s32 v9, v16;
	v19 =	vadd.s32 $0x1BD11BF4, v44  }
0x351: {  	v20 =	vadd.s32 $0x1BD11BF4, v45;
	v11 =	vadd.s32 $0x2A, v11;
	v15 =	vor.u32 v47, v15  }
0x352: {  	v14 =	vadd.s32 $0x2A, v14;
	v21 =	vor.u32 v53, v21;
	v56 =	vshrl.u32 v17, $0x11  }
0x353: {  	v57 =	vshll.u32 v17, $0xF;
	v60 =	vshrl.u32 v18, $0x11;
	v61 =	vshll.u32 v18, $0xF  }
0x354: {  	v26 =	vor.u32 v58, v59;
	v8 =	vadd.s32 v8, v17;
	v12 =	vadd.s32 v12, v18  }
0x355: {  	v10 =	vadd.s32 v19, v10;
	v51 =	vshrl.u32 v19, $0x13;
	v19 =	vshll.u32 v19, $0xD  }
0x356: {  	v13 =	vadd.s32 v20, v13;
	v52 =	vshrl.u32 v20, $0x13;
	v20 =	vshll.u32 v20, $0xD  }
0x357: {  	v15 =	vxor.u32 v15, v11;
	v21 =	vxor.u32 v21, v14;
	v24 =	vor.u32 v56, v57  }
0x358: {  	v28 =	vor.u32 v60, v61;
	v42 =	vxor.u32 v26, v9;
	v10 =	vadd.s32 $0x2A, v10  }
0x359: {  	v19 =	vor.u32 v51, v19;
	v13 =	vadd.s32 $0x2A, v13;
	v20 =	vor.u32 v52, v20  }
0x35a: {  	v54 =	vshrl.u32 v15, $0x11;
	v55 =	vshll.u32 v15, $0xF;
	v38 =	vshrl.u32 v21, $0x11  }
0x35b: {  	v39 =	vshll.u32 v21, $0xF;
	v11 =	vadd.s32 v11, v15;
	v41 =	vxor.u32 v24, v8  }
0x35c: {  	v14 =	vadd.s32 v14, v21;
	v18 =	vxor.u32 v28, v12;
	v26 =	vshrl.u32 v42, $0x6  }
0x35d: {  	v48 =	vshll.u32 v42, $0x1A;
	v9 =	vadd.s32 v9, v42;
	v19 =	vxor.u32 v19, v10  }
0x35e: {  	v20 =	vxor.u32 v20, v13;
	v22 =	vor.u32 v54, v55;
	v25 =	vor.u32 v38, v39  }
0x35f: {  	v24 =	vshrl.u32 v41, $0x6;
	v47 =	vshll.u32 v41, $0x1A;
	v28 =	vshrl.u32 v18, $0x6  }
0x360: {  	v49 =	vshll.u32 v18, $0x1A;
	v26 =	vor.u32 v26, v48;
	v8 =	vadd.s32 v8, v41  }
0x361: {  	v12 =	vadd.s32 v12, v18;
	v62 =	vshrl.u32 v19, $0x11;
	v63 =	vshll.u32 v19, $0xF  }
0x362: {  	v36 =	vshrl.u32 v20, $0x11;
	v37 =	vshll.u32 v20, $0xF;
	v10 =	vadd.s32 v10, v19  }
0x363: {  	v13 =	vadd.s32 v13, v20;
	v15 =	vxor.u32 v22, v11;
	v45 =	vxor.u32 v25, v14  }
0x364: {  	v24 =	vor.u32 v24, v47;
	v28 =	vor.u32 v28, v49;
	v61 =	vxor.u32 v26, v9  }
0x365: {  	v40 =	vor.u32 v62, v63;
	v23 =	vor.u32 v36, v37;
	v43 =	vshrl.u32 v15, $0x6  }
0x366: {  	v46 =	vshll.u32 v15, $0x1A;
	v54 =	vshrl.u32 v45, $0x6;
	v55 =	vshll.u32 v45, $0x1A  }
0x367: {  	v11 =	vadd.s32 v11, v15;
	v14 =	vadd.s32 v14, v45;
	v60 =	vxor.u32 v24, v8  }
0x368: {  	v62 =	vxor.u32 v28, v12;
	v26 =	vshrl.u32 v61, $0x1A;
	v39 =	vshll.u32 v61, $0x6  }
0x369: {  	v9 =	vadd.s32 v9, v61;
	v19 =	vxor.u32 v40, v10;
	v44 =	vxor.u32 v23, v13  }
0x36a: {  	v20 =	vor.u32 v43, v46;
	v58 =	vor.u32 v54, v55;
	v24 =	vshrl.u32 v60, $0x1A  }
0x36b: {  	v38 =	vshll.u32 v60, $0x6;
	v28 =	vshrl.u32 v62, $0x1A;
	v40 =	vshll.u32 v62, $0x6  }
0x36c: {  	v26 =	vor.u32 v26, v39;
	v8 =	vadd.s32 v8, v60;
	v12 =	vadd.s32 v12, v62  }
0x36d: {  	v50 =	vshrl.u32 v19, $0x6;
	v51 =	vshll.u32 v19, $0x1A;
	v52 =	vshrl.u32 v44, $0x6  }
0x36e: {  	v53 =	vshll.u32 v44, $0x1A;
	v10 =	vadd.s32 v10, v19;
	v13 =	vadd.s32 v13, v44  }
0x36f: {  	v59 =	vxor.u32 v20, v11;
	v23 =	vxor.u32 v58, v14;
	v24 =	vor.u32 v24, v38  }
0x370: {  	v28 =	vor.u32 v28, v40;
	v62 =	vadd.s32 $0x1BD11BF0, v12;
	v56 =	vor.u32 v50, v51  }
0x371: {  	v57 =	vor.u32 v52, v53;
	v36 =	vshrl.u32 v59, $0x1A;
	v37 =	vshll.u32 v59, $0x6  }
0x372: {  	v45 =	vshrl.u32 v23, $0x1A;
	v46 =	vshll.u32 v23, $0x6;
	v11 =	vadd.s32 v11, v59  }
0x373: {  	[tilespmem:s14+$0xFFFFFFF0] =	vst v1;
	v1 =	vadd.s32 v14, v23;
	v50 =	vxor.u32 v24, v8;
	v51 =	vxor.u32 v26, v9  }
0x374: {  	v52 =	vxor.u32 v28, v12;
	v8 =	vadd.s32 $0x1BD11BF0, v8;
	v9 =	vadd.s32 $0x1BD11BF0, v9  }
0x375: {  	[tilespmem:s14+$0xFFFFFFD0] =	vst v3;
	v63 =	vxor.u32 v56, v10;
	v15 =	vxor.u32 v57, v13;
	v21 =	vor.u32 v36, v37  }
0x376: {  	[tilespmem:s14+$0xFFFFFFE0] =	vst v2;
	v2 =	vor.u32 v45, v46;
	v55 =	vadd.s32 $0x1BD11BF0, v11;
	v56 =	vadd.s32 $0x5, v50  }
0x377: {  	[tilespmem:s14+$0x0] =	vst v6;
	v57 =	vadd.s32 $0x5, v51;
	v61 =	vadd.s32 $0x5, v52;
	v41 =	vshrl.u32 v63, $0x1A  }
0x378: {  	[tilespmem:s14+$0x10] =	vst v5;
	v42 =	vshll.u32 v63, $0x6;
	v43 =	vshrl.u32 v15, $0x1A;
	v44 =	vshll.u32 v15, $0x6  }
0x379: {  	s29 =	sadd.s32 $0x80, s14;
	[tilespmem:s14+$0x20] =	vst v4;
	v48 =	vadd.s32 v10, v63;
	v49 =	vxor.u32 v21, v11;
	v13 =	vadd.s32 v13, v15  }
0x37a: {  	[tilespmem:s29+$0x30] =	vst v7;
	v2 =	vxor.u32 v2, v1;
	v58 =	vxor.u32 v8, v56;
	v60 =	vxor.u32 v9, v57  }
0x37b: {  	v1 =	vadd.s32 $0x1BD11BF0, v1;
	v47 =	vor.u32 v41, v42;
	v54 =	vadd.s32 $0x5, v49;
	[tilespmem:s29+$0xFFFFFFD0] =	vst v58  }
0x37c: {  	v3 =	vor.u32 v43, v44;
	[tilespmem:s29+$0xFFFFFFE0] =	vst v60;
	v2 =	vadd.s32 $0x5, v2;
	v4 =	vxor.u32 v55, v54  }
0x37d: {  	v6 =	vadd.s32 $0x1BD11BF0, v48;
	v53 =	vxor.u32 v47, v48;
	v1 =	vxor.u32 v1, v2;
	[tilespmem:s29+$0xFFFFFFC0] =	vst v4  }
0x37e: {  	s30 =	sshll.u32 s13, $0x4;
	v3 =	vxor.u32 v3, v13;
	v59 =	vadd.s32 $0x5, v53;
	v4 =	vxor.u32 v62, v61;
	[tilespmem:s29+$0x20] =	vst v1  }
0x37f: {  	s31 =	sshll.u32 s13, $0xA;
	s12 =	sadd.s32 $0x1, s12;
	s15 =	sand.u32 $0x70, s30;
	v63 =	vadd.s32 $0x1BD11BF0, v13;
	v3 =	vadd.s32 $0x5, v3;
	v6 =	vxor.u32 v6, v59;
	[tilespmem:s29+$0xFFFFFFF0] =	vst v4  }
0x380: {  	s13 =	sand.u32 $0xFFFE000, s31;
	p0 =	sne.s32 s12, $0x4A;
	s15 =	sadd.s32 s3, s15;
	v3 =	vxor.u32 v63, v3;
	[tilespmem:s29+$0x0] =	vst v6  }
.Ltmp1:
0x381: {  	s13 =	sadd.s32 s13, s15;
	[tilespmem:s29+$0x10] =	vst v3;
	(pc) =	sbr.rel @p0 .LBB2_2-.Ltmp1, $4  }
0x382: {  	[hbm4b:s13+s7] =	stream.strided.scatter [tilespmem:s2], [sflag:$0x1], $0x2000, s8, s7, $0x38;
	[tilespmem:$0x2000] =	vst v63  }
0x383: {  	_ =	swait.ge [sflag:s9], $0x2000  }
0x384: {  	[sflag:s9] =	ssyncset.done $0x0  }
0x385: {  	s11 =	sadd.s32 $0x2000, s11;
	[sflag:s9] =	ssyncadd.s32 $0xFFFFE000  }
0x386: {  	s10 =	sadd.s32 $0x1, s10  }
0x387: {  	p0 =	sne.s32 s10, s5  }
.Ltmp2:
0x388: {  	_ = 	snop;
	(pc) =	sbr.rel @p0 .LBB2_1-.Ltmp2, $1  }
0x389: {  	_ =	sdelay $0x3  }
0x38a: {  	_ =	sfence.sel $0x180000  }
0x38b: {  	[bflag:$0x0] =	sbarrier.arrive $0xFFFF  }
0x38c: {  	p0 =	sne.s32 s1, $0x0;
	_ =	strace $0x90000047  }
0x38d: {  	s0 =	sadd.s32 @!p0 $0x100000, s0;
	[bflag:$0x2] =	sbarrier.arrive $0xFFFF  }
0x38e: {  	[sflag:s0] =	ssyncadd.tile.s32 @!p0 $0x1;
	_ =	shalt  }
.Lfunc_end2:
_tile_overlayer_lowered:
.L_overlay_start_2:
0x38f: {  	(tag) =	ssettag $0x2  }
0x390: {  	s0 =	rddreg [dreg:$0x0];
	s2 =	stileid.u32  }
0x391: {  	s1 =	rddreg [dreg:$0x1];
	p0 =	sne.s32 s2, $0x0  }
0x392: {  	s3 =	rddreg [dreg:$0x2];
	[bflag:$0x3] =	sbarrier.arrive $0xFFFF;
	s2 =	simm.s32 @!p0 $0x1C01  }
0x393: {  	[timem:s3], [sflag:s2] =	dma.local @!p0 [hbm:s0], s1  }
0x394: {  	s0 =	simm.s32 @!p0 $0x1  }
0x395: {  	_ =	swait.ge @!p0 [sflag:s0], s1  }
0x396: {  	s1 =	ssub.s32 @!p0 $0x0, s1;
	[sflag:s0] =	ssyncset.done @!p0 $0x0  }
0x397: {  	[sflag:s0] =	ssyncadd.s32 @!p0 s1  }
0x398: {  	[bflag:$0x3] =	sbarrier.arrive $0xFFFF  }
0x399: {  	_ =	shalt  }

</sc_bundles>
